<compile_context>
chip_gen: v7x
topology: tpu7x:2x2x1
jax: 0.10.2.dev20260603
libtpu: 0.0.44.dev20260713+nightly
codegen_flags: <defaults>
</compile_context>

<pallas_src>
import functools

import jax
import jax.numpy as jnp
from jax import lax
from jax.experimental import pallas as pl
from jax.experimental.pallas import tpu as pltpu
from jax.experimental.pallas import tpu_sc as plsc

D_MODEL = 128
SCALE = float(D_MODEL) ** 0.5
LANES = 16
NUM_CORES = 2
NUM_SUBCORES = 16
NUM_WORKERS = NUM_CORES * NUM_SUBCORES
CHUNK = 128
NBUF = 6


def _make_lookup(batch: int, row_len: int):
    assert batch % (NUM_WORKERS * CHUNK) == 0
    per_worker = batch // NUM_WORKERS
    n_chunks = per_worker // CHUNK
    assert row_len % per_worker == 0

    mesh = plsc.VectorSubcoreMesh(core_axis_name="c", subcore_axis_name="s")

    @functools.partial(
        pl.kernel,
        mesh=mesh,
        out_type=jax.ShapeDtypeStruct((batch, D_MODEL), jnp.float32),
        scratch_types=[
            pltpu.VMEM((per_worker,), jnp.int32),
            pltpu.VMEM((NBUF, CHUNK, D_MODEL), jnp.float32),
        ]
        + [pltpu.SemaphoreType.DMA] * (2 * NBUF),
    )
    def lookup(ids_hbm, table_hbm, out_hbm, idx_v, rows_v, *sems):
        gsem = sems[:NBUF]
        ssem = sems[NBUF:]
        wid = lax.axis_index("s") * NUM_CORES + lax.axis_index("c")
        base = wid * per_worker
        row = wid // (row_len // per_worker)
        col = (wid % (row_len // per_worker)) * per_worker
        pltpu.sync_copy(
            ids_hbm.at[row, pl.ds(col, CHUNK)], idx_v.at[pl.ds(0, CHUNK)]
        )

        def start_gather(c):
            b = c % NBUF
            return pltpu.async_copy(
                table_hbm.at[idx_v.at[pl.ds(c * CHUNK, CHUNK)]], rows_v.at[b], gsem[b]
            )

        gathers = [None] * n_chunks
        scatters = [None] * n_chunks
        gathers[0] = start_gather(0)
        if n_chunks > 1:
            pltpu.sync_copy(
                ids_hbm.at[row, pl.ds(col + CHUNK, per_worker - CHUNK)],
                idx_v.at[pl.ds(CHUNK, per_worker - CHUNK)],
            )
        for c in range(1, min(NBUF - 1, n_chunks)):
            gathers[c] = start_gather(c)
        for c in range(n_chunks):
            b = c % NBUF
            if c + NBUF - 1 < n_chunks:
                if c >= 1:
                    for s in scatters[c - 1]:
                        s.wait()
                gathers[c + NBUF - 1] = start_gather(c + NBUF - 1)
            gathers[c].wait()

            def scale_row(r, _):
                for j in range(D_MODEL // LANES):
                    sl = pl.ds(j * LANES, LANES)
                    rows_v[b, r, sl] = rows_v[b, r, sl] * SCALE
                return 0

            half = CHUNK // 2
            lax.fori_loop(0, half, scale_row, 0)
            s1 = pltpu.async_copy(
                rows_v.at[b, pl.ds(0, half)],
                out_hbm.at[pl.ds(base + c * CHUNK, half)],
                ssem[b],
            )
            lax.fori_loop(half, CHUNK, scale_row, 0)
            s2 = pltpu.async_copy(
                rows_v.at[b, pl.ds(half, CHUNK - half)],
                out_hbm.at[pl.ds(base + c * CHUNK + half, CHUNK - half)],
                ssem[b],
            )
            scatters[c] = (s1, s2)
        for c in range(max(0, n_chunks - NBUF), n_chunks):
            for s in scatters[c]:
                s.wait()

    return lookup


def kernel(input_ids, table):
    b0, b1 = input_ids.shape
    batch = b0 * b1
    out = _make_lookup(batch, b1)(input_ids, table)
    return out.reshape(b0, b1, D_MODEL)

# --- scband reference (transcript-rebuilt; emitter-appended) ---
"""Pipeline reference for scband-token-embedding-21139829031801 (READ-ONLY COPY).

The authoritative reference and input builder live on the scoring server;
editing this copy changes nothing except your own understanding.
"""

import jax, jax.numpy as jnp
import numpy as np

VOCAB = 1000000
D_MODEL = 128
PAD_ID = 0
SCALE = float(D_MODEL) ** 0.5


def setup_inputs(seed: int = 0) -> dict:
    key = jax.random.key(seed)
    k_ids, k_tab = jax.random.split(key)
    input_ids = jax.random.randint(k_ids, (4, 8192), 0, VOCAB)
    table = jax.random.normal(k_tab, (VOCAB, D_MODEL), dtype=jnp.float32)
    # nn.Embedding with padding_idx zeroes the padding row at init
    table = table.at[PAD_ID].set(0.0)
    return {"input_ids": input_ids, "table": table}


def reference(input_ids, table):
    # embedding lookup (gather rows) followed by sqrt(d_model) scaling
    emb = jnp.take(table, input_ids, axis=0)
    return emb * SCALE

if __name__ == "__main__":
    import jax
    _d = setup_inputs()
    print(jax.jit(kernel)(*tuple(_d.values())))

</pallas_src>

<mosaic_0001>
#map = affine_map<(d0, d1) -> (0, 0)>
module attributes {stable_mosaic.version = 14 : i64} {
  func.func @lookup(%arg0: i32, %arg1: i32, %arg2: memref<4x8192xi32, #tpu.memory_space<hbm>>, %arg3: memref<1000000x128xf32, #tpu.memory_space<hbm>>, %arg4: memref<32768x128xf32, #tpu.memory_space<hbm>>, %arg5: memref<1024xi32, #tpu.memory_space<vmem>>, %arg6: memref<6x128x128xf32, #tpu.memory_space<vmem>>, %arg7: memref<!tpu.dma_semaphore, #tpu.memory_space<semaphore_mem>>, %arg8: memref<!tpu.dma_semaphore, #tpu.memory_space<semaphore_mem>>, %arg9: memref<!tpu.dma_semaphore, #tpu.memory_space<semaphore_mem>>, %arg10: memref<!tpu.dma_semaphore, #tpu.memory_space<semaphore_mem>>, %arg11: memref<!tpu.dma_semaphore, #tpu.memory_space<semaphore_mem>>, %arg12: memref<!tpu.dma_semaphore, #tpu.memory_space<semaphore_mem>>, %arg13: memref<!tpu.dma_semaphore, #tpu.memory_space<semaphore_mem>>, %arg14: memref<!tpu.dma_semaphore, #tpu.memory_space<semaphore_mem>>, %arg15: memref<!tpu.dma_semaphore, #tpu.memory_space<semaphore_mem>>, %arg16: memref<!tpu.dma_semaphore, #tpu.memory_space<semaphore_mem>>, %arg17: memref<!tpu.dma_semaphore, #tpu.memory_space<semaphore_mem>>, %arg18: memref<!tpu.dma_semaphore, #tpu.memory_space<semaphore_mem>>) attributes {dimension_semantics = [#tpu.dimension_semantics<core_parallel>, #tpu.dimension_semantics<subcore_parallel>], iteration_bounds = array<i64: 2, 16>, scalar_prefetch = 0 : i64, scratch_operands = 14 : i64, tpu.core_type = #tpu.core_type<sc_vector_subcore>, window_params = [{transform_indices = #map}, {transform_indices = #map}, {transform_indices = #map}]} {
    %mul3A = arith.constant 2 : i32
    %mul3A_0 = arith.muli %arg1, %mul3A : i32
    %add3A = arith.addi %mul3A_0, %arg0 : i32
    %mul3A_1 = arith.constant 1024 : i32
    %mul3A_2 = arith.muli %add3A, %mul3A_1 : i32
    %jit3A = arith.constant 8 : i32
    %div3A = arith.divsi %add3A, %jit3A : i32
    %sign3A = arith.constant 0 : i32
    %sign3A_3 = arith.cmpi sgt, %add3A, %sign3A : i32
    %sign3A_4 = arith.extui %sign3A_3 : i1 to i32
    %sign3A_5 = arith.constant 0 : i32
    %sign3A_6 = arith.cmpi slt, %add3A, %sign3A_5 : i32
    %sign3A_7 = arith.extui %sign3A_6 : i1 to i32
    %sign3A_8 = arith.subi %sign3A_4, %sign3A_7 : i32
    %sign3A_9 = arith.constant 0 : i32
    %sign3A_10 = arith.cmpi sgt, %jit3A, %sign3A_9 : i32
    %sign3A_11 = arith.extui %sign3A_10 : i1 to i32
    %sign3A_12 = arith.constant 0 : i32
    %sign3A_13 = arith.cmpi slt, %jit3A, %sign3A_12 : i32
    %sign3A_14 = arith.extui %sign3A_13 : i1 to i32
    %sign3A_15 = arith.subi %sign3A_11, %sign3A_14 : i32
    %ne3A = arith.cmpi ne, %sign3A_8, %sign3A_15 : i32
    %rem3A = arith.remsi %add3A, %jit3A : i32
    %ne3A_16 = arith.constant 0 : i32
    %ne3A_17 = arith.cmpi ne, %rem3A, %ne3A_16 : i32
    %and3A = arith.andi %ne3A, %ne3A_17 : i1
    %sub3A = arith.constant 1 : i32
    %sub3A_18 = arith.subi %div3A, %sub3A : i32
    %select_n3A = arith.select %and3A, %sub3A_18, %div3A : i32
    %jit3A_19 = arith.constant 8 : i32
    %eq3A = arith.constant 0 : i32
    %eq3A_20 = arith.cmpi eq, %jit3A_19, %eq3A : i32
    %jit3A_21 = arith.constant 1 : i32
    %select_n3A_22 = arith.select %eq3A_20, %jit3A_21, %jit3A_19 : i32
    %rem3A_23 = arith.remsi %add3A, %select_n3A_22 : i32
    %ne3A_24 = arith.constant 0 : i32
    %ne3A_25 = arith.cmpi ne, %rem3A_23, %ne3A_24 : i32
    %lt3A = arith.constant 0 : i32
    %lt3A_26 = arith.cmpi slt, %rem3A_23, %lt3A : i32
    %lt3A_27 = arith.constant 0 : i32
    %lt3A_28 = arith.cmpi slt, %select_n3A_22, %lt3A_27 : i32
    %ne3A_29 = arith.xori %lt3A_26, %lt3A_28 : i1
    %and3A_30 = arith.andi %ne3A_29, %ne3A_25 : i1
    %add3A_31 = arith.addi %rem3A_23, %select_n3A_22 : i32
    %select_n3A_32 = arith.select %and3A_30, %add3A_31, %rem3A_23 : i32
    %mul3A_33 = arith.constant 1024 : i32
    %mul3A_34 = arith.muli %select_n3A_32, %mul3A_33 : i32
    "tpu.region"() ({
      %run_scoped3A = tpu.sem_alloc : memref<!tpu.dma_semaphore, #tpu.memory_space<semaphore_mem>>
      %dma_start3A_770 = arith.constant 0 : i32
      %dma_start3A_771 = tpu.memref_slice %arg5[%dma_start3A_770] : memref<1024xi32, #tpu.memory_space<vmem>> -> memref<128xi32, #tpu.memory_space<vmem>>
      %dma_start3A_772 = tpu.memref_slice %arg2[%select_n3A, %mul3A_34] : memref<4x8192xi32, #tpu.memory_space<hbm>> -> memref<1x128xi32, #tpu.memory_space<hbm>>
      %dma_start3A_773 = tpu.memref_squeeze %dma_start3A_772 : memref<1x128xi32, #tpu.memory_space<hbm>> -> memref<128xi32, #tpu.memory_space<hbm>>
      %dma_start3A_774 = arith.constant 0 : i32
      %dma_start3A_775 = tpu.memref_slice %arg5[%dma_start3A_774] : memref<1024xi32, #tpu.memory_space<vmem>> -> memref<128xi32, #tpu.memory_space<vmem>>
      %dma_start3A_776 = tpu.memref_slice %arg2[%select_n3A, %mul3A_34] : memref<4x8192xi32, #tpu.memory_space<hbm>> -> memref<1x128xi32, #tpu.memory_space<hbm>>
      %dma_start3A_777 = tpu.memref_squeeze %dma_start3A_776 : memref<1x128xi32, #tpu.memory_space<hbm>> -> memref<128xi32, #tpu.memory_space<hbm>>
      tpu.enqueue_dma source(%dma_start3A_777 : memref<128xi32, #tpu.memory_space<hbm>>) target(%dma_start3A_775 : memref<128xi32, #tpu.memory_space<vmem>>) target_semaphore(%run_scoped3A : memref<!tpu.dma_semaphore, #tpu.memory_space<semaphore_mem>>)
      %dma_wait3A_778 = arith.constant 0 : i32
      %dma_wait3A_779 = tpu.memref_slice %arg5[%dma_wait3A_778] : memref<1024xi32, #tpu.memory_space<vmem>> -> memref<128xi32, #tpu.memory_space<vmem>>
      %dma_wait3A_780 = tpu.memref_slice %arg2[%select_n3A, %mul3A_34] : memref<4x8192xi32, #tpu.memory_space<hbm>> -> memref<1x128xi32, #tpu.memory_space<hbm>>
      %dma_wait3A_781 = tpu.memref_squeeze %dma_wait3A_780 : memref<1x128xi32, #tpu.memory_space<hbm>> -> memref<128xi32, #tpu.memory_space<hbm>>
      %dma_wait3A_782 = arith.constant 0 : i32
      %dma_wait3A_783 = tpu.memref_slice %arg5[%dma_wait3A_782] : memref<1024xi32, #tpu.memory_space<vmem>> -> memref<128xi32, #tpu.memory_space<vmem>>
      %dma_wait3A_784 = tpu.memref_slice %arg2[%select_n3A, %mul3A_34] : memref<4x8192xi32, #tpu.memory_space<hbm>> -> memref<1x128xi32, #tpu.memory_space<hbm>>
      %dma_wait3A_785 = tpu.memref_squeeze %dma_wait3A_784 : memref<1x128xi32, #tpu.memory_space<hbm>> -> memref<128xi32, #tpu.memory_space<hbm>>
      tpu.wait_dma2 semaphore(%run_scoped3A : memref<!tpu.dma_semaphore, #tpu.memory_space<semaphore_mem>>) src(%dma_wait3A_785 : memref<128xi32, #tpu.memory_space<hbm>>) dst(%dma_wait3A_783 : memref<128xi32, #tpu.memory_space<vmem>>)
      tpu.yield
    }) : () -> ()
    %dma_start3A = arith.constant 0 : i32
    %dma_start3A_35 = arith.constant 0 : i32
    %dma_start3A_36 = arith.constant 0 : i32
    %dma_start3A_37 = tpu.memref_slice %arg6[%dma_start3A, %dma_start3A_35, %dma_start3A_36] : memref<6x128x128xf32, #tpu.memory_space<vmem>> -> memref<1x128x128xf32, #tpu.memory_space<vmem>>
    %dma_start3A_38 = tpu.memref_squeeze %dma_start3A_37 : memref<1x128x128xf32, #tpu.memory_space<vmem>> -> memref<128x128xf32, #tpu.memory_space<vmem>>
    %dma_start3A_39 = arith.constant 0 : i32
    %dma_start3A_40 = tpu.memref_slice %arg5[%dma_start3A_39] : memref<1024xi32, #tpu.memory_space<vmem>> -> memref<128xi32, #tpu.memory_space<vmem>>
    %dma_start3A_41 = arith.constant 0 : i32
    %dma_start3A_42 = arith.constant 0 : i32
    %dma_start3A_43 = tpu.memref_slice %arg3[%dma_start3A_41, %dma_start3A_42] : memref<1000000x128xf32, #tpu.memory_space<hbm>> -> memref<1000000x128xf32, #tpu.memory_space<hbm>>
    tpu.enqueue_indirect_dma source(%dma_start3A_43 : memref<1000000x128xf32, #tpu.memory_space<hbm>>) target(%dma_start3A_38 : memref<128x128xf32, #tpu.memory_space<vmem>>) offsets(%dma_start3A_40 : memref<128xi32, #tpu.memory_space<vmem>>) semaphore(%arg7 : memref<!tpu.dma_semaphore, #tpu.memory_space<semaphore_mem>>)
    %add3A_44 = arith.constant 128 : i32
    %add3A_45 = arith.addi %mul3A_34, %add3A_44 : i32
    "tpu.region"() ({
      %run_scoped3A = tpu.sem_alloc : memref<!tpu.dma_semaphore, #tpu.memory_space<semaphore_mem>>
      %dma_start3A_770 = arith.constant 128 : i32
      %dma_start3A_771 = tpu.memref_slice %arg5[%dma_start3A_770] : memref<1024xi32, #tpu.memory_space<vmem>> -> memref<896xi32, #tpu.memory_space<vmem>>
      %dma_start3A_772 = tpu.memref_slice %arg2[%select_n3A, %add3A_45] : memref<4x8192xi32, #tpu.memory_space<hbm>> -> memref<1x896xi32, #tpu.memory_space<hbm>>
      %dma_start3A_773 = tpu.memref_squeeze %dma_start3A_772 : memref<1x896xi32, #tpu.memory_space<hbm>> -> memref<896xi32, #tpu.memory_space<hbm>>
      %dma_start3A_774 = arith.constant 128 : i32
      %dma_start3A_775 = tpu.memref_slice %arg5[%dma_start3A_774] : memref<1024xi32, #tpu.memory_space<vmem>> -> memref<896xi32, #tpu.memory_space<vmem>>
      %dma_start3A_776 = tpu.memref_slice %arg2[%select_n3A, %add3A_45] : memref<4x8192xi32, #tpu.memory_space<hbm>> -> memref<1x896xi32, #tpu.memory_space<hbm>>
      %dma_start3A_777 = tpu.memref_squeeze %dma_start3A_776 : memref<1x896xi32, #tpu.memory_space<hbm>> -> memref<896xi32, #tpu.memory_space<hbm>>
      tpu.enqueue_dma source(%dma_start3A_777 : memref<896xi32, #tpu.memory_space<hbm>>) target(%dma_start3A_775 : memref<896xi32, #tpu.memory_space<vmem>>) target_semaphore(%run_scoped3A : memref<!tpu.dma_semaphore, #tpu.memory_space<semaphore_mem>>)
      %dma_wait3A_778 = arith.constant 128 : i32
      %dma_wait3A_779 = tpu.memref_slice %arg5[%dma_wait3A_778] : memref<1024xi32, #tpu.memory_space<vmem>> -> memref<896xi32, #tpu.memory_space<vmem>>
      %dma_wait3A_780 = tpu.memref_slice %arg2[%select_n3A, %add3A_45] : memref<4x8192xi32, #tpu.memory_space<hbm>> -> memref<1x896xi32, #tpu.memory_space<hbm>>
      %dma_wait3A_781 = tpu.memref_squeeze %dma_wait3A_780 : memref<1x896xi32, #tpu.memory_space<hbm>> -> memref<896xi32, #tpu.memory_space<hbm>>
      %dma_wait3A_782 = arith.constant 128 : i32
      %dma_wait3A_783 = tpu.memref_slice %arg5[%dma_wait3A_782] : memref<1024xi32, #tpu.memory_space<vmem>> -> memref<896xi32, #tpu.memory_space<vmem>>
      %dma_wait3A_784 = tpu.memref_slice %arg2[%select_n3A, %add3A_45] : memref<4x8192xi32, #tpu.memory_space<hbm>> -> memref<1x896xi32, #tpu.memory_space<hbm>>
      %dma_wait3A_785 = tpu.memref_squeeze %dma_wait3A_784 : memref<1x896xi32, #tpu.memory_space<hbm>> -> memref<896xi32, #tpu.memory_space<hbm>>
      tpu.wait_dma2 semaphore(%run_scoped3A : memref<!tpu.dma_semaphore, #tpu.memory_space<semaphore_mem>>) src(%dma_wait3A_785 : memref<896xi32, #tpu.memory_space<hbm>>) dst(%dma_wait3A_783 : memref<896xi32, #tpu.memory_space<vmem>>)
      tpu.yield
    }) : () -> ()
    %dma_start3A_46 = arith.constant 1 : i32
    %dma_start3A_47 = arith.constant 0 : i32
    %dma_start3A_48 = arith.constant 0 : i32
    %dma_start3A_49 = tpu.memref_slice %arg6[%dma_start3A_46, %dma_start3A_47, %dma_start3A_48] : memref<6x128x128xf32, #tpu.memory_space<vmem>> -> memref<1x128x128xf32, #tpu.memory_space<vmem>>
    %dma_start3A_50 = tpu.memref_squeeze %dma_start3A_49 : memref<1x128x128xf32, #tpu.memory_space<vmem>> -> memref<128x128xf32, #tpu.memory_space<vmem>>
    %dma_start3A_51 = arith.constant 128 : i32
    %dma_start3A_52 = tpu.memref_slice %arg5[%dma_start3A_51] : memref<1024xi32, #tpu.memory_space<vmem>> -> memref<128xi32, #tpu.memory_space<vmem>>
    %dma_start3A_53 = arith.constant 0 : i32
    %dma_start3A_54 = arith.constant 0 : i32
    %dma_start3A_55 = tpu.memref_slice %arg3[%dma_start3A_53, %dma_start3A_54] : memref<1000000x128xf32, #tpu.memory_space<hbm>> -> memref<1000000x128xf32, #tpu.memory_space<hbm>>
    tpu.enqueue_indirect_dma source(%dma_start3A_55 : memref<1000000x128xf32, #tpu.memory_space<hbm>>) target(%dma_start3A_50 : memref<128x128xf32, #tpu.memory_space<vmem>>) offsets(%dma_start3A_52 : memref<128xi32, #tpu.memory_space<vmem>>) semaphore(%arg8 : memref<!tpu.dma_semaphore, #tpu.memory_space<semaphore_mem>>)
    %dma_start3A_56 = arith.constant 2 : i32
    %dma_start3A_57 = arith.constant 0 : i32
    %dma_start3A_58 = arith.constant 0 : i32
    %dma_start3A_59 = tpu.memref_slice %arg6[%dma_start3A_56, %dma_start3A_57, %dma_start3A_58] : memref<6x128x128xf32, #tpu.memory_space<vmem>> -> memref<1x128x128xf32, #tpu.memory_space<vmem>>
    %dma_start3A_60 = tpu.memref_squeeze %dma_start3A_59 : memref<1x128x128xf32, #tpu.memory_space<vmem>> -> memref<128x128xf32, #tpu.memory_space<vmem>>
    %dma_start3A_61 = arith.constant 256 : i32
    %dma_start3A_62 = tpu.memref_slice %arg5[%dma_start3A_61] : memref<1024xi32, #tpu.memory_space<vmem>> -> memref<128xi32, #tpu.memory_space<vmem>>
    %dma_start3A_63 = arith.constant 0 : i32
    %dma_start3A_64 = arith.constant 0 : i32
    %dma_start3A_65 = tpu.memref_slice %arg3[%dma_start3A_63, %dma_start3A_64] : memref<1000000x128xf32, #tpu.memory_space<hbm>> -> memref<1000000x128xf32, #tpu.memory_space<hbm>>
    tpu.enqueue_indirect_dma source(%dma_start3A_65 : memref<1000000x128xf32, #tpu.memory_space<hbm>>) target(%dma_start3A_60 : memref<128x128xf32, #tpu.memory_space<vmem>>) offsets(%dma_start3A_62 : memref<128xi32, #tpu.memory_space<vmem>>) semaphore(%arg9 : memref<!tpu.dma_semaphore, #tpu.memory_space<semaphore_mem>>)
    %dma_start3A_66 = arith.constant 3 : i32
    %dma_start3A_67 = arith.constant 0 : i32
    %dma_start3A_68 = arith.constant 0 : i32
    %dma_start3A_69 = tpu.memref_slice %arg6[%dma_start3A_66, %dma_start3A_67, %dma_start3A_68] : memref<6x128x128xf32, #tpu.memory_space<vmem>> -> memref<1x128x128xf32, #tpu.memory_space<vmem>>
    %dma_start3A_70 = tpu.memref_squeeze %dma_start3A_69 : memref<1x128x128xf32, #tpu.memory_space<vmem>> -> memref<128x128xf32, #tpu.memory_space<vmem>>
    %dma_start3A_71 = arith.constant 384 : i32
    %dma_start3A_72 = tpu.memref_slice %arg5[%dma_start3A_71] : memref<1024xi32, #tpu.memory_space<vmem>> -> memref<128xi32, #tpu.memory_space<vmem>>
    %dma_start3A_73 = arith.constant 0 : i32
    %dma_start3A_74 = arith.constant 0 : i32
    %dma_start3A_75 = tpu.memref_slice %arg3[%dma_start3A_73, %dma_start3A_74] : memref<1000000x128xf32, #tpu.memory_space<hbm>> -> memref<1000000x128xf32, #tpu.memory_space<hbm>>
    tpu.enqueue_indirect_dma source(%dma_start3A_75 : memref<1000000x128xf32, #tpu.memory_space<hbm>>) target(%dma_start3A_70 : memref<128x128xf32, #tpu.memory_space<vmem>>) offsets(%dma_start3A_72 : memref<128xi32, #tpu.memory_space<vmem>>) semaphore(%arg10 : memref<!tpu.dma_semaphore, #tpu.memory_space<semaphore_mem>>)
    %dma_start3A_76 = arith.constant 4 : i32
    %dma_start3A_77 = arith.constant 0 : i32
    %dma_start3A_78 = arith.constant 0 : i32
    %dma_start3A_79 = tpu.memref_slice %arg6[%dma_start3A_76, %dma_start3A_77, %dma_start3A_78] : memref<6x128x128xf32, #tpu.memory_space<vmem>> -> memref<1x128x128xf32, #tpu.memory_space<vmem>>
    %dma_start3A_80 = tpu.memref_squeeze %dma_start3A_79 : memref<1x128x128xf32, #tpu.memory_space<vmem>> -> memref<128x128xf32, #tpu.memory_space<vmem>>
    %dma_start3A_81 = arith.constant 512 : i32
    %dma_start3A_82 = tpu.memref_slice %arg5[%dma_start3A_81] : memref<1024xi32, #tpu.memory_space<vmem>> -> memref<128xi32, #tpu.memory_space<vmem>>
    %dma_start3A_83 = arith.constant 0 : i32
    %dma_start3A_84 = arith.constant 0 : i32
    %dma_start3A_85 = tpu.memref_slice %arg3[%dma_start3A_83, %dma_start3A_84] : memref<1000000x128xf32, #tpu.memory_space<hbm>> -> memref<1000000x128xf32, #tpu.memory_space<hbm>>
    tpu.enqueue_indirect_dma source(%dma_start3A_85 : memref<1000000x128xf32, #tpu.memory_space<hbm>>) target(%dma_start3A_80 : memref<128x128xf32, #tpu.memory_space<vmem>>) offsets(%dma_start3A_82 : memref<128xi32, #tpu.memory_space<vmem>>) semaphore(%arg11 : memref<!tpu.dma_semaphore, #tpu.memory_space<semaphore_mem>>)
    %dma_start3A_86 = arith.constant 5 : i32
    %dma_start3A_87 = arith.constant 0 : i32
    %dma_start3A_88 = arith.constant 0 : i32
    %dma_start3A_89 = tpu.memref_slice %arg6[%dma_start3A_86, %dma_start3A_87, %dma_start3A_88] : memref<6x128x128xf32, #tpu.memory_space<vmem>> -> memref<1x128x128xf32, #tpu.memory_space<vmem>>
    %dma_start3A_90 = tpu.memref_squeeze %dma_start3A_89 : memref<1x128x128xf32, #tpu.memory_space<vmem>> -> memref<128x128xf32, #tpu.memory_space<vmem>>
    %dma_start3A_91 = arith.constant 640 : i32
    %dma_start3A_92 = tpu.memref_slice %arg5[%dma_start3A_91] : memref<1024xi32, #tpu.memory_space<vmem>> -> memref<128xi32, #tpu.memory_space<vmem>>
    %dma_start3A_93 = arith.constant 0 : i32
    %dma_start3A_94 = arith.constant 0 : i32
    %dma_start3A_95 = tpu.memref_slice %arg3[%dma_start3A_93, %dma_start3A_94] : memref<1000000x128xf32, #tpu.memory_space<hbm>> -> memref<1000000x128xf32, #tpu.memory_space<hbm>>
    tpu.enqueue_indirect_dma source(%dma_start3A_95 : memref<1000000x128xf32, #tpu.memory_space<hbm>>) target(%dma_start3A_90 : memref<128x128xf32, #tpu.memory_space<vmem>>) offsets(%dma_start3A_92 : memref<128xi32, #tpu.memory_space<vmem>>) semaphore(%arg12 : memref<!tpu.dma_semaphore, #tpu.memory_space<semaphore_mem>>)
    %dma_wait3A = arith.constant 0 : i32
    %dma_wait3A_96 = arith.constant 0 : i32
    %dma_wait3A_97 = arith.constant 0 : i32
    %dma_wait3A_98 = tpu.memref_slice %arg6[%dma_wait3A, %dma_wait3A_96, %dma_wait3A_97] : memref<6x128x128xf32, #tpu.memory_space<vmem>> -> memref<1x128x128xf32, #tpu.memory_space<vmem>>
    %dma_wait3A_99 = tpu.memref_squeeze %dma_wait3A_98 : memref<1x128x128xf32, #tpu.memory_space<vmem>> -> memref<128x128xf32, #tpu.memory_space<vmem>>
    %dma_wait3A_100 = arith.constant 0 : i32
    %dma_wait3A_101 = tpu.memref_slice %arg5[%dma_wait3A_100] : memref<1024xi32, #tpu.memory_space<vmem>> -> memref<128xi32, #tpu.memory_space<vmem>>
    %dma_wait3A_102 = arith.constant 0 : i32
    %dma_wait3A_103 = arith.constant 0 : i32
    %dma_wait3A_104 = tpu.memref_slice %arg3[%dma_wait3A_102, %dma_wait3A_103] : memref<1000000x128xf32, #tpu.memory_space<hbm>> -> memref<1000000x128xf32, #tpu.memory_space<hbm>>
    tpu.wait_indirect_dma semaphore(%arg7 : memref<!tpu.dma_semaphore, #tpu.memory_space<semaphore_mem>>) src(%dma_wait3A_104 : memref<1000000x128xf32, #tpu.memory_space<hbm>>) dst(%dma_wait3A_99 : memref<128x128xf32, #tpu.memory_space<vmem>>)
    %scan3A = arith.constant 0 : i32
    %scan3A_105 = arith.constant 0 : i32
    %scan3A_106 = arith.constant 64 : i32
    %scan3A_107 = arith.addi %scan3A_105, %scan3A_106 : i32
    %scan3A_108 = arith.constant 1 : i32
    %scan3A_109 = scf.for %scan3A_770 = %scan3A_105 to %scan3A_107 step %scan3A_108 iter_args(%scan3A_771 = %scan3A) -> (i32)  : i32 {
      %get3A = arith.constant 0 : i32
      %get3A_772 = arith.index_cast %get3A : i32 to index
      %get3A_773 = arith.index_cast %scan3A_770 : i32 to index
      %get3A_774 = arith.constant 0 : index
      %get3A_775 = tpu.vector_load %arg6[%get3A_772, %get3A_773, %get3A_774] {strides = array<i32>} : memref<6x128x128xf32, #tpu.memory_space<vmem>>, vector<1x1x16xf32>,
      %get3A_776 = vector.shape_cast %get3A_775 : vector<1x1x16xf32> to vector<16xf32>
      %mul3A_777 = arith.constant 11.3137083 : f32
      %mul3A_778 = vector.broadcast %mul3A_777 : f32 to vector<16xf32>
      %mul3A_779 = arith.mulf %get3A_776, %mul3A_778 : vector<16xf32>
      %swap3A = arith.constant 0 : i32
      %swap3A_780 = arith.index_cast %swap3A : i32 to index
      %swap3A_781 = arith.index_cast %scan3A_770 : i32 to index
      %swap3A_782 = arith.constant 0 : index
      %swap3A_783 = tpu.vector_load %arg6[%swap3A_780, %swap3A_781, %swap3A_782] {strides = array<i32>} : memref<6x128x128xf32, #tpu.memory_space<vmem>>, vector<1x1x16xf32>,
      %swap3A_784 = vector.shape_cast %swap3A_783 : vector<1x1x16xf32> to vector<16xf32>
      %swap3A_785 = vector.shape_cast %mul3A_779 : vector<16xf32> to vector<1x1x16xf32>
      tpu.vector_store %arg6[%swap3A_780, %swap3A_781, %swap3A_782], %swap3A_785 {strides = array<i32>} : memref<6x128x128xf32, #tpu.memory_space<vmem>>, vector<1x1x16xf32>,
      %get3A_786 = arith.constant 0 : i32
      %get3A_787 = arith.index_cast %get3A_786 : i32 to index
      %get3A_788 = arith.index_cast %scan3A_770 : i32 to index
      %get3A_789 = arith.constant 16 : index
      %get3A_790 = tpu.vector_load %arg6[%get3A_787, %get3A_788, %get3A_789] {strides = array<i32>} : memref<6x128x128xf32, #tpu.memory_space<vmem>>, vector<1x1x16xf32>,
      %get3A_791 = vector.shape_cast %get3A_790 : vector<1x1x16xf32> to vector<16xf32>
      %mul3A_792 = arith.constant 11.3137083 : f32
      %mul3A_793 = vector.broadcast %mul3A_792 : f32 to vector<16xf32>
      %mul3A_794 = arith.mulf %get3A_791, %mul3A_793 : vector<16xf32>
      %swap3A_795 = arith.constant 0 : i32
      %swap3A_796 = arith.index_cast %swap3A_795 : i32 to index
      %swap3A_797 = arith.index_cast %scan3A_770 : i32 to index
      %swap3A_798 = arith.constant 16 : index
      %swap3A_799 = tpu.vector_load %arg6[%swap3A_796, %swap3A_797, %swap3A_798] {strides = array<i32>} : memref<6x128x128xf32, #tpu.memory_space<vmem>>, vector<1x1x16xf32>,
      %swap3A_800 = vector.shape_cast %swap3A_799 : vector<1x1x16xf32> to vector<16xf32>
      %swap3A_801 = vector.shape_cast %mul3A_794 : vector<16xf32> to vector<1x1x16xf32>
      tpu.vector_store %arg6[%swap3A_796, %swap3A_797, %swap3A_798], %swap3A_801 {strides = array<i32>} : memref<6x128x128xf32, #tpu.memory_space<vmem>>, vector<1x1x16xf32>,
      %get3A_802 = arith.constant 0 : i32
      %get3A_803 = arith.index_cast %get3A_802 : i32 to index
      %get3A_804 = arith.index_cast %scan3A_770 : i32 to index
      %get3A_805 = arith.constant 32 : index
      %get3A_806 = tpu.vector_load %arg6[%get3A_803, %get3A_804, %get3A_805] {strides = array<i32>} : memref<6x128x128xf32, #tpu.memory_space<vmem>>, vector<1x1x16xf32>,
      %get3A_807 = vector.shape_cast %get3A_806 : vector<1x1x16xf32> to vector<16xf32>
      %mul3A_808 = arith.constant 11.3137083 : f32
      %mul3A_809 = vector.broadcast %mul3A_808 : f32 to vector<16xf32>
      %mul3A_810 = arith.mulf %get3A_807, %mul3A_809 : vector<16xf32>
      %swap3A_811 = arith.constant 0 : i32
      %swap3A_812 = arith.index_cast %swap3A_811 : i32 to index
      %swap3A_813 = arith.index_cast %scan3A_770 : i32 to index
      %swap3A_814 = arith.constant 32 : index
      %swap3A_815 = tpu.vector_load %arg6[%swap3A_812, %swap3A_813, %swap3A_814] {strides = array<i32>} : memref<6x128x128xf32, #tpu.memory_space<vmem>>, vector<1x1x16xf32>,
      %swap3A_816 = vector.shape_cast %swap3A_815 : vector<1x1x16xf32> to vector<16xf32>
      %swap3A_817 = vector.shape_cast %mul3A_810 : vector<16xf32> to vector<1x1x16xf32>
      tpu.vector_store %arg6[%swap3A_812, %swap3A_813, %swap3A_814], %swap3A_817 {strides = array<i32>} : memref<6x128x128xf32, #tpu.memory_space<vmem>>, vector<1x1x16xf32>,
      %get3A_818 = arith.constant 0 : i32
      %get3A_819 = arith.index_cast %get3A_818 : i32 to index
      %get3A_820 = arith.index_cast %scan3A_770 : i32 to index
      %get3A_821 = arith.constant 48 : index
      %get3A_822 = tpu.vector_load %arg6[%get3A_819, %get3A_820, %get3A_821] {strides = array<i32>} : memref<6x128x128xf32, #tpu.memory_space<vmem>>, vector<1x1x16xf32>,
      %get3A_823 = vector.shape_cast %get3A_822 : vector<1x1x16xf32> to vector<16xf32>
      %mul3A_824 = arith.constant 11.3137083 : f32
      %mul3A_825 = vector.broadcast %mul3A_824 : f32 to vector<16xf32>
      %mul3A_826 = arith.mulf %get3A_823, %mul3A_825 : vector<16xf32>
      %swap3A_827 = arith.constant 0 : i32
      %swap3A_828 = arith.index_cast %swap3A_827 : i32 to index
      %swap3A_829 = arith.index_cast %scan3A_770 : i32 to index
      %swap3A_830 = arith.constant 48 : index
      %swap3A_831 = tpu.vector_load %arg6[%swap3A_828, %swap3A_829, %swap3A_830] {strides = array<i32>} : memref<6x128x128xf32, #tpu.memory_space<vmem>>, vector<1x1x16xf32>,
      %swap3A_832 = vector.shape_cast %swap3A_831 : vector<1x1x16xf32> to vector<16xf32>
      %swap3A_833 = vector.shape_cast %mul3A_826 : vector<16xf32> to vector<1x1x16xf32>
      tpu.vector_store %arg6[%swap3A_828, %swap3A_829, %swap3A_830], %swap3A_833 {strides = array<i32>} : memref<6x128x128xf32, #tpu.memory_space<vmem>>, vector<1x1x16xf32>,
      %get3A_834 = arith.constant 0 : i32
      %get3A_835 = arith.index_cast %get3A_834 : i32 to index
      %get3A_836 = arith.index_cast %scan3A_770 : i32 to index
      %get3A_837 = arith.constant 64 : index
      %get3A_838 = tpu.vector_load %arg6[%get3A_835, %get3A_836, %get3A_837] {strides = array<i32>} : memref<6x128x128xf32, #tpu.memory_space<vmem>>, vector<1x1x16xf32>,
      %get3A_839 = vector.shape_cast %get3A_838 : vector<1x1x16xf32> to vector<16xf32>
      %mul3A_840 = arith.constant 11.3137083 : f32
      %mul3A_841 = vector.broadcast %mul3A_840 : f32 to vector<16xf32>
      %mul3A_842 = arith.mulf %get3A_839, %mul3A_841 : vector<16xf32>
      %swap3A_843 = arith.constant 0 : i32
      %swap3A_844 = arith.index_cast %swap3A_843 : i32 to index
      %swap3A_845 = arith.index_cast %scan3A_770 : i32 to index
      %swap3A_846 = arith.constant 64 : index
      %swap3A_847 = tpu.vector_load %arg6[%swap3A_844, %swap3A_845, %swap3A_846] {strides = array<i32>} : memref<6x128x128xf32, #tpu.memory_space<vmem>>, vector<1x1x16xf32>,
      %swap3A_848 = vector.shape_cast %swap3A_847 : vector<1x1x16xf32> to vector<16xf32>
      %swap3A_849 = vector.shape_cast %mul3A_842 : vector<16xf32> to vector<1x1x16xf32>
      tpu.vector_store %arg6[%swap3A_844, %swap3A_845, %swap3A_846], %swap3A_849 {strides = array<i32>} : memref<6x128x128xf32, #tpu.memory_space<vmem>>, vector<1x1x16xf32>,
      %get3A_850 = arith.constant 0 : i32
      %get3A_851 = arith.index_cast %get3A_850 : i32 to index
      %get3A_852 = arith.index_cast %scan3A_770 : i32 to index
      %get3A_853 = arith.constant 80 : index
      %get3A_854 = tpu.vector_load %arg6[%get3A_851, %get3A_852, %get3A_853] {strides = array<i32>} : memref<6x128x128xf32, #tpu.memory_space<vmem>>, vector<1x1x16xf32>,
      %get3A_855 = vector.shape_cast %get3A_854 : vector<1x1x16xf32> to vector<16xf32>
      %mul3A_856 = arith.constant 11.3137083 : f32
      %mul3A_857 = vector.broadcast %mul3A_856 : f32 to vector<16xf32>
      %mul3A_858 = arith.mulf %get3A_855, %mul3A_857 : vector<16xf32>
      %swap3A_859 = arith.constant 0 : i32
      %swap3A_860 = arith.index_cast %swap3A_859 : i32 to index
      %swap3A_861 = arith.index_cast %scan3A_770 : i32 to index
      %swap3A_862 = arith.constant 80 : index
      %swap3A_863 = tpu.vector_load %arg6[%swap3A_860, %swap3A_861, %swap3A_862] {strides = array<i32>} : memref<6x128x128xf32, #tpu.memory_space<vmem>>, vector<1x1x16xf32>,
      %swap3A_864 = vector.shape_cast %swap3A_863 : vector<1x1x16xf32> to vector<16xf32>
      %swap3A_865 = vector.shape_cast %mul3A_858 : vector<16xf32> to vector<1x1x16xf32>
      tpu.vector_store %arg6[%swap3A_860, %swap3A_861, %swap3A_862], %swap3A_865 {strides = array<i32>} : memref<6x128x128xf32, #tpu.memory_space<vmem>>, vector<1x1x16xf32>,
      %get3A_866 = arith.constant 0 : i32
      %get3A_867 = arith.index_cast %get3A_866 : i32 to index
      %get3A_868 = arith.index_cast %scan3A_770 : i32 to index
      %get3A_869 = arith.constant 96 : index
      %get3A_870 = tpu.vector_load %arg6[%get3A_867, %get3A_868, %get3A_869] {strides = array<i32>} : memref<6x128x128xf32, #tpu.memory_space<vmem>>, vector<1x1x16xf32>,
      %get3A_871 = vector.shape_cast %get3A_870 : vector<1x1x16xf32> to vector<16xf32>
      %mul3A_872 = arith.constant 11.3137083 : f32
      %mul3A_873 = vector.broadcast %mul3A_872 : f32 to vector<16xf32>
      %mul3A_874 = arith.mulf %get3A_871, %mul3A_873 : vector<16xf32>
      %swap3A_875 = arith.constant 0 : i32
      %swap3A_876 = arith.index_cast %swap3A_875 : i32 to index
      %swap3A_877 = arith.index_cast %scan3A_770 : i32 to index
      %swap3A_878 = arith.constant 96 : index
      %swap3A_879 = tpu.vector_load %arg6[%swap3A_876, %swap3A_877, %swap3A_878] {strides = array<i32>} : memref<6x128x128xf32, #tpu.memory_space<vmem>>, vector<1x1x16xf32>,
      %swap3A_880 = vector.shape_cast %swap3A_879 : vector<1x1x16xf32> to vector<16xf32>
      %swap3A_881 = vector.shape_cast %mul3A_874 : vector<16xf32> to vector<1x1x16xf32>
      tpu.vector_store %arg6[%swap3A_876, %swap3A_877, %swap3A_878], %swap3A_881 {strides = array<i32>} : memref<6x128x128xf32, #tpu.memory_space<vmem>>, vector<1x1x16xf32>,
      %get3A_882 = arith.constant 0 : i32
      %get3A_883 = arith.index_cast %get3A_882 : i32 to index
      %get3A_884 = arith.index_cast %scan3A_770 : i32 to index
      %get3A_885 = arith.constant 112 : index
      %get3A_886 = tpu.vector_load %arg6[%get3A_883, %get3A_884, %get3A_885] {strides = array<i32>} : memref<6x128x128xf32, #tpu.memory_space<vmem>>, vector<1x1x16xf32>,
      %get3A_887 = vector.shape_cast %get3A_886 : vector<1x1x16xf32> to vector<16xf32>
      %mul3A_888 = arith.constant 11.3137083 : f32
      %mul3A_889 = vector.broadcast %mul3A_888 : f32 to vector<16xf32>
      %mul3A_890 = arith.mulf %get3A_887, %mul3A_889 : vector<16xf32>
      %swap3A_891 = arith.constant 0 : i32
      %swap3A_892 = arith.index_cast %swap3A_891 : i32 to index
      %swap3A_893 = arith.index_cast %scan3A_770 : i32 to index
      %swap3A_894 = arith.constant 112 : index
      %swap3A_895 = tpu.vector_load %arg6[%swap3A_892, %swap3A_893, %swap3A_894] {strides = array<i32>} : memref<6x128x128xf32, #tpu.memory_space<vmem>>, vector<1x1x16xf32>,
      %swap3A_896 = vector.shape_cast %swap3A_895 : vector<1x1x16xf32> to vector<16xf32>
      %swap3A_897 = vector.shape_cast %mul3A_890 : vector<16xf32> to vector<1x1x16xf32>
      tpu.vector_store %arg6[%swap3A_892, %swap3A_893, %swap3A_894], %swap3A_897 {strides = array<i32>} : memref<6x128x128xf32, #tpu.memory_space<vmem>>, vector<1x1x16xf32>,
      %scan3A_898 = arith.constant 0 : i32
      scf.yield %scan3A_898 : i32
    }
    %scan3A_110 = arith.constant 64 : i32
    %add3A_111 = arith.constant 0 : i32
    %add3A_112 = arith.addi %mul3A_2, %add3A_111 : i32
    %dma_start3A_113 = arith.constant 0 : i32
    %dma_start3A_114 = arith.constant 0 : i32
    %dma_start3A_115 = arith.constant 0 : i32
    %dma_start3A_116 = tpu.memref_slice %arg6[%dma_start3A_113, %dma_start3A_114, %dma_start3A_115] : memref<6x128x128xf32, #tpu.memory_space<vmem>> -> memref<1x64x128xf32, #tpu.memory_space<vmem>>
    %dma_start3A_117 = tpu.memref_squeeze %dma_start3A_116 : memref<1x64x128xf32, #tpu.memory_space<vmem>> -> memref<64x128xf32, #tpu.memory_space<vmem>>
    %dma_start3A_118 = arith.constant 0 : i32
    %dma_start3A_119 = tpu.memref_slice %arg4[%add3A_112, %dma_start3A_118] : memref<32768x128xf32, #tpu.memory_space<hbm>> -> memref<64x128xf32, #tpu.memory_space<hbm>>
    %dma_start3A_120 = arith.constant 0 : i32
    %dma_start3A_121 = tpu.memref_slice %arg4[%add3A_112, %dma_start3A_120] : memref<32768x128xf32, #tpu.memory_space<hbm>> -> memref<64x128xf32, #tpu.memory_space<hbm>>
    %dma_start3A_122 = arith.constant 0 : i32
    %dma_start3A_123 = arith.constant 0 : i32
    %dma_start3A_124 = tpu.memref_slice %arg6[%dma_start3A_113, %dma_start3A_122, %dma_start3A_123] : memref<6x128x128xf32, #tpu.memory_space<vmem>> -> memref<1x64x128xf32, #tpu.memory_space<vmem>>
    %dma_start3A_125 = tpu.memref_squeeze %dma_start3A_124 : memref<1x64x128xf32, #tpu.memory_space<vmem>> -> memref<64x128xf32, #tpu.memory_space<vmem>>
    tpu.enqueue_dma source(%dma_start3A_125 : memref<64x128xf32, #tpu.memory_space<vmem>>) target(%dma_start3A_121 : memref<64x128xf32, #tpu.memory_space<hbm>>) target_semaphore(%arg13 : memref<!tpu.dma_semaphore, #tpu.memory_space<semaphore_mem>>)
    %scan3A_126 = arith.constant 0 : i32
    %scan3A_127 = arith.constant 64 : i32
    %scan3A_128 = arith.constant 64 : i32
    %scan3A_129 = arith.addi %scan3A_127, %scan3A_128 : i32
    %scan3A_130 = arith.constant 1 : i32
    %scan3A_131 = scf.for %scan3A_770 = %scan3A_127 to %scan3A_129 step %scan3A_130 iter_args(%scan3A_771 = %scan3A_126) -> (i32)  : i32 {
      %get3A = arith.constant 0 : i32
      %get3A_772 = arith.index_cast %get3A : i32 to index
      %get3A_773 = arith.index_cast %scan3A_770 : i32 to index
      %get3A_774 = arith.constant 0 : index
      %get3A_775 = tpu.vector_load %arg6[%get3A_772, %get3A_773, %get3A_774] {strides = array<i32>} : memref<6x128x128xf32, #tpu.memory_space<vmem>>, vector<1x1x16xf32>,
      %get3A_776 = vector.shape_cast %get3A_775 : vector<1x1x16xf32> to vector<16xf32>
      %mul3A_777 = arith.constant 11.3137083 : f32
      %mul3A_778 = vector.broadcast %mul3A_777 : f32 to vector<16xf32>
      %mul3A_779 = arith.mulf %get3A_776, %mul3A_778 : vector<16xf32>
      %swap3A = arith.constant 0 : i32
      %swap3A_780 = arith.index_cast %swap3A : i32 to index
      %swap3A_781 = arith.index_cast %scan3A_770 : i32 to index
      %swap3A_782 = arith.constant 0 : index
      %swap3A_783 = tpu.vector_load %arg6[%swap3A_780, %swap3A_781, %swap3A_782] {strides = array<i32>} : memref<6x128x128xf32, #tpu.memory_space<vmem>>, vector<1x1x16xf32>,
      %swap3A_784 = vector.shape_cast %swap3A_783 : vector<1x1x16xf32> to vector<16xf32>
      %swap3A_785 = vector.shape_cast %mul3A_779 : vector<16xf32> to vector<1x1x16xf32>
      tpu.vector_store %arg6[%swap3A_780, %swap3A_781, %swap3A_782], %swap3A_785 {strides = array<i32>} : memref<6x128x128xf32, #tpu.memory_space<vmem>>, vector<1x1x16xf32>,
      %get3A_786 = arith.constant 0 : i32
      %get3A_787 = arith.index_cast %get3A_786 : i32 to index
      %get3A_788 = arith.index_cast %scan3A_770 : i32 to index
      %get3A_789 = arith.constant 16 : index
      %get3A_790 = tpu.vector_load %arg6[%get3A_787, %get3A_788, %get3A_789] {strides = array<i32>} : memref<6x128x128xf32, #tpu.memory_space<vmem>>, vector<1x1x16xf32>,
      %get3A_791 = vector.shape_cast %get3A_790 : vector<1x1x16xf32> to vector<16xf32>
      %mul3A_792 = arith.constant 11.3137083 : f32
      %mul3A_793 = vector.broadcast %mul3A_792 : f32 to vector<16xf32>
      %mul3A_794 = arith.mulf %get3A_791, %mul3A_793 : vector<16xf32>
      %swap3A_795 = arith.constant 0 : i32
      %swap3A_796 = arith.index_cast %swap3A_795 : i32 to index
      %swap3A_797 = arith.index_cast %scan3A_770 : i32 to index
      %swap3A_798 = arith.constant 16 : index
      %swap3A_799 = tpu.vector_load %arg6[%swap3A_796, %swap3A_797, %swap3A_798] {strides = array<i32>} : memref<6x128x128xf32, #tpu.memory_space<vmem>>, vector<1x1x16xf32>,
      %swap3A_800 = vector.shape_cast %swap3A_799 : vector<1x1x16xf32> to vector<16xf32>
      %swap3A_801 = vector.shape_cast %mul3A_794 : vector<16xf32> to vector<1x1x16xf32>
      tpu.vector_store %arg6[%swap3A_796, %swap3A_797, %swap3A_798], %swap3A_801 {strides = array<i32>} : memref<6x128x128xf32, #tpu.memory_space<vmem>>, vector<1x1x16xf32>,
      %get3A_802 = arith.constant 0 : i32
      %get3A_803 = arith.index_cast %get3A_802 : i32 to index
      %get3A_804 = arith.index_cast %scan3A_770 : i32 to index
      %get3A_805 = arith.constant 32 : index
      %get3A_806 = tpu.vector_load %arg6[%get3A_803, %get3A_804, %get3A_805] {strides = array<i32>} : memref<6x128x128xf32, #tpu.memory_space<vmem>>, vector<1x1x16xf32>,
      %get3A_807 = vector.shape_cast %get3A_806 : vector<1x1x16xf32> to vector<16xf32>
      %mul3A_808 = arith.constant 11.3137083 : f32
      %mul3A_809 = vector.broadcast %mul3A_808 : f32 to vector<16xf32>
      %mul3A_810 = arith.mulf %get3A_807, %mul3A_809 : vector<16xf32>
      %swap3A_811 = arith.constant 0 : i32
      %swap3A_812 = arith.index_cast %swap3A_811 : i32 to index
      %swap3A_813 = arith.index_cast %scan3A_770 : i32 to index
      %swap3A_814 = arith.constant 32 : index
      %swap3A_815 = tpu.vector_load %arg6[%swap3A_812, %swap3A_813, %swap3A_814] {strides = array<i32>} : memref<6x128x128xf32, #tpu.memory_space<vmem>>, vector<1x1x16xf32>,
      %swap3A_816 = vector.shape_cast %swap3A_815 : vector<1x1x16xf32> to vector<16xf32>
      %swap3A_817 = vector.shape_cast %mul3A_810 : vector<16xf32> to vector<1x1x16xf32>
      tpu.vector_store %arg6[%swap3A_812, %swap3A_813, %swap3A_814], %swap3A_817 {strides = array<i32>} : memref<6x128x128xf32, #tpu.memory_space<vmem>>, vector<1x1x16xf32>,
      %get3A_818 = arith.constant 0 : i32
      %get3A_819 = arith.index_cast %get3A_818 : i32 to index
      %get3A_820 = arith.index_cast %scan3A_770 : i32 to index
      %get3A_821 = arith.constant 48 : index
      %get3A_822 = tpu.vector_load %arg6[%get3A_819, %get3A_820, %get3A_821] {strides = array<i32>} : memref<6x128x128xf32, #tpu.memory_space<vmem>>, vector<1x1x16xf32>,
      %get3A_823 = vector.shape_cast %get3A_822 : vector<1x1x16xf32> to vector<16xf32>
      %mul3A_824 = arith.constant 11.3137083 : f32
      %mul3A_825 = vector.broadcast %mul3A_824 : f32 to vector<16xf32>
      %mul3A_826 = arith.mulf %get3A_823, %mul3A_825 : vector<16xf32>
      %swap3A_827 = arith.constant 0 : i32
      %swap3A_828 = arith.index_cast %swap3A_827 : i32 to index
      %swap3A_829 = arith.index_cast %scan3A_770 : i32 to index
      %swap3A_830 = arith.constant 48 : index
      %swap3A_831 = tpu.vector_load %arg6[%swap3A_828, %swap3A_829, %swap3A_830] {strides = array<i32>} : memref<6x128x128xf32, #tpu.memory_space<vmem>>, vector<1x1x16xf32>,
      %swap3A_832 = vector.shape_cast %swap3A_831 : vector<1x1x16xf32> to vector<16xf32>
      %swap3A_833 = vector.shape_cast %mul3A_826 : vector<16xf32> to vector<1x1x16xf32>
      tpu.vector_store %arg6[%swap3A_828, %swap3A_829, %swap3A_830], %swap3A_833 {strides = array<i32>} : memref<6x128x128xf32, #tpu.memory_space<vmem>>, vector<1x1x16xf32>,
      %get3A_834 = arith.constant 0 : i32
      %get3A_835 = arith.index_cast %get3A_834 : i32 to index
      %get3A_836 = arith.index_cast %scan3A_770 : i32 to index
      %get3A_837 = arith.constant 64 : index
      %get3A_838 = tpu.vector_load %arg6[%get3A_835, %get3A_836, %get3A_837] {strides = array<i32>} : memref<6x128x128xf32, #tpu.memory_space<vmem>>, vector<1x1x16xf32>,
      %get3A_839 = vector.shape_cast %get3A_838 : vector<1x1x16xf32> to vector<16xf32>
      %mul3A_840 = arith.constant 11.3137083 : f32
      %mul3A_841 = vector.broadcast %mul3A_840 : f32 to vector<16xf32>
      %mul3A_842 = arith.mulf %get3A_839, %mul3A_841 : vector<16xf32>
      %swap3A_843 = arith.constant 0 : i32
      %swap3A_844 = arith.index_cast %swap3A_843 : i32 to index
      %swap3A_845 = arith.index_cast %scan3A_770 : i32 to index
      %swap3A_846 = arith.constant 64 : index
      %swap3A_847 = tpu.vector_load %arg6[%swap3A_844, %swap3A_845, %swap3A_846] {strides = array<i32>} : memref<6x128x128xf32, #tpu.memory_space<vmem>>, vector<1x1x16xf32>,
      %swap3A_848 = vector.shape_cast %swap3A_847 : vector<1x1x16xf32> to vector<16xf32>
      %swap3A_849 = vector.shape_cast %mul3A_842 : vector<16xf32> to vector<1x1x16xf32>
      tpu.vector_store %arg6[%swap3A_844, %swap3A_845, %swap3A_846], %swap3A_849 {strides = array<i32>} : memref<6x128x128xf32, #tpu.memory_space<vmem>>, vector<1x1x16xf32>,
      %get3A_850 = arith.constant 0 : i32
      %get3A_851 = arith.index_cast %get3A_850 : i32 to index
      %get3A_852 = arith.index_cast %scan3A_770 : i32 to index
      %get3A_853 = arith.constant 80 : index
      %get3A_854 = tpu.vector_load %arg6[%get3A_851, %get3A_852, %get3A_853] {strides = array<i32>} : memref<6x128x128xf32, #tpu.memory_space<vmem>>, vector<1x1x16xf32>,
      %get3A_855 = vector.shape_cast %get3A_854 : vector<1x1x16xf32> to vector<16xf32>
      %mul3A_856 = arith.constant 11.3137083 : f32
      %mul3A_857 = vector.broadcast %mul3A_856 : f32 to vector<16xf32>
      %mul3A_858 = arith.mulf %get3A_855, %mul3A_857 : vector<16xf32>
      %swap3A_859 = arith.constant 0 : i32
      %swap3A_860 = arith.index_cast %swap3A_859 : i32 to index
      %swap3A_861 = arith.index_cast %scan3A_770 : i32 to index
      %swap3A_862 = arith.constant 80 : index
      %swap3A_863 = tpu.vector_load %arg6[%swap3A_860, %swap3A_861, %swap3A_862] {strides = array<i32>} : memref<6x128x128xf32, #tpu.memory_space<vmem>>, vector<1x1x16xf32>,
      %swap3A_864 = vector.shape_cast %swap3A_863 : vector<1x1x16xf32> to vector<16xf32>
      %swap3A_865 = vector.shape_cast %mul3A_858 : vector<16xf32> to vector<1x1x16xf32>
      tpu.vector_store %arg6[%swap3A_860, %swap3A_861, %swap3A_862], %swap3A_865 {strides = array<i32>} : memref<6x128x128xf32, #tpu.memory_space<vmem>>, vector<1x1x16xf32>,
      %get3A_866 = arith.constant 0 : i32
      %get3A_867 = arith.index_cast %get3A_866 : i32 to index
      %get3A_868 = arith.index_cast %scan3A_770 : i32 to index
      %get3A_869 = arith.constant 96 : index
      %get3A_870 = tpu.vector_load %arg6[%get3A_867, %get3A_868, %get3A_869] {strides = array<i32>} : memref<6x128x128xf32, #tpu.memory_space<vmem>>, vector<1x1x16xf32>,
      %get3A_871 = vector.shape_cast %get3A_870 : vector<1x1x16xf32> to vector<16xf32>
      %mul3A_872 = arith.constant 11.3137083 : f32
      %mul3A_873 = vector.broadcast %mul3A_872 : f32 to vector<16xf32>
      %mul3A_874 = arith.mulf %get3A_871, %mul3A_873 : vector<16xf32>
      %swap3A_875 = arith.constant 0 : i32
      %swap3A_876 = arith.index_cast %swap3A_875 : i32 to index
      %swap3A_877 = arith.index_cast %scan3A_770 : i32 to index
      %swap3A_878 = arith.constant 96 : index
      %swap3A_879 = tpu.vector_load %arg6[%swap3A_876, %swap3A_877, %swap3A_878] {strides = array<i32>} : memref<6x128x128xf32, #tpu.memory_space<vmem>>, vector<1x1x16xf32>,
      %swap3A_880 = vector.shape_cast %swap3A_879 : vector<1x1x16xf32> to vector<16xf32>
      %swap3A_881 = vector.shape_cast %mul3A_874 : vector<16xf32> to vector<1x1x16xf32>
      tpu.vector_store %arg6[%swap3A_876, %swap3A_877, %swap3A_878], %swap3A_881 {strides = array<i32>} : memref<6x128x128xf32, #tpu.memory_space<vmem>>, vector<1x1x16xf32>,
      %get3A_882 = arith.constant 0 : i32
      %get3A_883 = arith.index_cast %get3A_882 : i32 to index
      %get3A_884 = arith.index_cast %scan3A_770 : i32 to index
      %get3A_885 = arith.constant 112 : index
      %get3A_886 = tpu.vector_load %arg6[%get3A_883, %get3A_884, %get3A_885] {strides = array<i32>} : memref<6x128x128xf32, #tpu.memory_space<vmem>>, vector<1x1x16xf32>,
      %get3A_887 = vector.shape_cast %get3A_886 : vector<1x1x16xf32> to vector<16xf32>
      %mul3A_888 = arith.constant 11.3137083 : f32
      %mul3A_889 = vector.broadcast %mul3A_888 : f32 to vector<16xf32>
      %mul3A_890 = arith.mulf %get3A_887, %mul3A_889 : vector<16xf32>
      %swap3A_891 = arith.constant 0 : i32
      %swap3A_892 = arith.index_cast %swap3A_891 : i32 to index
      %swap3A_893 = arith.index_cast %scan3A_770 : i32 to index
      %swap3A_894 = arith.constant 112 : index
      %swap3A_895 = tpu.vector_load %arg6[%swap3A_892, %swap3A_893, %swap3A_894] {strides = array<i32>} : memref<6x128x128xf32, #tpu.memory_space<vmem>>, vector<1x1x16xf32>,
      %swap3A_896 = vector.shape_cast %swap3A_895 : vector<1x1x16xf32> to vector<16xf32>
      %swap3A_897 = vector.shape_cast %mul3A_890 : vector<16xf32> to vector<1x1x16xf32>
      tpu.vector_store %arg6[%swap3A_892, %swap3A_893, %swap3A_894], %swap3A_897 {strides = array<i32>} : memref<6x128x128xf32, #tpu.memory_space<vmem>>, vector<1x1x16xf32>,
      %scan3A_898 = arith.constant 0 : i32
      scf.yield %scan3A_898 : i32
    }
    %scan3A_132 = arith.constant 64 : i32
    %add3A_133 = arith.constant 0 : i32
    %add3A_134 = arith.addi %mul3A_2, %add3A_133 : i32
    %add3A_135 = arith.constant 64 : i32
    %add3A_136 = arith.addi %add3A_134, %add3A_135 : i32
    %dma_start3A_137 = arith.constant 0 : i32
    %dma_start3A_138 = arith.constant 64 : i32
    %dma_start3A_139 = arith.constant 0 : i32
    %dma_start3A_140 = tpu.memref_slice %arg6[%dma_start3A_137, %dma_start3A_138, %dma_start3A_139] : memref<6x128x128xf32, #tpu.memory_space<vmem>> -> memref<1x64x128xf32, #tpu.memory_space<vmem>>
    %dma_start3A_141 = tpu.memref_squeeze %dma_start3A_140 : memref<1x64x128xf32, #tpu.memory_space<vmem>> -> memref<64x128xf32, #tpu.memory_space<vmem>>
    %dma_start3A_142 = arith.constant 0 : i32
    %dma_start3A_143 = tpu.memref_slice %arg4[%add3A_136, %dma_start3A_142] : memref<32768x128xf32, #tpu.memory_space<hbm>> -> memref<64x128xf32, #tpu.memory_space<hbm>>
    %dma_start3A_144 = arith.constant 0 : i32
    %dma_start3A_145 = tpu.memref_slice %arg4[%add3A_136, %dma_start3A_144] : memref<32768x128xf32, #tpu.memory_space<hbm>> -> memref<64x128xf32, #tpu.memory_space<hbm>>
    %dma_start3A_146 = arith.constant 64 : i32
    %dma_start3A_147 = arith.constant 0 : i32
    %dma_start3A_148 = tpu.memref_slice %arg6[%dma_start3A_137, %dma_start3A_146, %dma_start3A_147] : memref<6x128x128xf32, #tpu.memory_space<vmem>> -> memref<1x64x128xf32, #tpu.memory_space<vmem>>
    %dma_start3A_149 = tpu.memref_squeeze %dma_start3A_148 : memref<1x64x128xf32, #tpu.memory_space<vmem>> -> memref<64x128xf32, #tpu.memory_space<vmem>>
    tpu.enqueue_dma source(%dma_start3A_149 : memref<64x128xf32, #tpu.memory_space<vmem>>) target(%dma_start3A_145 : memref<64x128xf32, #tpu.memory_space<hbm>>) target_semaphore(%arg13 : memref<!tpu.dma_semaphore, #tpu.memory_space<semaphore_mem>>)
    %dma_wait3A_150 = arith.constant 0 : i32
    %dma_wait3A_151 = arith.constant 0 : i32
    %dma_wait3A_152 = arith.constant 0 : i32
    %dma_wait3A_153 = tpu.memref_slice %arg6[%dma_wait3A_150, %dma_wait3A_151, %dma_wait3A_152] : memref<6x128x128xf32, #tpu.memory_space<vmem>> -> memref<1x64x128xf32, #tpu.memory_space<vmem>>
    %dma_wait3A_154 = tpu.memref_squeeze %dma_wait3A_153 : memref<1x64x128xf32, #tpu.memory_space<vmem>> -> memref<64x128xf32, #tpu.memory_space<vmem>>
    %dma_wait3A_155 = arith.constant 0 : i32
    %dma_wait3A_156 = tpu.memref_slice %arg4[%add3A_112, %dma_wait3A_155] : memref<32768x128xf32, #tpu.memory_space<hbm>> -> memref<64x128xf32, #tpu.memory_space<hbm>>
    %dma_wait3A_157 = arith.constant 0 : i32
    %dma_wait3A_158 = tpu.memref_slice %arg4[%add3A_112, %dma_wait3A_157] : memref<32768x128xf32, #tpu.memory_space<hbm>> -> memref<64x128xf32, #tpu.memory_space<hbm>>
    %dma_wait3A_159 = arith.constant 0 : i32
    %dma_wait3A_160 = arith.constant 0 : i32
    %dma_wait3A_161 = tpu.memref_slice %arg6[%dma_wait3A_150, %dma_wait3A_159, %dma_wait3A_160] : memref<6x128x128xf32, #tpu.memory_space<vmem>> -> memref<1x64x128xf32, #tpu.memory_space<vmem>>
    %dma_wait3A_162 = tpu.memref_squeeze %dma_wait3A_161 : memref<1x64x128xf32, #tpu.memory_space<vmem>> -> memref<64x128xf32, #tpu.memory_space<vmem>>
    tpu.wait_dma2 semaphore(%arg13 : memref<!tpu.dma_semaphore, #tpu.memory_space<semaphore_mem>>) src(%dma_wait3A_162 : memref<64x128xf32, #tpu.memory_space<vmem>>) dst(%dma_wait3A_158 : memref<64x128xf32, #tpu.memory_space<hbm>>)
    %dma_wait3A_163 = arith.constant 0 : i32
    %dma_wait3A_164 = arith.constant 64 : i32
    %dma_wait3A_165 = arith.constant 0 : i32
    %dma_wait3A_166 = tpu.memref_slice %arg6[%dma_wait3A_163, %dma_wait3A_164, %dma_wait3A_165] : memref<6x128x128xf32, #tpu.memory_space<vmem>> -> memref<1x64x128xf32, #tpu.memory_space<vmem>>
    %dma_wait3A_167 = tpu.memref_squeeze %dma_wait3A_166 : memref<1x64x128xf32, #tpu.memory_space<vmem>> -> memref<64x128xf32, #tpu.memory_space<vmem>>
    %dma_wait3A_168 = arith.constant 0 : i32
    %dma_wait3A_169 = tpu.memref_slice %arg4[%add3A_136, %dma_wait3A_168] : memref<32768x128xf32, #tpu.memory_space<hbm>> -> memref<64x128xf32, #tpu.memory_space<hbm>>
    %dma_wait3A_170 = arith.constant 0 : i32
    %dma_wait3A_171 = tpu.memref_slice %arg4[%add3A_136, %dma_wait3A_170] : memref<32768x128xf32, #tpu.memory_space<hbm>> -> memref<64x128xf32, #tpu.memory_space<hbm>>
    %dma_wait3A_172 = arith.constant 64 : i32
    %dma_wait3A_173 = arith.constant 0 : i32
    %dma_wait3A_174 = tpu.memref_slice %arg6[%dma_wait3A_163, %dma_wait3A_172, %dma_wait3A_173] : memref<6x128x128xf32, #tpu.memory_space<vmem>> -> memref<1x64x128xf32, #tpu.memory_space<vmem>>
    %dma_wait3A_175 = tpu.memref_squeeze %dma_wait3A_174 : memref<1x64x128xf32, #tpu.memory_space<vmem>> -> memref<64x128xf32, #tpu.memory_space<vmem>>
    tpu.wait_dma2 semaphore(%arg13 : memref<!tpu.dma_semaphore, #tpu.memory_space<semaphore_mem>>) src(%dma_wait3A_175 : memref<64x128xf32, #tpu.memory_space<vmem>>) dst(%dma_wait3A_171 : memref<64x128xf32, #tpu.memory_space<hbm>>)
    %dma_start3A_176 = arith.constant 0 : i32
    %dma_start3A_177 = arith.constant 0 : i32
    %dma_start3A_178 = arith.constant 0 : i32
    %dma_start3A_179 = tpu.memref_slice %arg6[%dma_start3A_176, %dma_start3A_177, %dma_start3A_178] : memref<6x128x128xf32, #tpu.memory_space<vmem>> -> memref<1x128x128xf32, #tpu.memory_space<vmem>>
    %dma_start3A_180 = tpu.memref_squeeze %dma_start3A_179 : memref<1x128x128xf32, #tpu.memory_space<vmem>> -> memref<128x128xf32, #tpu.memory_space<vmem>>
    %dma_start3A_181 = arith.constant 768 : i32
    %dma_start3A_182 = tpu.memref_slice %arg5[%dma_start3A_181] : memref<1024xi32, #tpu.memory_space<vmem>> -> memref<128xi32, #tpu.memory_space<vmem>>
    %dma_start3A_183 = arith.constant 0 : i32
    %dma_start3A_184 = arith.constant 0 : i32
    %dma_start3A_185 = tpu.memref_slice %arg3[%dma_start3A_183, %dma_start3A_184] : memref<1000000x128xf32, #tpu.memory_space<hbm>> -> memref<1000000x128xf32, #tpu.memory_space<hbm>>
    tpu.enqueue_indirect_dma source(%dma_start3A_185 : memref<1000000x128xf32, #tpu.memory_space<hbm>>) target(%dma_start3A_180 : memref<128x128xf32, #tpu.memory_space<vmem>>) offsets(%dma_start3A_182 : memref<128xi32, #tpu.memory_space<vmem>>) semaphore(%arg7 : memref<!tpu.dma_semaphore, #tpu.memory_space<semaphore_mem>>)
    %dma_wait3A_186 = arith.constant 1 : i32
    %dma_wait3A_187 = arith.constant 0 : i32
    %dma_wait3A_188 = arith.constant 0 : i32
    %dma_wait3A_189 = tpu.memref_slice %arg6[%dma_wait3A_186, %dma_wait3A_187, %dma_wait3A_188] : memref<6x128x128xf32, #tpu.memory_space<vmem>> -> memref<1x128x128xf32, #tpu.memory_space<vmem>>
    %dma_wait3A_190 = tpu.memref_squeeze %dma_wait3A_189 : memref<1x128x128xf32, #tpu.memory_space<vmem>> -> memref<128x128xf32, #tpu.memory_space<vmem>>
    %dma_wait3A_191 = arith.constant 128 : i32
    %dma_wait3A_192 = tpu.memref_slice %arg5[%dma_wait3A_191] : memref<1024xi32, #tpu.memory_space<vmem>> -> memref<128xi32, #tpu.memory_space<vmem>>
    %dma_wait3A_193 = arith.constant 0 : i32
    %dma_wait3A_194 = arith.constant 0 : i32
    %dma_wait3A_195 = tpu.memref_slice %arg3[%dma_wait3A_193, %dma_wait3A_194] : memref<1000000x128xf32, #tpu.memory_space<hbm>> -> memref<1000000x128xf32, #tpu.memory_space<hbm>>
    tpu.wait_indirect_dma semaphore(%arg8 : memref<!tpu.dma_semaphore, #tpu.memory_space<semaphore_mem>>) src(%dma_wait3A_195 : memref<1000000x128xf32, #tpu.memory_space<hbm>>) dst(%dma_wait3A_190 : memref<128x128xf32, #tpu.memory_space<vmem>>)
    %scan3A_196 = arith.constant 0 : i32
    %scan3A_197 = arith.constant 0 : i32
    %scan3A_198 = arith.constant 64 : i32
    %scan3A_199 = arith.addi %scan3A_197, %scan3A_198 : i32
    %scan3A_200 = arith.constant 1 : i32
    %scan3A_201 = scf.for %scan3A_770 = %scan3A_197 to %scan3A_199 step %scan3A_200 iter_args(%scan3A_771 = %scan3A_196) -> (i32)  : i32 {
      %get3A = arith.constant 1 : i32
      %get3A_772 = arith.index_cast %get3A : i32 to index
      %get3A_773 = arith.index_cast %scan3A_770 : i32 to index
      %get3A_774 = arith.constant 0 : index
      %get3A_775 = tpu.vector_load %arg6[%get3A_772, %get3A_773, %get3A_774] {strides = array<i32>} : memref<6x128x128xf32, #tpu.memory_space<vmem>>, vector<1x1x16xf32>,
      %get3A_776 = vector.shape_cast %get3A_775 : vector<1x1x16xf32> to vector<16xf32>
      %mul3A_777 = arith.constant 11.3137083 : f32
      %mul3A_778 = vector.broadcast %mul3A_777 : f32 to vector<16xf32>
      %mul3A_779 = arith.mulf %get3A_776, %mul3A_778 : vector<16xf32>
      %swap3A = arith.constant 1 : i32
      %swap3A_780 = arith.index_cast %swap3A : i32 to index
      %swap3A_781 = arith.index_cast %scan3A_770 : i32 to index
      %swap3A_782 = arith.constant 0 : index
      %swap3A_783 = tpu.vector_load %arg6[%swap3A_780, %swap3A_781, %swap3A_782] {strides = array<i32>} : memref<6x128x128xf32, #tpu.memory_space<vmem>>, vector<1x1x16xf32>,
      %swap3A_784 = vector.shape_cast %swap3A_783 : vector<1x1x16xf32> to vector<16xf32>
      %swap3A_785 = vector.shape_cast %mul3A_779 : vector<16xf32> to vector<1x1x16xf32>
      tpu.vector_store %arg6[%swap3A_780, %swap3A_781, %swap3A_782], %swap3A_785 {strides = array<i32>} : memref<6x128x128xf32, #tpu.memory_space<vmem>>, vector<1x1x16xf32>,
      %get3A_786 = arith.constant 1 : i32
      %get3A_787 = arith.index_cast %get3A_786 : i32 to index
      %get3A_788 = arith.index_cast %scan3A_770 : i32 to index
      %get3A_789 = arith.constant 16 : index
      %get3A_790 = tpu.vector_load %arg6[%get3A_787, %get3A_788, %get3A_789] {strides = array<i32>} : memref<6x128x128xf32, #tpu.memory_space<vmem>>, vector<1x1x16xf32>,
      %get3A_791 = vector.shape_cast %get3A_790 : vector<1x1x16xf32> to vector<16xf32>
      %mul3A_792 = arith.constant 11.3137083 : f32
      %mul3A_793 = vector.broadcast %mul3A_792 : f32 to vector<16xf32>
      %mul3A_794 = arith.mulf %get3A_791, %mul3A_793 : vector<16xf32>
      %swap3A_795 = arith.constant 1 : i32
      %swap3A_796 = arith.index_cast %swap3A_795 : i32 to index
      %swap3A_797 = arith.index_cast %scan3A_770 : i32 to index
      %swap3A_798 = arith.constant 16 : index
      %swap3A_799 = tpu.vector_load %arg6[%swap3A_796, %swap3A_797, %swap3A_798] {strides = array<i32>} : memref<6x128x128xf32, #tpu.memory_space<vmem>>, vector<1x1x16xf32>,
      %swap3A_800 = vector.shape_cast %swap3A_799 : vector<1x1x16xf32> to vector<16xf32>
      %swap3A_801 = vector.shape_cast %mul3A_794 : vector<16xf32> to vector<1x1x16xf32>
      tpu.vector_store %arg6[%swap3A_796, %swap3A_797, %swap3A_798], %swap3A_801 {strides = array<i32>} : memref<6x128x128xf32, #tpu.memory_space<vmem>>, vector<1x1x16xf32>,
      %get3A_802 = arith.constant 1 : i32
      %get3A_803 = arith.index_cast %get3A_802 : i32 to index
      %get3A_804 = arith.index_cast %scan3A_770 : i32 to index
      %get3A_805 = arith.constant 32 : index
      %get3A_806 = tpu.vector_load %arg6[%get3A_803, %get3A_804, %get3A_805] {strides = array<i32>} : memref<6x128x128xf32, #tpu.memory_space<vmem>>, vector<1x1x16xf32>,
      %get3A_807 = vector.shape_cast %get3A_806 : vector<1x1x16xf32> to vector<16xf32>
      %mul3A_808 = arith.constant 11.3137083 : f32
      %mul3A_809 = vector.broadcast %mul3A_808 : f32 to vector<16xf32>
      %mul3A_810 = arith.mulf %get3A_807, %mul3A_809 : vector<16xf32>
      %swap3A_811 = arith.constant 1 : i32
      %swap3A_812 = arith.index_cast %swap3A_811 : i32 to index
      %swap3A_813 = arith.index_cast %scan3A_770 : i32 to index
      %swap3A_814 = arith.constant 32 : index
      %swap3A_815 = tpu.vector_load %arg6[%swap3A_812, %swap3A_813, %swap3A_814] {strides = array<i32>} : memref<6x128x128xf32, #tpu.memory_space<vmem>>, vector<1x1x16xf32>,
      %swap3A_816 = vector.shape_cast %swap3A_815 : vector<1x1x16xf32> to vector<16xf32>
      %swap3A_817 = vector.shape_cast %mul3A_810 : vector<16xf32> to vector<1x1x16xf32>
      tpu.vector_store %arg6[%swap3A_812, %swap3A_813, %swap3A_814], %swap3A_817 {strides = array<i32>} : memref<6x128x128xf32, #tpu.memory_space<vmem>>, vector<1x1x16xf32>,
      %get3A_818 = arith.constant 1 : i32
      %get3A_819 = arith.index_cast %get3A_818 : i32 to index
      %get3A_820 = arith.index_cast %scan3A_770 : i32 to index
      %get3A_821 = arith.constant 48 : index
      %get3A_822 = tpu.vector_load %arg6[%get3A_819, %get3A_820, %get3A_821] {strides = array<i32>} : memref<6x128x128xf32, #tpu.memory_space<vmem>>, vector<1x1x16xf32>,
      %get3A_823 = vector.shape_cast %get3A_822 : vector<1x1x16xf32> to vector<16xf32>
      %mul3A_824 = arith.constant 11.3137083 : f32
      %mul3A_825 = vector.broadcast %mul3A_824 : f32 to vector<16xf32>
      %mul3A_826 = arith.mulf %get3A_823, %mul3A_825 : vector<16xf32>
      %swap3A_827 = arith.constant 1 : i32
      %swap3A_828 = arith.index_cast %swap3A_827 : i32 to index
      %swap3A_829 = arith.index_cast %scan3A_770 : i32 to index
      %swap3A_830 = arith.constant 48 : index
      %swap3A_831 = tpu.vector_load %arg6[%swap3A_828, %swap3A_829, %swap3A_830] {strides = array<i32>} : memref<6x128x128xf32, #tpu.memory_space<vmem>>, vector<1x1x16xf32>,
      %swap3A_832 = vector.shape_cast %swap3A_831 : vector<1x1x16xf32> to vector<16xf32>
      %swap3A_833 = vector.shape_cast %mul3A_826 : vector<16xf32> to vector<1x1x16xf32>
      tpu.vector_store %arg6[%swap3A_828, %swap3A_829, %swap3A_830], %swap3A_833 {strides = array<i32>} : memref<6x128x128xf32, #tpu.memory_space<vmem>>, vector<1x1x16xf32>,
      %get3A_834 = arith.constant 1 : i32
      %get3A_835 = arith.index_cast %get3A_834 : i32 to index
      %get3A_836 = arith.index_cast %scan3A_770 : i32 to index
      %get3A_837 = arith.constant 64 : index
      %get3A_838 = tpu.vector_load %arg6[%get3A_835, %get3A_836, %get3A_837] {strides = array<i32>} : memref<6x128x128xf32, #tpu.memory_space<vmem>>, vector<1x1x16xf32>,
      %get3A_839 = vector.shape_cast %get3A_838 : vector<1x1x16xf32> to vector<16xf32>
      %mul3A_840 = arith.constant 11.3137083 : f32
      %mul3A_841 = vector.broadcast %mul3A_840 : f32 to vector<16xf32>
      %mul3A_842 = arith.mulf %get3A_839, %mul3A_841 : vector<16xf32>
      %swap3A_843 = arith.constant 1 : i32
      %swap3A_844 = arith.index_cast %swap3A_843 : i32 to index
      %swap3A_845 = arith.index_cast %scan3A_770 : i32 to index
      %swap3A_846 = arith.constant 64 : index
      %swap3A_847 = tpu.vector_load %arg6[%swap3A_844, %swap3A_845, %swap3A_846] {strides = array<i32>} : memref<6x128x128xf32, #tpu.memory_space<vmem>>, vector<1x1x16xf32>,
      %swap3A_848 = vector.shape_cast %swap3A_847 : vector<1x1x16xf32> to vector<16xf32>
      %swap3A_849 = vector.shape_cast %mul3A_842 : vector<16xf32> to vector<1x1x16xf32>
      tpu.vector_store %arg6[%swap3A_844, %swap3A_845, %swap3A_846], %swap3A_849 {strides = array<i32>} : memref<6x128x128xf32, #tpu.memory_space<vmem>>, vector<1x1x16xf32>,
      %get3A_850 = arith.constant 1 : i32
      %get3A_851 = arith.index_cast %get3A_850 : i32 to index
      %get3A_852 = arith.index_cast %scan3A_770 : i32 to index
      %get3A_853 = arith.constant 80 : index
      %get3A_854 = tpu.vector_load %arg6[%get3A_851, %get3A_852, %get3A_853] {strides = array<i32>} : memref<6x128x128xf32, #tpu.memory_space<vmem>>, vector<1x1x16xf32>,
      %get3A_855 = vector.shape_cast %get3A_854 : vector<1x1x16xf32> to vector<16xf32>
      %mul3A_856 = arith.constant 11.3137083 : f32
      %mul3A_857 = vector.broadcast %mul3A_856 : f32 to vector<16xf32>
      %mul3A_858 = arith.mulf %get3A_855, %mul3A_857 : vector<16xf32>
      %swap3A_859 = arith.constant 1 : i32
      %swap3A_860 = arith.index_cast %swap3A_859 : i32 to index
      %swap3A_861 = arith.index_cast %scan3A_770 : i32 to index
      %swap3A_862 = arith.constant 80 : index
      %swap3A_863 = tpu.vector_load %arg6[%swap3A_860, %swap3A_861, %swap3A_862] {strides = array<i32>} : memref<6x128x128xf32, #tpu.memory_space<vmem>>, vector<1x1x16xf32>,
      %swap3A_864 = vector.shape_cast %swap3A_863 : vector<1x1x16xf32> to vector<16xf32>
      %swap3A_865 = vector.shape_cast %mul3A_858 : vector<16xf32> to vector<1x1x16xf32>
      tpu.vector_store %arg6[%swap3A_860, %swap3A_861, %swap3A_862], %swap3A_865 {strides = array<i32>} : memref<6x128x128xf32, #tpu.memory_space<vmem>>, vector<1x1x16xf32>,
      %get3A_866 = arith.constant 1 : i32
      %get3A_867 = arith.index_cast %get3A_866 : i32 to index
      %get3A_868 = arith.index_cast %scan3A_770 : i32 to index
      %get3A_869 = arith.constant 96 : index
      %get3A_870 = tpu.vector_load %arg6[%get3A_867, %get3A_868, %get3A_869] {strides = array<i32>} : memref<6x128x128xf32, #tpu.memory_space<vmem>>, vector<1x1x16xf32>,
      %get3A_871 = vector.shape_cast %get3A_870 : vector<1x1x16xf32> to vector<16xf32>
      %mul3A_872 = arith.constant 11.3137083 : f32
      %mul3A_873 = vector.broadcast %mul3A_872 : f32 to vector<16xf32>
      %mul3A_874 = arith.mulf %get3A_871, %mul3A_873 : vector<16xf32>
      %swap3A_875 = arith.constant 1 : i32
      %swap3A_876 = arith.index_cast %swap3A_875 : i32 to index
      %swap3A_877 = arith.index_cast %scan3A_770 : i32 to index
      %swap3A_878 = arith.constant 96 : index
      %swap3A_879 = tpu.vector_load %arg6[%swap3A_876, %swap3A_877, %swap3A_878] {strides = array<i32>} : memref<6x128x128xf32, #tpu.memory_space<vmem>>, vector<1x1x16xf32>,
      %swap3A_880 = vector.shape_cast %swap3A_879 : vector<1x1x16xf32> to vector<16xf32>
      %swap3A_881 = vector.shape_cast %mul3A_874 : vector<16xf32> to vector<1x1x16xf32>
      tpu.vector_store %arg6[%swap3A_876, %swap3A_877, %swap3A_878], %swap3A_881 {strides = array<i32>} : memref<6x128x128xf32, #tpu.memory_space<vmem>>, vector<1x1x16xf32>,
      %get3A_882 = arith.constant 1 : i32
      %get3A_883 = arith.index_cast %get3A_882 : i32 to index
      %get3A_884 = arith.index_cast %scan3A_770 : i32 to index
      %get3A_885 = arith.constant 112 : index
      %get3A_886 = tpu.vector_load %arg6[%get3A_883, %get3A_884, %get3A_885] {strides = array<i32>} : memref<6x128x128xf32, #tpu.memory_space<vmem>>, vector<1x1x16xf32>,
      %get3A_887 = vector.shape_cast %get3A_886 : vector<1x1x16xf32> to vector<16xf32>
      %mul3A_888 = arith.constant 11.3137083 : f32
      %mul3A_889 = vector.broadcast %mul3A_888 : f32 to vector<16xf32>
      %mul3A_890 = arith.mulf %get3A_887, %mul3A_889 : vector<16xf32>
      %swap3A_891 = arith.constant 1 : i32
      %swap3A_892 = arith.index_cast %swap3A_891 : i32 to index
      %swap3A_893 = arith.index_cast %scan3A_770 : i32 to index
      %swap3A_894 = arith.constant 112 : index
      %swap3A_895 = tpu.vector_load %arg6[%swap3A_892, %swap3A_893, %swap3A_894] {strides = array<i32>} : memref<6x128x128xf32, #tpu.memory_space<vmem>>, vector<1x1x16xf32>,
      %swap3A_896 = vector.shape_cast %swap3A_895 : vector<1x1x16xf32> to vector<16xf32>
      %swap3A_897 = vector.shape_cast %mul3A_890 : vector<16xf32> to vector<1x1x16xf32>
      tpu.vector_store %arg6[%swap3A_892, %swap3A_893, %swap3A_894], %swap3A_897 {strides = array<i32>} : memref<6x128x128xf32, #tpu.memory_space<vmem>>, vector<1x1x16xf32>,
      %scan3A_898 = arith.constant 0 : i32
      scf.yield %scan3A_898 : i32
    }
    %scan3A_202 = arith.constant 64 : i32
    %add3A_203 = arith.constant 128 : i32
    %add3A_204 = arith.addi %mul3A_2, %add3A_203 : i32
    %dma_start3A_205 = arith.constant 1 : i32
    %dma_start3A_206 = arith.constant 0 : i32
    %dma_start3A_207 = arith.constant 0 : i32
    %dma_start3A_208 = tpu.memref_slice %arg6[%dma_start3A_205, %dma_start3A_206, %dma_start3A_207] : memref<6x128x128xf32, #tpu.memory_space<vmem>> -> memref<1x64x128xf32, #tpu.memory_space<vmem>>
    %dma_start3A_209 = tpu.memref_squeeze %dma_start3A_208 : memref<1x64x128xf32, #tpu.memory_space<vmem>> -> memref<64x128xf32, #tpu.memory_space<vmem>>
    %dma_start3A_210 = arith.constant 0 : i32
    %dma_start3A_211 = tpu.memref_slice %arg4[%add3A_204, %dma_start3A_210] : memref<32768x128xf32, #tpu.memory_space<hbm>> -> memref<64x128xf32, #tpu.memory_space<hbm>>
    %dma_start3A_212 = arith.constant 0 : i32
    %dma_start3A_213 = tpu.memref_slice %arg4[%add3A_204, %dma_start3A_212] : memref<32768x128xf32, #tpu.memory_space<hbm>> -> memref<64x128xf32, #tpu.memory_space<hbm>>
    %dma_start3A_214 = arith.constant 0 : i32
    %dma_start3A_215 = arith.constant 0 : i32
    %dma_start3A_216 = tpu.memref_slice %arg6[%dma_start3A_205, %dma_start3A_214, %dma_start3A_215] : memref<6x128x128xf32, #tpu.memory_space<vmem>> -> memref<1x64x128xf32, #tpu.memory_space<vmem>>
    %dma_start3A_217 = tpu.memref_squeeze %dma_start3A_216 : memref<1x64x128xf32, #tpu.memory_space<vmem>> -> memref<64x128xf32, #tpu.memory_space<vmem>>
    tpu.enqueue_dma source(%dma_start3A_217 : memref<64x128xf32, #tpu.memory_space<vmem>>) target(%dma_start3A_213 : memref<64x128xf32, #tpu.memory_space<hbm>>) target_semaphore(%arg14 : memref<!tpu.dma_semaphore, #tpu.memory_space<semaphore_mem>>)
    %scan3A_218 = arith.constant 0 : i32
    %scan3A_219 = arith.constant 64 : i32
    %scan3A_220 = arith.constant 64 : i32
    %scan3A_221 = arith.addi %scan3A_219, %scan3A_220 : i32
    %scan3A_222 = arith.constant 1 : i32
    %scan3A_223 = scf.for %scan3A_770 = %scan3A_219 to %scan3A_221 step %scan3A_222 iter_args(%scan3A_771 = %scan3A_218) -> (i32)  : i32 {
      %get3A = arith.constant 1 : i32
      %get3A_772 = arith.index_cast %get3A : i32 to index
      %get3A_773 = arith.index_cast %scan3A_770 : i32 to index
      %get3A_774 = arith.constant 0 : index
      %get3A_775 = tpu.vector_load %arg6[%get3A_772, %get3A_773, %get3A_774] {strides = array<i32>} : memref<6x128x128xf32, #tpu.memory_space<vmem>>, vector<1x1x16xf32>,
      %get3A_776 = vector.shape_cast %get3A_775 : vector<1x1x16xf32> to vector<16xf32>
      %mul3A_777 = arith.constant 11.3137083 : f32
      %mul3A_778 = vector.broadcast %mul3A_777 : f32 to vector<16xf32>
      %mul3A_779 = arith.mulf %get3A_776, %mul3A_778 : vector<16xf32>
      %swap3A = arith.constant 1 : i32
      %swap3A_780 = arith.index_cast %swap3A : i32 to index
      %swap3A_781 = arith.index_cast %scan3A_770 : i32 to index
      %swap3A_782 = arith.constant 0 : index
      %swap3A_783 = tpu.vector_load %arg6[%swap3A_780, %swap3A_781, %swap3A_782] {strides = array<i32>} : memref<6x128x128xf32, #tpu.memory_space<vmem>>, vector<1x1x16xf32>,
      %swap3A_784 = vector.shape_cast %swap3A_783 : vector<1x1x16xf32> to vector<16xf32>
      %swap3A_785 = vector.shape_cast %mul3A_779 : vector<16xf32> to vector<1x1x16xf32>
      tpu.vector_store %arg6[%swap3A_780, %swap3A_781, %swap3A_782], %swap3A_785 {strides = array<i32>} : memref<6x128x128xf32, #tpu.memory_space<vmem>>, vector<1x1x16xf32>,
      %get3A_786 = arith.constant 1 : i32
      %get3A_787 = arith.index_cast %get3A_786 : i32 to index
      %get3A_788 = arith.index_cast %scan3A_770 : i32 to index
      %get3A_789 = arith.constant 16 : index
      %get3A_790 = tpu.vector_load %arg6[%get3A_787, %get3A_788, %get3A_789] {strides = array<i32>} : memref<6x128x128xf32, #tpu.memory_space<vmem>>, vector<1x1x16xf32>,
      %get3A_791 = vector.shape_cast %get3A_790 : vector<1x1x16xf32> to vector<16xf32>
      %mul3A_792 = arith.constant 11.3137083 : f32
      %mul3A_793 = vector.broadcast %mul3A_792 : f32 to vector<16xf32>
      %mul3A_794 = arith.mulf %get3A_791, %mul3A_793 : vector<16xf32>
      %swap3A_795 = arith.constant 1 : i32
      %swap3A_796 = arith.index_cast %swap3A_795 : i32 to index
      %swap3A_797 = arith.index_cast %scan3A_770 : i32 to index
      %swap3A_798 = arith.constant 16 : index
      %swap3A_799 = tpu.vector_load %arg6[%swap3A_796, %swap3A_797, %swap3A_798] {strides = array<i32>} : memref<6x128x128xf32, #tpu.memory_space<vmem>>, vector<1x1x16xf32>,
      %swap3A_800 = vector.shape_cast %swap3A_799 : vector<1x1x16xf32> to vector<16xf32>
      %swap3A_801 = vector.shape_cast %mul3A_794 : vector<16xf32> to vector<1x1x16xf32>
      tpu.vector_store %arg6[%swap3A_796, %swap3A_797, %swap3A_798], %swap3A_801 {strides = array<i32>} : memref<6x128x128xf32, #tpu.memory_space<vmem>>, vector<1x1x16xf32>,
      %get3A_802 = arith.constant 1 : i32
      %get3A_803 = arith.index_cast %get3A_802 : i32 to index
      %get3A_804 = arith.index_cast %scan3A_770 : i32 to index
      %get3A_805 = arith.constant 32 : index
      %get3A_806 = tpu.vector_load %arg6[%get3A_803, %get3A_804, %get3A_805] {strides = array<i32>} : memref<6x128x128xf32, #tpu.memory_space<vmem>>, vector<1x1x16xf32>,
      %get3A_807 = vector.shape_cast %get3A_806 : vector<1x1x16xf32> to vector<16xf32>
      %mul3A_808 = arith.constant 11.3137083 : f32
      %mul3A_809 = vector.broadcast %mul3A_808 : f32 to vector<16xf32>
      %mul3A_810 = arith.mulf %get3A_807, %mul3A_809 : vector<16xf32>
      %swap3A_811 = arith.constant 1 : i32
      %swap3A_812 = arith.index_cast %swap3A_811 : i32 to index
      %swap3A_813 = arith.index_cast %scan3A_770 : i32 to index
      %swap3A_814 = arith.constant 32 : index
      %swap3A_815 = tpu.vector_load %arg6[%swap3A_812, %swap3A_813, %swap3A_814] {strides = array<i32>} : memref<6x128x128xf32, #tpu.memory_space<vmem>>, vector<1x1x16xf32>,
      %swap3A_816 = vector.shape_cast %swap3A_815 : vector<1x1x16xf32> to vector<16xf32>
      %swap3A_817 = vector.shape_cast %mul3A_810 : vector<16xf32> to vector<1x1x16xf32>
      tpu.vector_store %arg6[%swap3A_812, %swap3A_813, %swap3A_814], %swap3A_817 {strides = array<i32>} : memref<6x128x128xf32, #tpu.memory_space<vmem>>, vector<1x1x16xf32>,
      %get3A_818 = arith.constant 1 : i32
      %get3A_819 = arith.index_cast %get3A_818 : i32 to index
      %get3A_820 = arith.index_cast %scan3A_770 : i32 to index
      %get3A_821 = arith.constant 48 : index
      %get3A_822 = tpu.vector_load %arg6[%get3A_819, %get3A_820, %get3A_821] {strides = array<i32>} : memref<6x128x128xf32, #tpu.memory_space<vmem>>, vector<1x1x16xf32>,
      %get3A_823 = vector.shape_cast %get3A_822 : vector<1x1x16xf32> to vector<16xf32>
      %mul3A_824 = arith.constant 11.3137083 : f32
      %mul3A_825 = vector.broadcast %mul3A_824 : f32 to vector<16xf32>
      %mul3A_826 = arith.mulf %get3A_823, %mul3A_825 : vector<16xf32>
      %swap3A_827 = arith.constant 1 : i32
      %swap3A_828 = arith.index_cast %swap3A_827 : i32 to index
      %swap3A_829 = arith.index_cast %scan3A_770 : i32 to index
      %swap3A_830 = arith.constant 48 : index
      %swap3A_831 = tpu.vector_load %arg6[%swap3A_828, %swap3A_829, %swap3A_830] {strides = array<i32>} : memref<6x128x128xf32, #tpu.memory_space<vmem>>, vector<1x1x16xf32>,
      %swap3A_832 = vector.shape_cast %swap3A_831 : vector<1x1x16xf32> to vector<16xf32>
      %swap3A_833 = vector.shape_cast %mul3A_826 : vector<16xf32> to vector<1x1x16xf32>
      tpu.vector_store %arg6[%swap3A_828, %swap3A_829, %swap3A_830], %swap3A_833 {strides = array<i32>} : memref<6x128x128xf32, #tpu.memory_space<vmem>>, vector<1x1x16xf32>,
      %get3A_834 = arith.constant 1 : i32
      %get3A_835 = arith.index_cast %get3A_834 : i32 to index
      %get3A_836 = arith.index_cast %scan3A_770 : i32 to index
      %get3A_837 = arith.constant 64 : index
      %get3A_838 = tpu.vector_load %arg6[%get3A_835, %get3A_836, %get3A_837] {strides = array<i32>} : memref<6x128x128xf32, #tpu.memory_space<vmem>>, vector<1x1x16xf32>,
      %get3A_839 = vector.shape_cast %get3A_838 : vector<1x1x16xf32> to vector<16xf32>
      %mul3A_840 = arith.constant 11.3137083 : f32
      %mul3A_841 = vector.broadcast %mul3A_840 : f32 to vector<16xf32>
      %mul3A_842 = arith.mulf %get3A_839, %mul3A_841 : vector<16xf32>
      %swap3A_843 = arith.constant 1 : i32
      %swap3A_844 = arith.index_cast %swap3A_843 : i32 to index
      %swap3A_845 = arith.index_cast %scan3A_770 : i32 to index
      %swap3A_846 = arith.constant 64 : index
      %swap3A_847 = tpu.vector_load %arg6[%swap3A_844, %swap3A_845, %swap3A_846] {strides = array<i32>} : memref<6x128x128xf32, #tpu.memory_space<vmem>>, vector<1x1x16xf32>,
      %swap3A_848 = vector.shape_cast %swap3A_847 : vector<1x1x16xf32> to vector<16xf32>
      %swap3A_849 = vector.shape_cast %mul3A_842 : vector<16xf32> to vector<1x1x16xf32>
      tpu.vector_store %arg6[%swap3A_844, %swap3A_845, %swap3A_846], %swap3A_849 {strides = array<i32>} : memref<6x128x128xf32, #tpu.memory_space<vmem>>, vector<1x1x16xf32>,
      %get3A_850 = arith.constant 1 : i32
      %get3A_851 = arith.index_cast %get3A_850 : i32 to index
      %get3A_852 = arith.index_cast %scan3A_770 : i32 to index
      %get3A_853 = arith.constant 80 : index
      %get3A_854 = tpu.vector_load %arg6[%get3A_851, %get3A_852, %get3A_853] {strides = array<i32>} : memref<6x128x128xf32, #tpu.memory_space<vmem>>, vector<1x1x16xf32>,
      %get3A_855 = vector.shape_cast %get3A_854 : vector<1x1x16xf32> to vector<16xf32>
      %mul3A_856 = arith.constant 11.3137083 : f32
      %mul3A_857 = vector.broadcast %mul3A_856 : f32 to vector<16xf32>
      %mul3A_858 = arith.mulf %get3A_855, %mul3A_857 : vector<16xf32>
      %swap3A_859 = arith.constant 1 : i32
      %swap3A_860 = arith.index_cast %swap3A_859 : i32 to index
      %swap3A_861 = arith.index_cast %scan3A_770 : i32 to index
      %swap3A_862 = arith.constant 80 : index
      %swap3A_863 = tpu.vector_load %arg6[%swap3A_860, %swap3A_861, %swap3A_862] {strides = array<i32>} : memref<6x128x128xf32, #tpu.memory_space<vmem>>, vector<1x1x16xf32>,
      %swap3A_864 = vector.shape_cast %swap3A_863 : vector<1x1x16xf32> to vector<16xf32>
      %swap3A_865 = vector.shape_cast %mul3A_858 : vector<16xf32> to vector<1x1x16xf32>
      tpu.vector_store %arg6[%swap3A_860, %swap3A_861, %swap3A_862], %swap3A_865 {strides = array<i32>} : memref<6x128x128xf32, #tpu.memory_space<vmem>>, vector<1x1x16xf32>,
      %get3A_866 = arith.constant 1 : i32
      %get3A_867 = arith.index_cast %get3A_866 : i32 to index
      %get3A_868 = arith.index_cast %scan3A_770 : i32 to index
      %get3A_869 = arith.constant 96 : index
      %get3A_870 = tpu.vector_load %arg6[%get3A_867, %get3A_868, %get3A_869] {strides = array<i32>} : memref<6x128x128xf32, #tpu.memory_space<vmem>>, vector<1x1x16xf32>,
      %get3A_871 = vector.shape_cast %get3A_870 : vector<1x1x16xf32> to vector<16xf32>
      %mul3A_872 = arith.constant 11.3137083 : f32
      %mul3A_873 = vector.broadcast %mul3A_872 : f32 to vector<16xf32>
      %mul3A_874 = arith.mulf %get3A_871, %mul3A_873 : vector<16xf32>
      %swap3A_875 = arith.constant 1 : i32
      %swap3A_876 = arith.index_cast %swap3A_875 : i32 to index
      %swap3A_877 = arith.index_cast %scan3A_770 : i32 to index
      %swap3A_878 = arith.constant 96 : index
      %swap3A_879 = tpu.vector_load %arg6[%swap3A_876, %swap3A_877, %swap3A_878] {strides = array<i32>} : memref<6x128x128xf32, #tpu.memory_space<vmem>>, vector<1x1x16xf32>,
      %swap3A_880 = vector.shape_cast %swap3A_879 : vector<1x1x16xf32> to vector<16xf32>
      %swap3A_881 = vector.shape_cast %mul3A_874 : vector<16xf32> to vector<1x1x16xf32>
      tpu.vector_store %arg6[%swap3A_876, %swap3A_877, %swap3A_878], %swap3A_881 {strides = array<i32>} : memref<6x128x128xf32, #tpu.memory_space<vmem>>, vector<1x1x16xf32>,
      %get3A_882 = arith.constant 1 : i32
      %get3A_883 = arith.index_cast %get3A_882 : i32 to index
      %get3A_884 = arith.index_cast %scan3A_770 : i32 to index
      %get3A_885 = arith.constant 112 : index
      %get3A_886 = tpu.vector_load %arg6[%get3A_883, %get3A_884, %get3A_885] {strides = array<i32>} : memref<6x128x128xf32, #tpu.memory_space<vmem>>, vector<1x1x16xf32>,
      %get3A_887 = vector.shape_cast %get3A_886 : vector<1x1x16xf32> to vector<16xf32>
      %mul3A_888 = arith.constant 11.3137083 : f32
      %mul3A_889 = vector.broadcast %mul3A_888 : f32 to vector<16xf32>
      %mul3A_890 = arith.mulf %get3A_887, %mul3A_889 : vector<16xf32>
      %swap3A_891 = arith.constant 1 : i32
      %swap3A_892 = arith.index_cast %swap3A_891 : i32 to index
      %swap3A_893 = arith.index_cast %scan3A_770 : i32 to index
      %swap3A_894 = arith.constant 112 : index
      %swap3A_895 = tpu.vector_load %arg6[%swap3A_892, %swap3A_893, %swap3A_894] {strides = array<i32>} : memref<6x128x128xf32, #tpu.memory_space<vmem>>, vector<1x1x16xf32>,
      %swap3A_896 = vector.shape_cast %swap3A_895 : vector<1x1x16xf32> to vector<16xf32>
      %swap3A_897 = vector.shape_cast %mul3A_890 : vector<16xf32> to vector<1x1x16xf32>
      tpu.vector_store %arg6[%swap3A_892, %swap3A_893, %swap3A_894], %swap3A_897 {strides = array<i32>} : memref<6x128x128xf32, #tpu.memory_space<vmem>>, vector<1x1x16xf32>,
      %scan3A_898 = arith.constant 0 : i32
      scf.yield %scan3A_898 : i32
    }
    %scan3A_224 = arith.constant 64 : i32
    %add3A_225 = arith.constant 128 : i32
    %add3A_226 = arith.addi %mul3A_2, %add3A_225 : i32
    %add3A_227 = arith.constant 64 : i32
    %add3A_228 = arith.addi %add3A_226, %add3A_227 : i32
    %dma_start3A_229 = arith.constant 1 : i32
    %dma_start3A_230 = arith.constant 64 : i32
    %dma_start3A_231 = arith.constant 0 : i32
    %dma_start3A_232 = tpu.memref_slice %arg6[%dma_start3A_229, %dma_start3A_230, %dma_start3A_231] : memref<6x128x128xf32, #tpu.memory_space<vmem>> -> memref<1x64x128xf32, #tpu.memory_space<vmem>>
    %dma_start3A_233 = tpu.memref_squeeze %dma_start3A_232 : memref<1x64x128xf32, #tpu.memory_space<vmem>> -> memref<64x128xf32, #tpu.memory_space<vmem>>
    %dma_start3A_234 = arith.constant 0 : i32
    %dma_start3A_235 = tpu.memref_slice %arg4[%add3A_228, %dma_start3A_234] : memref<32768x128xf32, #tpu.memory_space<hbm>> -> memref<64x128xf32, #tpu.memory_space<hbm>>
    %dma_start3A_236 = arith.constant 0 : i32
    %dma_start3A_237 = tpu.memref_slice %arg4[%add3A_228, %dma_start3A_236] : memref<32768x128xf32, #tpu.memory_space<hbm>> -> memref<64x128xf32, #tpu.memory_space<hbm>>
    %dma_start3A_238 = arith.constant 64 : i32
    %dma_start3A_239 = arith.constant 0 : i32
    %dma_start3A_240 = tpu.memref_slice %arg6[%dma_start3A_229, %dma_start3A_238, %dma_start3A_239] : memref<6x128x128xf32, #tpu.memory_space<vmem>> -> memref<1x64x128xf32, #tpu.memory_space<vmem>>
    %dma_start3A_241 = tpu.memref_squeeze %dma_start3A_240 : memref<1x64x128xf32, #tpu.memory_space<vmem>> -> memref<64x128xf32, #tpu.memory_space<vmem>>
    tpu.enqueue_dma source(%dma_start3A_241 : memref<64x128xf32, #tpu.memory_space<vmem>>) target(%dma_start3A_237 : memref<64x128xf32, #tpu.memory_space<hbm>>) target_semaphore(%arg14 : memref<!tpu.dma_semaphore, #tpu.memory_space<semaphore_mem>>)
    %dma_wait3A_242 = arith.constant 1 : i32
    %dma_wait3A_243 = arith.constant 0 : i32
    %dma_wait3A_244 = arith.constant 0 : i32
    %dma_wait3A_245 = tpu.memref_slice %arg6[%dma_wait3A_242, %dma_wait3A_243, %dma_wait3A_244] : memref<6x128x128xf32, #tpu.memory_space<vmem>> -> memref<1x64x128xf32, #tpu.memory_space<vmem>>
    %dma_wait3A_246 = tpu.memref_squeeze %dma_wait3A_245 : memref<1x64x128xf32, #tpu.memory_space<vmem>> -> memref<64x128xf32, #tpu.memory_space<vmem>>
    %dma_wait3A_247 = arith.constant 0 : i32
    %dma_wait3A_248 = tpu.memref_slice %arg4[%add3A_204, %dma_wait3A_247] : memref<32768x128xf32, #tpu.memory_space<hbm>> -> memref<64x128xf32, #tpu.memory_space<hbm>>
    %dma_wait3A_249 = arith.constant 0 : i32
    %dma_wait3A_250 = tpu.memref_slice %arg4[%add3A_204, %dma_wait3A_249] : memref<32768x128xf32, #tpu.memory_space<hbm>> -> memref<64x128xf32, #tpu.memory_space<hbm>>
    %dma_wait3A_251 = arith.constant 0 : i32
    %dma_wait3A_252 = arith.constant 0 : i32
    %dma_wait3A_253 = tpu.memref_slice %arg6[%dma_wait3A_242, %dma_wait3A_251, %dma_wait3A_252] : memref<6x128x128xf32, #tpu.memory_space<vmem>> -> memref<1x64x128xf32, #tpu.memory_space<vmem>>
    %dma_wait3A_254 = tpu.memref_squeeze %dma_wait3A_253 : memref<1x64x128xf32, #tpu.memory_space<vmem>> -> memref<64x128xf32, #tpu.memory_space<vmem>>
    tpu.wait_dma2 semaphore(%arg14 : memref<!tpu.dma_semaphore, #tpu.memory_space<semaphore_mem>>) src(%dma_wait3A_254 : memref<64x128xf32, #tpu.memory_space<vmem>>) dst(%dma_wait3A_250 : memref<64x128xf32, #tpu.memory_space<hbm>>)
    %dma_wait3A_255 = arith.constant 1 : i32
    %dma_wait3A_256 = arith.constant 64 : i32
    %dma_wait3A_257 = arith.constant 0 : i32
    %dma_wait3A_258 = tpu.memref_slice %arg6[%dma_wait3A_255, %dma_wait3A_256, %dma_wait3A_257] : memref<6x128x128xf32, #tpu.memory_space<vmem>> -> memref<1x64x128xf32, #tpu.memory_space<vmem>>
    %dma_wait3A_259 = tpu.memref_squeeze %dma_wait3A_258 : memref<1x64x128xf32, #tpu.memory_space<vmem>> -> memref<64x128xf32, #tpu.memory_space<vmem>>
    %dma_wait3A_260 = arith.constant 0 : i32
    %dma_wait3A_261 = tpu.memref_slice %arg4[%add3A_228, %dma_wait3A_260] : memref<32768x128xf32, #tpu.memory_space<hbm>> -> memref<64x128xf32, #tpu.memory_space<hbm>>
    %dma_wait3A_262 = arith.constant 0 : i32
    %dma_wait3A_263 = tpu.memref_slice %arg4[%add3A_228, %dma_wait3A_262] : memref<32768x128xf32, #tpu.memory_space<hbm>> -> memref<64x128xf32, #tpu.memory_space<hbm>>
    %dma_wait3A_264 = arith.constant 64 : i32
    %dma_wait3A_265 = arith.constant 0 : i32
    %dma_wait3A_266 = tpu.memref_slice %arg6[%dma_wait3A_255, %dma_wait3A_264, %dma_wait3A_265] : memref<6x128x128xf32, #tpu.memory_space<vmem>> -> memref<1x64x128xf32, #tpu.memory_space<vmem>>
    %dma_wait3A_267 = tpu.memref_squeeze %dma_wait3A_266 : memref<1x64x128xf32, #tpu.memory_space<vmem>> -> memref<64x128xf32, #tpu.memory_space<vmem>>
    tpu.wait_dma2 semaphore(%arg14 : memref<!tpu.dma_semaphore, #tpu.memory_space<semaphore_mem>>) src(%dma_wait3A_267 : memref<64x128xf32, #tpu.memory_space<vmem>>) dst(%dma_wait3A_263 : memref<64x128xf32, #tpu.memory_space<hbm>>)
    %dma_start3A_268 = arith.constant 1 : i32
    %dma_start3A_269 = arith.constant 0 : i32
    %dma_start3A_270 = arith.constant 0 : i32
    %dma_start3A_271 = tpu.memref_slice %arg6[%dma_start3A_268, %dma_start3A_269, %dma_start3A_270] : memref<6x128x128xf32, #tpu.memory_space<vmem>> -> memref<1x128x128xf32, #tpu.memory_space<vmem>>
    %dma_start3A_272 = tpu.memref_squeeze %dma_start3A_271 : memref<1x128x128xf32, #tpu.memory_space<vmem>> -> memref<128x128xf32, #tpu.memory_space<vmem>>
    %dma_start3A_273 = arith.constant 896 : i32
    %dma_start3A_274 = tpu.memref_slice %arg5[%dma_start3A_273] : memref<1024xi32, #tpu.memory_space<vmem>> -> memref<128xi32, #tpu.memory_space<vmem>>
    %dma_start3A_275 = arith.constant 0 : i32
    %dma_start3A_276 = arith.constant 0 : i32
    %dma_start3A_277 = tpu.memref_slice %arg3[%dma_start3A_275, %dma_start3A_276] : memref<1000000x128xf32, #tpu.memory_space<hbm>> -> memref<1000000x128xf32, #tpu.memory_space<hbm>>
    tpu.enqueue_indirect_dma source(%dma_start3A_277 : memref<1000000x128xf32, #tpu.memory_space<hbm>>) target(%dma_start3A_272 : memref<128x128xf32, #tpu.memory_space<vmem>>) offsets(%dma_start3A_274 : memref<128xi32, #tpu.memory_space<vmem>>) semaphore(%arg8 : memref<!tpu.dma_semaphore, #tpu.memory_space<semaphore_mem>>)
    %dma_wait3A_278 = arith.constant 2 : i32
    %dma_wait3A_279 = arith.constant 0 : i32
    %dma_wait3A_280 = arith.constant 0 : i32
    %dma_wait3A_281 = tpu.memref_slice %arg6[%dma_wait3A_278, %dma_wait3A_279, %dma_wait3A_280] : memref<6x128x128xf32, #tpu.memory_space<vmem>> -> memref<1x128x128xf32, #tpu.memory_space<vmem>>
    %dma_wait3A_282 = tpu.memref_squeeze %dma_wait3A_281 : memref<1x128x128xf32, #tpu.memory_space<vmem>> -> memref<128x128xf32, #tpu.memory_space<vmem>>
    %dma_wait3A_283 = arith.constant 256 : i32
    %dma_wait3A_284 = tpu.memref_slice %arg5[%dma_wait3A_283] : memref<1024xi32, #tpu.memory_space<vmem>> -> memref<128xi32, #tpu.memory_space<vmem>>
    %dma_wait3A_285 = arith.constant 0 : i32
    %dma_wait3A_286 = arith.constant 0 : i32
    %dma_wait3A_287 = tpu.memref_slice %arg3[%dma_wait3A_285, %dma_wait3A_286] : memref<1000000x128xf32, #tpu.memory_space<hbm>> -> memref<1000000x128xf32, #tpu.memory_space<hbm>>
    tpu.wait_indirect_dma semaphore(%arg9 : memref<!tpu.dma_semaphore, #tpu.memory_space<semaphore_mem>>) src(%dma_wait3A_287 : memref<1000000x128xf32, #tpu.memory_space<hbm>>) dst(%dma_wait3A_282 : memref<128x128xf32, #tpu.memory_space<vmem>>)
    %scan3A_288 = arith.constant 0 : i32
    %scan3A_289 = arith.constant 0 : i32
    %scan3A_290 = arith.constant 64 : i32
    %scan3A_291 = arith.addi %scan3A_289, %scan3A_290 : i32
    %scan3A_292 = arith.constant 1 : i32
    %scan3A_293 = scf.for %scan3A_770 = %scan3A_289 to %scan3A_291 step %scan3A_292 iter_args(%scan3A_771 = %scan3A_288) -> (i32)  : i32 {
      %get3A = arith.constant 2 : i32
      %get3A_772 = arith.index_cast %get3A : i32 to index
      %get3A_773 = arith.index_cast %scan3A_770 : i32 to index
      %get3A_774 = arith.constant 0 : index
      %get3A_775 = tpu.vector_load %arg6[%get3A_772, %get3A_773, %get3A_774] {strides = array<i32>} : memref<6x128x128xf32, #tpu.memory_space<vmem>>, vector<1x1x16xf32>,
      %get3A_776 = vector.shape_cast %get3A_775 : vector<1x1x16xf32> to vector<16xf32>
      %mul3A_777 = arith.constant 11.3137083 : f32
      %mul3A_778 = vector.broadcast %mul3A_777 : f32 to vector<16xf32>
      %mul3A_779 = arith.mulf %get3A_776, %mul3A_778 : vector<16xf32>
      %swap3A = arith.constant 2 : i32
      %swap3A_780 = arith.index_cast %swap3A : i32 to index
      %swap3A_781 = arith.index_cast %scan3A_770 : i32 to index
      %swap3A_782 = arith.constant 0 : index
      %swap3A_783 = tpu.vector_load %arg6[%swap3A_780, %swap3A_781, %swap3A_782] {strides = array<i32>} : memref<6x128x128xf32, #tpu.memory_space<vmem>>, vector<1x1x16xf32>,
      %swap3A_784 = vector.shape_cast %swap3A_783 : vector<1x1x16xf32> to vector<16xf32>
      %swap3A_785 = vector.shape_cast %mul3A_779 : vector<16xf32> to vector<1x1x16xf32>
      tpu.vector_store %arg6[%swap3A_780, %swap3A_781, %swap3A_782], %swap3A_785 {strides = array<i32>} : memref<6x128x128xf32, #tpu.memory_space<vmem>>, vector<1x1x16xf32>,
      %get3A_786 = arith.constant 2 : i32
      %get3A_787 = arith.index_cast %get3A_786 : i32 to index
      %get3A_788 = arith.index_cast %scan3A_770 : i32 to index
      %get3A_789 = arith.constant 16 : index
      %get3A_790 = tpu.vector_load %arg6[%get3A_787, %get3A_788, %get3A_789] {strides = array<i32>} : memref<6x128x128xf32, #tpu.memory_space<vmem>>, vector<1x1x16xf32>,
      %get3A_791 = vector.shape_cast %get3A_790 : vector<1x1x16xf32> to vector<16xf32>
      %mul3A_792 = arith.constant 11.3137083 : f32
      %mul3A_793 = vector.broadcast %mul3A_792 : f32 to vector<16xf32>
      %mul3A_794 = arith.mulf %get3A_791, %mul3A_793 : vector<16xf32>
      %swap3A_795 = arith.constant 2 : i32
      %swap3A_796 = arith.index_cast %swap3A_795 : i32 to index
      %swap3A_797 = arith.index_cast %scan3A_770 : i32 to index
      %swap3A_798 = arith.constant 16 : index
      %swap3A_799 = tpu.vector_load %arg6[%swap3A_796, %swap3A_797, %swap3A_798] {strides = array<i32>} : memref<6x128x128xf32, #tpu.memory_space<vmem>>, vector<1x1x16xf32>,
      %swap3A_800 = vector.shape_cast %swap3A_799 : vector<1x1x16xf32> to vector<16xf32>
      %swap3A_801 = vector.shape_cast %mul3A_794 : vector<16xf32> to vector<1x1x16xf32>
      tpu.vector_store %arg6[%swap3A_796, %swap3A_797, %swap3A_798], %swap3A_801 {strides = array<i32>} : memref<6x128x128xf32, #tpu.memory_space<vmem>>, vector<1x1x16xf32>,
      %get3A_802 = arith.constant 2 : i32
      %get3A_803 = arith.index_cast %get3A_802 : i32 to index
      %get3A_804 = arith.index_cast %scan3A_770 : i32 to index
      %get3A_805 = arith.constant 32 : index
      %get3A_806 = tpu.vector_load %arg6[%get3A_803, %get3A_804, %get3A_805] {strides = array<i32>} : memref<6x128x128xf32, #tpu.memory_space<vmem>>, vector<1x1x16xf32>,
      %get3A_807 = vector.shape_cast %get3A_806 : vector<1x1x16xf32> to vector<16xf32>
      %mul3A_808 = arith.constant 11.3137083 : f32
      %mul3A_809 = vector.broadcast %mul3A_808 : f32 to vector<16xf32>
      %mul3A_810 = arith.mulf %get3A_807, %mul3A_809 : vector<16xf32>
      %swap3A_811 = arith.constant 2 : i32
      %swap3A_812 = arith.index_cast %swap3A_811 : i32 to index
      %swap3A_813 = arith.index_cast %scan3A_770 : i32 to index
      %swap3A_814 = arith.constant 32 : index
      %swap3A_815 = tpu.vector_load %arg6[%swap3A_812, %swap3A_813, %swap3A_814] {strides = array<i32>} : memref<6x128x128xf32, #tpu.memory_space<vmem>>, vector<1x1x16xf32>,
      %swap3A_816 = vector.shape_cast %swap3A_815 : vector<1x1x16xf32> to vector<16xf32>
      %swap3A_817 = vector.shape_cast %mul3A_810 : vector<16xf32> to vector<1x1x16xf32>
      tpu.vector_store %arg6[%swap3A_812, %swap3A_813, %swap3A_814], %swap3A_817 {strides = array<i32>} : memref<6x128x128xf32, #tpu.memory_space<vmem>>, vector<1x1x16xf32>,
      %get3A_818 = arith.constant 2 : i32
      %get3A_819 = arith.index_cast %get3A_818 : i32 to index
      %get3A_820 = arith.index_cast %scan3A_770 : i32 to index
      %get3A_821 = arith.constant 48 : index
      %get3A_822 = tpu.vector_load %arg6[%get3A_819, %get3A_820, %get3A_821] {strides = array<i32>} : memref<6x128x128xf32, #tpu.memory_space<vmem>>, vector<1x1x16xf32>,
      %get3A_823 = vector.shape_cast %get3A_822 : vector<1x1x16xf32> to vector<16xf32>
      %mul3A_824 = arith.constant 11.3137083 : f32
      %mul3A_825 = vector.broadcast %mul3A_824 : f32 to vector<16xf32>
      %mul3A_826 = arith.mulf %get3A_823, %mul3A_825 : vector<16xf32>
      %swap3A_827 = arith.constant 2 : i32
      %swap3A_828 = arith.index_cast %swap3A_827 : i32 to index
      %swap3A_829 = arith.index_cast %scan3A_770 : i32 to index
      %swap3A_830 = arith.constant 48 : index
      %swap3A_831 = tpu.vector_load %arg6[%swap3A_828, %swap3A_829, %swap3A_830] {strides = array<i32>} : memref<6x128x128xf32, #tpu.memory_space<vmem>>, vector<1x1x16xf32>,
      %swap3A_832 = vector.shape_cast %swap3A_831 : vector<1x1x16xf32> to vector<16xf32>
      %swap3A_833 = vector.shape_cast %mul3A_826 : vector<16xf32> to vector<1x1x16xf32>
      tpu.vector_store %arg6[%swap3A_828, %swap3A_829, %swap3A_830], %swap3A_833 {strides = array<i32>} : memref<6x128x128xf32, #tpu.memory_space<vmem>>, vector<1x1x16xf32>,
      %get3A_834 = arith.constant 2 : i32
      %get3A_835 = arith.index_cast %get3A_834 : i32 to index
      %get3A_836 = arith.index_cast %scan3A_770 : i32 to index
      %get3A_837 = arith.constant 64 : index
      %get3A_838 = tpu.vector_load %arg6[%get3A_835, %get3A_836, %get3A_837] {strides = array<i32>} : memref<6x128x128xf32, #tpu.memory_space<vmem>>, vector<1x1x16xf32>,
      %get3A_839 = vector.shape_cast %get3A_838 : vector<1x1x16xf32> to vector<16xf32>
      %mul3A_840 = arith.constant 11.3137083 : f32
      %mul3A_841 = vector.broadcast %mul3A_840 : f32 to vector<16xf32>
      %mul3A_842 = arith.mulf %get3A_839, %mul3A_841 : vector<16xf32>
      %swap3A_843 = arith.constant 2 : i32
      %swap3A_844 = arith.index_cast %swap3A_843 : i32 to index
      %swap3A_845 = arith.index_cast %scan3A_770 : i32 to index
      %swap3A_846 = arith.constant 64 : index
      %swap3A_847 = tpu.vector_load %arg6[%swap3A_844, %swap3A_845, %swap3A_846] {strides = array<i32>} : memref<6x128x128xf32, #tpu.memory_space<vmem>>, vector<1x1x16xf32>,
      %swap3A_848 = vector.shape_cast %swap3A_847 : vector<1x1x16xf32> to vector<16xf32>
      %swap3A_849 = vector.shape_cast %mul3A_842 : vector<16xf32> to vector<1x1x16xf32>
      tpu.vector_store %arg6[%swap3A_844, %swap3A_845, %swap3A_846], %swap3A_849 {strides = array<i32>} : memref<6x128x128xf32, #tpu.memory_space<vmem>>, vector<1x1x16xf32>,
      %get3A_850 = arith.constant 2 : i32
      %get3A_851 = arith.index_cast %get3A_850 : i32 to index
      %get3A_852 = arith.index_cast %scan3A_770 : i32 to index
      %get3A_853 = arith.constant 80 : index
      %get3A_854 = tpu.vector_load %arg6[%get3A_851, %get3A_852, %get3A_853] {strides = array<i32>} : memref<6x128x128xf32, #tpu.memory_space<vmem>>, vector<1x1x16xf32>,
      %get3A_855 = vector.shape_cast %get3A_854 : vector<1x1x16xf32> to vector<16xf32>
      %mul3A_856 = arith.constant 11.3137083 : f32
      %mul3A_857 = vector.broadcast %mul3A_856 : f32 to vector<16xf32>
      %mul3A_858 = arith.mulf %get3A_855, %mul3A_857 : vector<16xf32>
      %swap3A_859 = arith.constant 2 : i32
      %swap3A_860 = arith.index_cast %swap3A_859 : i32 to index
      %swap3A_861 = arith.index_cast %scan3A_770 : i32 to index
      %swap3A_862 = arith.constant 80 : index
      %swap3A_863 = tpu.vector_load %arg6[%swap3A_860, %swap3A_861, %swap3A_862] {strides = array<i32>} : memref<6x128x128xf32, #tpu.memory_space<vmem>>, vector<1x1x16xf32>,
      %swap3A_864 = vector.shape_cast %swap3A_863 : vector<1x1x16xf32> to vector<16xf32>
      %swap3A_865 = vector.shape_cast %mul3A_858 : vector<16xf32> to vector<1x1x16xf32>
      tpu.vector_store %arg6[%swap3A_860, %swap3A_861, %swap3A_862], %swap3A_865 {strides = array<i32>} : memref<6x128x128xf32, #tpu.memory_space<vmem>>, vector<1x1x16xf32>,
      %get3A_866 = arith.constant 2 : i32
      %get3A_867 = arith.index_cast %get3A_866 : i32 to index
      %get3A_868 = arith.index_cast %scan3A_770 : i32 to index
      %get3A_869 = arith.constant 96 : index
      %get3A_870 = tpu.vector_load %arg6[%get3A_867, %get3A_868, %get3A_869] {strides = array<i32>} : memref<6x128x128xf32, #tpu.memory_space<vmem>>, vector<1x1x16xf32>,
      %get3A_871 = vector.shape_cast %get3A_870 : vector<1x1x16xf32> to vector<16xf32>
      %mul3A_872 = arith.constant 11.3137083 : f32
      %mul3A_873 = vector.broadcast %mul3A_872 : f32 to vector<16xf32>
      %mul3A_874 = arith.mulf %get3A_871, %mul3A_873 : vector<16xf32>
      %swap3A_875 = arith.constant 2 : i32
      %swap3A_876 = arith.index_cast %swap3A_875 : i32 to index
      %swap3A_877 = arith.index_cast %scan3A_770 : i32 to index
      %swap3A_878 = arith.constant 96 : index
      %swap3A_879 = tpu.vector_load %arg6[%swap3A_876, %swap3A_877, %swap3A_878] {strides = array<i32>} : memref<6x128x128xf32, #tpu.memory_space<vmem>>, vector<1x1x16xf32>,
      %swap3A_880 = vector.shape_cast %swap3A_879 : vector<1x1x16xf32> to vector<16xf32>
      %swap3A_881 = vector.shape_cast %mul3A_874 : vector<16xf32> to vector<1x1x16xf32>
      tpu.vector_store %arg6[%swap3A_876, %swap3A_877, %swap3A_878], %swap3A_881 {strides = array<i32>} : memref<6x128x128xf32, #tpu.memory_space<vmem>>, vector<1x1x16xf32>,
      %get3A_882 = arith.constant 2 : i32
      %get3A_883 = arith.index_cast %get3A_882 : i32 to index
      %get3A_884 = arith.index_cast %scan3A_770 : i32 to index
      %get3A_885 = arith.constant 112 : index
      %get3A_886 = tpu.vector_load %arg6[%get3A_883, %get3A_884, %get3A_885] {strides = array<i32>} : memref<6x128x128xf32, #tpu.memory_space<vmem>>, vector<1x1x16xf32>,
      %get3A_887 = vector.shape_cast %get3A_886 : vector<1x1x16xf32> to vector<16xf32>
      %mul3A_888 = arith.constant 11.3137083 : f32
      %mul3A_889 = vector.broadcast %mul3A_888 : f32 to vector<16xf32>
      %mul3A_890 = arith.mulf %get3A_887, %mul3A_889 : vector<16xf32>
      %swap3A_891 = arith.constant 2 : i32
      %swap3A_892 = arith.index_cast %swap3A_891 : i32 to index
      %swap3A_893 = arith.index_cast %scan3A_770 : i32 to index
      %swap3A_894 = arith.constant 112 : index
      %swap3A_895 = tpu.vector_load %arg6[%swap3A_892, %swap3A_893, %swap3A_894] {strides = array<i32>} : memref<6x128x128xf32, #tpu.memory_space<vmem>>, vector<1x1x16xf32>,
      %swap3A_896 = vector.shape_cast %swap3A_895 : vector<1x1x16xf32> to vector<16xf32>
      %swap3A_897 = vector.shape_cast %mul3A_890 : vector<16xf32> to vector<1x1x16xf32>
      tpu.vector_store %arg6[%swap3A_892, %swap3A_893, %swap3A_894], %swap3A_897 {strides = array<i32>} : memref<6x128x128xf32, #tpu.memory_space<vmem>>, vector<1x1x16xf32>,
      %scan3A_898 = arith.constant 0 : i32
      scf.yield %scan3A_898 : i32
    }
    %scan3A_294 = arith.constant 64 : i32
    %add3A_295 = arith.constant 256 : i32
    %add3A_296 = arith.addi %mul3A_2, %add3A_295 : i32
    %dma_start3A_297 = arith.constant 2 : i32
    %dma_start3A_298 = arith.constant 0 : i32
    %dma_start3A_299 = arith.constant 0 : i32
    %dma_start3A_300 = tpu.memref_slice %arg6[%dma_start3A_297, %dma_start3A_298, %dma_start3A_299] : memref<6x128x128xf32, #tpu.memory_space<vmem>> -> memref<1x64x128xf32, #tpu.memory_space<vmem>>
    %dma_start3A_301 = tpu.memref_squeeze %dma_start3A_300 : memref<1x64x128xf32, #tpu.memory_space<vmem>> -> memref<64x128xf32, #tpu.memory_space<vmem>>
    %dma_start3A_302 = arith.constant 0 : i32
    %dma_start3A_303 = tpu.memref_slice %arg4[%add3A_296, %dma_start3A_302] : memref<32768x128xf32, #tpu.memory_space<hbm>> -> memref<64x128xf32, #tpu.memory_space<hbm>>
    %dma_start3A_304 = arith.constant 0 : i32
    %dma_start3A_305 = tpu.memref_slice %arg4[%add3A_296, %dma_start3A_304] : memref<32768x128xf32, #tpu.memory_space<hbm>> -> memref<64x128xf32, #tpu.memory_space<hbm>>
    %dma_start3A_306 = arith.constant 0 : i32
    %dma_start3A_307 = arith.constant 0 : i32
    %dma_start3A_308 = tpu.memref_slice %arg6[%dma_start3A_297, %dma_start3A_306, %dma_start3A_307] : memref<6x128x128xf32, #tpu.memory_space<vmem>> -> memref<1x64x128xf32, #tpu.memory_space<vmem>>
    %dma_start3A_309 = tpu.memref_squeeze %dma_start3A_308 : memref<1x64x128xf32, #tpu.memory_space<vmem>> -> memref<64x128xf32, #tpu.memory_space<vmem>>
    tpu.enqueue_dma source(%dma_start3A_309 : memref<64x128xf32, #tpu.memory_space<vmem>>) target(%dma_start3A_305 : memref<64x128xf32, #tpu.memory_space<hbm>>) target_semaphore(%arg15 : memref<!tpu.dma_semaphore, #tpu.memory_space<semaphore_mem>>)
    %scan3A_310 = arith.constant 0 : i32
    %scan3A_311 = arith.constant 64 : i32
    %scan3A_312 = arith.constant 64 : i32
    %scan3A_313 = arith.addi %scan3A_311, %scan3A_312 : i32
    %scan3A_314 = arith.constant 1 : i32
    %scan3A_315 = scf.for %scan3A_770 = %scan3A_311 to %scan3A_313 step %scan3A_314 iter_args(%scan3A_771 = %scan3A_310) -> (i32)  : i32 {
      %get3A = arith.constant 2 : i32
      %get3A_772 = arith.index_cast %get3A : i32 to index
      %get3A_773 = arith.index_cast %scan3A_770 : i32 to index
      %get3A_774 = arith.constant 0 : index
      %get3A_775 = tpu.vector_load %arg6[%get3A_772, %get3A_773, %get3A_774] {strides = array<i32>} : memref<6x128x128xf32, #tpu.memory_space<vmem>>, vector<1x1x16xf32>,
      %get3A_776 = vector.shape_cast %get3A_775 : vector<1x1x16xf32> to vector<16xf32>
      %mul3A_777 = arith.constant 11.3137083 : f32
      %mul3A_778 = vector.broadcast %mul3A_777 : f32 to vector<16xf32>
      %mul3A_779 = arith.mulf %get3A_776, %mul3A_778 : vector<16xf32>
      %swap3A = arith.constant 2 : i32
      %swap3A_780 = arith.index_cast %swap3A : i32 to index
      %swap3A_781 = arith.index_cast %scan3A_770 : i32 to index
      %swap3A_782 = arith.constant 0 : index
      %swap3A_783 = tpu.vector_load %arg6[%swap3A_780, %swap3A_781, %swap3A_782] {strides = array<i32>} : memref<6x128x128xf32, #tpu.memory_space<vmem>>, vector<1x1x16xf32>,
      %swap3A_784 = vector.shape_cast %swap3A_783 : vector<1x1x16xf32> to vector<16xf32>
      %swap3A_785 = vector.shape_cast %mul3A_779 : vector<16xf32> to vector<1x1x16xf32>
      tpu.vector_store %arg6[%swap3A_780, %swap3A_781, %swap3A_782], %swap3A_785 {strides = array<i32>} : memref<6x128x128xf32, #tpu.memory_space<vmem>>, vector<1x1x16xf32>,
      %get3A_786 = arith.constant 2 : i32
      %get3A_787 = arith.index_cast %get3A_786 : i32 to index
      %get3A_788 = arith.index_cast %scan3A_770 : i32 to index
      %get3A_789 = arith.constant 16 : index
      %get3A_790 = tpu.vector_load %arg6[%get3A_787, %get3A_788, %get3A_789] {strides = array<i32>} : memref<6x128x128xf32, #tpu.memory_space<vmem>>, vector<1x1x16xf32>,
      %get3A_791 = vector.shape_cast %get3A_790 : vector<1x1x16xf32> to vector<16xf32>
      %mul3A_792 = arith.constant 11.3137083 : f32
      %mul3A_793 = vector.broadcast %mul3A_792 : f32 to vector<16xf32>
      %mul3A_794 = arith.mulf %get3A_791, %mul3A_793 : vector<16xf32>
      %swap3A_795 = arith.constant 2 : i32
      %swap3A_796 = arith.index_cast %swap3A_795 : i32 to index
      %swap3A_797 = arith.index_cast %scan3A_770 : i32 to index
      %swap3A_798 = arith.constant 16 : index
      %swap3A_799 = tpu.vector_load %arg6[%swap3A_796, %swap3A_797, %swap3A_798] {strides = array<i32>} : memref<6x128x128xf32, #tpu.memory_space<vmem>>, vector<1x1x16xf32>,
      %swap3A_800 = vector.shape_cast %swap3A_799 : vector<1x1x16xf32> to vector<16xf32>
      %swap3A_801 = vector.shape_cast %mul3A_794 : vector<16xf32> to vector<1x1x16xf32>
      tpu.vector_store %arg6[%swap3A_796, %swap3A_797, %swap3A_798], %swap3A_801 {strides = array<i32>} : memref<6x128x128xf32, #tpu.memory_space<vmem>>, vector<1x1x16xf32>,
      %get3A_802 = arith.constant 2 : i32
      %get3A_803 = arith.index_cast %get3A_802 : i32 to index
      %get3A_804 = arith.index_cast %scan3A_770 : i32 to index
      %get3A_805 = arith.constant 32 : index
      %get3A_806 = tpu.vector_load %arg6[%get3A_803, %get3A_804, %get3A_805] {strides = array<i32>} : memref<6x128x128xf32, #tpu.memory_space<vmem>>, vector<1x1x16xf32>,
      %get3A_807 = vector.shape_cast %get3A_806 : vector<1x1x16xf32> to vector<16xf32>
      %mul3A_808 = arith.constant 11.3137083 : f32
      %mul3A_809 = vector.broadcast %mul3A_808 : f32 to vector<16xf32>
      %mul3A_810 = arith.mulf %get3A_807, %mul3A_809 : vector<16xf32>
      %swap3A_811 = arith.constant 2 : i32
      %swap3A_812 = arith.index_cast %swap3A_811 : i32 to index
      %swap3A_813 = arith.index_cast %scan3A_770 : i32 to index
      %swap3A_814 = arith.constant 32 : index
      %swap3A_815 = tpu.vector_load %arg6[%swap3A_812, %swap3A_813, %swap3A_814] {strides = array<i32>} : memref<6x128x128xf32, #tpu.memory_space<vmem>>, vector<1x1x16xf32>,
      %swap3A_816 = vector.shape_cast %swap3A_815 : vector<1x1x16xf32> to vector<16xf32>
      %swap3A_817 = vector.shape_cast %mul3A_810 : vector<16xf32> to vector<1x1x16xf32>
      tpu.vector_store %arg6[%swap3A_812, %swap3A_813, %swap3A_814], %swap3A_817 {strides = array<i32>} : memref<6x128x128xf32, #tpu.memory_space<vmem>>, vector<1x1x16xf32>,
      %get3A_818 = arith.constant 2 : i32
      %get3A_819 = arith.index_cast %get3A_818 : i32 to index
      %get3A_820 = arith.index_cast %scan3A_770 : i32 to index
      %get3A_821 = arith.constant 48 : index
      %get3A_822 = tpu.vector_load %arg6[%get3A_819, %get3A_820, %get3A_821] {strides = array<i32>} : memref<6x128x128xf32, #tpu.memory_space<vmem>>, vector<1x1x16xf32>,
      %get3A_823 = vector.shape_cast %get3A_822 : vector<1x1x16xf32> to vector<16xf32>
      %mul3A_824 = arith.constant 11.3137083 : f32
      %mul3A_825 = vector.broadcast %mul3A_824 : f32 to vector<16xf32>
      %mul3A_826 = arith.mulf %get3A_823, %mul3A_825 : vector<16xf32>
      %swap3A_827 = arith.constant 2 : i32
      %swap3A_828 = arith.index_cast %swap3A_827 : i32 to index
      %swap3A_829 = arith.index_cast %scan3A_770 : i32 to index
      %swap3A_830 = arith.constant 48 : index
      %swap3A_831 = tpu.vector_load %arg6[%swap3A_828, %swap3A_829, %swap3A_830] {strides = array<i32>} : memref<6x128x128xf32, #tpu.memory_space<vmem>>, vector<1x1x16xf32>,
      %swap3A_832 = vector.shape_cast %swap3A_831 : vector<1x1x16xf32> to vector<16xf32>
      %swap3A_833 = vector.shape_cast %mul3A_826 : vector<16xf32> to vector<1x1x16xf32>
      tpu.vector_store %arg6[%swap3A_828, %swap3A_829, %swap3A_830], %swap3A_833 {strides = array<i32>} : memref<6x128x128xf32, #tpu.memory_space<vmem>>, vector<1x1x16xf32>,
      %get3A_834 = arith.constant 2 : i32
      %get3A_835 = arith.index_cast %get3A_834 : i32 to index
      %get3A_836 = arith.index_cast %scan3A_770 : i32 to index
      %get3A_837 = arith.constant 64 : index
      %get3A_838 = tpu.vector_load %arg6[%get3A_835, %get3A_836, %get3A_837] {strides = array<i32>} : memref<6x128x128xf32, #tpu.memory_space<vmem>>, vector<1x1x16xf32>,
      %get3A_839 = vector.shape_cast %get3A_838 : vector<1x1x16xf32> to vector<16xf32>
      %mul3A_840 = arith.constant 11.3137083 : f32
      %mul3A_841 = vector.broadcast %mul3A_840 : f32 to vector<16xf32>
      %mul3A_842 = arith.mulf %get3A_839, %mul3A_841 : vector<16xf32>
      %swap3A_843 = arith.constant 2 : i32
      %swap3A_844 = arith.index_cast %swap3A_843 : i32 to index
      %swap3A_845 = arith.index_cast %scan3A_770 : i32 to index
      %swap3A_846 = arith.constant 64 : index
      %swap3A_847 = tpu.vector_load %arg6[%swap3A_844, %swap3A_845, %swap3A_846] {strides = array<i32>} : memref<6x128x128xf32, #tpu.memory_space<vmem>>, vector<1x1x16xf32>,
      %swap3A_848 = vector.shape_cast %swap3A_847 : vector<1x1x16xf32> to vector<16xf32>
      %swap3A_849 = vector.shape_cast %mul3A_842 : vector<16xf32> to vector<1x1x16xf32>
      tpu.vector_store %arg6[%swap3A_844, %swap3A_845, %swap3A_846], %swap3A_849 {strides = array<i32>} : memref<6x128x128xf32, #tpu.memory_space<vmem>>, vector<1x1x16xf32>,
      %get3A_850 = arith.constant 2 : i32
      %get3A_851 = arith.index_cast %get3A_850 : i32 to index
      %get3A_852 = arith.index_cast %scan3A_770 : i32 to index
      %get3A_853 = arith.constant 80 : index
      %get3A_854 = tpu.vector_load %arg6[%get3A_851, %get3A_852, %get3A_853] {strides = array<i32>} : memref<6x128x128xf32, #tpu.memory_space<vmem>>, vector<1x1x16xf32>,
      %get3A_855 = vector.shape_cast %get3A_854 : vector<1x1x16xf32> to vector<16xf32>
      %mul3A_856 = arith.constant 11.3137083 : f32
      %mul3A_857 = vector.broadcast %mul3A_856 : f32 to vector<16xf32>
      %mul3A_858 = arith.mulf %get3A_855, %mul3A_857 : vector<16xf32>
      %swap3A_859 = arith.constant 2 : i32
      %swap3A_860 = arith.index_cast %swap3A_859 : i32 to index
      %swap3A_861 = arith.index_cast %scan3A_770 : i32 to index
      %swap3A_862 = arith.constant 80 : index
      %swap3A_863 = tpu.vector_load %arg6[%swap3A_860, %swap3A_861, %swap3A_862] {strides = array<i32>} : memref<6x128x128xf32, #tpu.memory_space<vmem>>, vector<1x1x16xf32>,
      %swap3A_864 = vector.shape_cast %swap3A_863 : vector<1x1x16xf32> to vector<16xf32>
      %swap3A_865 = vector.shape_cast %mul3A_858 : vector<16xf32> to vector<1x1x16xf32>
      tpu.vector_store %arg6[%swap3A_860, %swap3A_861, %swap3A_862], %swap3A_865 {strides = array<i32>} : memref<6x128x128xf32, #tpu.memory_space<vmem>>, vector<1x1x16xf32>,
      %get3A_866 = arith.constant 2 : i32
      %get3A_867 = arith.index_cast %get3A_866 : i32 to index
      %get3A_868 = arith.index_cast %scan3A_770 : i32 to index
      %get3A_869 = arith.constant 96 : index
      %get3A_870 = tpu.vector_load %arg6[%get3A_867, %get3A_868, %get3A_869] {strides = array<i32>} : memref<6x128x128xf32, #tpu.memory_space<vmem>>, vector<1x1x16xf32>,
      %get3A_871 = vector.shape_cast %get3A_870 : vector<1x1x16xf32> to vector<16xf32>
      %mul3A_872 = arith.constant 11.3137083 : f32
      %mul3A_873 = vector.broadcast %mul3A_872 : f32 to vector<16xf32>
      %mul3A_874 = arith.mulf %get3A_871, %mul3A_873 : vector<16xf32>
      %swap3A_875 = arith.constant 2 : i32
      %swap3A_876 = arith.index_cast %swap3A_875 : i32 to index
      %swap3A_877 = arith.index_cast %scan3A_770 : i32 to index
      %swap3A_878 = arith.constant 96 : index
      %swap3A_879 = tpu.vector_load %arg6[%swap3A_876, %swap3A_877, %swap3A_878] {strides = array<i32>} : memref<6x128x128xf32, #tpu.memory_space<vmem>>, vector<1x1x16xf32>,
      %swap3A_880 = vector.shape_cast %swap3A_879 : vector<1x1x16xf32> to vector<16xf32>
      %swap3A_881 = vector.shape_cast %mul3A_874 : vector<16xf32> to vector<1x1x16xf32>
      tpu.vector_store %arg6[%swap3A_876, %swap3A_877, %swap3A_878], %swap3A_881 {strides = array<i32>} : memref<6x128x128xf32, #tpu.memory_space<vmem>>, vector<1x1x16xf32>,
      %get3A_882 = arith.constant 2 : i32
      %get3A_883 = arith.index_cast %get3A_882 : i32 to index
      %get3A_884 = arith.index_cast %scan3A_770 : i32 to index
      %get3A_885 = arith.constant 112 : index
      %get3A_886 = tpu.vector_load %arg6[%get3A_883, %get3A_884, %get3A_885] {strides = array<i32>} : memref<6x128x128xf32, #tpu.memory_space<vmem>>, vector<1x1x16xf32>,
      %get3A_887 = vector.shape_cast %get3A_886 : vector<1x1x16xf32> to vector<16xf32>
      %mul3A_888 = arith.constant 11.3137083 : f32
      %mul3A_889 = vector.broadcast %mul3A_888 : f32 to vector<16xf32>
      %mul3A_890 = arith.mulf %get3A_887, %mul3A_889 : vector<16xf32>
      %swap3A_891 = arith.constant 2 : i32
      %swap3A_892 = arith.index_cast %swap3A_891 : i32 to index
      %swap3A_893 = arith.index_cast %scan3A_770 : i32 to index
      %swap3A_894 = arith.constant 112 : index
      %swap3A_895 = tpu.vector_load %arg6[%swap3A_892, %swap3A_893, %swap3A_894] {strides = array<i32>} : memref<6x128x128xf32, #tpu.memory_space<vmem>>, vector<1x1x16xf32>,
      %swap3A_896 = vector.shape_cast %swap3A_895 : vector<1x1x16xf32> to vector<16xf32>
      %swap3A_897 = vector.shape_cast %mul3A_890 : vector<16xf32> to vector<1x1x16xf32>
      tpu.vector_store %arg6[%swap3A_892, %swap3A_893, %swap3A_894], %swap3A_897 {strides = array<i32>} : memref<6x128x128xf32, #tpu.memory_space<vmem>>, vector<1x1x16xf32>,
      %scan3A_898 = arith.constant 0 : i32
      scf.yield %scan3A_898 : i32
    }
    %scan3A_316 = arith.constant 64 : i32
    %add3A_317 = arith.constant 256 : i32
    %add3A_318 = arith.addi %mul3A_2, %add3A_317 : i32
    %add3A_319 = arith.constant 64 : i32
    %add3A_320 = arith.addi %add3A_318, %add3A_319 : i32
    %dma_start3A_321 = arith.constant 2 : i32
    %dma_start3A_322 = arith.constant 64 : i32
    %dma_start3A_323 = arith.constant 0 : i32
    %dma_start3A_324 = tpu.memref_slice %arg6[%dma_start3A_321, %dma_start3A_322, %dma_start3A_323] : memref<6x128x128xf32, #tpu.memory_space<vmem>> -> memref<1x64x128xf32, #tpu.memory_space<vmem>>
    %dma_start3A_325 = tpu.memref_squeeze %dma_start3A_324 : memref<1x64x128xf32, #tpu.memory_space<vmem>> -> memref<64x128xf32, #tpu.memory_space<vmem>>
    %dma_start3A_326 = arith.constant 0 : i32
    %dma_start3A_327 = tpu.memref_slice %arg4[%add3A_320, %dma_start3A_326] : memref<32768x128xf32, #tpu.memory_space<hbm>> -> memref<64x128xf32, #tpu.memory_space<hbm>>
    %dma_start3A_328 = arith.constant 0 : i32
    %dma_start3A_329 = tpu.memref_slice %arg4[%add3A_320, %dma_start3A_328] : memref<32768x128xf32, #tpu.memory_space<hbm>> -> memref<64x128xf32, #tpu.memory_space<hbm>>
    %dma_start3A_330 = arith.constant 64 : i32
    %dma_start3A_331 = arith.constant 0 : i32
    %dma_start3A_332 = tpu.memref_slice %arg6[%dma_start3A_321, %dma_start3A_330, %dma_start3A_331] : memref<6x128x128xf32, #tpu.memory_space<vmem>> -> memref<1x64x128xf32, #tpu.memory_space<vmem>>
    %dma_start3A_333 = tpu.memref_squeeze %dma_start3A_332 : memref<1x64x128xf32, #tpu.memory_space<vmem>> -> memref<64x128xf32, #tpu.memory_space<vmem>>
    tpu.enqueue_dma source(%dma_start3A_333 : memref<64x128xf32, #tpu.memory_space<vmem>>) target(%dma_start3A_329 : memref<64x128xf32, #tpu.memory_space<hbm>>) target_semaphore(%arg15 : memref<!tpu.dma_semaphore, #tpu.memory_space<semaphore_mem>>)
    %dma_wait3A_334 = arith.constant 3 : i32
    %dma_wait3A_335 = arith.constant 0 : i32
    %dma_wait3A_336 = arith.constant 0 : i32
    %dma_wait3A_337 = tpu.memref_slice %arg6[%dma_wait3A_334, %dma_wait3A_335, %dma_wait3A_336] : memref<6x128x128xf32, #tpu.memory_space<vmem>> -> memref<1x128x128xf32, #tpu.memory_space<vmem>>
    %dma_wait3A_338 = tpu.memref_squeeze %dma_wait3A_337 : memref<1x128x128xf32, #tpu.memory_space<vmem>> -> memref<128x128xf32, #tpu.memory_space<vmem>>
    %dma_wait3A_339 = arith.constant 384 : i32
    %dma_wait3A_340 = tpu.memref_slice %arg5[%dma_wait3A_339] : memref<1024xi32, #tpu.memory_space<vmem>> -> memref<128xi32, #tpu.memory_space<vmem>>
    %dma_wait3A_341 = arith.constant 0 : i32
    %dma_wait3A_342 = arith.constant 0 : i32
    %dma_wait3A_343 = tpu.memref_slice %arg3[%dma_wait3A_341, %dma_wait3A_342] : memref<1000000x128xf32, #tpu.memory_space<hbm>> -> memref<1000000x128xf32, #tpu.memory_space<hbm>>
    tpu.wait_indirect_dma semaphore(%arg10 : memref<!tpu.dma_semaphore, #tpu.memory_space<semaphore_mem>>) src(%dma_wait3A_343 : memref<1000000x128xf32, #tpu.memory_space<hbm>>) dst(%dma_wait3A_338 : memref<128x128xf32, #tpu.memory_space<vmem>>)
    %scan3A_344 = arith.constant 0 : i32
    %scan3A_345 = arith.constant 0 : i32
    %scan3A_346 = arith.constant 64 : i32
    %scan3A_347 = arith.addi %scan3A_345, %scan3A_346 : i32
    %scan3A_348 = arith.constant 1 : i32
    %scan3A_349 = scf.for %scan3A_770 = %scan3A_345 to %scan3A_347 step %scan3A_348 iter_args(%scan3A_771 = %scan3A_344) -> (i32)  : i32 {
      %get3A = arith.constant 3 : i32
      %get3A_772 = arith.index_cast %get3A : i32 to index
      %get3A_773 = arith.index_cast %scan3A_770 : i32 to index
      %get3A_774 = arith.constant 0 : index
      %get3A_775 = tpu.vector_load %arg6[%get3A_772, %get3A_773, %get3A_774] {strides = array<i32>} : memref<6x128x128xf32, #tpu.memory_space<vmem>>, vector<1x1x16xf32>,
      %get3A_776 = vector.shape_cast %get3A_775 : vector<1x1x16xf32> to vector<16xf32>
      %mul3A_777 = arith.constant 11.3137083 : f32
      %mul3A_778 = vector.broadcast %mul3A_777 : f32 to vector<16xf32>
      %mul3A_779 = arith.mulf %get3A_776, %mul3A_778 : vector<16xf32>
      %swap3A = arith.constant 3 : i32
      %swap3A_780 = arith.index_cast %swap3A : i32 to index
      %swap3A_781 = arith.index_cast %scan3A_770 : i32 to index
      %swap3A_782 = arith.constant 0 : index
      %swap3A_783 = tpu.vector_load %arg6[%swap3A_780, %swap3A_781, %swap3A_782] {strides = array<i32>} : memref<6x128x128xf32, #tpu.memory_space<vmem>>, vector<1x1x16xf32>,
      %swap3A_784 = vector.shape_cast %swap3A_783 : vector<1x1x16xf32> to vector<16xf32>
      %swap3A_785 = vector.shape_cast %mul3A_779 : vector<16xf32> to vector<1x1x16xf32>
      tpu.vector_store %arg6[%swap3A_780, %swap3A_781, %swap3A_782], %swap3A_785 {strides = array<i32>} : memref<6x128x128xf32, #tpu.memory_space<vmem>>, vector<1x1x16xf32>,
      %get3A_786 = arith.constant 3 : i32
      %get3A_787 = arith.index_cast %get3A_786 : i32 to index
      %get3A_788 = arith.index_cast %scan3A_770 : i32 to index
      %get3A_789 = arith.constant 16 : index
      %get3A_790 = tpu.vector_load %arg6[%get3A_787, %get3A_788, %get3A_789] {strides = array<i32>} : memref<6x128x128xf32, #tpu.memory_space<vmem>>, vector<1x1x16xf32>,
      %get3A_791 = vector.shape_cast %get3A_790 : vector<1x1x16xf32> to vector<16xf32>
      %mul3A_792 = arith.constant 11.3137083 : f32
      %mul3A_793 = vector.broadcast %mul3A_792 : f32 to vector<16xf32>
      %mul3A_794 = arith.mulf %get3A_791, %mul3A_793 : vector<16xf32>
      %swap3A_795 = arith.constant 3 : i32
      %swap3A_796 = arith.index_cast %swap3A_795 : i32 to index
      %swap3A_797 = arith.index_cast %scan3A_770 : i32 to index
      %swap3A_798 = arith.constant 16 : index
      %swap3A_799 = tpu.vector_load %arg6[%swap3A_796, %swap3A_797, %swap3A_798] {strides = array<i32>} : memref<6x128x128xf32, #tpu.memory_space<vmem>>, vector<1x1x16xf32>,
      %swap3A_800 = vector.shape_cast %swap3A_799 : vector<1x1x16xf32> to vector<16xf32>
      %swap3A_801 = vector.shape_cast %mul3A_794 : vector<16xf32> to vector<1x1x16xf32>
      tpu.vector_store %arg6[%swap3A_796, %swap3A_797, %swap3A_798], %swap3A_801 {strides = array<i32>} : memref<6x128x128xf32, #tpu.memory_space<vmem>>, vector<1x1x16xf32>,
      %get3A_802 = arith.constant 3 : i32
      %get3A_803 = arith.index_cast %get3A_802 : i32 to index
      %get3A_804 = arith.index_cast %scan3A_770 : i32 to index
      %get3A_805 = arith.constant 32 : index
      %get3A_806 = tpu.vector_load %arg6[%get3A_803, %get3A_804, %get3A_805] {strides = array<i32>} : memref<6x128x128xf32, #tpu.memory_space<vmem>>, vector<1x1x16xf32>,
      %get3A_807 = vector.shape_cast %get3A_806 : vector<1x1x16xf32> to vector<16xf32>
      %mul3A_808 = arith.constant 11.3137083 : f32
      %mul3A_809 = vector.broadcast %mul3A_808 : f32 to vector<16xf32>
      %mul3A_810 = arith.mulf %get3A_807, %mul3A_809 : vector<16xf32>
      %swap3A_811 = arith.constant 3 : i32
      %swap3A_812 = arith.index_cast %swap3A_811 : i32 to index
      %swap3A_813 = arith.index_cast %scan3A_770 : i32 to index
      %swap3A_814 = arith.constant 32 : index
      %swap3A_815 = tpu.vector_load %arg6[%swap3A_812, %swap3A_813, %swap3A_814] {strides = array<i32>} : memref<6x128x128xf32, #tpu.memory_space<vmem>>, vector<1x1x16xf32>,
      %swap3A_816 = vector.shape_cast %swap3A_815 : vector<1x1x16xf32> to vector<16xf32>
      %swap3A_817 = vector.shape_cast %mul3A_810 : vector<16xf32> to vector<1x1x16xf32>
      tpu.vector_store %arg6[%swap3A_812, %swap3A_813, %swap3A_814], %swap3A_817 {strides = array<i32>} : memref<6x128x128xf32, #tpu.memory_space<vmem>>, vector<1x1x16xf32>,
      %get3A_818 = arith.constant 3 : i32
      %get3A_819 = arith.index_cast %get3A_818 : i32 to index
      %get3A_820 = arith.index_cast %scan3A_770 : i32 to index
      %get3A_821 = arith.constant 48 : index
      %get3A_822 = tpu.vector_load %arg6[%get3A_819, %get3A_820, %get3A_821] {strides = array<i32>} : memref<6x128x128xf32, #tpu.memory_space<vmem>>, vector<1x1x16xf32>,
      %get3A_823 = vector.shape_cast %get3A_822 : vector<1x1x16xf32> to vector<16xf32>
      %mul3A_824 = arith.constant 11.3137083 : f32
      %mul3A_825 = vector.broadcast %mul3A_824 : f32 to vector<16xf32>
      %mul3A_826 = arith.mulf %get3A_823, %mul3A_825 : vector<16xf32>
      %swap3A_827 = arith.constant 3 : i32
      %swap3A_828 = arith.index_cast %swap3A_827 : i32 to index
      %swap3A_829 = arith.index_cast %scan3A_770 : i32 to index
      %swap3A_830 = arith.constant 48 : index
      %swap3A_831 = tpu.vector_load %arg6[%swap3A_828, %swap3A_829, %swap3A_830] {strides = array<i32>} : memref<6x128x128xf32, #tpu.memory_space<vmem>>, vector<1x1x16xf32>,
      %swap3A_832 = vector.shape_cast %swap3A_831 : vector<1x1x16xf32> to vector<16xf32>
      %swap3A_833 = vector.shape_cast %mul3A_826 : vector<16xf32> to vector<1x1x16xf32>
      tpu.vector_store %arg6[%swap3A_828, %swap3A_829, %swap3A_830], %swap3A_833 {strides = array<i32>} : memref<6x128x128xf32, #tpu.memory_space<vmem>>, vector<1x1x16xf32>,
      %get3A_834 = arith.constant 3 : i32
      %get3A_835 = arith.index_cast %get3A_834 : i32 to index
      %get3A_836 = arith.index_cast %scan3A_770 : i32 to index
      %get3A_837 = arith.constant 64 : index
      %get3A_838 = tpu.vector_load %arg6[%get3A_835, %get3A_836, %get3A_837] {strides = array<i32>} : memref<6x128x128xf32, #tpu.memory_space<vmem>>, vector<1x1x16xf32>,
      %get3A_839 = vector.shape_cast %get3A_838 : vector<1x1x16xf32> to vector<16xf32>
      %mul3A_840 = arith.constant 11.3137083 : f32
      %mul3A_841 = vector.broadcast %mul3A_840 : f32 to vector<16xf32>
      %mul3A_842 = arith.mulf %get3A_839, %mul3A_841 : vector<16xf32>
      %swap3A_843 = arith.constant 3 : i32
      %swap3A_844 = arith.index_cast %swap3A_843 : i32 to index
      %swap3A_845 = arith.index_cast %scan3A_770 : i32 to index
      %swap3A_846 = arith.constant 64 : index
      %swap3A_847 = tpu.vector_load %arg6[%swap3A_844, %swap3A_845, %swap3A_846] {strides = array<i32>} : memref<6x128x128xf32, #tpu.memory_space<vmem>>, vector<1x1x16xf32>,
      %swap3A_848 = vector.shape_cast %swap3A_847 : vector<1x1x16xf32> to vector<16xf32>
      %swap3A_849 = vector.shape_cast %mul3A_842 : vector<16xf32> to vector<1x1x16xf32>
      tpu.vector_store %arg6[%swap3A_844, %swap3A_845, %swap3A_846], %swap3A_849 {strides = array<i32>} : memref<6x128x128xf32, #tpu.memory_space<vmem>>, vector<1x1x16xf32>,
      %get3A_850 = arith.constant 3 : i32
      %get3A_851 = arith.index_cast %get3A_850 : i32 to index
      %get3A_852 = arith.index_cast %scan3A_770 : i32 to index
      %get3A_853 = arith.constant 80 : index
      %get3A_854 = tpu.vector_load %arg6[%get3A_851, %get3A_852, %get3A_853] {strides = array<i32>} : memref<6x128x128xf32, #tpu.memory_space<vmem>>, vector<1x1x16xf32>,
      %get3A_855 = vector.shape_cast %get3A_854 : vector<1x1x16xf32> to vector<16xf32>
      %mul3A_856 = arith.constant 11.3137083 : f32
      %mul3A_857 = vector.broadcast %mul3A_856 : f32 to vector<16xf32>
      %mul3A_858 = arith.mulf %get3A_855, %mul3A_857 : vector<16xf32>
      %swap3A_859 = arith.constant 3 : i32
      %swap3A_860 = arith.index_cast %swap3A_859 : i32 to index
      %swap3A_861 = arith.index_cast %scan3A_770 : i32 to index
      %swap3A_862 = arith.constant 80 : index
      %swap3A_863 = tpu.vector_load %arg6[%swap3A_860, %swap3A_861, %swap3A_862] {strides = array<i32>} : memref<6x128x128xf32, #tpu.memory_space<vmem>>, vector<1x1x16xf32>,
      %swap3A_864 = vector.shape_cast %swap3A_863 : vector<1x1x16xf32> to vector<16xf32>
      %swap3A_865 = vector.shape_cast %mul3A_858 : vector<16xf32> to vector<1x1x16xf32>
      tpu.vector_store %arg6[%swap3A_860, %swap3A_861, %swap3A_862], %swap3A_865 {strides = array<i32>} : memref<6x128x128xf32, #tpu.memory_space<vmem>>, vector<1x1x16xf32>,
      %get3A_866 = arith.constant 3 : i32
      %get3A_867 = arith.index_cast %get3A_866 : i32 to index
      %get3A_868 = arith.index_cast %scan3A_770 : i32 to index
      %get3A_869 = arith.constant 96 : index
      %get3A_870 = tpu.vector_load %arg6[%get3A_867, %get3A_868, %get3A_869] {strides = array<i32>} : memref<6x128x128xf32, #tpu.memory_space<vmem>>, vector<1x1x16xf32>,
      %get3A_871 = vector.shape_cast %get3A_870 : vector<1x1x16xf32> to vector<16xf32>
      %mul3A_872 = arith.constant 11.3137083 : f32
      %mul3A_873 = vector.broadcast %mul3A_872 : f32 to vector<16xf32>
      %mul3A_874 = arith.mulf %get3A_871, %mul3A_873 : vector<16xf32>
      %swap3A_875 = arith.constant 3 : i32
      %swap3A_876 = arith.index_cast %swap3A_875 : i32 to index
      %swap3A_877 = arith.index_cast %scan3A_770 : i32 to index
      %swap3A_878 = arith.constant 96 : index
      %swap3A_879 = tpu.vector_load %arg6[%swap3A_876, %swap3A_877, %swap3A_878] {strides = array<i32>} : memref<6x128x128xf32, #tpu.memory_space<vmem>>, vector<1x1x16xf32>,
      %swap3A_880 = vector.shape_cast %swap3A_879 : vector<1x1x16xf32> to vector<16xf32>
      %swap3A_881 = vector.shape_cast %mul3A_874 : vector<16xf32> to vector<1x1x16xf32>
      tpu.vector_store %arg6[%swap3A_876, %swap3A_877, %swap3A_878], %swap3A_881 {strides = array<i32>} : memref<6x128x128xf32, #tpu.memory_space<vmem>>, vector<1x1x16xf32>,
      %get3A_882 = arith.constant 3 : i32
      %get3A_883 = arith.index_cast %get3A_882 : i32 to index
      %get3A_884 = arith.index_cast %scan3A_770 : i32 to index
      %get3A_885 = arith.constant 112 : index
      %get3A_886 = tpu.vector_load %arg6[%get3A_883, %get3A_884, %get3A_885] {strides = array<i32>} : memref<6x128x128xf32, #tpu.memory_space<vmem>>, vector<1x1x16xf32>,
      %get3A_887 = vector.shape_cast %get3A_886 : vector<1x1x16xf32> to vector<16xf32>
      %mul3A_888 = arith.constant 11.3137083 : f32
      %mul3A_889 = vector.broadcast %mul3A_888 : f32 to vector<16xf32>
      %mul3A_890 = arith.mulf %get3A_887, %mul3A_889 : vector<16xf32>
      %swap3A_891 = arith.constant 3 : i32
      %swap3A_892 = arith.index_cast %swap3A_891 : i32 to index
      %swap3A_893 = arith.index_cast %scan3A_770 : i32 to index
      %swap3A_894 = arith.constant 112 : index
      %swap3A_895 = tpu.vector_load %arg6[%swap3A_892, %swap3A_893, %swap3A_894] {strides = array<i32>} : memref<6x128x128xf32, #tpu.memory_space<vmem>>, vector<1x1x16xf32>,
      %swap3A_896 = vector.shape_cast %swap3A_895 : vector<1x1x16xf32> to vector<16xf32>
      %swap3A_897 = vector.shape_cast %mul3A_890 : vector<16xf32> to vector<1x1x16xf32>
      tpu.vector_store %arg6[%swap3A_892, %swap3A_893, %swap3A_894], %swap3A_897 {strides = array<i32>} : memref<6x128x128xf32, #tpu.memory_space<vmem>>, vector<1x1x16xf32>,
      %scan3A_898 = arith.constant 0 : i32
      scf.yield %scan3A_898 : i32
    }
    %scan3A_350 = arith.constant 64 : i32
    %add3A_351 = arith.constant 384 : i32
    %add3A_352 = arith.addi %mul3A_2, %add3A_351 : i32
    %dma_start3A_353 = arith.constant 3 : i32
    %dma_start3A_354 = arith.constant 0 : i32
    %dma_start3A_355 = arith.constant 0 : i32
    %dma_start3A_356 = tpu.memref_slice %arg6[%dma_start3A_353, %dma_start3A_354, %dma_start3A_355] : memref<6x128x128xf32, #tpu.memory_space<vmem>> -> memref<1x64x128xf32, #tpu.memory_space<vmem>>
    %dma_start3A_357 = tpu.memref_squeeze %dma_start3A_356 : memref<1x64x128xf32, #tpu.memory_space<vmem>> -> memref<64x128xf32, #tpu.memory_space<vmem>>
    %dma_start3A_358 = arith.constant 0 : i32
    %dma_start3A_359 = tpu.memref_slice %arg4[%add3A_352, %dma_start3A_358] : memref<32768x128xf32, #tpu.memory_space<hbm>> -> memref<64x128xf32, #tpu.memory_space<hbm>>
    %dma_start3A_360 = arith.constant 0 : i32
    %dma_start3A_361 = tpu.memref_slice %arg4[%add3A_352, %dma_start3A_360] : memref<32768x128xf32, #tpu.memory_space<hbm>> -> memref<64x128xf32, #tpu.memory_space<hbm>>
    %dma_start3A_362 = arith.constant 0 : i32
    %dma_start3A_363 = arith.constant 0 : i32
    %dma_start3A_364 = tpu.memref_slice %arg6[%dma_start3A_353, %dma_start3A_362, %dma_start3A_363] : memref<6x128x128xf32, #tpu.memory_space<vmem>> -> memref<1x64x128xf32, #tpu.memory_space<vmem>>
    %dma_start3A_365 = tpu.memref_squeeze %dma_start3A_364 : memref<1x64x128xf32, #tpu.memory_space<vmem>> -> memref<64x128xf32, #tpu.memory_space<vmem>>
    tpu.enqueue_dma source(%dma_start3A_365 : memref<64x128xf32, #tpu.memory_space<vmem>>) target(%dma_start3A_361 : memref<64x128xf32, #tpu.memory_space<hbm>>) target_semaphore(%arg16 : memref<!tpu.dma_semaphore, #tpu.memory_space<semaphore_mem>>)
    %scan3A_366 = arith.constant 0 : i32
    %scan3A_367 = arith.constant 64 : i32
    %scan3A_368 = arith.constant 64 : i32
    %scan3A_369 = arith.addi %scan3A_367, %scan3A_368 : i32
    %scan3A_370 = arith.constant 1 : i32
    %scan3A_371 = scf.for %scan3A_770 = %scan3A_367 to %scan3A_369 step %scan3A_370 iter_args(%scan3A_771 = %scan3A_366) -> (i32)  : i32 {
      %get3A = arith.constant 3 : i32
      %get3A_772 = arith.index_cast %get3A : i32 to index
      %get3A_773 = arith.index_cast %scan3A_770 : i32 to index
      %get3A_774 = arith.constant 0 : index
      %get3A_775 = tpu.vector_load %arg6[%get3A_772, %get3A_773, %get3A_774] {strides = array<i32>} : memref<6x128x128xf32, #tpu.memory_space<vmem>>, vector<1x1x16xf32>,
      %get3A_776 = vector.shape_cast %get3A_775 : vector<1x1x16xf32> to vector<16xf32>
      %mul3A_777 = arith.constant 11.3137083 : f32
      %mul3A_778 = vector.broadcast %mul3A_777 : f32 to vector<16xf32>
      %mul3A_779 = arith.mulf %get3A_776, %mul3A_778 : vector<16xf32>
      %swap3A = arith.constant 3 : i32
      %swap3A_780 = arith.index_cast %swap3A : i32 to index
      %swap3A_781 = arith.index_cast %scan3A_770 : i32 to index
      %swap3A_782 = arith.constant 0 : index
      %swap3A_783 = tpu.vector_load %arg6[%swap3A_780, %swap3A_781, %swap3A_782] {strides = array<i32>} : memref<6x128x128xf32, #tpu.memory_space<vmem>>, vector<1x1x16xf32>,
      %swap3A_784 = vector.shape_cast %swap3A_783 : vector<1x1x16xf32> to vector<16xf32>
      %swap3A_785 = vector.shape_cast %mul3A_779 : vector<16xf32> to vector<1x1x16xf32>
      tpu.vector_store %arg6[%swap3A_780, %swap3A_781, %swap3A_782], %swap3A_785 {strides = array<i32>} : memref<6x128x128xf32, #tpu.memory_space<vmem>>, vector<1x1x16xf32>,
      %get3A_786 = arith.constant 3 : i32
      %get3A_787 = arith.index_cast %get3A_786 : i32 to index
      %get3A_788 = arith.index_cast %scan3A_770 : i32 to index
      %get3A_789 = arith.constant 16 : index
      %get3A_790 = tpu.vector_load %arg6[%get3A_787, %get3A_788, %get3A_789] {strides = array<i32>} : memref<6x128x128xf32, #tpu.memory_space<vmem>>, vector<1x1x16xf32>,
      %get3A_791 = vector.shape_cast %get3A_790 : vector<1x1x16xf32> to vector<16xf32>
      %mul3A_792 = arith.constant 11.3137083 : f32
      %mul3A_793 = vector.broadcast %mul3A_792 : f32 to vector<16xf32>
      %mul3A_794 = arith.mulf %get3A_791, %mul3A_793 : vector<16xf32>
      %swap3A_795 = arith.constant 3 : i32
      %swap3A_796 = arith.index_cast %swap3A_795 : i32 to index
      %swap3A_797 = arith.index_cast %scan3A_770 : i32 to index
      %swap3A_798 = arith.constant 16 : index
      %swap3A_799 = tpu.vector_load %arg6[%swap3A_796, %swap3A_797, %swap3A_798] {strides = array<i32>} : memref<6x128x128xf32, #tpu.memory_space<vmem>>, vector<1x1x16xf32>,
      %swap3A_800 = vector.shape_cast %swap3A_799 : vector<1x1x16xf32> to vector<16xf32>
      %swap3A_801 = vector.shape_cast %mul3A_794 : vector<16xf32> to vector<1x1x16xf32>
      tpu.vector_store %arg6[%swap3A_796, %swap3A_797, %swap3A_798], %swap3A_801 {strides = array<i32>} : memref<6x128x128xf32, #tpu.memory_space<vmem>>, vector<1x1x16xf32>,
      %get3A_802 = arith.constant 3 : i32
      %get3A_803 = arith.index_cast %get3A_802 : i32 to index
      %get3A_804 = arith.index_cast %scan3A_770 : i32 to index
      %get3A_805 = arith.constant 32 : index
      %get3A_806 = tpu.vector_load %arg6[%get3A_803, %get3A_804, %get3A_805] {strides = array<i32>} : memref<6x128x128xf32, #tpu.memory_space<vmem>>, vector<1x1x16xf32>,
      %get3A_807 = vector.shape_cast %get3A_806 : vector<1x1x16xf32> to vector<16xf32>
      %mul3A_808 = arith.constant 11.3137083 : f32
      %mul3A_809 = vector.broadcast %mul3A_808 : f32 to vector<16xf32>
      %mul3A_810 = arith.mulf %get3A_807, %mul3A_809 : vector<16xf32>
      %swap3A_811 = arith.constant 3 : i32
      %swap3A_812 = arith.index_cast %swap3A_811 : i32 to index
      %swap3A_813 = arith.index_cast %scan3A_770 : i32 to index
      %swap3A_814 = arith.constant 32 : index
      %swap3A_815 = tpu.vector_load %arg6[%swap3A_812, %swap3A_813, %swap3A_814] {strides = array<i32>} : memref<6x128x128xf32, #tpu.memory_space<vmem>>, vector<1x1x16xf32>,
      %swap3A_816 = vector.shape_cast %swap3A_815 : vector<1x1x16xf32> to vector<16xf32>
      %swap3A_817 = vector.shape_cast %mul3A_810 : vector<16xf32> to vector<1x1x16xf32>
      tpu.vector_store %arg6[%swap3A_812, %swap3A_813, %swap3A_814], %swap3A_817 {strides = array<i32>} : memref<6x128x128xf32, #tpu.memory_space<vmem>>, vector<1x1x16xf32>,
      %get3A_818 = arith.constant 3 : i32
      %get3A_819 = arith.index_cast %get3A_818 : i32 to index
      %get3A_820 = arith.index_cast %scan3A_770 : i32 to index
      %get3A_821 = arith.constant 48 : index
      %get3A_822 = tpu.vector_load %arg6[%get3A_819, %get3A_820, %get3A_821] {strides = array<i32>} : memref<6x128x128xf32, #tpu.memory_space<vmem>>, vector<1x1x16xf32>,
      %get3A_823 = vector.shape_cast %get3A_822 : vector<1x1x16xf32> to vector<16xf32>
      %mul3A_824 = arith.constant 11.3137083 : f32
      %mul3A_825 = vector.broadcast %mul3A_824 : f32 to vector<16xf32>
      %mul3A_826 = arith.mulf %get3A_823, %mul3A_825 : vector<16xf32>
      %swap3A_827 = arith.constant 3 : i32
      %swap3A_828 = arith.index_cast %swap3A_827 : i32 to index
      %swap3A_829 = arith.index_cast %scan3A_770 : i32 to index
      %swap3A_830 = arith.constant 48 : index
      %swap3A_831 = tpu.vector_load %arg6[%swap3A_828, %swap3A_829, %swap3A_830] {strides = array<i32>} : memref<6x128x128xf32, #tpu.memory_space<vmem>>, vector<1x1x16xf32>,
      %swap3A_832 = vector.shape_cast %swap3A_831 : vector<1x1x16xf32> to vector<16xf32>
      %swap3A_833 = vector.shape_cast %mul3A_826 : vector<16xf32> to vector<1x1x16xf32>
      tpu.vector_store %arg6[%swap3A_828, %swap3A_829, %swap3A_830], %swap3A_833 {strides = array<i32>} : memref<6x128x128xf32, #tpu.memory_space<vmem>>, vector<1x1x16xf32>,
      %get3A_834 = arith.constant 3 : i32
      %get3A_835 = arith.index_cast %get3A_834 : i32 to index
      %get3A_836 = arith.index_cast %scan3A_770 : i32 to index
      %get3A_837 = arith.constant 64 : index
      %get3A_838 = tpu.vector_load %arg6[%get3A_835, %get3A_836, %get3A_837] {strides = array<i32>} : memref<6x128x128xf32, #tpu.memory_space<vmem>>, vector<1x1x16xf32>,
      %get3A_839 = vector.shape_cast %get3A_838 : vector<1x1x16xf32> to vector<16xf32>
      %mul3A_840 = arith.constant 11.3137083 : f32
      %mul3A_841 = vector.broadcast %mul3A_840 : f32 to vector<16xf32>
      %mul3A_842 = arith.mulf %get3A_839, %mul3A_841 : vector<16xf32>
      %swap3A_843 = arith.constant 3 : i32
      %swap3A_844 = arith.index_cast %swap3A_843 : i32 to index
      %swap3A_845 = arith.index_cast %scan3A_770 : i32 to index
      %swap3A_846 = arith.constant 64 : index
      %swap3A_847 = tpu.vector_load %arg6[%swap3A_844, %swap3A_845, %swap3A_846] {strides = array<i32>} : memref<6x128x128xf32, #tpu.memory_space<vmem>>, vector<1x1x16xf32>,
      %swap3A_848 = vector.shape_cast %swap3A_847 : vector<1x1x16xf32> to vector<16xf32>
      %swap3A_849 = vector.shape_cast %mul3A_842 : vector<16xf32> to vector<1x1x16xf32>
      tpu.vector_store %arg6[%swap3A_844, %swap3A_845, %swap3A_846], %swap3A_849 {strides = array<i32>} : memref<6x128x128xf32, #tpu.memory_space<vmem>>, vector<1x1x16xf32>,
      %get3A_850 = arith.constant 3 : i32
      %get3A_851 = arith.index_cast %get3A_850 : i32 to index
      %get3A_852 = arith.index_cast %scan3A_770 : i32 to index
      %get3A_853 = arith.constant 80 : index
      %get3A_854 = tpu.vector_load %arg6[%get3A_851, %get3A_852, %get3A_853] {strides = array<i32>} : memref<6x128x128xf32, #tpu.memory_space<vmem>>, vector<1x1x16xf32>,
      %get3A_855 = vector.shape_cast %get3A_854 : vector<1x1x16xf32> to vector<16xf32>
      %mul3A_856 = arith.constant 11.3137083 : f32
      %mul3A_857 = vector.broadcast %mul3A_856 : f32 to vector<16xf32>
      %mul3A_858 = arith.mulf %get3A_855, %mul3A_857 : vector<16xf32>
      %swap3A_859 = arith.constant 3 : i32
      %swap3A_860 = arith.index_cast %swap3A_859 : i32 to index
      %swap3A_861 = arith.index_cast %scan3A_770 : i32 to index
      %swap3A_862 = arith.constant 80 : index
      %swap3A_863 = tpu.vector_load %arg6[%swap3A_860, %swap3A_861, %swap3A_862] {strides = array<i32>} : memref<6x128x128xf32, #tpu.memory_space<vmem>>, vector<1x1x16xf32>,
      %swap3A_864 = vector.shape_cast %swap3A_863 : vector<1x1x16xf32> to vector<16xf32>
      %swap3A_865 = vector.shape_cast %mul3A_858 : vector<16xf32> to vector<1x1x16xf32>
      tpu.vector_store %arg6[%swap3A_860, %swap3A_861, %swap3A_862], %swap3A_865 {strides = array<i32>} : memref<6x128x128xf32, #tpu.memory_space<vmem>>, vector<1x1x16xf32>,
      %get3A_866 = arith.constant 3 : i32
      %get3A_867 = arith.index_cast %get3A_866 : i32 to index
      %get3A_868 = arith.index_cast %scan3A_770 : i32 to index
      %get3A_869 = arith.constant 96 : index
      %get3A_870 = tpu.vector_load %arg6[%get3A_867, %get3A_868, %get3A_869] {strides = array<i32>} : memref<6x128x128xf32, #tpu.memory_space<vmem>>, vector<1x1x16xf32>,
      %get3A_871 = vector.shape_cast %get3A_870 : vector<1x1x16xf32> to vector<16xf32>
      %mul3A_872 = arith.constant 11.3137083 : f32
      %mul3A_873 = vector.broadcast %mul3A_872 : f32 to vector<16xf32>
      %mul3A_874 = arith.mulf %get3A_871, %mul3A_873 : vector<16xf32>
      %swap3A_875 = arith.constant 3 : i32
      %swap3A_876 = arith.index_cast %swap3A_875 : i32 to index
      %swap3A_877 = arith.index_cast %scan3A_770 : i32 to index
      %swap3A_878 = arith.constant 96 : index
      %swap3A_879 = tpu.vector_load %arg6[%swap3A_876, %swap3A_877, %swap3A_878] {strides = array<i32>} : memref<6x128x128xf32, #tpu.memory_space<vmem>>, vector<1x1x16xf32>,
      %swap3A_880 = vector.shape_cast %swap3A_879 : vector<1x1x16xf32> to vector<16xf32>
      %swap3A_881 = vector.shape_cast %mul3A_874 : vector<16xf32> to vector<1x1x16xf32>
      tpu.vector_store %arg6[%swap3A_876, %swap3A_877, %swap3A_878], %swap3A_881 {strides = array<i32>} : memref<6x128x128xf32, #tpu.memory_space<vmem>>, vector<1x1x16xf32>,
      %get3A_882 = arith.constant 3 : i32
      %get3A_883 = arith.index_cast %get3A_882 : i32 to index
      %get3A_884 = arith.index_cast %scan3A_770 : i32 to index
      %get3A_885 = arith.constant 112 : index
      %get3A_886 = tpu.vector_load %arg6[%get3A_883, %get3A_884, %get3A_885] {strides = array<i32>} : memref<6x128x128xf32, #tpu.memory_space<vmem>>, vector<1x1x16xf32>,
      %get3A_887 = vector.shape_cast %get3A_886 : vector<1x1x16xf32> to vector<16xf32>
      %mul3A_888 = arith.constant 11.3137083 : f32
      %mul3A_889 = vector.broadcast %mul3A_888 : f32 to vector<16xf32>
      %mul3A_890 = arith.mulf %get3A_887, %mul3A_889 : vector<16xf32>
      %swap3A_891 = arith.constant 3 : i32
      %swap3A_892 = arith.index_cast %swap3A_891 : i32 to index
      %swap3A_893 = arith.index_cast %scan3A_770 : i32 to index
      %swap3A_894 = arith.constant 112 : index
      %swap3A_895 = tpu.vector_load %arg6[%swap3A_892, %swap3A_893, %swap3A_894] {strides = array<i32>} : memref<6x128x128xf32, #tpu.memory_space<vmem>>, vector<1x1x16xf32>,
      %swap3A_896 = vector.shape_cast %swap3A_895 : vector<1x1x16xf32> to vector<16xf32>
      %swap3A_897 = vector.shape_cast %mul3A_890 : vector<16xf32> to vector<1x1x16xf32>
      tpu.vector_store %arg6[%swap3A_892, %swap3A_893, %swap3A_894], %swap3A_897 {strides = array<i32>} : memref<6x128x128xf32, #tpu.memory_space<vmem>>, vector<1x1x16xf32>,
      %scan3A_898 = arith.constant 0 : i32
      scf.yield %scan3A_898 : i32
    }
    %scan3A_372 = arith.constant 64 : i32
    %add3A_373 = arith.constant 384 : i32
    %add3A_374 = arith.addi %mul3A_2, %add3A_373 : i32
    %add3A_375 = arith.constant 64 : i32
    %add3A_376 = arith.addi %add3A_374, %add3A_375 : i32
    %dma_start3A_377 = arith.constant 3 : i32
    %dma_start3A_378 = arith.constant 64 : i32
    %dma_start3A_379 = arith.constant 0 : i32
    %dma_start3A_380 = tpu.memref_slice %arg6[%dma_start3A_377, %dma_start3A_378, %dma_start3A_379] : memref<6x128x128xf32, #tpu.memory_space<vmem>> -> memref<1x64x128xf32, #tpu.memory_space<vmem>>
    %dma_start3A_381 = tpu.memref_squeeze %dma_start3A_380 : memref<1x64x128xf32, #tpu.memory_space<vmem>> -> memref<64x128xf32, #tpu.memory_space<vmem>>
    %dma_start3A_382 = arith.constant 0 : i32
    %dma_start3A_383 = tpu.memref_slice %arg4[%add3A_376, %dma_start3A_382] : memref<32768x128xf32, #tpu.memory_space<hbm>> -> memref<64x128xf32, #tpu.memory_space<hbm>>
    %dma_start3A_384 = arith.constant 0 : i32
    %dma_start3A_385 = tpu.memref_slice %arg4[%add3A_376, %dma_start3A_384] : memref<32768x128xf32, #tpu.memory_space<hbm>> -> memref<64x128xf32, #tpu.memory_space<hbm>>
    %dma_start3A_386 = arith.constant 64 : i32
    %dma_start3A_387 = arith.constant 0 : i32
    %dma_start3A_388 = tpu.memref_slice %arg6[%dma_start3A_377, %dma_start3A_386, %dma_start3A_387] : memref<6x128x128xf32, #tpu.memory_space<vmem>> -> memref<1x64x128xf32, #tpu.memory_space<vmem>>
    %dma_start3A_389 = tpu.memref_squeeze %dma_start3A_388 : memref<1x64x128xf32, #tpu.memory_space<vmem>> -> memref<64x128xf32, #tpu.memory_space<vmem>>
    tpu.enqueue_dma source(%dma_start3A_389 : memref<64x128xf32, #tpu.memory_space<vmem>>) target(%dma_start3A_385 : memref<64x128xf32, #tpu.memory_space<hbm>>) target_semaphore(%arg16 : memref<!tpu.dma_semaphore, #tpu.memory_space<semaphore_mem>>)
    %dma_wait3A_390 = arith.constant 4 : i32
    %dma_wait3A_391 = arith.constant 0 : i32
    %dma_wait3A_392 = arith.constant 0 : i32
    %dma_wait3A_393 = tpu.memref_slice %arg6[%dma_wait3A_390, %dma_wait3A_391, %dma_wait3A_392] : memref<6x128x128xf32, #tpu.memory_space<vmem>> -> memref<1x128x128xf32, #tpu.memory_space<vmem>>
    %dma_wait3A_394 = tpu.memref_squeeze %dma_wait3A_393 : memref<1x128x128xf32, #tpu.memory_space<vmem>> -> memref<128x128xf32, #tpu.memory_space<vmem>>
    %dma_wait3A_395 = arith.constant 512 : i32
    %dma_wait3A_396 = tpu.memref_slice %arg5[%dma_wait3A_395] : memref<1024xi32, #tpu.memory_space<vmem>> -> memref<128xi32, #tpu.memory_space<vmem>>
    %dma_wait3A_397 = arith.constant 0 : i32
    %dma_wait3A_398 = arith.constant 0 : i32
    %dma_wait3A_399 = tpu.memref_slice %arg3[%dma_wait3A_397, %dma_wait3A_398] : memref<1000000x128xf32, #tpu.memory_space<hbm>> -> memref<1000000x128xf32, #tpu.memory_space<hbm>>
    tpu.wait_indirect_dma semaphore(%arg11 : memref<!tpu.dma_semaphore, #tpu.memory_space<semaphore_mem>>) src(%dma_wait3A_399 : memref<1000000x128xf32, #tpu.memory_space<hbm>>) dst(%dma_wait3A_394 : memref<128x128xf32, #tpu.memory_space<vmem>>)
    %scan3A_400 = arith.constant 0 : i32
    %scan3A_401 = arith.constant 0 : i32
    %scan3A_402 = arith.constant 64 : i32
    %scan3A_403 = arith.addi %scan3A_401, %scan3A_402 : i32
    %scan3A_404 = arith.constant 1 : i32
    %scan3A_405 = scf.for %scan3A_770 = %scan3A_401 to %scan3A_403 step %scan3A_404 iter_args(%scan3A_771 = %scan3A_400) -> (i32)  : i32 {
      %get3A = arith.constant 4 : i32
      %get3A_772 = arith.index_cast %get3A : i32 to index
      %get3A_773 = arith.index_cast %scan3A_770 : i32 to index
      %get3A_774 = arith.constant 0 : index
      %get3A_775 = tpu.vector_load %arg6[%get3A_772, %get3A_773, %get3A_774] {strides = array<i32>} : memref<6x128x128xf32, #tpu.memory_space<vmem>>, vector<1x1x16xf32>,
      %get3A_776 = vector.shape_cast %get3A_775 : vector<1x1x16xf32> to vector<16xf32>
      %mul3A_777 = arith.constant 11.3137083 : f32
      %mul3A_778 = vector.broadcast %mul3A_777 : f32 to vector<16xf32>
      %mul3A_779 = arith.mulf %get3A_776, %mul3A_778 : vector<16xf32>
      %swap3A = arith.constant 4 : i32
      %swap3A_780 = arith.index_cast %swap3A : i32 to index
      %swap3A_781 = arith.index_cast %scan3A_770 : i32 to index
      %swap3A_782 = arith.constant 0 : index
      %swap3A_783 = tpu.vector_load %arg6[%swap3A_780, %swap3A_781, %swap3A_782] {strides = array<i32>} : memref<6x128x128xf32, #tpu.memory_space<vmem>>, vector<1x1x16xf32>,
      %swap3A_784 = vector.shape_cast %swap3A_783 : vector<1x1x16xf32> to vector<16xf32>
      %swap3A_785 = vector.shape_cast %mul3A_779 : vector<16xf32> to vector<1x1x16xf32>
      tpu.vector_store %arg6[%swap3A_780, %swap3A_781, %swap3A_782], %swap3A_785 {strides = array<i32>} : memref<6x128x128xf32, #tpu.memory_space<vmem>>, vector<1x1x16xf32>,
      %get3A_786 = arith.constant 4 : i32
      %get3A_787 = arith.index_cast %get3A_786 : i32 to index
      %get3A_788 = arith.index_cast %scan3A_770 : i32 to index
      %get3A_789 = arith.constant 16 : index
      %get3A_790 = tpu.vector_load %arg6[%get3A_787, %get3A_788, %get3A_789] {strides = array<i32>} : memref<6x128x128xf32, #tpu.memory_space<vmem>>, vector<1x1x16xf32>,
      %get3A_791 = vector.shape_cast %get3A_790 : vector<1x1x16xf32> to vector<16xf32>
      %mul3A_792 = arith.constant 11.3137083 : f32
      %mul3A_793 = vector.broadcast %mul3A_792 : f32 to vector<16xf32>
      %mul3A_794 = arith.mulf %get3A_791, %mul3A_793 : vector<16xf32>
      %swap3A_795 = arith.constant 4 : i32
      %swap3A_796 = arith.index_cast %swap3A_795 : i32 to index
      %swap3A_797 = arith.index_cast %scan3A_770 : i32 to index
      %swap3A_798 = arith.constant 16 : index
      %swap3A_799 = tpu.vector_load %arg6[%swap3A_796, %swap3A_797, %swap3A_798] {strides = array<i32>} : memref<6x128x128xf32, #tpu.memory_space<vmem>>, vector<1x1x16xf32>,
      %swap3A_800 = vector.shape_cast %swap3A_799 : vector<1x1x16xf32> to vector<16xf32>
      %swap3A_801 = vector.shape_cast %mul3A_794 : vector<16xf32> to vector<1x1x16xf32>
      tpu.vector_store %arg6[%swap3A_796, %swap3A_797, %swap3A_798], %swap3A_801 {strides = array<i32>} : memref<6x128x128xf32, #tpu.memory_space<vmem>>, vector<1x1x16xf32>,
      %get3A_802 = arith.constant 4 : i32
      %get3A_803 = arith.index_cast %get3A_802 : i32 to index
      %get3A_804 = arith.index_cast %scan3A_770 : i32 to index
      %get3A_805 = arith.constant 32 : index
      %get3A_806 = tpu.vector_load %arg6[%get3A_803, %get3A_804, %get3A_805] {strides = array<i32>} : memref<6x128x128xf32, #tpu.memory_space<vmem>>, vector<1x1x16xf32>,
      %get3A_807 = vector.shape_cast %get3A_806 : vector<1x1x16xf32> to vector<16xf32>
      %mul3A_808 = arith.constant 11.3137083 : f32
      %mul3A_809 = vector.broadcast %mul3A_808 : f32 to vector<16xf32>
      %mul3A_810 = arith.mulf %get3A_807, %mul3A_809 : vector<16xf32>
      %swap3A_811 = arith.constant 4 : i32
      %swap3A_812 = arith.index_cast %swap3A_811 : i32 to index
      %swap3A_813 = arith.index_cast %scan3A_770 : i32 to index
      %swap3A_814 = arith.constant 32 : index
      %swap3A_815 = tpu.vector_load %arg6[%swap3A_812, %swap3A_813, %swap3A_814] {strides = array<i32>} : memref<6x128x128xf32, #tpu.memory_space<vmem>>, vector<1x1x16xf32>,
      %swap3A_816 = vector.shape_cast %swap3A_815 : vector<1x1x16xf32> to vector<16xf32>
      %swap3A_817 = vector.shape_cast %mul3A_810 : vector<16xf32> to vector<1x1x16xf32>
      tpu.vector_store %arg6[%swap3A_812, %swap3A_813, %swap3A_814], %swap3A_817 {strides = array<i32>} : memref<6x128x128xf32, #tpu.memory_space<vmem>>, vector<1x1x16xf32>,
      %get3A_818 = arith.constant 4 : i32
      %get3A_819 = arith.index_cast %get3A_818 : i32 to index
      %get3A_820 = arith.index_cast %scan3A_770 : i32 to index
      %get3A_821 = arith.constant 48 : index
      %get3A_822 = tpu.vector_load %arg6[%get3A_819, %get3A_820, %get3A_821] {strides = array<i32>} : memref<6x128x128xf32, #tpu.memory_space<vmem>>, vector<1x1x16xf32>,
      %get3A_823 = vector.shape_cast %get3A_822 : vector<1x1x16xf32> to vector<16xf32>
      %mul3A_824 = arith.constant 11.3137083 : f32
      %mul3A_825 = vector.broadcast %mul3A_824 : f32 to vector<16xf32>
      %mul3A_826 = arith.mulf %get3A_823, %mul3A_825 : vector<16xf32>
      %swap3A_827 = arith.constant 4 : i32
      %swap3A_828 = arith.index_cast %swap3A_827 : i32 to index
      %swap3A_829 = arith.index_cast %scan3A_770 : i32 to index
      %swap3A_830 = arith.constant 48 : index
      %swap3A_831 = tpu.vector_load %arg6[%swap3A_828, %swap3A_829, %swap3A_830] {strides = array<i32>} : memref<6x128x128xf32, #tpu.memory_space<vmem>>, vector<1x1x16xf32>,
      %swap3A_832 = vector.shape_cast %swap3A_831 : vector<1x1x16xf32> to vector<16xf32>
      %swap3A_833 = vector.shape_cast %mul3A_826 : vector<16xf32> to vector<1x1x16xf32>
      tpu.vector_store %arg6[%swap3A_828, %swap3A_829, %swap3A_830], %swap3A_833 {strides = array<i32>} : memref<6x128x128xf32, #tpu.memory_space<vmem>>, vector<1x1x16xf32>,
      %get3A_834 = arith.constant 4 : i32
      %get3A_835 = arith.index_cast %get3A_834 : i32 to index
      %get3A_836 = arith.index_cast %scan3A_770 : i32 to index
      %get3A_837 = arith.constant 64 : index
      %get3A_838 = tpu.vector_load %arg6[%get3A_835, %get3A_836, %get3A_837] {strides = array<i32>} : memref<6x128x128xf32, #tpu.memory_space<vmem>>, vector<1x1x16xf32>,
      %get3A_839 = vector.shape_cast %get3A_838 : vector<1x1x16xf32> to vector<16xf32>
      %mul3A_840 = arith.constant 11.3137083 : f32
      %mul3A_841 = vector.broadcast %mul3A_840 : f32 to vector<16xf32>
      %mul3A_842 = arith.mulf %get3A_839, %mul3A_841 : vector<16xf32>
      %swap3A_843 = arith.constant 4 : i32
      %swap3A_844 = arith.index_cast %swap3A_843 : i32 to index
      %swap3A_845 = arith.index_cast %scan3A_770 : i32 to index
      %swap3A_846 = arith.constant 64 : index
      %swap3A_847 = tpu.vector_load %arg6[%swap3A_844, %swap3A_845, %swap3A_846] {strides = array<i32>} : memref<6x128x128xf32, #tpu.memory_space<vmem>>, vector<1x1x16xf32>,
      %swap3A_848 = vector.shape_cast %swap3A_847 : vector<1x1x16xf32> to vector<16xf32>
      %swap3A_849 = vector.shape_cast %mul3A_842 : vector<16xf32> to vector<1x1x16xf32>
      tpu.vector_store %arg6[%swap3A_844, %swap3A_845, %swap3A_846], %swap3A_849 {strides = array<i32>} : memref<6x128x128xf32, #tpu.memory_space<vmem>>, vector<1x1x16xf32>,
      %get3A_850 = arith.constant 4 : i32
      %get3A_851 = arith.index_cast %get3A_850 : i32 to index
      %get3A_852 = arith.index_cast %scan3A_770 : i32 to index
      %get3A_853 = arith.constant 80 : index
      %get3A_854 = tpu.vector_load %arg6[%get3A_851, %get3A_852, %get3A_853] {strides = array<i32>} : memref<6x128x128xf32, #tpu.memory_space<vmem>>, vector<1x1x16xf32>,
      %get3A_855 = vector.shape_cast %get3A_854 : vector<1x1x16xf32> to vector<16xf32>
      %mul3A_856 = arith.constant 11.3137083 : f32
      %mul3A_857 = vector.broadcast %mul3A_856 : f32 to vector<16xf32>
      %mul3A_858 = arith.mulf %get3A_855, %mul3A_857 : vector<16xf32>
      %swap3A_859 = arith.constant 4 : i32
      %swap3A_860 = arith.index_cast %swap3A_859 : i32 to index
      %swap3A_861 = arith.index_cast %scan3A_770 : i32 to index
      %swap3A_862 = arith.constant 80 : index
      %swap3A_863 = tpu.vector_load %arg6[%swap3A_860, %swap3A_861, %swap3A_862] {strides = array<i32>} : memref<6x128x128xf32, #tpu.memory_space<vmem>>, vector<1x1x16xf32>,
      %swap3A_864 = vector.shape_cast %swap3A_863 : vector<1x1x16xf32> to vector<16xf32>
      %swap3A_865 = vector.shape_cast %mul3A_858 : vector<16xf32> to vector<1x1x16xf32>
      tpu.vector_store %arg6[%swap3A_860, %swap3A_861, %swap3A_862], %swap3A_865 {strides = array<i32>} : memref<6x128x128xf32, #tpu.memory_space<vmem>>, vector<1x1x16xf32>,
      %get3A_866 = arith.constant 4 : i32
      %get3A_867 = arith.index_cast %get3A_866 : i32 to index
      %get3A_868 = arith.index_cast %scan3A_770 : i32 to index
      %get3A_869 = arith.constant 96 : index
      %get3A_870 = tpu.vector_load %arg6[%get3A_867, %get3A_868, %get3A_869] {strides = array<i32>} : memref<6x128x128xf32, #tpu.memory_space<vmem>>, vector<1x1x16xf32>,
      %get3A_871 = vector.shape_cast %get3A_870 : vector<1x1x16xf32> to vector<16xf32>
      %mul3A_872 = arith.constant 11.3137083 : f32
      %mul3A_873 = vector.broadcast %mul3A_872 : f32 to vector<16xf32>
      %mul3A_874 = arith.mulf %get3A_871, %mul3A_873 : vector<16xf32>
      %swap3A_875 = arith.constant 4 : i32
      %swap3A_876 = arith.index_cast %swap3A_875 : i32 to index
      %swap3A_877 = arith.index_cast %scan3A_770 : i32 to index
      %swap3A_878 = arith.constant 96 : index
      %swap3A_879 = tpu.vector_load %arg6[%swap3A_876, %swap3A_877, %swap3A_878] {strides = array<i32>} : memref<6x128x128xf32, #tpu.memory_space<vmem>>, vector<1x1x16xf32>,
      %swap3A_880 = vector.shape_cast %swap3A_879 : vector<1x1x16xf32> to vector<16xf32>
      %swap3A_881 = vector.shape_cast %mul3A_874 : vector<16xf32> to vector<1x1x16xf32>
      tpu.vector_store %arg6[%swap3A_876, %swap3A_877, %swap3A_878], %swap3A_881 {strides = array<i32>} : memref<6x128x128xf32, #tpu.memory_space<vmem>>, vector<1x1x16xf32>,
      %get3A_882 = arith.constant 4 : i32
      %get3A_883 = arith.index_cast %get3A_882 : i32 to index
      %get3A_884 = arith.index_cast %scan3A_770 : i32 to index
      %get3A_885 = arith.constant 112 : index
      %get3A_886 = tpu.vector_load %arg6[%get3A_883, %get3A_884, %get3A_885] {strides = array<i32>} : memref<6x128x128xf32, #tpu.memory_space<vmem>>, vector<1x1x16xf32>,
      %get3A_887 = vector.shape_cast %get3A_886 : vector<1x1x16xf32> to vector<16xf32>
      %mul3A_888 = arith.constant 11.3137083 : f32
      %mul3A_889 = vector.broadcast %mul3A_888 : f32 to vector<16xf32>
      %mul3A_890 = arith.mulf %get3A_887, %mul3A_889 : vector<16xf32>
      %swap3A_891 = arith.constant 4 : i32
      %swap3A_892 = arith.index_cast %swap3A_891 : i32 to index
      %swap3A_893 = arith.index_cast %scan3A_770 : i32 to index
      %swap3A_894 = arith.constant 112 : index
      %swap3A_895 = tpu.vector_load %arg6[%swap3A_892, %swap3A_893, %swap3A_894] {strides = array<i32>} : memref<6x128x128xf32, #tpu.memory_space<vmem>>, vector<1x1x16xf32>,
      %swap3A_896 = vector.shape_cast %swap3A_895 : vector<1x1x16xf32> to vector<16xf32>
      %swap3A_897 = vector.shape_cast %mul3A_890 : vector<16xf32> to vector<1x1x16xf32>
      tpu.vector_store %arg6[%swap3A_892, %swap3A_893, %swap3A_894], %swap3A_897 {strides = array<i32>} : memref<6x128x128xf32, #tpu.memory_space<vmem>>, vector<1x1x16xf32>,
      %scan3A_898 = arith.constant 0 : i32
      scf.yield %scan3A_898 : i32
    }
    %scan3A_406 = arith.constant 64 : i32
    %add3A_407 = arith.constant 512 : i32
    %add3A_408 = arith.addi %mul3A_2, %add3A_407 : i32
    %dma_start3A_409 = arith.constant 4 : i32
    %dma_start3A_410 = arith.constant 0 : i32
    %dma_start3A_411 = arith.constant 0 : i32
    %dma_start3A_412 = tpu.memref_slice %arg6[%dma_start3A_409, %dma_start3A_410, %dma_start3A_411] : memref<6x128x128xf32, #tpu.memory_space<vmem>> -> memref<1x64x128xf32, #tpu.memory_space<vmem>>
    %dma_start3A_413 = tpu.memref_squeeze %dma_start3A_412 : memref<1x64x128xf32, #tpu.memory_space<vmem>> -> memref<64x128xf32, #tpu.memory_space<vmem>>
    %dma_start3A_414 = arith.constant 0 : i32
    %dma_start3A_415 = tpu.memref_slice %arg4[%add3A_408, %dma_start3A_414] : memref<32768x128xf32, #tpu.memory_space<hbm>> -> memref<64x128xf32, #tpu.memory_space<hbm>>
    %dma_start3A_416 = arith.constant 0 : i32
    %dma_start3A_417 = tpu.memref_slice %arg4[%add3A_408, %dma_start3A_416] : memref<32768x128xf32, #tpu.memory_space<hbm>> -> memref<64x128xf32, #tpu.memory_space<hbm>>
    %dma_start3A_418 = arith.constant 0 : i32
    %dma_start3A_419 = arith.constant 0 : i32
    %dma_start3A_420 = tpu.memref_slice %arg6[%dma_start3A_409, %dma_start3A_418, %dma_start3A_419] : memref<6x128x128xf32, #tpu.memory_space<vmem>> -> memref<1x64x128xf32, #tpu.memory_space<vmem>>
    %dma_start3A_421 = tpu.memref_squeeze %dma_start3A_420 : memref<1x64x128xf32, #tpu.memory_space<vmem>> -> memref<64x128xf32, #tpu.memory_space<vmem>>
    tpu.enqueue_dma source(%dma_start3A_421 : memref<64x128xf32, #tpu.memory_space<vmem>>) target(%dma_start3A_417 : memref<64x128xf32, #tpu.memory_space<hbm>>) target_semaphore(%arg17 : memref<!tpu.dma_semaphore, #tpu.memory_space<semaphore_mem>>)
    %scan3A_422 = arith.constant 0 : i32
    %scan3A_423 = arith.constant 64 : i32
    %scan3A_424 = arith.constant 64 : i32
    %scan3A_425 = arith.addi %scan3A_423, %scan3A_424 : i32
    %scan3A_426 = arith.constant 1 : i32
    %scan3A_427 = scf.for %scan3A_770 = %scan3A_423 to %scan3A_425 step %scan3A_426 iter_args(%scan3A_771 = %scan3A_422) -> (i32)  : i32 {
      %get3A = arith.constant 4 : i32
      %get3A_772 = arith.index_cast %get3A : i32 to index
      %get3A_773 = arith.index_cast %scan3A_770 : i32 to index
      %get3A_774 = arith.constant 0 : index
      %get3A_775 = tpu.vector_load %arg6[%get3A_772, %get3A_773, %get3A_774] {strides = array<i32>} : memref<6x128x128xf32, #tpu.memory_space<vmem>>, vector<1x1x16xf32>,
      %get3A_776 = vector.shape_cast %get3A_775 : vector<1x1x16xf32> to vector<16xf32>
      %mul3A_777 = arith.constant 11.3137083 : f32
      %mul3A_778 = vector.broadcast %mul3A_777 : f32 to vector<16xf32>
      %mul3A_779 = arith.mulf %get3A_776, %mul3A_778 : vector<16xf32>
      %swap3A = arith.constant 4 : i32
      %swap3A_780 = arith.index_cast %swap3A : i32 to index
      %swap3A_781 = arith.index_cast %scan3A_770 : i32 to index
      %swap3A_782 = arith.constant 0 : index
      %swap3A_783 = tpu.vector_load %arg6[%swap3A_780, %swap3A_781, %swap3A_782] {strides = array<i32>} : memref<6x128x128xf32, #tpu.memory_space<vmem>>, vector<1x1x16xf32>,
      %swap3A_784 = vector.shape_cast %swap3A_783 : vector<1x1x16xf32> to vector<16xf32>
      %swap3A_785 = vector.shape_cast %mul3A_779 : vector<16xf32> to vector<1x1x16xf32>
      tpu.vector_store %arg6[%swap3A_780, %swap3A_781, %swap3A_782], %swap3A_785 {strides = array<i32>} : memref<6x128x128xf32, #tpu.memory_space<vmem>>, vector<1x1x16xf32>,
      %get3A_786 = arith.constant 4 : i32
      %get3A_787 = arith.index_cast %get3A_786 : i32 to index
      %get3A_788 = arith.index_cast %scan3A_770 : i32 to index
      %get3A_789 = arith.constant 16 : index
      %get3A_790 = tpu.vector_load %arg6[%get3A_787, %get3A_788, %get3A_789] {strides = array<i32>} : memref<6x128x128xf32, #tpu.memory_space<vmem>>, vector<1x1x16xf32>,
      %get3A_791 = vector.shape_cast %get3A_790 : vector<1x1x16xf32> to vector<16xf32>
      %mul3A_792 = arith.constant 11.3137083 : f32
      %mul3A_793 = vector.broadcast %mul3A_792 : f32 to vector<16xf32>
      %mul3A_794 = arith.mulf %get3A_791, %mul3A_793 : vector<16xf32>
      %swap3A_795 = arith.constant 4 : i32
      %swap3A_796 = arith.index_cast %swap3A_795 : i32 to index
      %swap3A_797 = arith.index_cast %scan3A_770 : i32 to index
      %swap3A_798 = arith.constant 16 : index
      %swap3A_799 = tpu.vector_load %arg6[%swap3A_796, %swap3A_797, %swap3A_798] {strides = array<i32>} : memref<6x128x128xf32, #tpu.memory_space<vmem>>, vector<1x1x16xf32>,
      %swap3A_800 = vector.shape_cast %swap3A_799 : vector<1x1x16xf32> to vector<16xf32>
      %swap3A_801 = vector.shape_cast %mul3A_794 : vector<16xf32> to vector<1x1x16xf32>
      tpu.vector_store %arg6[%swap3A_796, %swap3A_797, %swap3A_798], %swap3A_801 {strides = array<i32>} : memref<6x128x128xf32, #tpu.memory_space<vmem>>, vector<1x1x16xf32>,
      %get3A_802 = arith.constant 4 : i32
      %get3A_803 = arith.index_cast %get3A_802 : i32 to index
      %get3A_804 = arith.index_cast %scan3A_770 : i32 to index
      %get3A_805 = arith.constant 32 : index
      %get3A_806 = tpu.vector_load %arg6[%get3A_803, %get3A_804, %get3A_805] {strides = array<i32>} : memref<6x128x128xf32, #tpu.memory_space<vmem>>, vector<1x1x16xf32>,
      %get3A_807 = vector.shape_cast %get3A_806 : vector<1x1x16xf32> to vector<16xf32>
      %mul3A_808 = arith.constant 11.3137083 : f32
      %mul3A_809 = vector.broadcast %mul3A_808 : f32 to vector<16xf32>
      %mul3A_810 = arith.mulf %get3A_807, %mul3A_809 : vector<16xf32>
      %swap3A_811 = arith.constant 4 : i32
      %swap3A_812 = arith.index_cast %swap3A_811 : i32 to index
      %swap3A_813 = arith.index_cast %scan3A_770 : i32 to index
      %swap3A_814 = arith.constant 32 : index
      %swap3A_815 = tpu.vector_load %arg6[%swap3A_812, %swap3A_813, %swap3A_814] {strides = array<i32>} : memref<6x128x128xf32, #tpu.memory_space<vmem>>, vector<1x1x16xf32>,
      %swap3A_816 = vector.shape_cast %swap3A_815 : vector<1x1x16xf32> to vector<16xf32>
      %swap3A_817 = vector.shape_cast %mul3A_810 : vector<16xf32> to vector<1x1x16xf32>
      tpu.vector_store %arg6[%swap3A_812, %swap3A_813, %swap3A_814], %swap3A_817 {strides = array<i32>} : memref<6x128x128xf32, #tpu.memory_space<vmem>>, vector<1x1x16xf32>,
      %get3A_818 = arith.constant 4 : i32
      %get3A_819 = arith.index_cast %get3A_818 : i32 to index
      %get3A_820 = arith.index_cast %scan3A_770 : i32 to index
      %get3A_821 = arith.constant 48 : index
      %get3A_822 = tpu.vector_load %arg6[%get3A_819, %get3A_820, %get3A_821] {strides = array<i32>} : memref<6x128x128xf32, #tpu.memory_space<vmem>>, vector<1x1x16xf32>,
      %get3A_823 = vector.shape_cast %get3A_822 : vector<1x1x16xf32> to vector<16xf32>
      %mul3A_824 = arith.constant 11.3137083 : f32
      %mul3A_825 = vector.broadcast %mul3A_824 : f32 to vector<16xf32>
      %mul3A_826 = arith.mulf %get3A_823, %mul3A_825 : vector<16xf32>
      %swap3A_827 = arith.constant 4 : i32
      %swap3A_828 = arith.index_cast %swap3A_827 : i32 to index
      %swap3A_829 = arith.index_cast %scan3A_770 : i32 to index
      %swap3A_830 = arith.constant 48 : index
      %swap3A_831 = tpu.vector_load %arg6[%swap3A_828, %swap3A_829, %swap3A_830] {strides = array<i32>} : memref<6x128x128xf32, #tpu.memory_space<vmem>>, vector<1x1x16xf32>,
      %swap3A_832 = vector.shape_cast %swap3A_831 : vector<1x1x16xf32> to vector<16xf32>
      %swap3A_833 = vector.shape_cast %mul3A_826 : vector<16xf32> to vector<1x1x16xf32>
      tpu.vector_store %arg6[%swap3A_828, %swap3A_829, %swap3A_830], %swap3A_833 {strides = array<i32>} : memref<6x128x128xf32, #tpu.memory_space<vmem>>, vector<1x1x16xf32>,
      %get3A_834 = arith.constant 4 : i32
      %get3A_835 = arith.index_cast %get3A_834 : i32 to index
      %get3A_836 = arith.index_cast %scan3A_770 : i32 to index
      %get3A_837 = arith.constant 64 : index
      %get3A_838 = tpu.vector_load %arg6[%get3A_835, %get3A_836, %get3A_837] {strides = array<i32>} : memref<6x128x128xf32, #tpu.memory_space<vmem>>, vector<1x1x16xf32>,
      %get3A_839 = vector.shape_cast %get3A_838 : vector<1x1x16xf32> to vector<16xf32>
      %mul3A_840 = arith.constant 11.3137083 : f32
      %mul3A_841 = vector.broadcast %mul3A_840 : f32 to vector<16xf32>
      %mul3A_842 = arith.mulf %get3A_839, %mul3A_841 : vector<16xf32>
      %swap3A_843 = arith.constant 4 : i32
      %swap3A_844 = arith.index_cast %swap3A_843 : i32 to index
      %swap3A_845 = arith.index_cast %scan3A_770 : i32 to index
      %swap3A_846 = arith.constant 64 : index
      %swap3A_847 = tpu.vector_load %arg6[%swap3A_844, %swap3A_845, %swap3A_846] {strides = array<i32>} : memref<6x128x128xf32, #tpu.memory_space<vmem>>, vector<1x1x16xf32>,
      %swap3A_848 = vector.shape_cast %swap3A_847 : vector<1x1x16xf32> to vector<16xf32>
      %swap3A_849 = vector.shape_cast %mul3A_842 : vector<16xf32> to vector<1x1x16xf32>
      tpu.vector_store %arg6[%swap3A_844, %swap3A_845, %swap3A_846], %swap3A_849 {strides = array<i32>} : memref<6x128x128xf32, #tpu.memory_space<vmem>>, vector<1x1x16xf32>,
      %get3A_850 = arith.constant 4 : i32
      %get3A_851 = arith.index_cast %get3A_850 : i32 to index
      %get3A_852 = arith.index_cast %scan3A_770 : i32 to index
      %get3A_853 = arith.constant 80 : index
      %get3A_854 = tpu.vector_load %arg6[%get3A_851, %get3A_852, %get3A_853] {strides = array<i32>} : memref<6x128x128xf32, #tpu.memory_space<vmem>>, vector<1x1x16xf32>,
      %get3A_855 = vector.shape_cast %get3A_854 : vector<1x1x16xf32> to vector<16xf32>
      %mul3A_856 = arith.constant 11.3137083 : f32
      %mul3A_857 = vector.broadcast %mul3A_856 : f32 to vector<16xf32>
      %mul3A_858 = arith.mulf %get3A_855, %mul3A_857 : vector<16xf32>
      %swap3A_859 = arith.constant 4 : i32
      %swap3A_860 = arith.index_cast %swap3A_859 : i32 to index
      %swap3A_861 = arith.index_cast %scan3A_770 : i32 to index
      %swap3A_862 = arith.constant 80 : index
      %swap3A_863 = tpu.vector_load %arg6[%swap3A_860, %swap3A_861, %swap3A_862] {strides = array<i32>} : memref<6x128x128xf32, #tpu.memory_space<vmem>>, vector<1x1x16xf32>,
      %swap3A_864 = vector.shape_cast %swap3A_863 : vector<1x1x16xf32> to vector<16xf32>
      %swap3A_865 = vector.shape_cast %mul3A_858 : vector<16xf32> to vector<1x1x16xf32>
      tpu.vector_store %arg6[%swap3A_860, %swap3A_861, %swap3A_862], %swap3A_865 {strides = array<i32>} : memref<6x128x128xf32, #tpu.memory_space<vmem>>, vector<1x1x16xf32>,
      %get3A_866 = arith.constant 4 : i32
      %get3A_867 = arith.index_cast %get3A_866 : i32 to index
      %get3A_868 = arith.index_cast %scan3A_770 : i32 to index
      %get3A_869 = arith.constant 96 : index
      %get3A_870 = tpu.vector_load %arg6[%get3A_867, %get3A_868, %get3A_869] {strides = array<i32>} : memref<6x128x128xf32, #tpu.memory_space<vmem>>, vector<1x1x16xf32>,
      %get3A_871 = vector.shape_cast %get3A_870 : vector<1x1x16xf32> to vector<16xf32>
      %mul3A_872 = arith.constant 11.3137083 : f32
      %mul3A_873 = vector.broadcast %mul3A_872 : f32 to vector<16xf32>
      %mul3A_874 = arith.mulf %get3A_871, %mul3A_873 : vector<16xf32>
      %swap3A_875 = arith.constant 4 : i32
      %swap3A_876 = arith.index_cast %swap3A_875 : i32 to index
      %swap3A_877 = arith.index_cast %scan3A_770 : i32 to index
      %swap3A_878 = arith.constant 96 : index
      %swap3A_879 = tpu.vector_load %arg6[%swap3A_876, %swap3A_877, %swap3A_878] {strides = array<i32>} : memref<6x128x128xf32, #tpu.memory_space<vmem>>, vector<1x1x16xf32>,
      %swap3A_880 = vector.shape_cast %swap3A_879 : vector<1x1x16xf32> to vector<16xf32>
      %swap3A_881 = vector.shape_cast %mul3A_874 : vector<16xf32> to vector<1x1x16xf32>
      tpu.vector_store %arg6[%swap3A_876, %swap3A_877, %swap3A_878], %swap3A_881 {strides = array<i32>} : memref<6x128x128xf32, #tpu.memory_space<vmem>>, vector<1x1x16xf32>,
      %get3A_882 = arith.constant 4 : i32
      %get3A_883 = arith.index_cast %get3A_882 : i32 to index
      %get3A_884 = arith.index_cast %scan3A_770 : i32 to index
      %get3A_885 = arith.constant 112 : index
      %get3A_886 = tpu.vector_load %arg6[%get3A_883, %get3A_884, %get3A_885] {strides = array<i32>} : memref<6x128x128xf32, #tpu.memory_space<vmem>>, vector<1x1x16xf32>,
      %get3A_887 = vector.shape_cast %get3A_886 : vector<1x1x16xf32> to vector<16xf32>
      %mul3A_888 = arith.constant 11.3137083 : f32
      %mul3A_889 = vector.broadcast %mul3A_888 : f32 to vector<16xf32>
      %mul3A_890 = arith.mulf %get3A_887, %mul3A_889 : vector<16xf32>
      %swap3A_891 = arith.constant 4 : i32
      %swap3A_892 = arith.index_cast %swap3A_891 : i32 to index
      %swap3A_893 = arith.index_cast %scan3A_770 : i32 to index
      %swap3A_894 = arith.constant 112 : index
      %swap3A_895 = tpu.vector_load %arg6[%swap3A_892, %swap3A_893, %swap3A_894] {strides = array<i32>} : memref<6x128x128xf32, #tpu.memory_space<vmem>>, vector<1x1x16xf32>,
      %swap3A_896 = vector.shape_cast %swap3A_895 : vector<1x1x16xf32> to vector<16xf32>
      %swap3A_897 = vector.shape_cast %mul3A_890 : vector<16xf32> to vector<1x1x16xf32>
      tpu.vector_store %arg6[%swap3A_892, %swap3A_893, %swap3A_894], %swap3A_897 {strides = array<i32>} : memref<6x128x128xf32, #tpu.memory_space<vmem>>, vector<1x1x16xf32>,
      %scan3A_898 = arith.constant 0 : i32
      scf.yield %scan3A_898 : i32
    }
    %scan3A_428 = arith.constant 64 : i32
    %add3A_429 = arith.constant 512 : i32
    %add3A_430 = arith.addi %mul3A_2, %add3A_429 : i32
    %add3A_431 = arith.constant 64 : i32
    %add3A_432 = arith.addi %add3A_430, %add3A_431 : i32
    %dma_start3A_433 = arith.constant 4 : i32
    %dma_start3A_434 = arith.constant 64 : i32
    %dma_start3A_435 = arith.constant 0 : i32
    %dma_start3A_436 = tpu.memref_slice %arg6[%dma_start3A_433, %dma_start3A_434, %dma_start3A_435] : memref<6x128x128xf32, #tpu.memory_space<vmem>> -> memref<1x64x128xf32, #tpu.memory_space<vmem>>
    %dma_start3A_437 = tpu.memref_squeeze %dma_start3A_436 : memref<1x64x128xf32, #tpu.memory_space<vmem>> -> memref<64x128xf32, #tpu.memory_space<vmem>>
    %dma_start3A_438 = arith.constant 0 : i32
    %dma_start3A_439 = tpu.memref_slice %arg4[%add3A_432, %dma_start3A_438] : memref<32768x128xf32, #tpu.memory_space<hbm>> -> memref<64x128xf32, #tpu.memory_space<hbm>>
    %dma_start3A_440 = arith.constant 0 : i32
    %dma_start3A_441 = tpu.memref_slice %arg4[%add3A_432, %dma_start3A_440] : memref<32768x128xf32, #tpu.memory_space<hbm>> -> memref<64x128xf32, #tpu.memory_space<hbm>>
    %dma_start3A_442 = arith.constant 64 : i32
    %dma_start3A_443 = arith.constant 0 : i32
    %dma_start3A_444 = tpu.memref_slice %arg6[%dma_start3A_433, %dma_start3A_442, %dma_start3A_443] : memref<6x128x128xf32, #tpu.memory_space<vmem>> -> memref<1x64x128xf32, #tpu.memory_space<vmem>>
    %dma_start3A_445 = tpu.memref_squeeze %dma_start3A_444 : memref<1x64x128xf32, #tpu.memory_space<vmem>> -> memref<64x128xf32, #tpu.memory_space<vmem>>
    tpu.enqueue_dma source(%dma_start3A_445 : memref<64x128xf32, #tpu.memory_space<vmem>>) target(%dma_start3A_441 : memref<64x128xf32, #tpu.memory_space<hbm>>) target_semaphore(%arg17 : memref<!tpu.dma_semaphore, #tpu.memory_space<semaphore_mem>>)
    %dma_wait3A_446 = arith.constant 5 : i32
    %dma_wait3A_447 = arith.constant 0 : i32
    %dma_wait3A_448 = arith.constant 0 : i32
    %dma_wait3A_449 = tpu.memref_slice %arg6[%dma_wait3A_446, %dma_wait3A_447, %dma_wait3A_448] : memref<6x128x128xf32, #tpu.memory_space<vmem>> -> memref<1x128x128xf32, #tpu.memory_space<vmem>>
    %dma_wait3A_450 = tpu.memref_squeeze %dma_wait3A_449 : memref<1x128x128xf32, #tpu.memory_space<vmem>> -> memref<128x128xf32, #tpu.memory_space<vmem>>
    %dma_wait3A_451 = arith.constant 640 : i32
    %dma_wait3A_452 = tpu.memref_slice %arg5[%dma_wait3A_451] : memref<1024xi32, #tpu.memory_space<vmem>> -> memref<128xi32, #tpu.memory_space<vmem>>
    %dma_wait3A_453 = arith.constant 0 : i32
    %dma_wait3A_454 = arith.constant 0 : i32
    %dma_wait3A_455 = tpu.memref_slice %arg3[%dma_wait3A_453, %dma_wait3A_454] : memref<1000000x128xf32, #tpu.memory_space<hbm>> -> memref<1000000x128xf32, #tpu.memory_space<hbm>>
    tpu.wait_indirect_dma semaphore(%arg12 : memref<!tpu.dma_semaphore, #tpu.memory_space<semaphore_mem>>) src(%dma_wait3A_455 : memref<1000000x128xf32, #tpu.memory_space<hbm>>) dst(%dma_wait3A_450 : memref<128x128xf32, #tpu.memory_space<vmem>>)
    %scan3A_456 = arith.constant 0 : i32
    %scan3A_457 = arith.constant 0 : i32
    %scan3A_458 = arith.constant 64 : i32
    %scan3A_459 = arith.addi %scan3A_457, %scan3A_458 : i32
    %scan3A_460 = arith.constant 1 : i32
    %scan3A_461 = scf.for %scan3A_770 = %scan3A_457 to %scan3A_459 step %scan3A_460 iter_args(%scan3A_771 = %scan3A_456) -> (i32)  : i32 {
      %get3A = arith.constant 5 : i32
      %get3A_772 = arith.index_cast %get3A : i32 to index
      %get3A_773 = arith.index_cast %scan3A_770 : i32 to index
      %get3A_774 = arith.constant 0 : index
      %get3A_775 = tpu.vector_load %arg6[%get3A_772, %get3A_773, %get3A_774] {strides = array<i32>} : memref<6x128x128xf32, #tpu.memory_space<vmem>>, vector<1x1x16xf32>,
      %get3A_776 = vector.shape_cast %get3A_775 : vector<1x1x16xf32> to vector<16xf32>
      %mul3A_777 = arith.constant 11.3137083 : f32
      %mul3A_778 = vector.broadcast %mul3A_777 : f32 to vector<16xf32>
      %mul3A_779 = arith.mulf %get3A_776, %mul3A_778 : vector<16xf32>
      %swap3A = arith.constant 5 : i32
      %swap3A_780 = arith.index_cast %swap3A : i32 to index
      %swap3A_781 = arith.index_cast %scan3A_770 : i32 to index
      %swap3A_782 = arith.constant 0 : index
      %swap3A_783 = tpu.vector_load %arg6[%swap3A_780, %swap3A_781, %swap3A_782] {strides = array<i32>} : memref<6x128x128xf32, #tpu.memory_space<vmem>>, vector<1x1x16xf32>,
      %swap3A_784 = vector.shape_cast %swap3A_783 : vector<1x1x16xf32> to vector<16xf32>
      %swap3A_785 = vector.shape_cast %mul3A_779 : vector<16xf32> to vector<1x1x16xf32>
      tpu.vector_store %arg6[%swap3A_780, %swap3A_781, %swap3A_782], %swap3A_785 {strides = array<i32>} : memref<6x128x128xf32, #tpu.memory_space<vmem>>, vector<1x1x16xf32>,
      %get3A_786 = arith.constant 5 : i32
      %get3A_787 = arith.index_cast %get3A_786 : i32 to index
      %get3A_788 = arith.index_cast %scan3A_770 : i32 to index
      %get3A_789 = arith.constant 16 : index
      %get3A_790 = tpu.vector_load %arg6[%get3A_787, %get3A_788, %get3A_789] {strides = array<i32>} : memref<6x128x128xf32, #tpu.memory_space<vmem>>, vector<1x1x16xf32>,
      %get3A_791 = vector.shape_cast %get3A_790 : vector<1x1x16xf32> to vector<16xf32>
      %mul3A_792 = arith.constant 11.3137083 : f32
      %mul3A_793 = vector.broadcast %mul3A_792 : f32 to vector<16xf32>
      %mul3A_794 = arith.mulf %get3A_791, %mul3A_793 : vector<16xf32>
      %swap3A_795 = arith.constant 5 : i32
      %swap3A_796 = arith.index_cast %swap3A_795 : i32 to index
      %swap3A_797 = arith.index_cast %scan3A_770 : i32 to index
      %swap3A_798 = arith.constant 16 : index
      %swap3A_799 = tpu.vector_load %arg6[%swap3A_796, %swap3A_797, %swap3A_798] {strides = array<i32>} : memref<6x128x128xf32, #tpu.memory_space<vmem>>, vector<1x1x16xf32>,
      %swap3A_800 = vector.shape_cast %swap3A_799 : vector<1x1x16xf32> to vector<16xf32>
      %swap3A_801 = vector.shape_cast %mul3A_794 : vector<16xf32> to vector<1x1x16xf32>
      tpu.vector_store %arg6[%swap3A_796, %swap3A_797, %swap3A_798], %swap3A_801 {strides = array<i32>} : memref<6x128x128xf32, #tpu.memory_space<vmem>>, vector<1x1x16xf32>,
      %get3A_802 = arith.constant 5 : i32
      %get3A_803 = arith.index_cast %get3A_802 : i32 to index
      %get3A_804 = arith.index_cast %scan3A_770 : i32 to index
      %get3A_805 = arith.constant 32 : index
      %get3A_806 = tpu.vector_load %arg6[%get3A_803, %get3A_804, %get3A_805] {strides = array<i32>} : memref<6x128x128xf32, #tpu.memory_space<vmem>>, vector<1x1x16xf32>,
      %get3A_807 = vector.shape_cast %get3A_806 : vector<1x1x16xf32> to vector<16xf32>
      %mul3A_808 = arith.constant 11.3137083 : f32
      %mul3A_809 = vector.broadcast %mul3A_808 : f32 to vector<16xf32>
      %mul3A_810 = arith.mulf %get3A_807, %mul3A_809 : vector<16xf32>
      %swap3A_811 = arith.constant 5 : i32
      %swap3A_812 = arith.index_cast %swap3A_811 : i32 to index
      %swap3A_813 = arith.index_cast %scan3A_770 : i32 to index
      %swap3A_814 = arith.constant 32 : index
      %swap3A_815 = tpu.vector_load %arg6[%swap3A_812, %swap3A_813, %swap3A_814] {strides = array<i32>} : memref<6x128x128xf32, #tpu.memory_space<vmem>>, vector<1x1x16xf32>,
      %swap3A_816 = vector.shape_cast %swap3A_815 : vector<1x1x16xf32> to vector<16xf32>
      %swap3A_817 = vector.shape_cast %mul3A_810 : vector<16xf32> to vector<1x1x16xf32>
      tpu.vector_store %arg6[%swap3A_812, %swap3A_813, %swap3A_814], %swap3A_817 {strides = array<i32>} : memref<6x128x128xf32, #tpu.memory_space<vmem>>, vector<1x1x16xf32>,
      %get3A_818 = arith.constant 5 : i32
      %get3A_819 = arith.index_cast %get3A_818 : i32 to index
      %get3A_820 = arith.index_cast %scan3A_770 : i32 to index
      %get3A_821 = arith.constant 48 : index
      %get3A_822 = tpu.vector_load %arg6[%get3A_819, %get3A_820, %get3A_821] {strides = array<i32>} : memref<6x128x128xf32, #tpu.memory_space<vmem>>, vector<1x1x16xf32>,
      %get3A_823 = vector.shape_cast %get3A_822 : vector<1x1x16xf32> to vector<16xf32>
      %mul3A_824 = arith.constant 11.3137083 : f32
      %mul3A_825 = vector.broadcast %mul3A_824 : f32 to vector<16xf32>
      %mul3A_826 = arith.mulf %get3A_823, %mul3A_825 : vector<16xf32>
      %swap3A_827 = arith.constant 5 : i32
      %swap3A_828 = arith.index_cast %swap3A_827 : i32 to index
      %swap3A_829 = arith.index_cast %scan3A_770 : i32 to index
      %swap3A_830 = arith.constant 48 : index
      %swap3A_831 = tpu.vector_load %arg6[%swap3A_828, %swap3A_829, %swap3A_830] {strides = array<i32>} : memref<6x128x128xf32, #tpu.memory_space<vmem>>, vector<1x1x16xf32>,
      %swap3A_832 = vector.shape_cast %swap3A_831 : vector<1x1x16xf32> to vector<16xf32>
      %swap3A_833 = vector.shape_cast %mul3A_826 : vector<16xf32> to vector<1x1x16xf32>
      tpu.vector_store %arg6[%swap3A_828, %swap3A_829, %swap3A_830], %swap3A_833 {strides = array<i32>} : memref<6x128x128xf32, #tpu.memory_space<vmem>>, vector<1x1x16xf32>,
      %get3A_834 = arith.constant 5 : i32
      %get3A_835 = arith.index_cast %get3A_834 : i32 to index
      %get3A_836 = arith.index_cast %scan3A_770 : i32 to index
      %get3A_837 = arith.constant 64 : index
      %get3A_838 = tpu.vector_load %arg6[%get3A_835, %get3A_836, %get3A_837] {strides = array<i32>} : memref<6x128x128xf32, #tpu.memory_space<vmem>>, vector<1x1x16xf32>,
      %get3A_839 = vector.shape_cast %get3A_838 : vector<1x1x16xf32> to vector<16xf32>
      %mul3A_840 = arith.constant 11.3137083 : f32
      %mul3A_841 = vector.broadcast %mul3A_840 : f32 to vector<16xf32>
      %mul3A_842 = arith.mulf %get3A_839, %mul3A_841 : vector<16xf32>
      %swap3A_843 = arith.constant 5 : i32
      %swap3A_844 = arith.index_cast %swap3A_843 : i32 to index
      %swap3A_845 = arith.index_cast %scan3A_770 : i32 to index
      %swap3A_846 = arith.constant 64 : index
      %swap3A_847 = tpu.vector_load %arg6[%swap3A_844, %swap3A_845, %swap3A_846] {strides = array<i32>} : memref<6x128x128xf32, #tpu.memory_space<vmem>>, vector<1x1x16xf32>,
      %swap3A_848 = vector.shape_cast %swap3A_847 : vector<1x1x16xf32> to vector<16xf32>
      %swap3A_849 = vector.shape_cast %mul3A_842 : vector<16xf32> to vector<1x1x16xf32>
      tpu.vector_store %arg6[%swap3A_844, %swap3A_845, %swap3A_846], %swap3A_849 {strides = array<i32>} : memref<6x128x128xf32, #tpu.memory_space<vmem>>, vector<1x1x16xf32>,
      %get3A_850 = arith.constant 5 : i32
      %get3A_851 = arith.index_cast %get3A_850 : i32 to index
      %get3A_852 = arith.index_cast %scan3A_770 : i32 to index
      %get3A_853 = arith.constant 80 : index
      %get3A_854 = tpu.vector_load %arg6[%get3A_851, %get3A_852, %get3A_853] {strides = array<i32>} : memref<6x128x128xf32, #tpu.memory_space<vmem>>, vector<1x1x16xf32>,
      %get3A_855 = vector.shape_cast %get3A_854 : vector<1x1x16xf32> to vector<16xf32>
      %mul3A_856 = arith.constant 11.3137083 : f32
      %mul3A_857 = vector.broadcast %mul3A_856 : f32 to vector<16xf32>
      %mul3A_858 = arith.mulf %get3A_855, %mul3A_857 : vector<16xf32>
      %swap3A_859 = arith.constant 5 : i32
      %swap3A_860 = arith.index_cast %swap3A_859 : i32 to index
      %swap3A_861 = arith.index_cast %scan3A_770 : i32 to index
      %swap3A_862 = arith.constant 80 : index
      %swap3A_863 = tpu.vector_load %arg6[%swap3A_860, %swap3A_861, %swap3A_862] {strides = array<i32>} : memref<6x128x128xf32, #tpu.memory_space<vmem>>, vector<1x1x16xf32>,
      %swap3A_864 = vector.shape_cast %swap3A_863 : vector<1x1x16xf32> to vector<16xf32>
      %swap3A_865 = vector.shape_cast %mul3A_858 : vector<16xf32> to vector<1x1x16xf32>
      tpu.vector_store %arg6[%swap3A_860, %swap3A_861, %swap3A_862], %swap3A_865 {strides = array<i32>} : memref<6x128x128xf32, #tpu.memory_space<vmem>>, vector<1x1x16xf32>,
      %get3A_866 = arith.constant 5 : i32
      %get3A_867 = arith.index_cast %get3A_866 : i32 to index
      %get3A_868 = arith.index_cast %scan3A_770 : i32 to index
      %get3A_869 = arith.constant 96 : index
      %get3A_870 = tpu.vector_load %arg6[%get3A_867, %get3A_868, %get3A_869] {strides = array<i32>} : memref<6x128x128xf32, #tpu.memory_space<vmem>>, vector<1x1x16xf32>,
      %get3A_871 = vector.shape_cast %get3A_870 : vector<1x1x16xf32> to vector<16xf32>
      %mul3A_872 = arith.constant 11.3137083 : f32
      %mul3A_873 = vector.broadcast %mul3A_872 : f32 to vector<16xf32>
      %mul3A_874 = arith.mulf %get3A_871, %mul3A_873 : vector<16xf32>
      %swap3A_875 = arith.constant 5 : i32
      %swap3A_876 = arith.index_cast %swap3A_875 : i32 to index
      %swap3A_877 = arith.index_cast %scan3A_770 : i32 to index
      %swap3A_878 = arith.constant 96 : index
      %swap3A_879 = tpu.vector_load %arg6[%swap3A_876, %swap3A_877, %swap3A_878] {strides = array<i32>} : memref<6x128x128xf32, #tpu.memory_space<vmem>>, vector<1x1x16xf32>,
      %swap3A_880 = vector.shape_cast %swap3A_879 : vector<1x1x16xf32> to vector<16xf32>
      %swap3A_881 = vector.shape_cast %mul3A_874 : vector<16xf32> to vector<1x1x16xf32>
      tpu.vector_store %arg6[%swap3A_876, %swap3A_877, %swap3A_878], %swap3A_881 {strides = array<i32>} : memref<6x128x128xf32, #tpu.memory_space<vmem>>, vector<1x1x16xf32>,
      %get3A_882 = arith.constant 5 : i32
      %get3A_883 = arith.index_cast %get3A_882 : i32 to index
      %get3A_884 = arith.index_cast %scan3A_770 : i32 to index
      %get3A_885 = arith.constant 112 : index
      %get3A_886 = tpu.vector_load %arg6[%get3A_883, %get3A_884, %get3A_885] {strides = array<i32>} : memref<6x128x128xf32, #tpu.memory_space<vmem>>, vector<1x1x16xf32>,
      %get3A_887 = vector.shape_cast %get3A_886 : vector<1x1x16xf32> to vector<16xf32>
      %mul3A_888 = arith.constant 11.3137083 : f32
      %mul3A_889 = vector.broadcast %mul3A_888 : f32 to vector<16xf32>
      %mul3A_890 = arith.mulf %get3A_887, %mul3A_889 : vector<16xf32>
      %swap3A_891 = arith.constant 5 : i32
      %swap3A_892 = arith.index_cast %swap3A_891 : i32 to index
      %swap3A_893 = arith.index_cast %scan3A_770 : i32 to index
      %swap3A_894 = arith.constant 112 : index
      %swap3A_895 = tpu.vector_load %arg6[%swap3A_892, %swap3A_893, %swap3A_894] {strides = array<i32>} : memref<6x128x128xf32, #tpu.memory_space<vmem>>, vector<1x1x16xf32>,
      %swap3A_896 = vector.shape_cast %swap3A_895 : vector<1x1x16xf32> to vector<16xf32>
      %swap3A_897 = vector.shape_cast %mul3A_890 : vector<16xf32> to vector<1x1x16xf32>
      tpu.vector_store %arg6[%swap3A_892, %swap3A_893, %swap3A_894], %swap3A_897 {strides = array<i32>} : memref<6x128x128xf32, #tpu.memory_space<vmem>>, vector<1x1x16xf32>,
      %scan3A_898 = arith.constant 0 : i32
      scf.yield %scan3A_898 : i32
    }
    %scan3A_462 = arith.constant 64 : i32
    %add3A_463 = arith.constant 640 : i32
    %add3A_464 = arith.addi %mul3A_2, %add3A_463 : i32
    %dma_start3A_465 = arith.constant 5 : i32
    %dma_start3A_466 = arith.constant 0 : i32
    %dma_start3A_467 = arith.constant 0 : i32
    %dma_start3A_468 = tpu.memref_slice %arg6[%dma_start3A_465, %dma_start3A_466, %dma_start3A_467] : memref<6x128x128xf32, #tpu.memory_space<vmem>> -> memref<1x64x128xf32, #tpu.memory_space<vmem>>
    %dma_start3A_469 = tpu.memref_squeeze %dma_start3A_468 : memref<1x64x128xf32, #tpu.memory_space<vmem>> -> memref<64x128xf32, #tpu.memory_space<vmem>>
    %dma_start3A_470 = arith.constant 0 : i32
    %dma_start3A_471 = tpu.memref_slice %arg4[%add3A_464, %dma_start3A_470] : memref<32768x128xf32, #tpu.memory_space<hbm>> -> memref<64x128xf32, #tpu.memory_space<hbm>>
    %dma_start3A_472 = arith.constant 0 : i32
    %dma_start3A_473 = tpu.memref_slice %arg4[%add3A_464, %dma_start3A_472] : memref<32768x128xf32, #tpu.memory_space<hbm>> -> memref<64x128xf32, #tpu.memory_space<hbm>>
    %dma_start3A_474 = arith.constant 0 : i32
    %dma_start3A_475 = arith.constant 0 : i32
    %dma_start3A_476 = tpu.memref_slice %arg6[%dma_start3A_465, %dma_start3A_474, %dma_start3A_475] : memref<6x128x128xf32, #tpu.memory_space<vmem>> -> memref<1x64x128xf32, #tpu.memory_space<vmem>>
    %dma_start3A_477 = tpu.memref_squeeze %dma_start3A_476 : memref<1x64x128xf32, #tpu.memory_space<vmem>> -> memref<64x128xf32, #tpu.memory_space<vmem>>
    tpu.enqueue_dma source(%dma_start3A_477 : memref<64x128xf32, #tpu.memory_space<vmem>>) target(%dma_start3A_473 : memref<64x128xf32, #tpu.memory_space<hbm>>) target_semaphore(%arg18 : memref<!tpu.dma_semaphore, #tpu.memory_space<semaphore_mem>>)
    %scan3A_478 = arith.constant 0 : i32
    %scan3A_479 = arith.constant 64 : i32
    %scan3A_480 = arith.constant 64 : i32
    %scan3A_481 = arith.addi %scan3A_479, %scan3A_480 : i32
    %scan3A_482 = arith.constant 1 : i32
    %scan3A_483 = scf.for %scan3A_770 = %scan3A_479 to %scan3A_481 step %scan3A_482 iter_args(%scan3A_771 = %scan3A_478) -> (i32)  : i32 {
      %get3A = arith.constant 5 : i32
      %get3A_772 = arith.index_cast %get3A : i32 to index
      %get3A_773 = arith.index_cast %scan3A_770 : i32 to index
      %get3A_774 = arith.constant 0 : index
      %get3A_775 = tpu.vector_load %arg6[%get3A_772, %get3A_773, %get3A_774] {strides = array<i32>} : memref<6x128x128xf32, #tpu.memory_space<vmem>>, vector<1x1x16xf32>,
      %get3A_776 = vector.shape_cast %get3A_775 : vector<1x1x16xf32> to vector<16xf32>
      %mul3A_777 = arith.constant 11.3137083 : f32
      %mul3A_778 = vector.broadcast %mul3A_777 : f32 to vector<16xf32>
      %mul3A_779 = arith.mulf %get3A_776, %mul3A_778 : vector<16xf32>
      %swap3A = arith.constant 5 : i32
      %swap3A_780 = arith.index_cast %swap3A : i32 to index
      %swap3A_781 = arith.index_cast %scan3A_770 : i32 to index
      %swap3A_782 = arith.constant 0 : index
      %swap3A_783 = tpu.vector_load %arg6[%swap3A_780, %swap3A_781, %swap3A_782] {strides = array<i32>} : memref<6x128x128xf32, #tpu.memory_space<vmem>>, vector<1x1x16xf32>,
      %swap3A_784 = vector.shape_cast %swap3A_783 : vector<1x1x16xf32> to vector<16xf32>
      %swap3A_785 = vector.shape_cast %mul3A_779 : vector<16xf32> to vector<1x1x16xf32>
      tpu.vector_store %arg6[%swap3A_780, %swap3A_781, %swap3A_782], %swap3A_785 {strides = array<i32>} : memref<6x128x128xf32, #tpu.memory_space<vmem>>, vector<1x1x16xf32>,
      %get3A_786 = arith.constant 5 : i32
      %get3A_787 = arith.index_cast %get3A_786 : i32 to index
      %get3A_788 = arith.index_cast %scan3A_770 : i32 to index
      %get3A_789 = arith.constant 16 : index
      %get3A_790 = tpu.vector_load %arg6[%get3A_787, %get3A_788, %get3A_789] {strides = array<i32>} : memref<6x128x128xf32, #tpu.memory_space<vmem>>, vector<1x1x16xf32>,
      %get3A_791 = vector.shape_cast %get3A_790 : vector<1x1x16xf32> to vector<16xf32>
      %mul3A_792 = arith.constant 11.3137083 : f32
      %mul3A_793 = vector.broadcast %mul3A_792 : f32 to vector<16xf32>
      %mul3A_794 = arith.mulf %get3A_791, %mul3A_793 : vector<16xf32>
      %swap3A_795 = arith.constant 5 : i32
      %swap3A_796 = arith.index_cast %swap3A_795 : i32 to index
      %swap3A_797 = arith.index_cast %scan3A_770 : i32 to index
      %swap3A_798 = arith.constant 16 : index
      %swap3A_799 = tpu.vector_load %arg6[%swap3A_796, %swap3A_797, %swap3A_798] {strides = array<i32>} : memref<6x128x128xf32, #tpu.memory_space<vmem>>, vector<1x1x16xf32>,
      %swap3A_800 = vector.shape_cast %swap3A_799 : vector<1x1x16xf32> to vector<16xf32>
      %swap3A_801 = vector.shape_cast %mul3A_794 : vector<16xf32> to vector<1x1x16xf32>
      tpu.vector_store %arg6[%swap3A_796, %swap3A_797, %swap3A_798], %swap3A_801 {strides = array<i32>} : memref<6x128x128xf32, #tpu.memory_space<vmem>>, vector<1x1x16xf32>,
      %get3A_802 = arith.constant 5 : i32
      %get3A_803 = arith.index_cast %get3A_802 : i32 to index
      %get3A_804 = arith.index_cast %scan3A_770 : i32 to index
      %get3A_805 = arith.constant 32 : index
      %get3A_806 = tpu.vector_load %arg6[%get3A_803, %get3A_804, %get3A_805] {strides = array<i32>} : memref<6x128x128xf32, #tpu.memory_space<vmem>>, vector<1x1x16xf32>,
      %get3A_807 = vector.shape_cast %get3A_806 : vector<1x1x16xf32> to vector<16xf32>
      %mul3A_808 = arith.constant 11.3137083 : f32
      %mul3A_809 = vector.broadcast %mul3A_808 : f32 to vector<16xf32>
      %mul3A_810 = arith.mulf %get3A_807, %mul3A_809 : vector<16xf32>
      %swap3A_811 = arith.constant 5 : i32
      %swap3A_812 = arith.index_cast %swap3A_811 : i32 to index
      %swap3A_813 = arith.index_cast %scan3A_770 : i32 to index
      %swap3A_814 = arith.constant 32 : index
      %swap3A_815 = tpu.vector_load %arg6[%swap3A_812, %swap3A_813, %swap3A_814] {strides = array<i32>} : memref<6x128x128xf32, #tpu.memory_space<vmem>>, vector<1x1x16xf32>,
      %swap3A_816 = vector.shape_cast %swap3A_815 : vector<1x1x16xf32> to vector<16xf32>
      %swap3A_817 = vector.shape_cast %mul3A_810 : vector<16xf32> to vector<1x1x16xf32>
      tpu.vector_store %arg6[%swap3A_812, %swap3A_813, %swap3A_814], %swap3A_817 {strides = array<i32>} : memref<6x128x128xf32, #tpu.memory_space<vmem>>, vector<1x1x16xf32>,
      %get3A_818 = arith.constant 5 : i32
      %get3A_819 = arith.index_cast %get3A_818 : i32 to index
      %get3A_820 = arith.index_cast %scan3A_770 : i32 to index
      %get3A_821 = arith.constant 48 : index
      %get3A_822 = tpu.vector_load %arg6[%get3A_819, %get3A_820, %get3A_821] {strides = array<i32>} : memref<6x128x128xf32, #tpu.memory_space<vmem>>, vector<1x1x16xf32>,
      %get3A_823 = vector.shape_cast %get3A_822 : vector<1x1x16xf32> to vector<16xf32>
      %mul3A_824 = arith.constant 11.3137083 : f32
      %mul3A_825 = vector.broadcast %mul3A_824 : f32 to vector<16xf32>
      %mul3A_826 = arith.mulf %get3A_823, %mul3A_825 : vector<16xf32>
      %swap3A_827 = arith.constant 5 : i32
      %swap3A_828 = arith.index_cast %swap3A_827 : i32 to index
      %swap3A_829 = arith.index_cast %scan3A_770 : i32 to index
      %swap3A_830 = arith.constant 48 : index
      %swap3A_831 = tpu.vector_load %arg6[%swap3A_828, %swap3A_829, %swap3A_830] {strides = array<i32>} : memref<6x128x128xf32, #tpu.memory_space<vmem>>, vector<1x1x16xf32>,
      %swap3A_832 = vector.shape_cast %swap3A_831 : vector<1x1x16xf32> to vector<16xf32>
      %swap3A_833 = vector.shape_cast %mul3A_826 : vector<16xf32> to vector<1x1x16xf32>
      tpu.vector_store %arg6[%swap3A_828, %swap3A_829, %swap3A_830], %swap3A_833 {strides = array<i32>} : memref<6x128x128xf32, #tpu.memory_space<vmem>>, vector<1x1x16xf32>,
      %get3A_834 = arith.constant 5 : i32
      %get3A_835 = arith.index_cast %get3A_834 : i32 to index
      %get3A_836 = arith.index_cast %scan3A_770 : i32 to index
      %get3A_837 = arith.constant 64 : index
      %get3A_838 = tpu.vector_load %arg6[%get3A_835, %get3A_836, %get3A_837] {strides = array<i32>} : memref<6x128x128xf32, #tpu.memory_space<vmem>>, vector<1x1x16xf32>,
      %get3A_839 = vector.shape_cast %get3A_838 : vector<1x1x16xf32> to vector<16xf32>
      %mul3A_840 = arith.constant 11.3137083 : f32
      %mul3A_841 = vector.broadcast %mul3A_840 : f32 to vector<16xf32>
      %mul3A_842 = arith.mulf %get3A_839, %mul3A_841 : vector<16xf32>
      %swap3A_843 = arith.constant 5 : i32
      %swap3A_844 = arith.index_cast %swap3A_843 : i32 to index
      %swap3A_845 = arith.index_cast %scan3A_770 : i32 to index
      %swap3A_846 = arith.constant 64 : index
      %swap3A_847 = tpu.vector_load %arg6[%swap3A_844, %swap3A_845, %swap3A_846] {strides = array<i32>} : memref<6x128x128xf32, #tpu.memory_space<vmem>>, vector<1x1x16xf32>,
      %swap3A_848 = vector.shape_cast %swap3A_847 : vector<1x1x16xf32> to vector<16xf32>
      %swap3A_849 = vector.shape_cast %mul3A_842 : vector<16xf32> to vector<1x1x16xf32>
      tpu.vector_store %arg6[%swap3A_844, %swap3A_845, %swap3A_846], %swap3A_849 {strides = array<i32>} : memref<6x128x128xf32, #tpu.memory_space<vmem>>, vector<1x1x16xf32>,
      %get3A_850 = arith.constant 5 : i32
      %get3A_851 = arith.index_cast %get3A_850 : i32 to index
      %get3A_852 = arith.index_cast %scan3A_770 : i32 to index
      %get3A_853 = arith.constant 80 : index
      %get3A_854 = tpu.vector_load %arg6[%get3A_851, %get3A_852, %get3A_853] {strides = array<i32>} : memref<6x128x128xf32, #tpu.memory_space<vmem>>, vector<1x1x16xf32>,
      %get3A_855 = vector.shape_cast %get3A_854 : vector<1x1x16xf32> to vector<16xf32>
      %mul3A_856 = arith.constant 11.3137083 : f32
      %mul3A_857 = vector.broadcast %mul3A_856 : f32 to vector<16xf32>
      %mul3A_858 = arith.mulf %get3A_855, %mul3A_857 : vector<16xf32>
      %swap3A_859 = arith.constant 5 : i32
      %swap3A_860 = arith.index_cast %swap3A_859 : i32 to index
      %swap3A_861 = arith.index_cast %scan3A_770 : i32 to index
      %swap3A_862 = arith.constant 80 : index
      %swap3A_863 = tpu.vector_load %arg6[%swap3A_860, %swap3A_861, %swap3A_862] {strides = array<i32>} : memref<6x128x128xf32, #tpu.memory_space<vmem>>, vector<1x1x16xf32>,
      %swap3A_864 = vector.shape_cast %swap3A_863 : vector<1x1x16xf32> to vector<16xf32>
      %swap3A_865 = vector.shape_cast %mul3A_858 : vector<16xf32> to vector<1x1x16xf32>
      tpu.vector_store %arg6[%swap3A_860, %swap3A_861, %swap3A_862], %swap3A_865 {strides = array<i32>} : memref<6x128x128xf32, #tpu.memory_space<vmem>>, vector<1x1x16xf32>,
      %get3A_866 = arith.constant 5 : i32
      %get3A_867 = arith.index_cast %get3A_866 : i32 to index
      %get3A_868 = arith.index_cast %scan3A_770 : i32 to index
      %get3A_869 = arith.constant 96 : index
      %get3A_870 = tpu.vector_load %arg6[%get3A_867, %get3A_868, %get3A_869] {strides = array<i32>} : memref<6x128x128xf32, #tpu.memory_space<vmem>>, vector<1x1x16xf32>,
      %get3A_871 = vector.shape_cast %get3A_870 : vector<1x1x16xf32> to vector<16xf32>
      %mul3A_872 = arith.constant 11.3137083 : f32
      %mul3A_873 = vector.broadcast %mul3A_872 : f32 to vector<16xf32>
      %mul3A_874 = arith.mulf %get3A_871, %mul3A_873 : vector<16xf32>
      %swap3A_875 = arith.constant 5 : i32
      %swap3A_876 = arith.index_cast %swap3A_875 : i32 to index
      %swap3A_877 = arith.index_cast %scan3A_770 : i32 to index
      %swap3A_878 = arith.constant 96 : index
      %swap3A_879 = tpu.vector_load %arg6[%swap3A_876, %swap3A_877, %swap3A_878] {strides = array<i32>} : memref<6x128x128xf32, #tpu.memory_space<vmem>>, vector<1x1x16xf32>,
      %swap3A_880 = vector.shape_cast %swap3A_879 : vector<1x1x16xf32> to vector<16xf32>
      %swap3A_881 = vector.shape_cast %mul3A_874 : vector<16xf32> to vector<1x1x16xf32>
      tpu.vector_store %arg6[%swap3A_876, %swap3A_877, %swap3A_878], %swap3A_881 {strides = array<i32>} : memref<6x128x128xf32, #tpu.memory_space<vmem>>, vector<1x1x16xf32>,
      %get3A_882 = arith.constant 5 : i32
      %get3A_883 = arith.index_cast %get3A_882 : i32 to index
      %get3A_884 = arith.index_cast %scan3A_770 : i32 to index
      %get3A_885 = arith.constant 112 : index
      %get3A_886 = tpu.vector_load %arg6[%get3A_883, %get3A_884, %get3A_885] {strides = array<i32>} : memref<6x128x128xf32, #tpu.memory_space<vmem>>, vector<1x1x16xf32>,
      %get3A_887 = vector.shape_cast %get3A_886 : vector<1x1x16xf32> to vector<16xf32>
      %mul3A_888 = arith.constant 11.3137083 : f32
      %mul3A_889 = vector.broadcast %mul3A_888 : f32 to vector<16xf32>
      %mul3A_890 = arith.mulf %get3A_887, %mul3A_889 : vector<16xf32>
      %swap3A_891 = arith.constant 5 : i32
      %swap3A_892 = arith.index_cast %swap3A_891 : i32 to index
      %swap3A_893 = arith.index_cast %scan3A_770 : i32 to index
      %swap3A_894 = arith.constant 112 : index
      %swap3A_895 = tpu.vector_load %arg6[%swap3A_892, %swap3A_893, %swap3A_894] {strides = array<i32>} : memref<6x128x128xf32, #tpu.memory_space<vmem>>, vector<1x1x16xf32>,
      %swap3A_896 = vector.shape_cast %swap3A_895 : vector<1x1x16xf32> to vector<16xf32>
      %swap3A_897 = vector.shape_cast %mul3A_890 : vector<16xf32> to vector<1x1x16xf32>
      tpu.vector_store %arg6[%swap3A_892, %swap3A_893, %swap3A_894], %swap3A_897 {strides = array<i32>} : memref<6x128x128xf32, #tpu.memory_space<vmem>>, vector<1x1x16xf32>,
      %scan3A_898 = arith.constant 0 : i32
      scf.yield %scan3A_898 : i32
    }
    %scan3A_484 = arith.constant 64 : i32
    %add3A_485 = arith.constant 640 : i32
    %add3A_486 = arith.addi %mul3A_2, %add3A_485 : i32
    %add3A_487 = arith.constant 64 : i32
    %add3A_488 = arith.addi %add3A_486, %add3A_487 : i32
    %dma_start3A_489 = arith.constant 5 : i32
    %dma_start3A_490 = arith.constant 64 : i32
    %dma_start3A_491 = arith.constant 0 : i32
    %dma_start3A_492 = tpu.memref_slice %arg6[%dma_start3A_489, %dma_start3A_490, %dma_start3A_491] : memref<6x128x128xf32, #tpu.memory_space<vmem>> -> memref<1x64x128xf32, #tpu.memory_space<vmem>>
    %dma_start3A_493 = tpu.memref_squeeze %dma_start3A_492 : memref<1x64x128xf32, #tpu.memory_space<vmem>> -> memref<64x128xf32, #tpu.memory_space<vmem>>
    %dma_start3A_494 = arith.constant 0 : i32
    %dma_start3A_495 = tpu.memref_slice %arg4[%add3A_488, %dma_start3A_494] : memref<32768x128xf32, #tpu.memory_space<hbm>> -> memref<64x128xf32, #tpu.memory_space<hbm>>
    %dma_start3A_496 = arith.constant 0 : i32
    %dma_start3A_497 = tpu.memref_slice %arg4[%add3A_488, %dma_start3A_496] : memref<32768x128xf32, #tpu.memory_space<hbm>> -> memref<64x128xf32, #tpu.memory_space<hbm>>
    %dma_start3A_498 = arith.constant 64 : i32
    %dma_start3A_499 = arith.constant 0 : i32
    %dma_start3A_500 = tpu.memref_slice %arg6[%dma_start3A_489, %dma_start3A_498, %dma_start3A_499] : memref<6x128x128xf32, #tpu.memory_space<vmem>> -> memref<1x64x128xf32, #tpu.memory_space<vmem>>
    %dma_start3A_501 = tpu.memref_squeeze %dma_start3A_500 : memref<1x64x128xf32, #tpu.memory_space<vmem>> -> memref<64x128xf32, #tpu.memory_space<vmem>>
    tpu.enqueue_dma source(%dma_start3A_501 : memref<64x128xf32, #tpu.memory_space<vmem>>) target(%dma_start3A_497 : memref<64x128xf32, #tpu.memory_space<hbm>>) target_semaphore(%arg18 : memref<!tpu.dma_semaphore, #tpu.memory_space<semaphore_mem>>)
    %dma_wait3A_502 = arith.constant 0 : i32
    %dma_wait3A_503 = arith.constant 0 : i32
    %dma_wait3A_504 = arith.constant 0 : i32
    %dma_wait3A_505 = tpu.memref_slice %arg6[%dma_wait3A_502, %dma_wait3A_503, %dma_wait3A_504] : memref<6x128x128xf32, #tpu.memory_space<vmem>> -> memref<1x128x128xf32, #tpu.memory_space<vmem>>
    %dma_wait3A_506 = tpu.memref_squeeze %dma_wait3A_505 : memref<1x128x128xf32, #tpu.memory_space<vmem>> -> memref<128x128xf32, #tpu.memory_space<vmem>>
    %dma_wait3A_507 = arith.constant 768 : i32
    %dma_wait3A_508 = tpu.memref_slice %arg5[%dma_wait3A_507] : memref<1024xi32, #tpu.memory_space<vmem>> -> memref<128xi32, #tpu.memory_space<vmem>>
    %dma_wait3A_509 = arith.constant 0 : i32
    %dma_wait3A_510 = arith.constant 0 : i32
    %dma_wait3A_511 = tpu.memref_slice %arg3[%dma_wait3A_509, %dma_wait3A_510] : memref<1000000x128xf32, #tpu.memory_space<hbm>> -> memref<1000000x128xf32, #tpu.memory_space<hbm>>
    tpu.wait_indirect_dma semaphore(%arg7 : memref<!tpu.dma_semaphore, #tpu.memory_space<semaphore_mem>>) src(%dma_wait3A_511 : memref<1000000x128xf32, #tpu.memory_space<hbm>>) dst(%dma_wait3A_506 : memref<128x128xf32, #tpu.memory_space<vmem>>)
    %scan3A_512 = arith.constant 0 : i32
    %scan3A_513 = arith.constant 0 : i32
    %scan3A_514 = arith.constant 64 : i32
    %scan3A_515 = arith.addi %scan3A_513, %scan3A_514 : i32
    %scan3A_516 = arith.constant 1 : i32
    %scan3A_517 = scf.for %scan3A_770 = %scan3A_513 to %scan3A_515 step %scan3A_516 iter_args(%scan3A_771 = %scan3A_512) -> (i32)  : i32 {
      %get3A = arith.constant 0 : i32
      %get3A_772 = arith.index_cast %get3A : i32 to index
      %get3A_773 = arith.index_cast %scan3A_770 : i32 to index
      %get3A_774 = arith.constant 0 : index
      %get3A_775 = tpu.vector_load %arg6[%get3A_772, %get3A_773, %get3A_774] {strides = array<i32>} : memref<6x128x128xf32, #tpu.memory_space<vmem>>, vector<1x1x16xf32>,
      %get3A_776 = vector.shape_cast %get3A_775 : vector<1x1x16xf32> to vector<16xf32>
      %mul3A_777 = arith.constant 11.3137083 : f32
      %mul3A_778 = vector.broadcast %mul3A_777 : f32 to vector<16xf32>
      %mul3A_779 = arith.mulf %get3A_776, %mul3A_778 : vector<16xf32>
      %swap3A = arith.constant 0 : i32
      %swap3A_780 = arith.index_cast %swap3A : i32 to index
      %swap3A_781 = arith.index_cast %scan3A_770 : i32 to index
      %swap3A_782 = arith.constant 0 : index
      %swap3A_783 = tpu.vector_load %arg6[%swap3A_780, %swap3A_781, %swap3A_782] {strides = array<i32>} : memref<6x128x128xf32, #tpu.memory_space<vmem>>, vector<1x1x16xf32>,
      %swap3A_784 = vector.shape_cast %swap3A_783 : vector<1x1x16xf32> to vector<16xf32>
      %swap3A_785 = vector.shape_cast %mul3A_779 : vector<16xf32> to vector<1x1x16xf32>
      tpu.vector_store %arg6[%swap3A_780, %swap3A_781, %swap3A_782], %swap3A_785 {strides = array<i32>} : memref<6x128x128xf32, #tpu.memory_space<vmem>>, vector<1x1x16xf32>,
      %get3A_786 = arith.constant 0 : i32
      %get3A_787 = arith.index_cast %get3A_786 : i32 to index
      %get3A_788 = arith.index_cast %scan3A_770 : i32 to index
      %get3A_789 = arith.constant 16 : index
      %get3A_790 = tpu.vector_load %arg6[%get3A_787, %get3A_788, %get3A_789] {strides = array<i32>} : memref<6x128x128xf32, #tpu.memory_space<vmem>>, vector<1x1x16xf32>,
      %get3A_791 = vector.shape_cast %get3A_790 : vector<1x1x16xf32> to vector<16xf32>
      %mul3A_792 = arith.constant 11.3137083 : f32
      %mul3A_793 = vector.broadcast %mul3A_792 : f32 to vector<16xf32>
      %mul3A_794 = arith.mulf %get3A_791, %mul3A_793 : vector<16xf32>
      %swap3A_795 = arith.constant 0 : i32
      %swap3A_796 = arith.index_cast %swap3A_795 : i32 to index
      %swap3A_797 = arith.index_cast %scan3A_770 : i32 to index
      %swap3A_798 = arith.constant 16 : index
      %swap3A_799 = tpu.vector_load %arg6[%swap3A_796, %swap3A_797, %swap3A_798] {strides = array<i32>} : memref<6x128x128xf32, #tpu.memory_space<vmem>>, vector<1x1x16xf32>,
      %swap3A_800 = vector.shape_cast %swap3A_799 : vector<1x1x16xf32> to vector<16xf32>
      %swap3A_801 = vector.shape_cast %mul3A_794 : vector<16xf32> to vector<1x1x16xf32>
      tpu.vector_store %arg6[%swap3A_796, %swap3A_797, %swap3A_798], %swap3A_801 {strides = array<i32>} : memref<6x128x128xf32, #tpu.memory_space<vmem>>, vector<1x1x16xf32>,
      %get3A_802 = arith.constant 0 : i32
      %get3A_803 = arith.index_cast %get3A_802 : i32 to index
      %get3A_804 = arith.index_cast %scan3A_770 : i32 to index
      %get3A_805 = arith.constant 32 : index
      %get3A_806 = tpu.vector_load %arg6[%get3A_803, %get3A_804, %get3A_805] {strides = array<i32>} : memref<6x128x128xf32, #tpu.memory_space<vmem>>, vector<1x1x16xf32>,
      %get3A_807 = vector.shape_cast %get3A_806 : vector<1x1x16xf32> to vector<16xf32>
      %mul3A_808 = arith.constant 11.3137083 : f32
      %mul3A_809 = vector.broadcast %mul3A_808 : f32 to vector<16xf32>
      %mul3A_810 = arith.mulf %get3A_807, %mul3A_809 : vector<16xf32>
      %swap3A_811 = arith.constant 0 : i32
      %swap3A_812 = arith.index_cast %swap3A_811 : i32 to index
      %swap3A_813 = arith.index_cast %scan3A_770 : i32 to index
      %swap3A_814 = arith.constant 32 : index
      %swap3A_815 = tpu.vector_load %arg6[%swap3A_812, %swap3A_813, %swap3A_814] {strides = array<i32>} : memref<6x128x128xf32, #tpu.memory_space<vmem>>, vector<1x1x16xf32>,
      %swap3A_816 = vector.shape_cast %swap3A_815 : vector<1x1x16xf32> to vector<16xf32>
      %swap3A_817 = vector.shape_cast %mul3A_810 : vector<16xf32> to vector<1x1x16xf32>
      tpu.vector_store %arg6[%swap3A_812, %swap3A_813, %swap3A_814], %swap3A_817 {strides = array<i32>} : memref<6x128x128xf32, #tpu.memory_space<vmem>>, vector<1x1x16xf32>,
      %get3A_818 = arith.constant 0 : i32
      %get3A_819 = arith.index_cast %get3A_818 : i32 to index
      %get3A_820 = arith.index_cast %scan3A_770 : i32 to index
      %get3A_821 = arith.constant 48 : index
      %get3A_822 = tpu.vector_load %arg6[%get3A_819, %get3A_820, %get3A_821] {strides = array<i32>} : memref<6x128x128xf32, #tpu.memory_space<vmem>>, vector<1x1x16xf32>,
      %get3A_823 = vector.shape_cast %get3A_822 : vector<1x1x16xf32> to vector<16xf32>
      %mul3A_824 = arith.constant 11.3137083 : f32
      %mul3A_825 = vector.broadcast %mul3A_824 : f32 to vector<16xf32>
      %mul3A_826 = arith.mulf %get3A_823, %mul3A_825 : vector<16xf32>
      %swap3A_827 = arith.constant 0 : i32
      %swap3A_828 = arith.index_cast %swap3A_827 : i32 to index
      %swap3A_829 = arith.index_cast %scan3A_770 : i32 to index
      %swap3A_830 = arith.constant 48 : index
      %swap3A_831 = tpu.vector_load %arg6[%swap3A_828, %swap3A_829, %swap3A_830] {strides = array<i32>} : memref<6x128x128xf32, #tpu.memory_space<vmem>>, vector<1x1x16xf32>,
      %swap3A_832 = vector.shape_cast %swap3A_831 : vector<1x1x16xf32> to vector<16xf32>
      %swap3A_833 = vector.shape_cast %mul3A_826 : vector<16xf32> to vector<1x1x16xf32>
      tpu.vector_store %arg6[%swap3A_828, %swap3A_829, %swap3A_830], %swap3A_833 {strides = array<i32>} : memref<6x128x128xf32, #tpu.memory_space<vmem>>, vector<1x1x16xf32>,
      %get3A_834 = arith.constant 0 : i32
      %get3A_835 = arith.index_cast %get3A_834 : i32 to index
      %get3A_836 = arith.index_cast %scan3A_770 : i32 to index
      %get3A_837 = arith.constant 64 : index
      %get3A_838 = tpu.vector_load %arg6[%get3A_835, %get3A_836, %get3A_837] {strides = array<i32>} : memref<6x128x128xf32, #tpu.memory_space<vmem>>, vector<1x1x16xf32>,
      %get3A_839 = vector.shape_cast %get3A_838 : vector<1x1x16xf32> to vector<16xf32>
      %mul3A_840 = arith.constant 11.3137083 : f32
      %mul3A_841 = vector.broadcast %mul3A_840 : f32 to vector<16xf32>
      %mul3A_842 = arith.mulf %get3A_839, %mul3A_841 : vector<16xf32>
      %swap3A_843 = arith.constant 0 : i32
      %swap3A_844 = arith.index_cast %swap3A_843 : i32 to index
      %swap3A_845 = arith.index_cast %scan3A_770 : i32 to index
      %swap3A_846 = arith.constant 64 : index
      %swap3A_847 = tpu.vector_load %arg6[%swap3A_844, %swap3A_845, %swap3A_846] {strides = array<i32>} : memref<6x128x128xf32, #tpu.memory_space<vmem>>, vector<1x1x16xf32>,
      %swap3A_848 = vector.shape_cast %swap3A_847 : vector<1x1x16xf32> to vector<16xf32>
      %swap3A_849 = vector.shape_cast %mul3A_842 : vector<16xf32> to vector<1x1x16xf32>
      tpu.vector_store %arg6[%swap3A_844, %swap3A_845, %swap3A_846], %swap3A_849 {strides = array<i32>} : memref<6x128x128xf32, #tpu.memory_space<vmem>>, vector<1x1x16xf32>,
      %get3A_850 = arith.constant 0 : i32
      %get3A_851 = arith.index_cast %get3A_850 : i32 to index
      %get3A_852 = arith.index_cast %scan3A_770 : i32 to index
      %get3A_853 = arith.constant 80 : index
      %get3A_854 = tpu.vector_load %arg6[%get3A_851, %get3A_852, %get3A_853] {strides = array<i32>} : memref<6x128x128xf32, #tpu.memory_space<vmem>>, vector<1x1x16xf32>,
      %get3A_855 = vector.shape_cast %get3A_854 : vector<1x1x16xf32> to vector<16xf32>
      %mul3A_856 = arith.constant 11.3137083 : f32
      %mul3A_857 = vector.broadcast %mul3A_856 : f32 to vector<16xf32>
      %mul3A_858 = arith.mulf %get3A_855, %mul3A_857 : vector<16xf32>
      %swap3A_859 = arith.constant 0 : i32
      %swap3A_860 = arith.index_cast %swap3A_859 : i32 to index
      %swap3A_861 = arith.index_cast %scan3A_770 : i32 to index
      %swap3A_862 = arith.constant 80 : index
      %swap3A_863 = tpu.vector_load %arg6[%swap3A_860, %swap3A_861, %swap3A_862] {strides = array<i32>} : memref<6x128x128xf32, #tpu.memory_space<vmem>>, vector<1x1x16xf32>,
      %swap3A_864 = vector.shape_cast %swap3A_863 : vector<1x1x16xf32> to vector<16xf32>
      %swap3A_865 = vector.shape_cast %mul3A_858 : vector<16xf32> to vector<1x1x16xf32>
      tpu.vector_store %arg6[%swap3A_860, %swap3A_861, %swap3A_862], %swap3A_865 {strides = array<i32>} : memref<6x128x128xf32, #tpu.memory_space<vmem>>, vector<1x1x16xf32>,
      %get3A_866 = arith.constant 0 : i32
      %get3A_867 = arith.index_cast %get3A_866 : i32 to index
      %get3A_868 = arith.index_cast %scan3A_770 : i32 to index
      %get3A_869 = arith.constant 96 : index
      %get3A_870 = tpu.vector_load %arg6[%get3A_867, %get3A_868, %get3A_869] {strides = array<i32>} : memref<6x128x128xf32, #tpu.memory_space<vmem>>, vector<1x1x16xf32>,
      %get3A_871 = vector.shape_cast %get3A_870 : vector<1x1x16xf32> to vector<16xf32>
      %mul3A_872 = arith.constant 11.3137083 : f32
      %mul3A_873 = vector.broadcast %mul3A_872 : f32 to vector<16xf32>
      %mul3A_874 = arith.mulf %get3A_871, %mul3A_873 : vector<16xf32>
      %swap3A_875 = arith.constant 0 : i32
      %swap3A_876 = arith.index_cast %swap3A_875 : i32 to index
      %swap3A_877 = arith.index_cast %scan3A_770 : i32 to index
      %swap3A_878 = arith.constant 96 : index
      %swap3A_879 = tpu.vector_load %arg6[%swap3A_876, %swap3A_877, %swap3A_878] {strides = array<i32>} : memref<6x128x128xf32, #tpu.memory_space<vmem>>, vector<1x1x16xf32>,
      %swap3A_880 = vector.shape_cast %swap3A_879 : vector<1x1x16xf32> to vector<16xf32>
      %swap3A_881 = vector.shape_cast %mul3A_874 : vector<16xf32> to vector<1x1x16xf32>
      tpu.vector_store %arg6[%swap3A_876, %swap3A_877, %swap3A_878], %swap3A_881 {strides = array<i32>} : memref<6x128x128xf32, #tpu.memory_space<vmem>>, vector<1x1x16xf32>,
      %get3A_882 = arith.constant 0 : i32
      %get3A_883 = arith.index_cast %get3A_882 : i32 to index
      %get3A_884 = arith.index_cast %scan3A_770 : i32 to index
      %get3A_885 = arith.constant 112 : index
      %get3A_886 = tpu.vector_load %arg6[%get3A_883, %get3A_884, %get3A_885] {strides = array<i32>} : memref<6x128x128xf32, #tpu.memory_space<vmem>>, vector<1x1x16xf32>,
      %get3A_887 = vector.shape_cast %get3A_886 : vector<1x1x16xf32> to vector<16xf32>
      %mul3A_888 = arith.constant 11.3137083 : f32
      %mul3A_889 = vector.broadcast %mul3A_888 : f32 to vector<16xf32>
      %mul3A_890 = arith.mulf %get3A_887, %mul3A_889 : vector<16xf32>
      %swap3A_891 = arith.constant 0 : i32
      %swap3A_892 = arith.index_cast %swap3A_891 : i32 to index
      %swap3A_893 = arith.index_cast %scan3A_770 : i32 to index
      %swap3A_894 = arith.constant 112 : index
      %swap3A_895 = tpu.vector_load %arg6[%swap3A_892, %swap3A_893, %swap3A_894] {strides = array<i32>} : memref<6x128x128xf32, #tpu.memory_space<vmem>>, vector<1x1x16xf32>,
      %swap3A_896 = vector.shape_cast %swap3A_895 : vector<1x1x16xf32> to vector<16xf32>
      %swap3A_897 = vector.shape_cast %mul3A_890 : vector<16xf32> to vector<1x1x16xf32>
      tpu.vector_store %arg6[%swap3A_892, %swap3A_893, %swap3A_894], %swap3A_897 {strides = array<i32>} : memref<6x128x128xf32, #tpu.memory_space<vmem>>, vector<1x1x16xf32>,
      %scan3A_898 = arith.constant 0 : i32
      scf.yield %scan3A_898 : i32
    }
    %scan3A_518 = arith.constant 64 : i32
    %add3A_519 = arith.constant 768 : i32
    %add3A_520 = arith.addi %mul3A_2, %add3A_519 : i32
    %dma_start3A_521 = arith.constant 0 : i32
    %dma_start3A_522 = arith.constant 0 : i32
    %dma_start3A_523 = arith.constant 0 : i32
    %dma_start3A_524 = tpu.memref_slice %arg6[%dma_start3A_521, %dma_start3A_522, %dma_start3A_523] : memref<6x128x128xf32, #tpu.memory_space<vmem>> -> memref<1x64x128xf32, #tpu.memory_space<vmem>>
    %dma_start3A_525 = tpu.memref_squeeze %dma_start3A_524 : memref<1x64x128xf32, #tpu.memory_space<vmem>> -> memref<64x128xf32, #tpu.memory_space<vmem>>
    %dma_start3A_526 = arith.constant 0 : i32
    %dma_start3A_527 = tpu.memref_slice %arg4[%add3A_520, %dma_start3A_526] : memref<32768x128xf32, #tpu.memory_space<hbm>> -> memref<64x128xf32, #tpu.memory_space<hbm>>
    %dma_start3A_528 = arith.constant 0 : i32
    %dma_start3A_529 = tpu.memref_slice %arg4[%add3A_520, %dma_start3A_528] : memref<32768x128xf32, #tpu.memory_space<hbm>> -> memref<64x128xf32, #tpu.memory_space<hbm>>
    %dma_start3A_530 = arith.constant 0 : i32
    %dma_start3A_531 = arith.constant 0 : i32
    %dma_start3A_532 = tpu.memref_slice %arg6[%dma_start3A_521, %dma_start3A_530, %dma_start3A_531] : memref<6x128x128xf32, #tpu.memory_space<vmem>> -> memref<1x64x128xf32, #tpu.memory_space<vmem>>
    %dma_start3A_533 = tpu.memref_squeeze %dma_start3A_532 : memref<1x64x128xf32, #tpu.memory_space<vmem>> -> memref<64x128xf32, #tpu.memory_space<vmem>>
    tpu.enqueue_dma source(%dma_start3A_533 : memref<64x128xf32, #tpu.memory_space<vmem>>) target(%dma_start3A_529 : memref<64x128xf32, #tpu.memory_space<hbm>>) target_semaphore(%arg13 : memref<!tpu.dma_semaphore, #tpu.memory_space<semaphore_mem>>)
    %scan3A_534 = arith.constant 0 : i32
    %scan3A_535 = arith.constant 64 : i32
    %scan3A_536 = arith.constant 64 : i32
    %scan3A_537 = arith.addi %scan3A_535, %scan3A_536 : i32
    %scan3A_538 = arith.constant 1 : i32
    %scan3A_539 = scf.for %scan3A_770 = %scan3A_535 to %scan3A_537 step %scan3A_538 iter_args(%scan3A_771 = %scan3A_534) -> (i32)  : i32 {
      %get3A = arith.constant 0 : i32
      %get3A_772 = arith.index_cast %get3A : i32 to index
      %get3A_773 = arith.index_cast %scan3A_770 : i32 to index
      %get3A_774 = arith.constant 0 : index
      %get3A_775 = tpu.vector_load %arg6[%get3A_772, %get3A_773, %get3A_774] {strides = array<i32>} : memref<6x128x128xf32, #tpu.memory_space<vmem>>, vector<1x1x16xf32>,
      %get3A_776 = vector.shape_cast %get3A_775 : vector<1x1x16xf32> to vector<16xf32>
      %mul3A_777 = arith.constant 11.3137083 : f32
      %mul3A_778 = vector.broadcast %mul3A_777 : f32 to vector<16xf32>
      %mul3A_779 = arith.mulf %get3A_776, %mul3A_778 : vector<16xf32>
      %swap3A = arith.constant 0 : i32
      %swap3A_780 = arith.index_cast %swap3A : i32 to index
      %swap3A_781 = arith.index_cast %scan3A_770 : i32 to index
      %swap3A_782 = arith.constant 0 : index
      %swap3A_783 = tpu.vector_load %arg6[%swap3A_780, %swap3A_781, %swap3A_782] {strides = array<i32>} : memref<6x128x128xf32, #tpu.memory_space<vmem>>, vector<1x1x16xf32>,
      %swap3A_784 = vector.shape_cast %swap3A_783 : vector<1x1x16xf32> to vector<16xf32>
      %swap3A_785 = vector.shape_cast %mul3A_779 : vector<16xf32> to vector<1x1x16xf32>
      tpu.vector_store %arg6[%swap3A_780, %swap3A_781, %swap3A_782], %swap3A_785 {strides = array<i32>} : memref<6x128x128xf32, #tpu.memory_space<vmem>>, vector<1x1x16xf32>,
      %get3A_786 = arith.constant 0 : i32
      %get3A_787 = arith.index_cast %get3A_786 : i32 to index
      %get3A_788 = arith.index_cast %scan3A_770 : i32 to index
      %get3A_789 = arith.constant 16 : index
      %get3A_790 = tpu.vector_load %arg6[%get3A_787, %get3A_788, %get3A_789] {strides = array<i32>} : memref<6x128x128xf32, #tpu.memory_space<vmem>>, vector<1x1x16xf32>,
      %get3A_791 = vector.shape_cast %get3A_790 : vector<1x1x16xf32> to vector<16xf32>
      %mul3A_792 = arith.constant 11.3137083 : f32
      %mul3A_793 = vector.broadcast %mul3A_792 : f32 to vector<16xf32>
      %mul3A_794 = arith.mulf %get3A_791, %mul3A_793 : vector<16xf32>
      %swap3A_795 = arith.constant 0 : i32
      %swap3A_796 = arith.index_cast %swap3A_795 : i32 to index
      %swap3A_797 = arith.index_cast %scan3A_770 : i32 to index
      %swap3A_798 = arith.constant 16 : index
      %swap3A_799 = tpu.vector_load %arg6[%swap3A_796, %swap3A_797, %swap3A_798] {strides = array<i32>} : memref<6x128x128xf32, #tpu.memory_space<vmem>>, vector<1x1x16xf32>,
      %swap3A_800 = vector.shape_cast %swap3A_799 : vector<1x1x16xf32> to vector<16xf32>
      %swap3A_801 = vector.shape_cast %mul3A_794 : vector<16xf32> to vector<1x1x16xf32>
      tpu.vector_store %arg6[%swap3A_796, %swap3A_797, %swap3A_798], %swap3A_801 {strides = array<i32>} : memref<6x128x128xf32, #tpu.memory_space<vmem>>, vector<1x1x16xf32>,
      %get3A_802 = arith.constant 0 : i32
      %get3A_803 = arith.index_cast %get3A_802 : i32 to index
      %get3A_804 = arith.index_cast %scan3A_770 : i32 to index
      %get3A_805 = arith.constant 32 : index
      %get3A_806 = tpu.vector_load %arg6[%get3A_803, %get3A_804, %get3A_805] {strides = array<i32>} : memref<6x128x128xf32, #tpu.memory_space<vmem>>, vector<1x1x16xf32>,
      %get3A_807 = vector.shape_cast %get3A_806 : vector<1x1x16xf32> to vector<16xf32>
      %mul3A_808 = arith.constant 11.3137083 : f32
      %mul3A_809 = vector.broadcast %mul3A_808 : f32 to vector<16xf32>
      %mul3A_810 = arith.mulf %get3A_807, %mul3A_809 : vector<16xf32>
      %swap3A_811 = arith.constant 0 : i32
      %swap3A_812 = arith.index_cast %swap3A_811 : i32 to index
      %swap3A_813 = arith.index_cast %scan3A_770 : i32 to index
      %swap3A_814 = arith.constant 32 : index
      %swap3A_815 = tpu.vector_load %arg6[%swap3A_812, %swap3A_813, %swap3A_814] {strides = array<i32>} : memref<6x128x128xf32, #tpu.memory_space<vmem>>, vector<1x1x16xf32>,
      %swap3A_816 = vector.shape_cast %swap3A_815 : vector<1x1x16xf32> to vector<16xf32>
      %swap3A_817 = vector.shape_cast %mul3A_810 : vector<16xf32> to vector<1x1x16xf32>
      tpu.vector_store %arg6[%swap3A_812, %swap3A_813, %swap3A_814], %swap3A_817 {strides = array<i32>} : memref<6x128x128xf32, #tpu.memory_space<vmem>>, vector<1x1x16xf32>,
      %get3A_818 = arith.constant 0 : i32
      %get3A_819 = arith.index_cast %get3A_818 : i32 to index
      %get3A_820 = arith.index_cast %scan3A_770 : i32 to index
      %get3A_821 = arith.constant 48 : index
      %get3A_822 = tpu.vector_load %arg6[%get3A_819, %get3A_820, %get3A_821] {strides = array<i32>} : memref<6x128x128xf32, #tpu.memory_space<vmem>>, vector<1x1x16xf32>,
      %get3A_823 = vector.shape_cast %get3A_822 : vector<1x1x16xf32> to vector<16xf32>
      %mul3A_824 = arith.constant 11.3137083 : f32
      %mul3A_825 = vector.broadcast %mul3A_824 : f32 to vector<16xf32>
      %mul3A_826 = arith.mulf %get3A_823, %mul3A_825 : vector<16xf32>
      %swap3A_827 = arith.constant 0 : i32
      %swap3A_828 = arith.index_cast %swap3A_827 : i32 to index
      %swap3A_829 = arith.index_cast %scan3A_770 : i32 to index
      %swap3A_830 = arith.constant 48 : index
      %swap3A_831 = tpu.vector_load %arg6[%swap3A_828, %swap3A_829, %swap3A_830] {strides = array<i32>} : memref<6x128x128xf32, #tpu.memory_space<vmem>>, vector<1x1x16xf32>,
      %swap3A_832 = vector.shape_cast %swap3A_831 : vector<1x1x16xf32> to vector<16xf32>
      %swap3A_833 = vector.shape_cast %mul3A_826 : vector<16xf32> to vector<1x1x16xf32>
      tpu.vector_store %arg6[%swap3A_828, %swap3A_829, %swap3A_830], %swap3A_833 {strides = array<i32>} : memref<6x128x128xf32, #tpu.memory_space<vmem>>, vector<1x1x16xf32>,
      %get3A_834 = arith.constant 0 : i32
      %get3A_835 = arith.index_cast %get3A_834 : i32 to index
      %get3A_836 = arith.index_cast %scan3A_770 : i32 to index
      %get3A_837 = arith.constant 64 : index
      %get3A_838 = tpu.vector_load %arg6[%get3A_835, %get3A_836, %get3A_837] {strides = array<i32>} : memref<6x128x128xf32, #tpu.memory_space<vmem>>, vector<1x1x16xf32>,
      %get3A_839 = vector.shape_cast %get3A_838 : vector<1x1x16xf32> to vector<16xf32>
      %mul3A_840 = arith.constant 11.3137083 : f32
      %mul3A_841 = vector.broadcast %mul3A_840 : f32 to vector<16xf32>
      %mul3A_842 = arith.mulf %get3A_839, %mul3A_841 : vector<16xf32>
      %swap3A_843 = arith.constant 0 : i32
      %swap3A_844 = arith.index_cast %swap3A_843 : i32 to index
      %swap3A_845 = arith.index_cast %scan3A_770 : i32 to index
      %swap3A_846 = arith.constant 64 : index
      %swap3A_847 = tpu.vector_load %arg6[%swap3A_844, %swap3A_845, %swap3A_846] {strides = array<i32>} : memref<6x128x128xf32, #tpu.memory_space<vmem>>, vector<1x1x16xf32>,
      %swap3A_848 = vector.shape_cast %swap3A_847 : vector<1x1x16xf32> to vector<16xf32>
      %swap3A_849 = vector.shape_cast %mul3A_842 : vector<16xf32> to vector<1x1x16xf32>
      tpu.vector_store %arg6[%swap3A_844, %swap3A_845, %swap3A_846], %swap3A_849 {strides = array<i32>} : memref<6x128x128xf32, #tpu.memory_space<vmem>>, vector<1x1x16xf32>,
      %get3A_850 = arith.constant 0 : i32
      %get3A_851 = arith.index_cast %get3A_850 : i32 to index
      %get3A_852 = arith.index_cast %scan3A_770 : i32 to index
      %get3A_853 = arith.constant 80 : index
      %get3A_854 = tpu.vector_load %arg6[%get3A_851, %get3A_852, %get3A_853] {strides = array<i32>} : memref<6x128x128xf32, #tpu.memory_space<vmem>>, vector<1x1x16xf32>,
      %get3A_855 = vector.shape_cast %get3A_854 : vector<1x1x16xf32> to vector<16xf32>
      %mul3A_856 = arith.constant 11.3137083 : f32
      %mul3A_857 = vector.broadcast %mul3A_856 : f32 to vector<16xf32>
      %mul3A_858 = arith.mulf %get3A_855, %mul3A_857 : vector<16xf32>
      %swap3A_859 = arith.constant 0 : i32
      %swap3A_860 = arith.index_cast %swap3A_859 : i32 to index
      %swap3A_861 = arith.index_cast %scan3A_770 : i32 to index
      %swap3A_862 = arith.constant 80 : index
      %swap3A_863 = tpu.vector_load %arg6[%swap3A_860, %swap3A_861, %swap3A_862] {strides = array<i32>} : memref<6x128x128xf32, #tpu.memory_space<vmem>>, vector<1x1x16xf32>,
      %swap3A_864 = vector.shape_cast %swap3A_863 : vector<1x1x16xf32> to vector<16xf32>
      %swap3A_865 = vector.shape_cast %mul3A_858 : vector<16xf32> to vector<1x1x16xf32>
      tpu.vector_store %arg6[%swap3A_860, %swap3A_861, %swap3A_862], %swap3A_865 {strides = array<i32>} : memref<6x128x128xf32, #tpu.memory_space<vmem>>, vector<1x1x16xf32>,
      %get3A_866 = arith.constant 0 : i32
      %get3A_867 = arith.index_cast %get3A_866 : i32 to index
      %get3A_868 = arith.index_cast %scan3A_770 : i32 to index
      %get3A_869 = arith.constant 96 : index
      %get3A_870 = tpu.vector_load %arg6[%get3A_867, %get3A_868, %get3A_869] {strides = array<i32>} : memref<6x128x128xf32, #tpu.memory_space<vmem>>, vector<1x1x16xf32>,
      %get3A_871 = vector.shape_cast %get3A_870 : vector<1x1x16xf32> to vector<16xf32>
      %mul3A_872 = arith.constant 11.3137083 : f32
      %mul3A_873 = vector.broadcast %mul3A_872 : f32 to vector<16xf32>
      %mul3A_874 = arith.mulf %get3A_871, %mul3A_873 : vector<16xf32>
      %swap3A_875 = arith.constant 0 : i32
      %swap3A_876 = arith.index_cast %swap3A_875 : i32 to index
      %swap3A_877 = arith.index_cast %scan3A_770 : i32 to index
      %swap3A_878 = arith.constant 96 : index
      %swap3A_879 = tpu.vector_load %arg6[%swap3A_876, %swap3A_877, %swap3A_878] {strides = array<i32>} : memref<6x128x128xf32, #tpu.memory_space<vmem>>, vector<1x1x16xf32>,
      %swap3A_880 = vector.shape_cast %swap3A_879 : vector<1x1x16xf32> to vector<16xf32>
      %swap3A_881 = vector.shape_cast %mul3A_874 : vector<16xf32> to vector<1x1x16xf32>
      tpu.vector_store %arg6[%swap3A_876, %swap3A_877, %swap3A_878], %swap3A_881 {strides = array<i32>} : memref<6x128x128xf32, #tpu.memory_space<vmem>>, vector<1x1x16xf32>,
      %get3A_882 = arith.constant 0 : i32
      %get3A_883 = arith.index_cast %get3A_882 : i32 to index
      %get3A_884 = arith.index_cast %scan3A_770 : i32 to index
      %get3A_885 = arith.constant 112 : index
      %get3A_886 = tpu.vector_load %arg6[%get3A_883, %get3A_884, %get3A_885] {strides = array<i32>} : memref<6x128x128xf32, #tpu.memory_space<vmem>>, vector<1x1x16xf32>,
      %get3A_887 = vector.shape_cast %get3A_886 : vector<1x1x16xf32> to vector<16xf32>
      %mul3A_888 = arith.constant 11.3137083 : f32
      %mul3A_889 = vector.broadcast %mul3A_888 : f32 to vector<16xf32>
      %mul3A_890 = arith.mulf %get3A_887, %mul3A_889 : vector<16xf32>
      %swap3A_891 = arith.constant 0 : i32
      %swap3A_892 = arith.index_cast %swap3A_891 : i32 to index
      %swap3A_893 = arith.index_cast %scan3A_770 : i32 to index
      %swap3A_894 = arith.constant 112 : index
      %swap3A_895 = tpu.vector_load %arg6[%swap3A_892, %swap3A_893, %swap3A_894] {strides = array<i32>} : memref<6x128x128xf32, #tpu.memory_space<vmem>>, vector<1x1x16xf32>,
      %swap3A_896 = vector.shape_cast %swap3A_895 : vector<1x1x16xf32> to vector<16xf32>
      %swap3A_897 = vector.shape_cast %mul3A_890 : vector<16xf32> to vector<1x1x16xf32>
      tpu.vector_store %arg6[%swap3A_892, %swap3A_893, %swap3A_894], %swap3A_897 {strides = array<i32>} : memref<6x128x128xf32, #tpu.memory_space<vmem>>, vector<1x1x16xf32>,
      %scan3A_898 = arith.constant 0 : i32
      scf.yield %scan3A_898 : i32
    }
    %scan3A_540 = arith.constant 64 : i32
    %add3A_541 = arith.constant 768 : i32
    %add3A_542 = arith.addi %mul3A_2, %add3A_541 : i32
    %add3A_543 = arith.constant 64 : i32
    %add3A_544 = arith.addi %add3A_542, %add3A_543 : i32
    %dma_start3A_545 = arith.constant 0 : i32
    %dma_start3A_546 = arith.constant 64 : i32
    %dma_start3A_547 = arith.constant 0 : i32
    %dma_start3A_548 = tpu.memref_slice %arg6[%dma_start3A_545, %dma_start3A_546, %dma_start3A_547] : memref<6x128x128xf32, #tpu.memory_space<vmem>> -> memref<1x64x128xf32, #tpu.memory_space<vmem>>
    %dma_start3A_549 = tpu.memref_squeeze %dma_start3A_548 : memref<1x64x128xf32, #tpu.memory_space<vmem>> -> memref<64x128xf32, #tpu.memory_space<vmem>>
    %dma_start3A_550 = arith.constant 0 : i32
    %dma_start3A_551 = tpu.memref_slice %arg4[%add3A_544, %dma_start3A_550] : memref<32768x128xf32, #tpu.memory_space<hbm>> -> memref<64x128xf32, #tpu.memory_space<hbm>>
    %dma_start3A_552 = arith.constant 0 : i32
    %dma_start3A_553 = tpu.memref_slice %arg4[%add3A_544, %dma_start3A_552] : memref<32768x128xf32, #tpu.memory_space<hbm>> -> memref<64x128xf32, #tpu.memory_space<hbm>>
    %dma_start3A_554 = arith.constant 64 : i32
    %dma_start3A_555 = arith.constant 0 : i32
    %dma_start3A_556 = tpu.memref_slice %arg6[%dma_start3A_545, %dma_start3A_554, %dma_start3A_555] : memref<6x128x128xf32, #tpu.memory_space<vmem>> -> memref<1x64x128xf32, #tpu.memory_space<vmem>>
    %dma_start3A_557 = tpu.memref_squeeze %dma_start3A_556 : memref<1x64x128xf32, #tpu.memory_space<vmem>> -> memref<64x128xf32, #tpu.memory_space<vmem>>
    tpu.enqueue_dma source(%dma_start3A_557 : memref<64x128xf32, #tpu.memory_space<vmem>>) target(%dma_start3A_553 : memref<64x128xf32, #tpu.memory_space<hbm>>) target_semaphore(%arg13 : memref<!tpu.dma_semaphore, #tpu.memory_space<semaphore_mem>>)
    %dma_wait3A_558 = arith.constant 1 : i32
    %dma_wait3A_559 = arith.constant 0 : i32
    %dma_wait3A_560 = arith.constant 0 : i32
    %dma_wait3A_561 = tpu.memref_slice %arg6[%dma_wait3A_558, %dma_wait3A_559, %dma_wait3A_560] : memref<6x128x128xf32, #tpu.memory_space<vmem>> -> memref<1x128x128xf32, #tpu.memory_space<vmem>>
    %dma_wait3A_562 = tpu.memref_squeeze %dma_wait3A_561 : memref<1x128x128xf32, #tpu.memory_space<vmem>> -> memref<128x128xf32, #tpu.memory_space<vmem>>
    %dma_wait3A_563 = arith.constant 896 : i32
    %dma_wait3A_564 = tpu.memref_slice %arg5[%dma_wait3A_563] : memref<1024xi32, #tpu.memory_space<vmem>> -> memref<128xi32, #tpu.memory_space<vmem>>
    %dma_wait3A_565 = arith.constant 0 : i32
    %dma_wait3A_566 = arith.constant 0 : i32
    %dma_wait3A_567 = tpu.memref_slice %arg3[%dma_wait3A_565, %dma_wait3A_566] : memref<1000000x128xf32, #tpu.memory_space<hbm>> -> memref<1000000x128xf32, #tpu.memory_space<hbm>>
    tpu.wait_indirect_dma semaphore(%arg8 : memref<!tpu.dma_semaphore, #tpu.memory_space<semaphore_mem>>) src(%dma_wait3A_567 : memref<1000000x128xf32, #tpu.memory_space<hbm>>) dst(%dma_wait3A_562 : memref<128x128xf32, #tpu.memory_space<vmem>>)
    %scan3A_568 = arith.constant 0 : i32
    %scan3A_569 = arith.constant 0 : i32
    %scan3A_570 = arith.constant 64 : i32
    %scan3A_571 = arith.addi %scan3A_569, %scan3A_570 : i32
    %scan3A_572 = arith.constant 1 : i32
    %scan3A_573 = scf.for %scan3A_770 = %scan3A_569 to %scan3A_571 step %scan3A_572 iter_args(%scan3A_771 = %scan3A_568) -> (i32)  : i32 {
      %get3A = arith.constant 1 : i32
      %get3A_772 = arith.index_cast %get3A : i32 to index
      %get3A_773 = arith.index_cast %scan3A_770 : i32 to index
      %get3A_774 = arith.constant 0 : index
      %get3A_775 = tpu.vector_load %arg6[%get3A_772, %get3A_773, %get3A_774] {strides = array<i32>} : memref<6x128x128xf32, #tpu.memory_space<vmem>>, vector<1x1x16xf32>,
      %get3A_776 = vector.shape_cast %get3A_775 : vector<1x1x16xf32> to vector<16xf32>
      %mul3A_777 = arith.constant 11.3137083 : f32
      %mul3A_778 = vector.broadcast %mul3A_777 : f32 to vector<16xf32>
      %mul3A_779 = arith.mulf %get3A_776, %mul3A_778 : vector<16xf32>
      %swap3A = arith.constant 1 : i32
      %swap3A_780 = arith.index_cast %swap3A : i32 to index
      %swap3A_781 = arith.index_cast %scan3A_770 : i32 to index
      %swap3A_782 = arith.constant 0 : index
      %swap3A_783 = tpu.vector_load %arg6[%swap3A_780, %swap3A_781, %swap3A_782] {strides = array<i32>} : memref<6x128x128xf32, #tpu.memory_space<vmem>>, vector<1x1x16xf32>,
      %swap3A_784 = vector.shape_cast %swap3A_783 : vector<1x1x16xf32> to vector<16xf32>
      %swap3A_785 = vector.shape_cast %mul3A_779 : vector<16xf32> to vector<1x1x16xf32>
      tpu.vector_store %arg6[%swap3A_780, %swap3A_781, %swap3A_782], %swap3A_785 {strides = array<i32>} : memref<6x128x128xf32, #tpu.memory_space<vmem>>, vector<1x1x16xf32>,
      %get3A_786 = arith.constant 1 : i32
      %get3A_787 = arith.index_cast %get3A_786 : i32 to index
      %get3A_788 = arith.index_cast %scan3A_770 : i32 to index
      %get3A_789 = arith.constant 16 : index
      %get3A_790 = tpu.vector_load %arg6[%get3A_787, %get3A_788, %get3A_789] {strides = array<i32>} : memref<6x128x128xf32, #tpu.memory_space<vmem>>, vector<1x1x16xf32>,
      %get3A_791 = vector.shape_cast %get3A_790 : vector<1x1x16xf32> to vector<16xf32>
      %mul3A_792 = arith.constant 11.3137083 : f32
      %mul3A_793 = vector.broadcast %mul3A_792 : f32 to vector<16xf32>
      %mul3A_794 = arith.mulf %get3A_791, %mul3A_793 : vector<16xf32>
      %swap3A_795 = arith.constant 1 : i32
      %swap3A_796 = arith.index_cast %swap3A_795 : i32 to index
      %swap3A_797 = arith.index_cast %scan3A_770 : i32 to index
      %swap3A_798 = arith.constant 16 : index
      %swap3A_799 = tpu.vector_load %arg6[%swap3A_796, %swap3A_797, %swap3A_798] {strides = array<i32>} : memref<6x128x128xf32, #tpu.memory_space<vmem>>, vector<1x1x16xf32>,
      %swap3A_800 = vector.shape_cast %swap3A_799 : vector<1x1x16xf32> to vector<16xf32>
      %swap3A_801 = vector.shape_cast %mul3A_794 : vector<16xf32> to vector<1x1x16xf32>
      tpu.vector_store %arg6[%swap3A_796, %swap3A_797, %swap3A_798], %swap3A_801 {strides = array<i32>} : memref<6x128x128xf32, #tpu.memory_space<vmem>>, vector<1x1x16xf32>,
      %get3A_802 = arith.constant 1 : i32
      %get3A_803 = arith.index_cast %get3A_802 : i32 to index
      %get3A_804 = arith.index_cast %scan3A_770 : i32 to index
      %get3A_805 = arith.constant 32 : index
      %get3A_806 = tpu.vector_load %arg6[%get3A_803, %get3A_804, %get3A_805] {strides = array<i32>} : memref<6x128x128xf32, #tpu.memory_space<vmem>>, vector<1x1x16xf32>,
      %get3A_807 = vector.shape_cast %get3A_806 : vector<1x1x16xf32> to vector<16xf32>
      %mul3A_808 = arith.constant 11.3137083 : f32
      %mul3A_809 = vector.broadcast %mul3A_808 : f32 to vector<16xf32>
      %mul3A_810 = arith.mulf %get3A_807, %mul3A_809 : vector<16xf32>
      %swap3A_811 = arith.constant 1 : i32
      %swap3A_812 = arith.index_cast %swap3A_811 : i32 to index
      %swap3A_813 = arith.index_cast %scan3A_770 : i32 to index
      %swap3A_814 = arith.constant 32 : index
      %swap3A_815 = tpu.vector_load %arg6[%swap3A_812, %swap3A_813, %swap3A_814] {strides = array<i32>} : memref<6x128x128xf32, #tpu.memory_space<vmem>>, vector<1x1x16xf32>,
      %swap3A_816 = vector.shape_cast %swap3A_815 : vector<1x1x16xf32> to vector<16xf32>
      %swap3A_817 = vector.shape_cast %mul3A_810 : vector<16xf32> to vector<1x1x16xf32>
      tpu.vector_store %arg6[%swap3A_812, %swap3A_813, %swap3A_814], %swap3A_817 {strides = array<i32>} : memref<6x128x128xf32, #tpu.memory_space<vmem>>, vector<1x1x16xf32>,
      %get3A_818 = arith.constant 1 : i32
      %get3A_819 = arith.index_cast %get3A_818 : i32 to index
      %get3A_820 = arith.index_cast %scan3A_770 : i32 to index
      %get3A_821 = arith.constant 48 : index
      %get3A_822 = tpu.vector_load %arg6[%get3A_819, %get3A_820, %get3A_821] {strides = array<i32>} : memref<6x128x128xf32, #tpu.memory_space<vmem>>, vector<1x1x16xf32>,
      %get3A_823 = vector.shape_cast %get3A_822 : vector<1x1x16xf32> to vector<16xf32>
      %mul3A_824 = arith.constant 11.3137083 : f32
      %mul3A_825 = vector.broadcast %mul3A_824 : f32 to vector<16xf32>
      %mul3A_826 = arith.mulf %get3A_823, %mul3A_825 : vector<16xf32>
      %swap3A_827 = arith.constant 1 : i32
      %swap3A_828 = arith.index_cast %swap3A_827 : i32 to index
      %swap3A_829 = arith.index_cast %scan3A_770 : i32 to index
      %swap3A_830 = arith.constant 48 : index
      %swap3A_831 = tpu.vector_load %arg6[%swap3A_828, %swap3A_829, %swap3A_830] {strides = array<i32>} : memref<6x128x128xf32, #tpu.memory_space<vmem>>, vector<1x1x16xf32>,
      %swap3A_832 = vector.shape_cast %swap3A_831 : vector<1x1x16xf32> to vector<16xf32>
      %swap3A_833 = vector.shape_cast %mul3A_826 : vector<16xf32> to vector<1x1x16xf32>
      tpu.vector_store %arg6[%swap3A_828, %swap3A_829, %swap3A_830], %swap3A_833 {strides = array<i32>} : memref<6x128x128xf32, #tpu.memory_space<vmem>>, vector<1x1x16xf32>,
      %get3A_834 = arith.constant 1 : i32
      %get3A_835 = arith.index_cast %get3A_834 : i32 to index
      %get3A_836 = arith.index_cast %scan3A_770 : i32 to index
      %get3A_837 = arith.constant 64 : index
      %get3A_838 = tpu.vector_load %arg6[%get3A_835, %get3A_836, %get3A_837] {strides = array<i32>} : memref<6x128x128xf32, #tpu.memory_space<vmem>>, vector<1x1x16xf32>,
      %get3A_839 = vector.shape_cast %get3A_838 : vector<1x1x16xf32> to vector<16xf32>
      %mul3A_840 = arith.constant 11.3137083 : f32
      %mul3A_841 = vector.broadcast %mul3A_840 : f32 to vector<16xf32>
      %mul3A_842 = arith.mulf %get3A_839, %mul3A_841 : vector<16xf32>
      %swap3A_843 = arith.constant 1 : i32
      %swap3A_844 = arith.index_cast %swap3A_843 : i32 to index
      %swap3A_845 = arith.index_cast %scan3A_770 : i32 to index
      %swap3A_846 = arith.constant 64 : index
      %swap3A_847 = tpu.vector_load %arg6[%swap3A_844, %swap3A_845, %swap3A_846] {strides = array<i32>} : memref<6x128x128xf32, #tpu.memory_space<vmem>>, vector<1x1x16xf32>,
      %swap3A_848 = vector.shape_cast %swap3A_847 : vector<1x1x16xf32> to vector<16xf32>
      %swap3A_849 = vector.shape_cast %mul3A_842 : vector<16xf32> to vector<1x1x16xf32>
      tpu.vector_store %arg6[%swap3A_844, %swap3A_845, %swap3A_846], %swap3A_849 {strides = array<i32>} : memref<6x128x128xf32, #tpu.memory_space<vmem>>, vector<1x1x16xf32>,
      %get3A_850 = arith.constant 1 : i32
      %get3A_851 = arith.index_cast %get3A_850 : i32 to index
      %get3A_852 = arith.index_cast %scan3A_770 : i32 to index
      %get3A_853 = arith.constant 80 : index
      %get3A_854 = tpu.vector_load %arg6[%get3A_851, %get3A_852, %get3A_853] {strides = array<i32>} : memref<6x128x128xf32, #tpu.memory_space<vmem>>, vector<1x1x16xf32>,
      %get3A_855 = vector.shape_cast %get3A_854 : vector<1x1x16xf32> to vector<16xf32>
      %mul3A_856 = arith.constant 11.3137083 : f32
      %mul3A_857 = vector.broadcast %mul3A_856 : f32 to vector<16xf32>
      %mul3A_858 = arith.mulf %get3A_855, %mul3A_857 : vector<16xf32>
      %swap3A_859 = arith.constant 1 : i32
      %swap3A_860 = arith.index_cast %swap3A_859 : i32 to index
      %swap3A_861 = arith.index_cast %scan3A_770 : i32 to index
      %swap3A_862 = arith.constant 80 : index
      %swap3A_863 = tpu.vector_load %arg6[%swap3A_860, %swap3A_861, %swap3A_862] {strides = array<i32>} : memref<6x128x128xf32, #tpu.memory_space<vmem>>, vector<1x1x16xf32>,
      %swap3A_864 = vector.shape_cast %swap3A_863 : vector<1x1x16xf32> to vector<16xf32>
      %swap3A_865 = vector.shape_cast %mul3A_858 : vector<16xf32> to vector<1x1x16xf32>
      tpu.vector_store %arg6[%swap3A_860, %swap3A_861, %swap3A_862], %swap3A_865 {strides = array<i32>} : memref<6x128x128xf32, #tpu.memory_space<vmem>>, vector<1x1x16xf32>,
      %get3A_866 = arith.constant 1 : i32
      %get3A_867 = arith.index_cast %get3A_866 : i32 to index
      %get3A_868 = arith.index_cast %scan3A_770 : i32 to index
      %get3A_869 = arith.constant 96 : index
      %get3A_870 = tpu.vector_load %arg6[%get3A_867, %get3A_868, %get3A_869] {strides = array<i32>} : memref<6x128x128xf32, #tpu.memory_space<vmem>>, vector<1x1x16xf32>,
      %get3A_871 = vector.shape_cast %get3A_870 : vector<1x1x16xf32> to vector<16xf32>
      %mul3A_872 = arith.constant 11.3137083 : f32
      %mul3A_873 = vector.broadcast %mul3A_872 : f32 to vector<16xf32>
      %mul3A_874 = arith.mulf %get3A_871, %mul3A_873 : vector<16xf32>
      %swap3A_875 = arith.constant 1 : i32
      %swap3A_876 = arith.index_cast %swap3A_875 : i32 to index
      %swap3A_877 = arith.index_cast %scan3A_770 : i32 to index
      %swap3A_878 = arith.constant 96 : index
      %swap3A_879 = tpu.vector_load %arg6[%swap3A_876, %swap3A_877, %swap3A_878] {strides = array<i32>} : memref<6x128x128xf32, #tpu.memory_space<vmem>>, vector<1x1x16xf32>,
      %swap3A_880 = vector.shape_cast %swap3A_879 : vector<1x1x16xf32> to vector<16xf32>
      %swap3A_881 = vector.shape_cast %mul3A_874 : vector<16xf32> to vector<1x1x16xf32>
      tpu.vector_store %arg6[%swap3A_876, %swap3A_877, %swap3A_878], %swap3A_881 {strides = array<i32>} : memref<6x128x128xf32, #tpu.memory_space<vmem>>, vector<1x1x16xf32>,
      %get3A_882 = arith.constant 1 : i32
      %get3A_883 = arith.index_cast %get3A_882 : i32 to index
      %get3A_884 = arith.index_cast %scan3A_770 : i32 to index
      %get3A_885 = arith.constant 112 : index
      %get3A_886 = tpu.vector_load %arg6[%get3A_883, %get3A_884, %get3A_885] {strides = array<i32>} : memref<6x128x128xf32, #tpu.memory_space<vmem>>, vector<1x1x16xf32>,
      %get3A_887 = vector.shape_cast %get3A_886 : vector<1x1x16xf32> to vector<16xf32>
      %mul3A_888 = arith.constant 11.3137083 : f32
      %mul3A_889 = vector.broadcast %mul3A_888 : f32 to vector<16xf32>
      %mul3A_890 = arith.mulf %get3A_887, %mul3A_889 : vector<16xf32>
      %swap3A_891 = arith.constant 1 : i32
      %swap3A_892 = arith.index_cast %swap3A_891 : i32 to index
      %swap3A_893 = arith.index_cast %scan3A_770 : i32 to index
      %swap3A_894 = arith.constant 112 : index
      %swap3A_895 = tpu.vector_load %arg6[%swap3A_892, %swap3A_893, %swap3A_894] {strides = array<i32>} : memref<6x128x128xf32, #tpu.memory_space<vmem>>, vector<1x1x16xf32>,
      %swap3A_896 = vector.shape_cast %swap3A_895 : vector<1x1x16xf32> to vector<16xf32>
      %swap3A_897 = vector.shape_cast %mul3A_890 : vector<16xf32> to vector<1x1x16xf32>
      tpu.vector_store %arg6[%swap3A_892, %swap3A_893, %swap3A_894], %swap3A_897 {strides = array<i32>} : memref<6x128x128xf32, #tpu.memory_space<vmem>>, vector<1x1x16xf32>,
      %scan3A_898 = arith.constant 0 : i32
      scf.yield %scan3A_898 : i32
    }
    %scan3A_574 = arith.constant 64 : i32
    %add3A_575 = arith.constant 896 : i32
    %add3A_576 = arith.addi %mul3A_2, %add3A_575 : i32
    %dma_start3A_577 = arith.constant 1 : i32
    %dma_start3A_578 = arith.constant 0 : i32
    %dma_start3A_579 = arith.constant 0 : i32
    %dma_start3A_580 = tpu.memref_slice %arg6[%dma_start3A_577, %dma_start3A_578, %dma_start3A_579] : memref<6x128x128xf32, #tpu.memory_space<vmem>> -> memref<1x64x128xf32, #tpu.memory_space<vmem>>
    %dma_start3A_581 = tpu.memref_squeeze %dma_start3A_580 : memref<1x64x128xf32, #tpu.memory_space<vmem>> -> memref<64x128xf32, #tpu.memory_space<vmem>>
    %dma_start3A_582 = arith.constant 0 : i32
    %dma_start3A_583 = tpu.memref_slice %arg4[%add3A_576, %dma_start3A_582] : memref<32768x128xf32, #tpu.memory_space<hbm>> -> memref<64x128xf32, #tpu.memory_space<hbm>>
    %dma_start3A_584 = arith.constant 0 : i32
    %dma_start3A_585 = tpu.memref_slice %arg4[%add3A_576, %dma_start3A_584] : memref<32768x128xf32, #tpu.memory_space<hbm>> -> memref<64x128xf32, #tpu.memory_space<hbm>>
    %dma_start3A_586 = arith.constant 0 : i32
    %dma_start3A_587 = arith.constant 0 : i32
    %dma_start3A_588 = tpu.memref_slice %arg6[%dma_start3A_577, %dma_start3A_586, %dma_start3A_587] : memref<6x128x128xf32, #tpu.memory_space<vmem>> -> memref<1x64x128xf32, #tpu.memory_space<vmem>>
    %dma_start3A_589 = tpu.memref_squeeze %dma_start3A_588 : memref<1x64x128xf32, #tpu.memory_space<vmem>> -> memref<64x128xf32, #tpu.memory_space<vmem>>
    tpu.enqueue_dma source(%dma_start3A_589 : memref<64x128xf32, #tpu.memory_space<vmem>>) target(%dma_start3A_585 : memref<64x128xf32, #tpu.memory_space<hbm>>) target_semaphore(%arg14 : memref<!tpu.dma_semaphore, #tpu.memory_space<semaphore_mem>>)
    %scan3A_590 = arith.constant 0 : i32
    %scan3A_591 = arith.constant 64 : i32
    %scan3A_592 = arith.constant 64 : i32
    %scan3A_593 = arith.addi %scan3A_591, %scan3A_592 : i32
    %scan3A_594 = arith.constant 1 : i32
    %scan3A_595 = scf.for %scan3A_770 = %scan3A_591 to %scan3A_593 step %scan3A_594 iter_args(%scan3A_771 = %scan3A_590) -> (i32)  : i32 {
      %get3A = arith.constant 1 : i32
      %get3A_772 = arith.index_cast %get3A : i32 to index
      %get3A_773 = arith.index_cast %scan3A_770 : i32 to index
      %get3A_774 = arith.constant 0 : index
      %get3A_775 = tpu.vector_load %arg6[%get3A_772, %get3A_773, %get3A_774] {strides = array<i32>} : memref<6x128x128xf32, #tpu.memory_space<vmem>>, vector<1x1x16xf32>,
      %get3A_776 = vector.shape_cast %get3A_775 : vector<1x1x16xf32> to vector<16xf32>
      %mul3A_777 = arith.constant 11.3137083 : f32
      %mul3A_778 = vector.broadcast %mul3A_777 : f32 to vector<16xf32>
      %mul3A_779 = arith.mulf %get3A_776, %mul3A_778 : vector<16xf32>
      %swap3A = arith.constant 1 : i32
      %swap3A_780 = arith.index_cast %swap3A : i32 to index
      %swap3A_781 = arith.index_cast %scan3A_770 : i32 to index
      %swap3A_782 = arith.constant 0 : index
      %swap3A_783 = tpu.vector_load %arg6[%swap3A_780, %swap3A_781, %swap3A_782] {strides = array<i32>} : memref<6x128x128xf32, #tpu.memory_space<vmem>>, vector<1x1x16xf32>,
      %swap3A_784 = vector.shape_cast %swap3A_783 : vector<1x1x16xf32> to vector<16xf32>
      %swap3A_785 = vector.shape_cast %mul3A_779 : vector<16xf32> to vector<1x1x16xf32>
      tpu.vector_store %arg6[%swap3A_780, %swap3A_781, %swap3A_782], %swap3A_785 {strides = array<i32>} : memref<6x128x128xf32, #tpu.memory_space<vmem>>, vector<1x1x16xf32>,
      %get3A_786 = arith.constant 1 : i32
      %get3A_787 = arith.index_cast %get3A_786 : i32 to index
      %get3A_788 = arith.index_cast %scan3A_770 : i32 to index
      %get3A_789 = arith.constant 16 : index
      %get3A_790 = tpu.vector_load %arg6[%get3A_787, %get3A_788, %get3A_789] {strides = array<i32>} : memref<6x128x128xf32, #tpu.memory_space<vmem>>, vector<1x1x16xf32>,
      %get3A_791 = vector.shape_cast %get3A_790 : vector<1x1x16xf32> to vector<16xf32>
      %mul3A_792 = arith.constant 11.3137083 : f32
      %mul3A_793 = vector.broadcast %mul3A_792 : f32 to vector<16xf32>
      %mul3A_794 = arith.mulf %get3A_791, %mul3A_793 : vector<16xf32>
      %swap3A_795 = arith.constant 1 : i32
      %swap3A_796 = arith.index_cast %swap3A_795 : i32 to index
      %swap3A_797 = arith.index_cast %scan3A_770 : i32 to index
      %swap3A_798 = arith.constant 16 : index
      %swap3A_799 = tpu.vector_load %arg6[%swap3A_796, %swap3A_797, %swap3A_798] {strides = array<i32>} : memref<6x128x128xf32, #tpu.memory_space<vmem>>, vector<1x1x16xf32>,
      %swap3A_800 = vector.shape_cast %swap3A_799 : vector<1x1x16xf32> to vector<16xf32>
      %swap3A_801 = vector.shape_cast %mul3A_794 : vector<16xf32> to vector<1x1x16xf32>
      tpu.vector_store %arg6[%swap3A_796, %swap3A_797, %swap3A_798], %swap3A_801 {strides = array<i32>} : memref<6x128x128xf32, #tpu.memory_space<vmem>>, vector<1x1x16xf32>,
      %get3A_802 = arith.constant 1 : i32
      %get3A_803 = arith.index_cast %get3A_802 : i32 to index
      %get3A_804 = arith.index_cast %scan3A_770 : i32 to index
      %get3A_805 = arith.constant 32 : index
      %get3A_806 = tpu.vector_load %arg6[%get3A_803, %get3A_804, %get3A_805] {strides = array<i32>} : memref<6x128x128xf32, #tpu.memory_space<vmem>>, vector<1x1x16xf32>,
      %get3A_807 = vector.shape_cast %get3A_806 : vector<1x1x16xf32> to vector<16xf32>
      %mul3A_808 = arith.constant 11.3137083 : f32
      %mul3A_809 = vector.broadcast %mul3A_808 : f32 to vector<16xf32>
      %mul3A_810 = arith.mulf %get3A_807, %mul3A_809 : vector<16xf32>
      %swap3A_811 = arith.constant 1 : i32
      %swap3A_812 = arith.index_cast %swap3A_811 : i32 to index
      %swap3A_813 = arith.index_cast %scan3A_770 : i32 to index
      %swap3A_814 = arith.constant 32 : index
      %swap3A_815 = tpu.vector_load %arg6[%swap3A_812, %swap3A_813, %swap3A_814] {strides = array<i32>} : memref<6x128x128xf32, #tpu.memory_space<vmem>>, vector<1x1x16xf32>,
      %swap3A_816 = vector.shape_cast %swap3A_815 : vector<1x1x16xf32> to vector<16xf32>
      %swap3A_817 = vector.shape_cast %mul3A_810 : vector<16xf32> to vector<1x1x16xf32>
      tpu.vector_store %arg6[%swap3A_812, %swap3A_813, %swap3A_814], %swap3A_817 {strides = array<i32>} : memref<6x128x128xf32, #tpu.memory_space<vmem>>, vector<1x1x16xf32>,
      %get3A_818 = arith.constant 1 : i32
      %get3A_819 = arith.index_cast %get3A_818 : i32 to index
      %get3A_820 = arith.index_cast %scan3A_770 : i32 to index
      %get3A_821 = arith.constant 48 : index
      %get3A_822 = tpu.vector_load %arg6[%get3A_819, %get3A_820, %get3A_821] {strides = array<i32>} : memref<6x128x128xf32, #tpu.memory_space<vmem>>, vector<1x1x16xf32>,
      %get3A_823 = vector.shape_cast %get3A_822 : vector<1x1x16xf32> to vector<16xf32>
      %mul3A_824 = arith.constant 11.3137083 : f32
      %mul3A_825 = vector.broadcast %mul3A_824 : f32 to vector<16xf32>
      %mul3A_826 = arith.mulf %get3A_823, %mul3A_825 : vector<16xf32>
      %swap3A_827 = arith.constant 1 : i32
      %swap3A_828 = arith.index_cast %swap3A_827 : i32 to index
      %swap3A_829 = arith.index_cast %scan3A_770 : i32 to index
      %swap3A_830 = arith.constant 48 : index
      %swap3A_831 = tpu.vector_load %arg6[%swap3A_828, %swap3A_829, %swap3A_830] {strides = array<i32>} : memref<6x128x128xf32, #tpu.memory_space<vmem>>, vector<1x1x16xf32>,
      %swap3A_832 = vector.shape_cast %swap3A_831 : vector<1x1x16xf32> to vector<16xf32>
      %swap3A_833 = vector.shape_cast %mul3A_826 : vector<16xf32> to vector<1x1x16xf32>
      tpu.vector_store %arg6[%swap3A_828, %swap3A_829, %swap3A_830], %swap3A_833 {strides = array<i32>} : memref<6x128x128xf32, #tpu.memory_space<vmem>>, vector<1x1x16xf32>,
      %get3A_834 = arith.constant 1 : i32
      %get3A_835 = arith.index_cast %get3A_834 : i32 to index
      %get3A_836 = arith.index_cast %scan3A_770 : i32 to index
      %get3A_837 = arith.constant 64 : index
      %get3A_838 = tpu.vector_load %arg6[%get3A_835, %get3A_836, %get3A_837] {strides = array<i32>} : memref<6x128x128xf32, #tpu.memory_space<vmem>>, vector<1x1x16xf32>,
      %get3A_839 = vector.shape_cast %get3A_838 : vector<1x1x16xf32> to vector<16xf32>
      %mul3A_840 = arith.constant 11.3137083 : f32
      %mul3A_841 = vector.broadcast %mul3A_840 : f32 to vector<16xf32>
      %mul3A_842 = arith.mulf %get3A_839, %mul3A_841 : vector<16xf32>
      %swap3A_843 = arith.constant 1 : i32
      %swap3A_844 = arith.index_cast %swap3A_843 : i32 to index
      %swap3A_845 = arith.index_cast %scan3A_770 : i32 to index
      %swap3A_846 = arith.constant 64 : index
      %swap3A_847 = tpu.vector_load %arg6[%swap3A_844, %swap3A_845, %swap3A_846] {strides = array<i32>} : memref<6x128x128xf32, #tpu.memory_space<vmem>>, vector<1x1x16xf32>,
      %swap3A_848 = vector.shape_cast %swap3A_847 : vector<1x1x16xf32> to vector<16xf32>
      %swap3A_849 = vector.shape_cast %mul3A_842 : vector<16xf32> to vector<1x1x16xf32>
      tpu.vector_store %arg6[%swap3A_844, %swap3A_845, %swap3A_846], %swap3A_849 {strides = array<i32>} : memref<6x128x128xf32, #tpu.memory_space<vmem>>, vector<1x1x16xf32>,
      %get3A_850 = arith.constant 1 : i32
      %get3A_851 = arith.index_cast %get3A_850 : i32 to index
      %get3A_852 = arith.index_cast %scan3A_770 : i32 to index
      %get3A_853 = arith.constant 80 : index
      %get3A_854 = tpu.vector_load %arg6[%get3A_851, %get3A_852, %get3A_853] {strides = array<i32>} : memref<6x128x128xf32, #tpu.memory_space<vmem>>, vector<1x1x16xf32>,
      %get3A_855 = vector.shape_cast %get3A_854 : vector<1x1x16xf32> to vector<16xf32>
      %mul3A_856 = arith.constant 11.3137083 : f32
      %mul3A_857 = vector.broadcast %mul3A_856 : f32 to vector<16xf32>
      %mul3A_858 = arith.mulf %get3A_855, %mul3A_857 : vector<16xf32>
      %swap3A_859 = arith.constant 1 : i32
      %swap3A_860 = arith.index_cast %swap3A_859 : i32 to index
      %swap3A_861 = arith.index_cast %scan3A_770 : i32 to index
      %swap3A_862 = arith.constant 80 : index
      %swap3A_863 = tpu.vector_load %arg6[%swap3A_860, %swap3A_861, %swap3A_862] {strides = array<i32>} : memref<6x128x128xf32, #tpu.memory_space<vmem>>, vector<1x1x16xf32>,
      %swap3A_864 = vector.shape_cast %swap3A_863 : vector<1x1x16xf32> to vector<16xf32>
      %swap3A_865 = vector.shape_cast %mul3A_858 : vector<16xf32> to vector<1x1x16xf32>
      tpu.vector_store %arg6[%swap3A_860, %swap3A_861, %swap3A_862], %swap3A_865 {strides = array<i32>} : memref<6x128x128xf32, #tpu.memory_space<vmem>>, vector<1x1x16xf32>,
      %get3A_866 = arith.constant 1 : i32
      %get3A_867 = arith.index_cast %get3A_866 : i32 to index
      %get3A_868 = arith.index_cast %scan3A_770 : i32 to index
      %get3A_869 = arith.constant 96 : index
      %get3A_870 = tpu.vector_load %arg6[%get3A_867, %get3A_868, %get3A_869] {strides = array<i32>} : memref<6x128x128xf32, #tpu.memory_space<vmem>>, vector<1x1x16xf32>,
      %get3A_871 = vector.shape_cast %get3A_870 : vector<1x1x16xf32> to vector<16xf32>
      %mul3A_872 = arith.constant 11.3137083 : f32
      %mul3A_873 = vector.broadcast %mul3A_872 : f32 to vector<16xf32>
      %mul3A_874 = arith.mulf %get3A_871, %mul3A_873 : vector<16xf32>
      %swap3A_875 = arith.constant 1 : i32
      %swap3A_876 = arith.index_cast %swap3A_875 : i32 to index
      %swap3A_877 = arith.index_cast %scan3A_770 : i32 to index
      %swap3A_878 = arith.constant 96 : index
      %swap3A_879 = tpu.vector_load %arg6[%swap3A_876, %swap3A_877, %swap3A_878] {strides = array<i32>} : memref<6x128x128xf32, #tpu.memory_space<vmem>>, vector<1x1x16xf32>,
      %swap3A_880 = vector.shape_cast %swap3A_879 : vector<1x1x16xf32> to vector<16xf32>
      %swap3A_881 = vector.shape_cast %mul3A_874 : vector<16xf32> to vector<1x1x16xf32>
      tpu.vector_store %arg6[%swap3A_876, %swap3A_877, %swap3A_878], %swap3A_881 {strides = array<i32>} : memref<6x128x128xf32, #tpu.memory_space<vmem>>, vector<1x1x16xf32>,
      %get3A_882 = arith.constant 1 : i32
      %get3A_883 = arith.index_cast %get3A_882 : i32 to index
      %get3A_884 = arith.index_cast %scan3A_770 : i32 to index
      %get3A_885 = arith.constant 112 : index
      %get3A_886 = tpu.vector_load %arg6[%get3A_883, %get3A_884, %get3A_885] {strides = array<i32>} : memref<6x128x128xf32, #tpu.memory_space<vmem>>, vector<1x1x16xf32>,
      %get3A_887 = vector.shape_cast %get3A_886 : vector<1x1x16xf32> to vector<16xf32>
      %mul3A_888 = arith.constant 11.3137083 : f32
      %mul3A_889 = vector.broadcast %mul3A_888 : f32 to vector<16xf32>
      %mul3A_890 = arith.mulf %get3A_887, %mul3A_889 : vector<16xf32>
      %swap3A_891 = arith.constant 1 : i32
      %swap3A_892 = arith.index_cast %swap3A_891 : i32 to index
      %swap3A_893 = arith.index_cast %scan3A_770 : i32 to index
      %swap3A_894 = arith.constant 112 : index
      %swap3A_895 = tpu.vector_load %arg6[%swap3A_892, %swap3A_893, %swap3A_894] {strides = array<i32>} : memref<6x128x128xf32, #tpu.memory_space<vmem>>, vector<1x1x16xf32>,
      %swap3A_896 = vector.shape_cast %swap3A_895 : vector<1x1x16xf32> to vector<16xf32>
      %swap3A_897 = vector.shape_cast %mul3A_890 : vector<16xf32> to vector<1x1x16xf32>
      tpu.vector_store %arg6[%swap3A_892, %swap3A_893, %swap3A_894], %swap3A_897 {strides = array<i32>} : memref<6x128x128xf32, #tpu.memory_space<vmem>>, vector<1x1x16xf32>,
      %scan3A_898 = arith.constant 0 : i32
      scf.yield %scan3A_898 : i32
    }
    %scan3A_596 = arith.constant 64 : i32
    %add3A_597 = arith.constant 896 : i32
    %add3A_598 = arith.addi %mul3A_2, %add3A_597 : i32
    %add3A_599 = arith.constant 64 : i32
    %add3A_600 = arith.addi %add3A_598, %add3A_599 : i32
    %dma_start3A_601 = arith.constant 1 : i32
    %dma_start3A_602 = arith.constant 64 : i32
    %dma_start3A_603 = arith.constant 0 : i32
    %dma_start3A_604 = tpu.memref_slice %arg6[%dma_start3A_601, %dma_start3A_602, %dma_start3A_603] : memref<6x128x128xf32, #tpu.memory_space<vmem>> -> memref<1x64x128xf32, #tpu.memory_space<vmem>>
    %dma_start3A_605 = tpu.memref_squeeze %dma_start3A_604 : memref<1x64x128xf32, #tpu.memory_space<vmem>> -> memref<64x128xf32, #tpu.memory_space<vmem>>
    %dma_start3A_606 = arith.constant 0 : i32
    %dma_start3A_607 = tpu.memref_slice %arg4[%add3A_600, %dma_start3A_606] : memref<32768x128xf32, #tpu.memory_space<hbm>> -> memref<64x128xf32, #tpu.memory_space<hbm>>
    %dma_start3A_608 = arith.constant 0 : i32
    %dma_start3A_609 = tpu.memref_slice %arg4[%add3A_600, %dma_start3A_608] : memref<32768x128xf32, #tpu.memory_space<hbm>> -> memref<64x128xf32, #tpu.memory_space<hbm>>
    %dma_start3A_610 = arith.constant 64 : i32
    %dma_start3A_611 = arith.constant 0 : i32
    %dma_start3A_612 = tpu.memref_slice %arg6[%dma_start3A_601, %dma_start3A_610, %dma_start3A_611] : memref<6x128x128xf32, #tpu.memory_space<vmem>> -> memref<1x64x128xf32, #tpu.memory_space<vmem>>
    %dma_start3A_613 = tpu.memref_squeeze %dma_start3A_612 : memref<1x64x128xf32, #tpu.memory_space<vmem>> -> memref<64x128xf32, #tpu.memory_space<vmem>>
    tpu.enqueue_dma source(%dma_start3A_613 : memref<64x128xf32, #tpu.memory_space<vmem>>) target(%dma_start3A_609 : memref<64x128xf32, #tpu.memory_space<hbm>>) target_semaphore(%arg14 : memref<!tpu.dma_semaphore, #tpu.memory_space<semaphore_mem>>)
    %dma_wait3A_614 = arith.constant 2 : i32
    %dma_wait3A_615 = arith.constant 0 : i32
    %dma_wait3A_616 = arith.constant 0 : i32
    %dma_wait3A_617 = tpu.memref_slice %arg6[%dma_wait3A_614, %dma_wait3A_615, %dma_wait3A_616] : memref<6x128x128xf32, #tpu.memory_space<vmem>> -> memref<1x64x128xf32, #tpu.memory_space<vmem>>
    %dma_wait3A_618 = tpu.memref_squeeze %dma_wait3A_617 : memref<1x64x128xf32, #tpu.memory_space<vmem>> -> memref<64x128xf32, #tpu.memory_space<vmem>>
    %dma_wait3A_619 = arith.constant 0 : i32
    %dma_wait3A_620 = tpu.memref_slice %arg4[%add3A_296, %dma_wait3A_619] : memref<32768x128xf32, #tpu.memory_space<hbm>> -> memref<64x128xf32, #tpu.memory_space<hbm>>
    %dma_wait3A_621 = arith.constant 0 : i32
    %dma_wait3A_622 = tpu.memref_slice %arg4[%add3A_296, %dma_wait3A_621] : memref<32768x128xf32, #tpu.memory_space<hbm>> -> memref<64x128xf32, #tpu.memory_space<hbm>>
    %dma_wait3A_623 = arith.constant 0 : i32
    %dma_wait3A_624 = arith.constant 0 : i32
    %dma_wait3A_625 = tpu.memref_slice %arg6[%dma_wait3A_614, %dma_wait3A_623, %dma_wait3A_624] : memref<6x128x128xf32, #tpu.memory_space<vmem>> -> memref<1x64x128xf32, #tpu.memory_space<vmem>>
    %dma_wait3A_626 = tpu.memref_squeeze %dma_wait3A_625 : memref<1x64x128xf32, #tpu.memory_space<vmem>> -> memref<64x128xf32, #tpu.memory_space<vmem>>
    tpu.wait_dma2 semaphore(%arg15 : memref<!tpu.dma_semaphore, #tpu.memory_space<semaphore_mem>>) src(%dma_wait3A_626 : memref<64x128xf32, #tpu.memory_space<vmem>>) dst(%dma_wait3A_622 : memref<64x128xf32, #tpu.memory_space<hbm>>)
    %dma_wait3A_627 = arith.constant 2 : i32
    %dma_wait3A_628 = arith.constant 64 : i32
    %dma_wait3A_629 = arith.constant 0 : i32
    %dma_wait3A_630 = tpu.memref_slice %arg6[%dma_wait3A_627, %dma_wait3A_628, %dma_wait3A_629] : memref<6x128x128xf32, #tpu.memory_space<vmem>> -> memref<1x64x128xf32, #tpu.memory_space<vmem>>
    %dma_wait3A_631 = tpu.memref_squeeze %dma_wait3A_630 : memref<1x64x128xf32, #tpu.memory_space<vmem>> -> memref<64x128xf32, #tpu.memory_space<vmem>>
    %dma_wait3A_632 = arith.constant 0 : i32
    %dma_wait3A_633 = tpu.memref_slice %arg4[%add3A_320, %dma_wait3A_632] : memref<32768x128xf32, #tpu.memory_space<hbm>> -> memref<64x128xf32, #tpu.memory_space<hbm>>
    %dma_wait3A_634 = arith.constant 0 : i32
    %dma_wait3A_635 = tpu.memref_slice %arg4[%add3A_320, %dma_wait3A_634] : memref<32768x128xf32, #tpu.memory_space<hbm>> -> memref<64x128xf32, #tpu.memory_space<hbm>>
    %dma_wait3A_636 = arith.constant 64 : i32
    %dma_wait3A_637 = arith.constant 0 : i32
    %dma_wait3A_638 = tpu.memref_slice %arg6[%dma_wait3A_627, %dma_wait3A_636, %dma_wait3A_637] : memref<6x128x128xf32, #tpu.memory_space<vmem>> -> memref<1x64x128xf32, #tpu.memory_space<vmem>>
    %dma_wait3A_639 = tpu.memref_squeeze %dma_wait3A_638 : memref<1x64x128xf32, #tpu.memory_space<vmem>> -> memref<64x128xf32, #tpu.memory_space<vmem>>
    tpu.wait_dma2 semaphore(%arg15 : memref<!tpu.dma_semaphore, #tpu.memory_space<semaphore_mem>>) src(%dma_wait3A_639 : memref<64x128xf32, #tpu.memory_space<vmem>>) dst(%dma_wait3A_635 : memref<64x128xf32, #tpu.memory_space<hbm>>)
    %dma_wait3A_640 = arith.constant 3 : i32
    %dma_wait3A_641 = arith.constant 0 : i32
    %dma_wait3A_642 = arith.constant 0 : i32
    %dma_wait3A_643 = tpu.memref_slice %arg6[%dma_wait3A_640, %dma_wait3A_641, %dma_wait3A_642] : memref<6x128x128xf32, #tpu.memory_space<vmem>> -> memref<1x64x128xf32, #tpu.memory_space<vmem>>
    %dma_wait3A_644 = tpu.memref_squeeze %dma_wait3A_643 : memref<1x64x128xf32, #tpu.memory_space<vmem>> -> memref<64x128xf32, #tpu.memory_space<vmem>>
    %dma_wait3A_645 = arith.constant 0 : i32
    %dma_wait3A_646 = tpu.memref_slice %arg4[%add3A_352, %dma_wait3A_645] : memref<32768x128xf32, #tpu.memory_space<hbm>> -> memref<64x128xf32, #tpu.memory_space<hbm>>
    %dma_wait3A_647 = arith.constant 0 : i32
    %dma_wait3A_648 = tpu.memref_slice %arg4[%add3A_352, %dma_wait3A_647] : memref<32768x128xf32, #tpu.memory_space<hbm>> -> memref<64x128xf32, #tpu.memory_space<hbm>>
    %dma_wait3A_649 = arith.constant 0 : i32
    %dma_wait3A_650 = arith.constant 0 : i32
    %dma_wait3A_651 = tpu.memref_slice %arg6[%dma_wait3A_640, %dma_wait3A_649, %dma_wait3A_650] : memref<6x128x128xf32, #tpu.memory_space<vmem>> -> memref<1x64x128xf32, #tpu.memory_space<vmem>>
    %dma_wait3A_652 = tpu.memref_squeeze %dma_wait3A_651 : memref<1x64x128xf32, #tpu.memory_space<vmem>> -> memref<64x128xf32, #tpu.memory_space<vmem>>
    tpu.wait_dma2 semaphore(%arg16 : memref<!tpu.dma_semaphore, #tpu.memory_space<semaphore_mem>>) src(%dma_wait3A_652 : memref<64x128xf32, #tpu.memory_space<vmem>>) dst(%dma_wait3A_648 : memref<64x128xf32, #tpu.memory_space<hbm>>)
    %dma_wait3A_653 = arith.constant 3 : i32
    %dma_wait3A_654 = arith.constant 64 : i32
    %dma_wait3A_655 = arith.constant 0 : i32
    %dma_wait3A_656 = tpu.memref_slice %arg6[%dma_wait3A_653, %dma_wait3A_654, %dma_wait3A_655] : memref<6x128x128xf32, #tpu.memory_space<vmem>> -> memref<1x64x128xf32, #tpu.memory_space<vmem>>
    %dma_wait3A_657 = tpu.memref_squeeze %dma_wait3A_656 : memref<1x64x128xf32, #tpu.memory_space<vmem>> -> memref<64x128xf32, #tpu.memory_space<vmem>>
    %dma_wait3A_658 = arith.constant 0 : i32
    %dma_wait3A_659 = tpu.memref_slice %arg4[%add3A_376, %dma_wait3A_658] : memref<32768x128xf32, #tpu.memory_space<hbm>> -> memref<64x128xf32, #tpu.memory_space<hbm>>
    %dma_wait3A_660 = arith.constant 0 : i32
    %dma_wait3A_661 = tpu.memref_slice %arg4[%add3A_376, %dma_wait3A_660] : memref<32768x128xf32, #tpu.memory_space<hbm>> -> memref<64x128xf32, #tpu.memory_space<hbm>>
    %dma_wait3A_662 = arith.constant 64 : i32
    %dma_wait3A_663 = arith.constant 0 : i32
    %dma_wait3A_664 = tpu.memref_slice %arg6[%dma_wait3A_653, %dma_wait3A_662, %dma_wait3A_663] : memref<6x128x128xf32, #tpu.memory_space<vmem>> -> memref<1x64x128xf32, #tpu.memory_space<vmem>>
    %dma_wait3A_665 = tpu.memref_squeeze %dma_wait3A_664 : memref<1x64x128xf32, #tpu.memory_space<vmem>> -> memref<64x128xf32, #tpu.memory_space<vmem>>
    tpu.wait_dma2 semaphore(%arg16 : memref<!tpu.dma_semaphore, #tpu.memory_space<semaphore_mem>>) src(%dma_wait3A_665 : memref<64x128xf32, #tpu.memory_space<vmem>>) dst(%dma_wait3A_661 : memref<64x128xf32, #tpu.memory_space<hbm>>)
    %dma_wait3A_666 = arith.constant 4 : i32
    %dma_wait3A_667 = arith.constant 0 : i32
    %dma_wait3A_668 = arith.constant 0 : i32
    %dma_wait3A_669 = tpu.memref_slice %arg6[%dma_wait3A_666, %dma_wait3A_667, %dma_wait3A_668] : memref<6x128x128xf32, #tpu.memory_space<vmem>> -> memref<1x64x128xf32, #tpu.memory_space<vmem>>
    %dma_wait3A_670 = tpu.memref_squeeze %dma_wait3A_669 : memref<1x64x128xf32, #tpu.memory_space<vmem>> -> memref<64x128xf32, #tpu.memory_space<vmem>>
    %dma_wait3A_671 = arith.constant 0 : i32
    %dma_wait3A_672 = tpu.memref_slice %arg4[%add3A_408, %dma_wait3A_671] : memref<32768x128xf32, #tpu.memory_space<hbm>> -> memref<64x128xf32, #tpu.memory_space<hbm>>
    %dma_wait3A_673 = arith.constant 0 : i32
    %dma_wait3A_674 = tpu.memref_slice %arg4[%add3A_408, %dma_wait3A_673] : memref<32768x128xf32, #tpu.memory_space<hbm>> -> memref<64x128xf32, #tpu.memory_space<hbm>>
    %dma_wait3A_675 = arith.constant 0 : i32
    %dma_wait3A_676 = arith.constant 0 : i32
    %dma_wait3A_677 = tpu.memref_slice %arg6[%dma_wait3A_666, %dma_wait3A_675, %dma_wait3A_676] : memref<6x128x128xf32, #tpu.memory_space<vmem>> -> memref<1x64x128xf32, #tpu.memory_space<vmem>>
    %dma_wait3A_678 = tpu.memref_squeeze %dma_wait3A_677 : memref<1x64x128xf32, #tpu.memory_space<vmem>> -> memref<64x128xf32, #tpu.memory_space<vmem>>
    tpu.wait_dma2 semaphore(%arg17 : memref<!tpu.dma_semaphore, #tpu.memory_space<semaphore_mem>>) src(%dma_wait3A_678 : memref<64x128xf32, #tpu.memory_space<vmem>>) dst(%dma_wait3A_674 : memref<64x128xf32, #tpu.memory_space<hbm>>)
    %dma_wait3A_679 = arith.constant 4 : i32
    %dma_wait3A_680 = arith.constant 64 : i32
    %dma_wait3A_681 = arith.constant 0 : i32
    %dma_wait3A_682 = tpu.memref_slice %arg6[%dma_wait3A_679, %dma_wait3A_680, %dma_wait3A_681] : memref<6x128x128xf32, #tpu.memory_space<vmem>> -> memref<1x64x128xf32, #tpu.memory_space<vmem>>
    %dma_wait3A_683 = tpu.memref_squeeze %dma_wait3A_682 : memref<1x64x128xf32, #tpu.memory_space<vmem>> -> memref<64x128xf32, #tpu.memory_space<vmem>>
    %dma_wait3A_684 = arith.constant 0 : i32
    %dma_wait3A_685 = tpu.memref_slice %arg4[%add3A_432, %dma_wait3A_684] : memref<32768x128xf32, #tpu.memory_space<hbm>> -> memref<64x128xf32, #tpu.memory_space<hbm>>
    %dma_wait3A_686 = arith.constant 0 : i32
    %dma_wait3A_687 = tpu.memref_slice %arg4[%add3A_432, %dma_wait3A_686] : memref<32768x128xf32, #tpu.memory_space<hbm>> -> memref<64x128xf32, #tpu.memory_space<hbm>>
    %dma_wait3A_688 = arith.constant 64 : i32
    %dma_wait3A_689 = arith.constant 0 : i32
    %dma_wait3A_690 = tpu.memref_slice %arg6[%dma_wait3A_679, %dma_wait3A_688, %dma_wait3A_689] : memref<6x128x128xf32, #tpu.memory_space<vmem>> -> memref<1x64x128xf32, #tpu.memory_space<vmem>>
    %dma_wait3A_691 = tpu.memref_squeeze %dma_wait3A_690 : memref<1x64x128xf32, #tpu.memory_space<vmem>> -> memref<64x128xf32, #tpu.memory_space<vmem>>
    tpu.wait_dma2 semaphore(%arg17 : memref<!tpu.dma_semaphore, #tpu.memory_space<semaphore_mem>>) src(%dma_wait3A_691 : memref<64x128xf32, #tpu.memory_space<vmem>>) dst(%dma_wait3A_687 : memref<64x128xf32, #tpu.memory_space<hbm>>)
    %dma_wait3A_692 = arith.constant 5 : i32
    %dma_wait3A_693 = arith.constant 0 : i32
    %dma_wait3A_694 = arith.constant 0 : i32
    %dma_wait3A_695 = tpu.memref_slice %arg6[%dma_wait3A_692, %dma_wait3A_693, %dma_wait3A_694] : memref<6x128x128xf32, #tpu.memory_space<vmem>> -> memref<1x64x128xf32, #tpu.memory_space<vmem>>
    %dma_wait3A_696 = tpu.memref_squeeze %dma_wait3A_695 : memref<1x64x128xf32, #tpu.memory_space<vmem>> -> memref<64x128xf32, #tpu.memory_space<vmem>>
    %dma_wait3A_697 = arith.constant 0 : i32
    %dma_wait3A_698 = tpu.memref_slice %arg4[%add3A_464, %dma_wait3A_697] : memref<32768x128xf32, #tpu.memory_space<hbm>> -> memref<64x128xf32, #tpu.memory_space<hbm>>
    %dma_wait3A_699 = arith.constant 0 : i32
    %dma_wait3A_700 = tpu.memref_slice %arg4[%add3A_464, %dma_wait3A_699] : memref<32768x128xf32, #tpu.memory_space<hbm>> -> memref<64x128xf32, #tpu.memory_space<hbm>>
    %dma_wait3A_701 = arith.constant 0 : i32
    %dma_wait3A_702 = arith.constant 0 : i32
    %dma_wait3A_703 = tpu.memref_slice %arg6[%dma_wait3A_692, %dma_wait3A_701, %dma_wait3A_702] : memref<6x128x128xf32, #tpu.memory_space<vmem>> -> memref<1x64x128xf32, #tpu.memory_space<vmem>>
    %dma_wait3A_704 = tpu.memref_squeeze %dma_wait3A_703 : memref<1x64x128xf32, #tpu.memory_space<vmem>> -> memref<64x128xf32, #tpu.memory_space<vmem>>
    tpu.wait_dma2 semaphore(%arg18 : memref<!tpu.dma_semaphore, #tpu.memory_space<semaphore_mem>>) src(%dma_wait3A_704 : memref<64x128xf32, #tpu.memory_space<vmem>>) dst(%dma_wait3A_700 : memref<64x128xf32, #tpu.memory_space<hbm>>)
    %dma_wait3A_705 = arith.constant 5 : i32
    %dma_wait3A_706 = arith.constant 64 : i32
    %dma_wait3A_707 = arith.constant 0 : i32
    %dma_wait3A_708 = tpu.memref_slice %arg6[%dma_wait3A_705, %dma_wait3A_706, %dma_wait3A_707] : memref<6x128x128xf32, #tpu.memory_space<vmem>> -> memref<1x64x128xf32, #tpu.memory_space<vmem>>
    %dma_wait3A_709 = tpu.memref_squeeze %dma_wait3A_708 : memref<1x64x128xf32, #tpu.memory_space<vmem>> -> memref<64x128xf32, #tpu.memory_space<vmem>>
    %dma_wait3A_710 = arith.constant 0 : i32
    %dma_wait3A_711 = tpu.memref_slice %arg4[%add3A_488, %dma_wait3A_710] : memref<32768x128xf32, #tpu.memory_space<hbm>> -> memref<64x128xf32, #tpu.memory_space<hbm>>
    %dma_wait3A_712 = arith.constant 0 : i32
    %dma_wait3A_713 = tpu.memref_slice %arg4[%add3A_488, %dma_wait3A_712] : memref<32768x128xf32, #tpu.memory_space<hbm>> -> memref<64x128xf32, #tpu.memory_space<hbm>>
    %dma_wait3A_714 = arith.constant 64 : i32
    %dma_wait3A_715 = arith.constant 0 : i32
    %dma_wait3A_716 = tpu.memref_slice %arg6[%dma_wait3A_705, %dma_wait3A_714, %dma_wait3A_715] : memref<6x128x128xf32, #tpu.memory_space<vmem>> -> memref<1x64x128xf32, #tpu.memory_space<vmem>>
    %dma_wait3A_717 = tpu.memref_squeeze %dma_wait3A_716 : memref<1x64x128xf32, #tpu.memory_space<vmem>> -> memref<64x128xf32, #tpu.memory_space<vmem>>
    tpu.wait_dma2 semaphore(%arg18 : memref<!tpu.dma_semaphore, #tpu.memory_space<semaphore_mem>>) src(%dma_wait3A_717 : memref<64x128xf32, #tpu.memory_space<vmem>>) dst(%dma_wait3A_713 : memref<64x128xf32, #tpu.memory_space<hbm>>)
    %dma_wait3A_718 = arith.constant 0 : i32
    %dma_wait3A_719 = arith.constant 0 : i32
    %dma_wait3A_720 = arith.constant 0 : i32
    %dma_wait3A_721 = tpu.memref_slice %arg6[%dma_wait3A_718, %dma_wait3A_719, %dma_wait3A_720] : memref<6x128x128xf32, #tpu.memory_space<vmem>> -> memref<1x64x128xf32, #tpu.memory_space<vmem>>
    %dma_wait3A_722 = tpu.memref_squeeze %dma_wait3A_721 : memref<1x64x128xf32, #tpu.memory_space<vmem>> -> memref<64x128xf32, #tpu.memory_space<vmem>>
    %dma_wait3A_723 = arith.constant 0 : i32
    %dma_wait3A_724 = tpu.memref_slice %arg4[%add3A_520, %dma_wait3A_723] : memref<32768x128xf32, #tpu.memory_space<hbm>> -> memref<64x128xf32, #tpu.memory_space<hbm>>
    %dma_wait3A_725 = arith.constant 0 : i32
    %dma_wait3A_726 = tpu.memref_slice %arg4[%add3A_520, %dma_wait3A_725] : memref<32768x128xf32, #tpu.memory_space<hbm>> -> memref<64x128xf32, #tpu.memory_space<hbm>>
    %dma_wait3A_727 = arith.constant 0 : i32
    %dma_wait3A_728 = arith.constant 0 : i32
    %dma_wait3A_729 = tpu.memref_slice %arg6[%dma_wait3A_718, %dma_wait3A_727, %dma_wait3A_728] : memref<6x128x128xf32, #tpu.memory_space<vmem>> -> memref<1x64x128xf32, #tpu.memory_space<vmem>>
    %dma_wait3A_730 = tpu.memref_squeeze %dma_wait3A_729 : memref<1x64x128xf32, #tpu.memory_space<vmem>> -> memref<64x128xf32, #tpu.memory_space<vmem>>
    tpu.wait_dma2 semaphore(%arg13 : memref<!tpu.dma_semaphore, #tpu.memory_space<semaphore_mem>>) src(%dma_wait3A_730 : memref<64x128xf32, #tpu.memory_space<vmem>>) dst(%dma_wait3A_726 : memref<64x128xf32, #tpu.memory_space<hbm>>)
    %dma_wait3A_731 = arith.constant 0 : i32
    %dma_wait3A_732 = arith.constant 64 : i32
    %dma_wait3A_733 = arith.constant 0 : i32
    %dma_wait3A_734 = tpu.memref_slice %arg6[%dma_wait3A_731, %dma_wait3A_732, %dma_wait3A_733] : memref<6x128x128xf32, #tpu.memory_space<vmem>> -> memref<1x64x128xf32, #tpu.memory_space<vmem>>
    %dma_wait3A_735 = tpu.memref_squeeze %dma_wait3A_734 : memref<1x64x128xf32, #tpu.memory_space<vmem>> -> memref<64x128xf32, #tpu.memory_space<vmem>>
    %dma_wait3A_736 = arith.constant 0 : i32
    %dma_wait3A_737 = tpu.memref_slice %arg4[%add3A_544, %dma_wait3A_736] : memref<32768x128xf32, #tpu.memory_space<hbm>> -> memref<64x128xf32, #tpu.memory_space<hbm>>
    %dma_wait3A_738 = arith.constant 0 : i32
    %dma_wait3A_739 = tpu.memref_slice %arg4[%add3A_544, %dma_wait3A_738] : memref<32768x128xf32, #tpu.memory_space<hbm>> -> memref<64x128xf32, #tpu.memory_space<hbm>>
    %dma_wait3A_740 = arith.constant 64 : i32
    %dma_wait3A_741 = arith.constant 0 : i32
    %dma_wait3A_742 = tpu.memref_slice %arg6[%dma_wait3A_731, %dma_wait3A_740, %dma_wait3A_741] : memref<6x128x128xf32, #tpu.memory_space<vmem>> -> memref<1x64x128xf32, #tpu.memory_space<vmem>>
    %dma_wait3A_743 = tpu.memref_squeeze %dma_wait3A_742 : memref<1x64x128xf32, #tpu.memory_space<vmem>> -> memref<64x128xf32, #tpu.memory_space<vmem>>
    tpu.wait_dma2 semaphore(%arg13 : memref<!tpu.dma_semaphore, #tpu.memory_space<semaphore_mem>>) src(%dma_wait3A_743 : memref<64x128xf32, #tpu.memory_space<vmem>>) dst(%dma_wait3A_739 : memref<64x128xf32, #tpu.memory_space<hbm>>)
    %dma_wait3A_744 = arith.constant 1 : i32
    %dma_wait3A_745 = arith.constant 0 : i32
    %dma_wait3A_746 = arith.constant 0 : i32
    %dma_wait3A_747 = tpu.memref_slice %arg6[%dma_wait3A_744, %dma_wait3A_745, %dma_wait3A_746] : memref<6x128x128xf32, #tpu.memory_space<vmem>> -> memref<1x64x128xf32, #tpu.memory_space<vmem>>
    %dma_wait3A_748 = tpu.memref_squeeze %dma_wait3A_747 : memref<1x64x128xf32, #tpu.memory_space<vmem>> -> memref<64x128xf32, #tpu.memory_space<vmem>>
    %dma_wait3A_749 = arith.constant 0 : i32
    %dma_wait3A_750 = tpu.memref_slice %arg4[%add3A_576, %dma_wait3A_749] : memref<32768x128xf32, #tpu.memory_space<hbm>> -> memref<64x128xf32, #tpu.memory_space<hbm>>
    %dma_wait3A_751 = arith.constant 0 : i32
    %dma_wait3A_752 = tpu.memref_slice %arg4[%add3A_576, %dma_wait3A_751] : memref<32768x128xf32, #tpu.memory_space<hbm>> -> memref<64x128xf32, #tpu.memory_space<hbm>>
    %dma_wait3A_753 = arith.constant 0 : i32
    %dma_wait3A_754 = arith.constant 0 : i32
    %dma_wait3A_755 = tpu.memref_slice %arg6[%dma_wait3A_744, %dma_wait3A_753, %dma_wait3A_754] : memref<6x128x128xf32, #tpu.memory_space<vmem>> -> memref<1x64x128xf32, #tpu.memory_space<vmem>>
    %dma_wait3A_756 = tpu.memref_squeeze %dma_wait3A_755 : memref<1x64x128xf32, #tpu.memory_space<vmem>> -> memref<64x128xf32, #tpu.memory_space<vmem>>
    tpu.wait_dma2 semaphore(%arg14 : memref<!tpu.dma_semaphore, #tpu.memory_space<semaphore_mem>>) src(%dma_wait3A_756 : memref<64x128xf32, #tpu.memory_space<vmem>>) dst(%dma_wait3A_752 : memref<64x128xf32, #tpu.memory_space<hbm>>)
    %dma_wait3A_757 = arith.constant 1 : i32
    %dma_wait3A_758 = arith.constant 64 : i32
    %dma_wait3A_759 = arith.constant 0 : i32
    %dma_wait3A_760 = tpu.memref_slice %arg6[%dma_wait3A_757, %dma_wait3A_758, %dma_wait3A_759] : memref<6x128x128xf32, #tpu.memory_space<vmem>> -> memref<1x64x128xf32, #tpu.memory_space<vmem>>
    %dma_wait3A_761 = tpu.memref_squeeze %dma_wait3A_760 : memref<1x64x128xf32, #tpu.memory_space<vmem>> -> memref<64x128xf32, #tpu.memory_space<vmem>>
    %dma_wait3A_762 = arith.constant 0 : i32
    %dma_wait3A_763 = tpu.memref_slice %arg4[%add3A_600, %dma_wait3A_762] : memref<32768x128xf32, #tpu.memory_space<hbm>> -> memref<64x128xf32, #tpu.memory_space<hbm>>
    %dma_wait3A_764 = arith.constant 0 : i32
    %dma_wait3A_765 = tpu.memref_slice %arg4[%add3A_600, %dma_wait3A_764] : memref<32768x128xf32, #tpu.memory_space<hbm>> -> memref<64x128xf32, #tpu.memory_space<hbm>>
    %dma_wait3A_766 = arith.constant 64 : i32
    %dma_wait3A_767 = arith.constant 0 : i32
    %dma_wait3A_768 = tpu.memref_slice %arg6[%dma_wait3A_757, %dma_wait3A_766, %dma_wait3A_767] : memref<6x128x128xf32, #tpu.memory_space<vmem>> -> memref<1x64x128xf32, #tpu.memory_space<vmem>>
    %dma_wait3A_769 = tpu.memref_squeeze %dma_wait3A_768 : memref<1x64x128xf32, #tpu.memory_space<vmem>> -> memref<64x128xf32, #tpu.memory_space<vmem>>
    tpu.wait_dma2 semaphore(%arg14 : memref<!tpu.dma_semaphore, #tpu.memory_space<semaphore_mem>>) src(%dma_wait3A_769 : memref<64x128xf32, #tpu.memory_space<vmem>>) dst(%dma_wait3A_765 : memref<64x128xf32, #tpu.memory_space<hbm>>)
    return
  }
}

</mosaic_0001>

<sc_bundles>
// kernel: kernel.3.cloned.1.call-start
scs
__scs_entry_jumppad:
0x0: {  	(pc) =	sbr.rel $0x88, $3  }
0x1: {  	(tag) =	ssettag $0x0;
	lr =	simm.s32 $0x1  }
0x2: {  	[smem:$0x3F9F] =	sst lr;
	_ =	strace $0xD0000000  }
0x3: {  	_ = 	snop  }
0x4: {  	_ = 	snop  }
0x5: {  	_ = 	snop  }
0x6: {  	_ = 	snop  }
0x7: {  	_ = 	snop  }
__scs_overlays_trampoline_lowered:
0x8: {  	[smem:$0x3FAE] =	sst s0  }
0x9: {  	[smem:$0x3FAF] =	sst s1  }
0xa: {  	[smem:$0x3FB0] =	sst s2  }
0xb: {  	[smem:$0x3FB1] =	sst s3  }
0xc: {  	[smem:$0x3FB2] =	sst s4  }
0xd: {  	[smem:$0x3FB3] =	sst s5  }
0xe: {  	[smem:$0x3FB4] =	sst s6  }
0xf: {  	[smem:$0x3FB5] =	sst s7  }
0x10: {  	[smem:$0x3FB6] =	sst s8  }
0x11: {  	[smem:$0x3FB7] =	sst s9;
	s0 =	simm.s32 @!p0 $0x0  }
0x12: {  	s1 =	sld [smem:$0x3F9D];
	s0 =	simm.s32 @p0 $0x1  }
0x13: {  	[smem:$0x3FB8] =	sst s0;
	s0 =	simm.s32 @!p1 $0x0  }
0x14: {  	s2 =	sld [smem:$0x3F9C];
	s0 =	simm.s32 @p1 $0x1  }
0x15: {  	[smem:$0x3FB9] =	sst s0;
	s0 =	simm.s32 @!p2 $0x0  }
0x16: {  	s3 =	sld [smem:$0x3FDB];
	s0 =	simm.s32 @p2 $0x1  }
0x17: {  	s4 =	simm.s32 $0x1BF5;
	[smem:$0x3FBB] =	sst s0  }
0x18: {  	s0 =	sld [smem:$0x3F9E];
	_ =	swait.ge [sflag:s4], $0x0  }
0x19: {  	s7 =	sld [smem:$0x3F9F]  }
0x1a: {  	s8 =	sadd.s32 $0xFFFFE003, lr  }
0x1b: {  	s9 =	sadd.s32 $0xFFFFFEF7, lr;
	s5 =	simm.s32 $0xFFFFFFFF;
	p2 =	slt.u32 s8, $0xFFFFF086  }
0x1c: {  	p1 =	slt.u32 s9, $0xF7A;
	s5 =	simm.s32 @!p2 $0x0  }
0x1d: {  	s5 =	simm.s32 @p1 $0x1;
	p0 =	seq.s32 s7, s2  }
0x1e: {  	s7 =	smul.u32 @!p0 $0xF7A, s2;
	p2 =	seq.s32 @!p0 s5, $0x0  }
0x1f: {  	s9 =	smul.u32 $0xF7A, s1;
	s8 =	simm.s32 @!p0 $0x1BF5;
	p2 =	por !p2, p0  }
0x20: {  	[sflag:s8] =	ssyncset.s32 @!p0 $0xFFFFF086;
	s6 =	sadd.s32 @!p0 s3, s7;
	s7 =	simm.s32 @!p0 $0x108  }
0x21: {  	s3 =	sadd.s32 s3, s9;
	s6 =	sadd.s32 @!p0 $0x88, s6;
	s7 =	simm.s32 @p2 $0x1082  }
0x22: {  	[simem:s7], [sflag:s8] =	dma.local @!p0 [hbm:s6], $0xF7A  }
0x23: {  	s9 =	sor.u32 $0xD0000000, s2;
	s6 =	simm.s32 $0x108;
	_ =	swait.ge @!p0 [sflag:s8], $0x0  }
0x24: {  	s3 =	sadd.s32 $0x88, s3;
	s6 =	simm.s32 @!p1 $0x1082;
	[sflag:s4] =	ssyncset.s32 $0xFFFFF086  }
0x25: {  	[simem:s6], [sflag:s4] =	dma.local [hbm:s3], $0xF7A  }
0x26: {  	[smem:$0x3F9F] =	sst s1;
	(tag) =	ssettag s2;
	_ =	strace s9  }
0x27: {  	s1 =	sld [smem:$0x3FAF]  }
0x28: {  	s2 =	sld [smem:$0x3FB0]  }
0x29: {  	s4 =	sld [smem:$0x3FB2]  }
0x2a: {  	p0 =	seq.s32 s5, $0x0;
	s5 =	sld [smem:$0x3FB3]  }
0x2b: {  	s6 =	sld [smem:$0x3FB4]  }
0x2c: {  	s7 =	sld [smem:$0x3FB5]  }
0x2d: {  	s3 =	simm.s32 $0x108;
	s8 =	sld [smem:$0x3FB6]  }
0x2e: {  	s3 =	simm.s32 @!p0 $0x1082;
	s9 =	sld [smem:$0x3FB7]  }
0x2f: {  	lr =	sadd.s32 s0, s3;
	s0 =	sld [smem:$0x3FAE]  }
0x30: {  	s3 =	sld [smem:$0x3FB1]  }
0x31: {  	[smem:$0x3FBA] =	sst s10  }
0x32: {  	s10 =	sld [smem:$0x3FB8];
	_ =	sdelay $0x3  }
0x33: {  	p0 =	seq.s32 s10, $0x1;
	s10 =	sld [smem:$0x3FBA];
	_ =	sdelay $0x3  }
0x34: {  	[smem:$0x3FBA] =	sst s10  }
0x35: {  	s10 =	sld [smem:$0x3FB9];
	_ =	sdelay $0x3  }
0x36: {  	p1 =	seq.s32 s10, $0x1;
	s10 =	sld [smem:$0x3FBA];
	_ =	sdelay $0x3  }
0x37: {  	[smem:$0x3FBA] =	sst s10  }
0x38: {  	s10 =	sld [smem:$0x3FBB]  }
0x39: {  	_ = 	snop;
	(pc) =	sbr.ind lr, $3  }
0x3a: {  	_ = 	snop  }
0x3b: {  	_ = 	snop  }
0x3c: {  	p2 =	seq.s32 s10, $0x1;
	s10 =	sld [smem:$0x3FBA]  }
0x3d: {  	_ =	shalt  }
0x3e: {  	_ =	shalt  }
0x3f: {  	_ =	shalt  }
0x40: {  	_ =	shalt  }
0x41: {  	_ =	shalt  }
0x42: {  	_ =	shalt  }
0x43: {  	_ =	shalt  }
0x44: {  	_ =	shalt  }
0x45: {  	_ =	shalt  }
0x46: {  	_ =	shalt  }
0x47: {  	_ =	shalt  }
0x48: {  	_ =	shalt  }
0x49: {  	_ =	shalt  }
0x4a: {  	_ =	shalt  }
0x4b: {  	_ =	shalt  }
0x4c: {  	_ =	shalt  }
0x4d: {  	_ =	shalt  }
0x4e: {  	_ =	shalt  }
0x4f: {  	_ =	shalt  }
0x50: {  	_ =	shalt  }
0x51: {  	_ =	shalt  }
0x52: {  	_ =	shalt  }
0x53: {  	_ =	shalt  }
0x54: {  	_ =	shalt  }
0x55: {  	_ =	shalt  }
0x56: {  	_ =	shalt  }
0x57: {  	_ =	shalt  }
0x58: {  	_ =	shalt  }
0x59: {  	_ =	shalt  }
0x5a: {  	_ =	shalt  }
0x5b: {  	_ =	shalt  }
0x5c: {  	_ =	shalt  }
0x5d: {  	_ =	shalt  }
0x5e: {  	_ =	shalt  }
0x5f: {  	_ =	shalt  }
0x60: {  	_ =	shalt  }
0x61: {  	_ =	shalt  }
0x62: {  	_ =	shalt  }
0x63: {  	_ =	shalt  }
0x64: {  	_ =	shalt  }
0x65: {  	_ =	shalt  }
0x66: {  	_ =	shalt  }
0x67: {  	_ =	shalt  }
0x68: {  	_ =	shalt  }
0x69: {  	_ =	shalt  }
0x6a: {  	_ =	shalt  }
0x6b: {  	_ =	shalt  }
0x6c: {  	_ =	shalt  }
0x6d: {  	_ =	shalt  }
0x6e: {  	_ =	shalt  }
0x6f: {  	_ =	shalt  }
0x70: {  	_ =	shalt  }
0x71: {  	_ =	shalt  }
0x72: {  	_ =	shalt  }
0x73: {  	_ =	shalt  }
0x74: {  	_ =	shalt  }
0x75: {  	_ =	shalt  }
0x76: {  	_ =	shalt  }
0x77: {  	_ =	shalt  }
0x78: {  	_ =	shalt  }
0x79: {  	_ =	shalt  }
0x7a: {  	_ =	shalt  }
0x7b: {  	_ =	shalt  }
0x7c: {  	_ =	shalt  }
0x7d: {  	_ =	shalt  }
0x7e: {  	_ =	shalt  }
0x7f: {  	_ =	shalt  }
0x80: {  	_ =	shalt  }
0x81: {  	_ =	shalt  }
0x82: {  	_ =	shalt  }
0x83: {  	_ =	shalt  }
0x84: {  	_ =	shalt  }
0x85: {  	_ =	shalt  }
0x86: {  	_ =	shalt  }
0x87: {  	_ =	shalt  }
.Lfunc_end0:
.L_simem_size_0:
called_computation_lowered:
.L_overlay_start_0:
0x88: {  	s2 =	sld [smem:$0x3FD9]  }
0x89: {  	s3 =	sld [smem:$0x3FFE];
	_ =	sdelay $0x1  }
0x8a: {  	s1 =	srdreg.scid  }
0x8b: {  	s0 =	sand.u32 $0x1, s1  }
0x8c: {  	s18 =	sshll.u32 s0, $0xA;
	s2 =	sadd.s32 s3, s2  }
0x8d: {  	s2 =	sadd.s32 s2, s18  }
0x8e: {  	[smem:$0x3FC6] =	sst s2  }
0x8f: {  	_ = 	snop  }
0x90: {  	s2 =	sld [smem:$0x3FC9]  }
0x91: {  	s19 =	sld [smem:$0x3FC8]  }
0x92: {  	s4 =	sld [smem:$0x3FD0];
	(tm) =	ssettm $0x1  }
0x93: {  	s5 =	sld [smem:$0x3FFB];
	_ =	sdelay $0x3  }
0x94: {  	_ =	strace s5  }
0x95: {  	s5 =	sld [smem:$0x3FFC];
	_ =	sdelay $0x3  }
0x96: {  	_ =	strace s5  }
0x97: {  	s5 =	sld [smem:$0x3FFD];
	_ =	sdelay $0x3  }
0x98: {  	_ =	strace s5  }
0x99: {  	_ =	strace $0x8FFFFFFF  }
0x9a: {  	s20 =	sld [smem:$0x3FDB];
	_ =	sdelay $0x1  }
0x9b: {  	s6 =	simm.s32 $_scs_section_size  }
0x9c: {  	s7 =	simm.s32 $_size__tile_overlayer_lowered;
	s8 =	simm.s32 $_tile_overlayer_lowered  }
0x9d: {  	s23 =	simm.s32 $0x1BFF;
	s22 =	sshll.u32 s8, $0x1;
	s5 =	sadd.s32 s6, s20  }
0x9e: {  	s9 =	simm.s32 $0x0;
	s21 =	sshll.u32 s7, $0x1;
	s7 =	sadd.s32 s22, s5  }
0x9f: {  	[timem:s9], [sflag:s23] =	dma.local [hbm:s7], s21  }
0xa0: {  	_ =	swait.ge [sflag:s23], s21  }
0xa1: {  	s6 =	ssub.s32 $0x0, s21;
	[sflag:s23] =	ssyncset.done $0x0  }
0xa2: {  	[sflag:s23] =	ssyncadd.s32 s6;
	_ =	sdelay $0x1  }
0xa3: {  	s24 =	simm.s32 $0x1B8B  }
0xa4: {  	_ =	swait.ge [sflag:s24], $0x1  }
0xa5: {  	[sflag:s24] =	ssyncset.done $0x0  }
0xa6: {  	s25 =	simm.s32 $0x1B8E;
	[sflag:s24] =	ssyncadd.s32 $0xFFFFFFFF  }
0xa7: {  	s26 =	simm.s32 $execute0_lowered;
	[smem:$0x3FD2] =	sst s25  }
0xa8: {  	s6 =	sshll.u32 s26, $0x1;
	_ =	strace $0x80000046;
	[dreg:$0x1] =	wrdreg $0xFFFFFFFF  }
0xa9: {  	s28 =	simm.s32 $_size_execute0_lowered;
	s5 =	sadd.s32 s5, s6;
	[dreg:$0x0] =	wrdreg $0x0  }
0xaa: {  	s6 =	sshll.u32 s28, $0x1;
	[dreg:$0x2] =	wrdreg s5  }
0xab: {  	[dreg:$0x3] =	wrdreg s6  }
0xac: {  	[dreg:$0x4] =	wrdreg $0xC0  }
0xad: {  	_ =	task [dreg:s9], $0x5FFFF  }
0xae: {  	[dreg:$0x1] =	wrdreg $0xFFFFFFFF  }
0xaf: {  	[dreg:$0x0] =	wrdreg $0x60  }
0xb0: {  	[dreg:$0x2] =	wrdreg s2  }
0xb1: {  	[dreg:$0x3] =	wrdreg s19  }
0xb2: {  	[dreg:$0x4] =	wrdreg s4  }
0xb3: {  	[dreg:$0x5] =	wrdreg $0x9  }
0xb4: {  	_ =	task.clear_ibuf [dreg:s9], $0x6FFFF;
	_ =	strace $0x90000046  }
0xb5: {  	s29 =	simm.s32 $0x9;
	_ =	strace $0x80000048  }
0xb6: {  	_ =	swait.ge [sflag:s29], $0x1  }
0xb7: {  	[sflag:s29] =	ssyncadd.s32 $0xFFFFFFFF  }
0xb8: {  	_ =	strace $0x90000048  }
0xb9: {  	_ =	sfence  }
0xba: {  	s30 =	sld [smem:$0x0];
	_ =	sdelay $0x2  }
0xbb: {  	s31 =	sshll.u32 s1, $0xD;
	s1 =	sshrl.u32 s1, $0x2  }
0xbc: {  	s3 =	sand.u32 $0x4000, s31;
	s1 =	sadd.s32 s1, s30  }
0xbd: {  	s0 =	sor.u32 s3, s0;
	s1 =	sshll.u32 s1, $0x11  }
0xbe: {  	s0 =	sor.u32 s1, s0  }
0xbf: {  	s0 =	sadd.s32 $0x8F2B, s0  }
0xc0: {  	[sflag:s0] =	ssyncadd.remote.s32 $0x1  }
0xc1: {  	_ =	sfence.sel $0xFFFF  }
0xc2: {  	[dreg:$0x0] =	wrdreg $0xFFFFFFFF;
	(pc) =	sbr.abs _section_cstart, $3  }
0xc3: {  	[dreg:$0x1] =	wrdreg $0xFFFFFFFF  }
0xc4: {  	_ =	task.clear_ibuf [dreg:s9], $0x2FFFF;
	_ =	strace $0x9FFFFFFF  }
0xc5: {  	(tm) =	ssettm $0x7FFFFFFF  }
tec
execute0_lowered:
.L_overlay_start_1:
0x0: {  	(tag) =	ssettag $0x1  }
0x1: {  	s0 =	rddreg [dreg:$0x0]  }
0x2: {  	s2 =	rddreg [dreg:$0x1];
	s1 =	srdreg.scid  }
0x3: {  	s7 =	stileid.u32;
	s5 =	rddreg [dreg:$0x2];
	s3 =	simm.s32 $0x0  }
0x4: {  	s28 =	simm.s32 $0x4400;
	s29 =	simm.s32 $0x1;
	s9 =	simm.s32 $0x8  }
0x5: {  	s10 =	simm.s32 $0x3;
	s1 =	sand.u32 $0x1, s1;
	s4 =	sshll.u32 s7, $0x1  }
0x6: {  	s30 =	simm.s32 $0x4;
	s11 =	simm.s32 $0x5;
	s4 =	sor.u32 s1, s4  }
0x7: {  	s12 =	simm.s32 $0x6;
	s13 =	simm.s32 $0xA;
	s14 =	sshll.u32 s4, $0xE  }
0x8: {  	[smem:$0x7FF] =	sst s3;
	s7 =	sshll.u32 s7, $0x2;
	s5 =	sadd.s32 s5, s14  }
0x9: {  	_ =	strace $0x80000047;
	s1 =	ssub.s32 $0x2, s1;
	s17 =	sadd.s32 $0x400, s5  }
0xa: {  	s6 =	sshll.u32 s4, $0x9;
	s18 =	sadd.s32 $0x800, s5;
	[dreg:$0x5] =	wrdreg s17  }
0xb: {  	s8 =	sshrl.u32 s1, $0x1;
	s19 =	sadd.s32 $0xC00, s5;
	[dreg:$0x6] =	wrdreg s18  }
0xc: {  	s6 =	sor.u32 s7, s6;
	s20 =	sadd.s32 $0x1000, s5;
	[dreg:$0x7] =	wrdreg s19  }
0xd: {  	s15 =	ssub.s32 s1, s8;
	s21 =	sadd.s32 $0x1400, s5;
	[dreg:$0x8] =	wrdreg s20  }
0xe: {  	s7 =	simm.s32 $0x7;
	s22 =	sadd.s32 $0x1800, s5;
	[dreg:$0x9] =	wrdreg s21  }
0xf: {  	s8 =	simm.s32 $0x6400;
	s23 =	sadd.s32 $0x1C00, s5;
	[dreg:$0xa] =	wrdreg s22  }
0x10: {  	s1 =	simm.s32 $0x9;
	s24 =	sadd.s32 $0x2000, s5;
	[dreg:$0xb] =	wrdreg s23  }
0x11: {  	s14 =	simm.s32 $0xC;
	s25 =	sadd.s32 $0x2400, s5;
	[dreg:$0xc] =	wrdreg s24  }
0x12: {  	s6 =	sand.u32 $0xE30, s6;
	s26 =	sadd.s32 $0x2800, s5;
	[dreg:$0xd] =	wrdreg s25  }
0x13: {  	s31 =	sadd.s32 $0x2C00, s5;
	s4 =	sadd.s32 s0, s6;
	[dreg:$0xe] =	wrdreg s26  }
0x14: {  	[dreg:$0xf] =	wrdreg s31;
	s18 =	sadd.s32 $0x3000, s5;
	s19 =	sadd.s32 $0x3400, s5  }
0x15: {  	s20 =	sadd.s32 $0x3800, s5;
	s21 =	sadd.s32 $0x3C00, s5;
	s22 =	smax.u32 s15, $0x1  }
0x16: {  	s23 =	simm.s32 $0xD;
	s24 =	simm.s32 $0x80;
	s25 =	simm.s32 $0x400  }
0x17: {  	s6 =	simm.s32 $0x2400;
	s26 =	simm.s32 $0x2;
	s16 =	sadd.s32 $0x40, s4  }
0x18: {  	s0 =	simm.s32 $0xB;
	s15 =	simm.s32 $0x0;
	[dreg:$0x4] =	wrdreg s16  }
.LBB2_1:
0x19: {  	[tilespmem:s3], [sflag:$0xD] =	stream.linear.gather [hbm4b:s4+s3], $0x80, $0x38;
	[tilespmem:$0x18400] =	vst v63  }
0x1a: {  	_ =	swait.ge [sflag:s23], $0x80  }
0x1b: {  	[sflag:s23] =	ssyncset.done $0x0  }
0x1c: {  	[sflag:s23] =	ssyncadd.s32 $0xFFFFFF80  }
0x1d: {  	[tilespmem:s25], [sflag:$0x1] =	stream.indirect.gather [hbm4b:s2+s24], $0x80, s3, s24, $0xb8;
	[tilespmem:$0x18400] =	vst v63  }
0x1e: {  	s17 =	simm.s32 $0x200;
	s16 =	rddreg [dreg:$0x4]  }
0x1f: {  	[tilespmem:s24], [sflag:$0xD] =	stream.strided.gather [hbm4b:s16+s24], $0x380, s17, s24, $0x38;
	[tilespmem:$0x18400] =	vst v63  }
0x20: {  	_ =	swait.ge [sflag:s23], $0x380  }
0x21: {  	[sflag:s23] =	ssyncset.done $0x0  }
0x22: {  	[sflag:s23] =	ssyncadd.s32 $0xFFFFFC80  }
0x23: {  	[tilespmem:s28], [sflag:$0x2] =	stream.indirect.gather [hbm4b:s2+s24], $0x80, s24, s24, $0xb8;
	[tilespmem:$0x18400] =	vst v63  }
0x24: {  	s31 =	simm.s32 $0x8400;
	s16 =	simm.s32 $0x100  }
0x25: {  	[tilespmem:s31], [sflag:$0x3] =	stream.indirect.gather [hbm4b:s2+s24], $0x80, s16, s24, $0xb8;
	[tilespmem:$0x18400] =	vst v63  }
0x26: {  	s16 =	simm.s32 $0x180;
	s31 =	simm.s32 $0xC400  }
0x27: {  	[tilespmem:s31], [sflag:$0x4] =	stream.indirect.gather [hbm4b:s2+s24], $0x80, s16, s24, $0xb8;
	[tilespmem:$0x18400] =	vst v63  }
0x28: {  	s16 =	simm.s32 $0x10400  }
0x29: {  	[tilespmem:s16], [sflag:$0x5] =	stream.indirect.gather [hbm4b:s2+s24], $0x80, s17, s24, $0xb8;
	[tilespmem:$0x18400] =	vst v63  }
0x2a: {  	s16 =	simm.s32 $0x280;
	s17 =	simm.s32 $0x14400  }
0x2b: {  	[tilespmem:s17], [sflag:$0x6] =	stream.indirect.gather [hbm4b:s2+s24], $0x80, s16, s24, $0xb8;
	[tilespmem:$0x18400] =	vst v63  }
0x2c: {  	_ =	swait.ge [sflag:s29], $0x4000  }
0x2d: {  	[sflag:s29] =	ssyncset.done $0x0  }
0x2e: {  	s31 =	simm.s32 $0x0;
	[sflag:s29] =	ssyncadd.s32 $0xFFFFC000  }
0x2f: {  	v3 =	vld [tilespmem:s31+$0x400]  }
0x30: {  	v5 =	vld [tilespmem:s31+$0x410]  }
0x31: {  	v4 =	vld [tilespmem:s31+$0x420]  }
0x32: {  	v2 =	vld [tilespmem:s31+$0x430]  }
0x33: {  	v0 =	vld [tilespmem:s31+$0x440]  }
0x34: {  	v1 =	vld [tilespmem:s31+$0x450];
	v6 =	vmul.f32 $1.131370830e+01, v3  }
0x35: {  	s16 =	simm.s32 $0x200;
	v5 =	vmul.f32 $1.131370830e+01, v5;
	v3 =	vld [tilespmem:s31+$0x460]  }
.LBB2_2:
0x36: {  	s17 =	sshra.s32 s16, $0x2;
	p0 =	sne.s32 s16, $0x7E00;
	[tilespmem:s31+$0x400] =	vst v6;
	v4 =	vmul.f32 $1.131370830e+01, v4;
	v6 =	vld [tilespmem:s31+$0x470]  }
0x37: {  	v7 =	vld [tilespmem:s17+$0x400];
	[tilespmem:s31+$0x410] =	vst v5;
	v2 =	vmul.f32 $1.131370830e+01, v2  }
0x38: {  	v5 =	vld [tilespmem:s17+$0x410];
	[tilespmem:s31+$0x420] =	vst v4;
	v0 =	vmul.f32 $1.131370830e+01, v0  }
.Ltmp0:
0x39: {  	v4 =	vld [tilespmem:s17+$0x420];
	[tilespmem:s31+$0x430] =	vst v2;
	v1 =	vmul.f32 $1.131370830e+01, v1;
	(pc) =	sbr.rel @p0 .LBB2_2-.Ltmp0, $4  }
0x3a: {  	v2 =	vld [tilespmem:s17+$0x430];
	[tilespmem:s31+$0x440] =	vst v0;
	v3 =	vmul.f32 $1.131370830e+01, v3  }
0x3b: {  	v0 =	vld [tilespmem:s17+$0x440];
	[tilespmem:s31+$0x450] =	vst v1;
	v8 =	vmul.f32 $1.131370830e+01, v6  }
0x3c: {  	v6 =	vmul.f32 $1.131370830e+01, v7;
	v1 =	vld [tilespmem:s17+$0x450];
	[tilespmem:s31+$0x460] =	vst v3  }
0x3d: {  	s16 =	sadd.s32 $0x200, s16;
	v5 =	vmul.f32 $1.131370830e+01, v5;
	v3 =	vld [tilespmem:s17+$0x460];
	[tilespmem:s31+$0x470] =	vst v8;
	s31 =	smov.u32 s17  }
0x3e: {  	[tilespmem:s31+$0x400] =	vst v6;
	v4 =	vmul.f32 $1.131370830e+01, v4;
	v6 =	vld [tilespmem:s31+$0x470]  }
0x3f: {  	[tilespmem:s31+$0x410] =	vst v5;
	v2 =	vmul.f32 $1.131370830e+01, v2  }
0x40: {  	[tilespmem:s31+$0x420] =	vst v4;
	v0 =	vmul.f32 $1.131370830e+01, v0  }
0x41: {  	[tilespmem:s31+$0x430] =	vst v2;
	v1 =	vmul.f32 $1.131370830e+01, v1  }
0x42: {  	[tilespmem:s31+$0x440] =	vst v0;
	v0 =	vmul.f32 $1.131370830e+01, v3  }
0x43: {  	[tilespmem:s31+$0x450] =	vst v1;
	v1 =	vmul.f32 $1.131370830e+01, v6  }
0x44: {  	[tilespmem:s31+$0x460] =	vst v0  }
0x45: {  	s16 =	simm.s32 $0x0;
	[tilespmem:s31+$0x470] =	vst v1;
	s31 =	simm.s32 $0x0  }
0x46: {  	[hbm4b:s5+s16] =	stream.linear.scatter [tilespmem:s25], [sflag:$0x7], $0x2000, $0x38;
	[tilespmem:$0x18400] =	vst v63  }
0x47: {  	v3 =	vld [tilespmem:s31+$0x2400]  }
0x48: {  	v5 =	vld [tilespmem:s31+$0x2410]  }
0x49: {  	v4 =	vld [tilespmem:s31+$0x2420]  }
0x4a: {  	v2 =	vld [tilespmem:s31+$0x2430]  }
0x4b: {  	v0 =	vld [tilespmem:s31+$0x2440]  }
0x4c: {  	v1 =	vld [tilespmem:s31+$0x2450];
	v6 =	vmul.f32 $1.131370830e+01, v3  }
0x4d: {  	s16 =	simm.s32 $0x200;
	v5 =	vmul.f32 $1.131370830e+01, v5;
	v3 =	vld [tilespmem:s31+$0x2460]  }
.LBB2_4:
0x4e: {  	s17 =	sshra.s32 s16, $0x2;
	p0 =	sne.s32 s16, $0x7E00;
	[tilespmem:s31+$0x2400] =	vst v6;
	v4 =	vmul.f32 $1.131370830e+01, v4;
	v6 =	vld [tilespmem:s31+$0x2470]  }
0x4f: {  	v7 =	vld [tilespmem:s17+$0x2400];
	[tilespmem:s31+$0x2410] =	vst v5;
	v2 =	vmul.f32 $1.131370830e+01, v2  }
0x50: {  	v5 =	vld [tilespmem:s17+$0x2410];
	[tilespmem:s31+$0x2420] =	vst v4;
	v0 =	vmul.f32 $1.131370830e+01, v0  }
.Ltmp1:
0x51: {  	v4 =	vld [tilespmem:s17+$0x2420];
	[tilespmem:s31+$0x2430] =	vst v2;
	v1 =	vmul.f32 $1.131370830e+01, v1;
	(pc) =	sbr.rel @p0 .LBB2_4-.Ltmp1, $4  }
0x52: {  	v2 =	vld [tilespmem:s17+$0x2430];
	[tilespmem:s31+$0x2440] =	vst v0;
	v3 =	vmul.f32 $1.131370830e+01, v3  }
0x53: {  	v0 =	vld [tilespmem:s17+$0x2440];
	[tilespmem:s31+$0x2450] =	vst v1;
	v8 =	vmul.f32 $1.131370830e+01, v6  }
0x54: {  	v6 =	vmul.f32 $1.131370830e+01, v7;
	v1 =	vld [tilespmem:s17+$0x2450];
	[tilespmem:s31+$0x2460] =	vst v3  }
0x55: {  	s16 =	sadd.s32 $0x200, s16;
	v5 =	vmul.f32 $1.131370830e+01, v5;
	v3 =	vld [tilespmem:s17+$0x2460];
	[tilespmem:s31+$0x2470] =	vst v8;
	s31 =	smov.u32 s17  }
0x56: {  	[tilespmem:s31+$0x2400] =	vst v6;
	v4 =	vmul.f32 $1.131370830e+01, v4;
	v6 =	vld [tilespmem:s31+$0x2470]  }
0x57: {  	[tilespmem:s31+$0x2410] =	vst v5;
	v2 =	vmul.f32 $1.131370830e+01, v2  }
0x58: {  	[tilespmem:s31+$0x2420] =	vst v4;
	v0 =	vmul.f32 $1.131370830e+01, v0  }
0x59: {  	[tilespmem:s31+$0x2430] =	vst v2;
	v1 =	vmul.f32 $1.131370830e+01, v1  }
0x5a: {  	[tilespmem:s31+$0x2440] =	vst v0;
	v0 =	vmul.f32 $1.131370830e+01, v3  }
0x5b: {  	[tilespmem:s31+$0x2450] =	vst v1;
	v1 =	vmul.f32 $1.131370830e+01, v6  }
0x5c: {  	[tilespmem:s31+$0x2460] =	vst v0  }
0x5d: {  	s16 =	simm.s32 $0x0;
	s17 =	rddreg [dreg:$0x5];
	[tilespmem:s31+$0x2470] =	vst v1  }
0x5e: {  	[hbm4b:s17+s16] =	stream.linear.scatter [tilespmem:s6], [sflag:$0x7], $0x2000, $0x38;
	[tilespmem:$0x18400] =	vst v63  }
0x5f: {  	_ =	swait.ge [sflag:s7], $0x2000  }
0x60: {  	[sflag:s7] =	ssyncset.done $0x0  }
0x61: {  	[sflag:s7] =	ssyncadd.s32 $0xFFFFE000  }
0x62: {  	_ =	swait.ge [sflag:s7], $0x2000  }
0x63: {  	[sflag:s7] =	ssyncset.done $0x0  }
0x64: {  	s17 =	simm.s32 $0x300;
	[sflag:s7] =	ssyncadd.s32 $0xFFFFE000  }
0x65: {  	[tilespmem:s25], [sflag:$0x1] =	stream.indirect.gather [hbm4b:s2+s24], $0x80, s17, s24, $0xb8;
	[tilespmem:$0x18400] =	vst v63  }
0x66: {  	_ =	swait.ge [sflag:s26], $0x4000  }
0x67: {  	[sflag:s26] =	ssyncset.done $0x0  }
0x68: {  	s31 =	simm.s32 $0x0;
	[sflag:s26] =	ssyncadd.s32 $0xFFFFC000  }
0x69: {  	v3 =	vld [tilespmem:s31+$0x4400]  }
0x6a: {  	v5 =	vld [tilespmem:s31+$0x4410]  }
0x6b: {  	v4 =	vld [tilespmem:s31+$0x4420]  }
0x6c: {  	v2 =	vld [tilespmem:s31+$0x4430]  }
0x6d: {  	v0 =	vld [tilespmem:s31+$0x4440]  }
0x6e: {  	v1 =	vld [tilespmem:s31+$0x4450];
	v6 =	vmul.f32 $1.131370830e+01, v3  }
0x6f: {  	s16 =	simm.s32 $0x200;
	v5 =	vmul.f32 $1.131370830e+01, v5;
	v3 =	vld [tilespmem:s31+$0x4460]  }
.LBB2_6:
0x70: {  	s17 =	sshra.s32 s16, $0x2;
	p0 =	sne.s32 s16, $0x7E00;
	[tilespmem:s31+$0x4400] =	vst v6;
	v4 =	vmul.f32 $1.131370830e+01, v4;
	v6 =	vld [tilespmem:s31+$0x4470]  }
0x71: {  	v7 =	vld [tilespmem:s17+$0x4400];
	[tilespmem:s31+$0x4410] =	vst v5;
	v2 =	vmul.f32 $1.131370830e+01, v2  }
0x72: {  	v5 =	vld [tilespmem:s17+$0x4410];
	[tilespmem:s31+$0x4420] =	vst v4;
	v0 =	vmul.f32 $1.131370830e+01, v0  }
.Ltmp2:
0x73: {  	v4 =	vld [tilespmem:s17+$0x4420];
	[tilespmem:s31+$0x4430] =	vst v2;
	v1 =	vmul.f32 $1.131370830e+01, v1;
	(pc) =	sbr.rel @p0 .LBB2_6-.Ltmp2, $4  }
0x74: {  	v2 =	vld [tilespmem:s17+$0x4430];
	[tilespmem:s31+$0x4440] =	vst v0;
	v3 =	vmul.f32 $1.131370830e+01, v3  }
0x75: {  	v0 =	vld [tilespmem:s17+$0x4440];
	[tilespmem:s31+$0x4450] =	vst v1;
	v8 =	vmul.f32 $1.131370830e+01, v6  }
0x76: {  	v6 =	vmul.f32 $1.131370830e+01, v7;
	v1 =	vld [tilespmem:s17+$0x4450];
	[tilespmem:s31+$0x4460] =	vst v3  }
0x77: {  	s16 =	sadd.s32 $0x200, s16;
	v5 =	vmul.f32 $1.131370830e+01, v5;
	v3 =	vld [tilespmem:s17+$0x4460];
	[tilespmem:s31+$0x4470] =	vst v8;
	s31 =	smov.u32 s17  }
0x78: {  	[tilespmem:s31+$0x4400] =	vst v6;
	v4 =	vmul.f32 $1.131370830e+01, v4;
	v6 =	vld [tilespmem:s31+$0x4470]  }
0x79: {  	[tilespmem:s31+$0x4410] =	vst v5;
	v2 =	vmul.f32 $1.131370830e+01, v2  }
0x7a: {  	[tilespmem:s31+$0x4420] =	vst v4;
	v0 =	vmul.f32 $1.131370830e+01, v0  }
0x7b: {  	[tilespmem:s31+$0x4430] =	vst v2;
	v1 =	vmul.f32 $1.131370830e+01, v1  }
0x7c: {  	[tilespmem:s31+$0x4440] =	vst v0;
	v0 =	vmul.f32 $1.131370830e+01, v3  }
0x7d: {  	[tilespmem:s31+$0x4450] =	vst v1;
	v1 =	vmul.f32 $1.131370830e+01, v6  }
0x7e: {  	[tilespmem:s31+$0x4460] =	vst v0  }
0x7f: {  	s16 =	simm.s32 $0x0;
	s17 =	rddreg [dreg:$0x6];
	[tilespmem:s31+$0x4470] =	vst v1;
	s31 =	simm.s32 $0x0  }
0x80: {  	[hbm4b:s17+s16] =	stream.linear.scatter [tilespmem:s28], [sflag:$0x8], $0x2000, $0x38;
	[tilespmem:$0x18400] =	vst v63  }
0x81: {  	v3 =	vld [tilespmem:s31+$0x6400]  }
0x82: {  	v5 =	vld [tilespmem:s31+$0x6410]  }
0x83: {  	v4 =	vld [tilespmem:s31+$0x6420]  }
0x84: {  	v2 =	vld [tilespmem:s31+$0x6430]  }
0x85: {  	v0 =	vld [tilespmem:s31+$0x6440]  }
0x86: {  	v1 =	vld [tilespmem:s31+$0x6450];
	v6 =	vmul.f32 $1.131370830e+01, v3  }
0x87: {  	s16 =	simm.s32 $0x200;
	v5 =	vmul.f32 $1.131370830e+01, v5;
	v3 =	vld [tilespmem:s31+$0x6460]  }
.LBB2_8:
0x88: {  	s17 =	sshra.s32 s16, $0x2;
	p0 =	sne.s32 s16, $0x7E00;
	[tilespmem:s31+$0x6400] =	vst v6;
	v4 =	vmul.f32 $1.131370830e+01, v4;
	v6 =	vld [tilespmem:s31+$0x6470]  }
0x89: {  	v7 =	vld [tilespmem:s17+$0x6400];
	[tilespmem:s31+$0x6410] =	vst v5;
	v2 =	vmul.f32 $1.131370830e+01, v2  }
0x8a: {  	v5 =	vld [tilespmem:s17+$0x6410];
	[tilespmem:s31+$0x6420] =	vst v4;
	v0 =	vmul.f32 $1.131370830e+01, v0  }
.Ltmp3:
0x8b: {  	v4 =	vld [tilespmem:s17+$0x6420];
	[tilespmem:s31+$0x6430] =	vst v2;
	v1 =	vmul.f32 $1.131370830e+01, v1;
	(pc) =	sbr.rel @p0 .LBB2_8-.Ltmp3, $4  }
0x8c: {  	v2 =	vld [tilespmem:s17+$0x6430];
	[tilespmem:s31+$0x6440] =	vst v0;
	v3 =	vmul.f32 $1.131370830e+01, v3  }
0x8d: {  	v0 =	vld [tilespmem:s17+$0x6440];
	[tilespmem:s31+$0x6450] =	vst v1;
	v8 =	vmul.f32 $1.131370830e+01, v6  }
0x8e: {  	v6 =	vmul.f32 $1.131370830e+01, v7;
	v1 =	vld [tilespmem:s17+$0x6450];
	[tilespmem:s31+$0x6460] =	vst v3  }
0x8f: {  	s16 =	sadd.s32 $0x200, s16;
	v5 =	vmul.f32 $1.131370830e+01, v5;
	v3 =	vld [tilespmem:s17+$0x6460];
	[tilespmem:s31+$0x6470] =	vst v8;
	s31 =	smov.u32 s17  }
0x90: {  	[tilespmem:s31+$0x6400] =	vst v6;
	v4 =	vmul.f32 $1.131370830e+01, v4;
	v6 =	vld [tilespmem:s31+$0x6470]  }
0x91: {  	[tilespmem:s31+$0x6410] =	vst v5;
	v2 =	vmul.f32 $1.131370830e+01, v2  }
0x92: {  	[tilespmem:s31+$0x6420] =	vst v4;
	v0 =	vmul.f32 $1.131370830e+01, v0  }
0x93: {  	[tilespmem:s31+$0x6430] =	vst v2;
	v1 =	vmul.f32 $1.131370830e+01, v1  }
0x94: {  	[tilespmem:s31+$0x6440] =	vst v0;
	v0 =	vmul.f32 $1.131370830e+01, v3  }
0x95: {  	[tilespmem:s31+$0x6450] =	vst v1;
	v1 =	vmul.f32 $1.131370830e+01, v6  }
0x96: {  	[tilespmem:s31+$0x6460] =	vst v0  }
0x97: {  	s16 =	simm.s32 $0x0;
	s17 =	rddreg [dreg:$0x7];
	[tilespmem:s31+$0x6470] =	vst v1  }
0x98: {  	[hbm4b:s17+s16] =	stream.linear.scatter [tilespmem:s8], [sflag:$0x8], $0x2000, $0x38;
	[tilespmem:$0x18400] =	vst v63  }
0x99: {  	_ =	swait.ge [sflag:s9], $0x2000  }
0x9a: {  	[sflag:s9] =	ssyncset.done $0x0  }
0x9b: {  	[sflag:s9] =	ssyncadd.s32 $0xFFFFE000  }
0x9c: {  	_ =	swait.ge [sflag:s9], $0x2000  }
0x9d: {  	[sflag:s9] =	ssyncset.done $0x0  }
0x9e: {  	s17 =	simm.s32 $0x380;
	[sflag:s9] =	ssyncadd.s32 $0xFFFFE000  }
0x9f: {  	[tilespmem:s28], [sflag:$0x2] =	stream.indirect.gather [hbm4b:s2+s24], $0x80, s17, s24, $0xb8;
	[tilespmem:$0x18400] =	vst v63  }
0xa0: {  	_ =	swait.ge [sflag:s10], $0x4000  }
0xa1: {  	[sflag:s10] =	ssyncset.done $0x0  }
0xa2: {  	s31 =	simm.s32 $0x0;
	[sflag:s10] =	ssyncadd.s32 $0xFFFFC000  }
0xa3: {  	v3 =	vld [tilespmem:s31+$0x8400]  }
0xa4: {  	v5 =	vld [tilespmem:s31+$0x8410]  }
0xa5: {  	v4 =	vld [tilespmem:s31+$0x8420]  }
0xa6: {  	v2 =	vld [tilespmem:s31+$0x8430]  }
0xa7: {  	v0 =	vld [tilespmem:s31+$0x8440]  }
0xa8: {  	v1 =	vld [tilespmem:s31+$0x8450];
	v6 =	vmul.f32 $1.131370830e+01, v3  }
0xa9: {  	s16 =	simm.s32 $0x200;
	v5 =	vmul.f32 $1.131370830e+01, v5;
	v3 =	vld [tilespmem:s31+$0x8460]  }
.LBB2_10:
0xaa: {  	s17 =	sshra.s32 s16, $0x2;
	p0 =	sne.s32 s16, $0x7E00;
	[tilespmem:s31+$0x8400] =	vst v6;
	v4 =	vmul.f32 $1.131370830e+01, v4;
	v6 =	vld [tilespmem:s31+$0x8470]  }
0xab: {  	v7 =	vld [tilespmem:s17+$0x8400];
	[tilespmem:s31+$0x8410] =	vst v5;
	v2 =	vmul.f32 $1.131370830e+01, v2  }
0xac: {  	v5 =	vld [tilespmem:s17+$0x8410];
	[tilespmem:s31+$0x8420] =	vst v4;
	v0 =	vmul.f32 $1.131370830e+01, v0  }
.Ltmp4:
0xad: {  	v4 =	vld [tilespmem:s17+$0x8420];
	[tilespmem:s31+$0x8430] =	vst v2;
	v1 =	vmul.f32 $1.131370830e+01, v1;
	(pc) =	sbr.rel @p0 .LBB2_10-.Ltmp4, $4  }
0xae: {  	v2 =	vld [tilespmem:s17+$0x8430];
	[tilespmem:s31+$0x8440] =	vst v0;
	v3 =	vmul.f32 $1.131370830e+01, v3  }
0xaf: {  	v0 =	vld [tilespmem:s17+$0x8440];
	[tilespmem:s31+$0x8450] =	vst v1;
	v8 =	vmul.f32 $1.131370830e+01, v6  }
0xb0: {  	v6 =	vmul.f32 $1.131370830e+01, v7;
	v1 =	vld [tilespmem:s17+$0x8450];
	[tilespmem:s31+$0x8460] =	vst v3  }
0xb1: {  	s16 =	sadd.s32 $0x200, s16;
	v5 =	vmul.f32 $1.131370830e+01, v5;
	v3 =	vld [tilespmem:s17+$0x8460];
	[tilespmem:s31+$0x8470] =	vst v8;
	s31 =	smov.u32 s17  }
0xb2: {  	[tilespmem:s31+$0x8400] =	vst v6;
	v4 =	vmul.f32 $1.131370830e+01, v4;
	v6 =	vld [tilespmem:s31+$0x8470]  }
0xb3: {  	[tilespmem:s31+$0x8410] =	vst v5;
	v2 =	vmul.f32 $1.131370830e+01, v2  }
0xb4: {  	[tilespmem:s31+$0x8420] =	vst v4;
	v0 =	vmul.f32 $1.131370830e+01, v0  }
0xb5: {  	[tilespmem:s31+$0x8430] =	vst v2;
	v1 =	vmul.f32 $1.131370830e+01, v1  }
0xb6: {  	[tilespmem:s31+$0x8440] =	vst v0;
	v0 =	vmul.f32 $1.131370830e+01, v3  }
0xb7: {  	[tilespmem:s31+$0x8450] =	vst v1;
	v1 =	vmul.f32 $1.131370830e+01, v6  }
0xb8: {  	[tilespmem:s31+$0x8460] =	vst v0  }
0xb9: {  	s16 =	simm.s32 $0x0;
	s17 =	rddreg [dreg:$0x8];
	[tilespmem:s31+$0x8470] =	vst v1;
	s31 =	simm.s32 $0x8400  }
0xba: {  	[hbm4b:s17+s16] =	stream.linear.scatter [tilespmem:s31], [sflag:$0x9], $0x2000, $0x38;
	[tilespmem:$0x18400] =	vst v63  }
0xbb: {  	s31 =	simm.s32 $0x0  }
0xbc: {  	v3 =	vld [tilespmem:s31+$0xA400]  }
0xbd: {  	v5 =	vld [tilespmem:s31+$0xA410]  }
0xbe: {  	v4 =	vld [tilespmem:s31+$0xA420]  }
0xbf: {  	v2 =	vld [tilespmem:s31+$0xA430]  }
0xc0: {  	v0 =	vld [tilespmem:s31+$0xA440]  }
0xc1: {  	v1 =	vld [tilespmem:s31+$0xA450];
	v6 =	vmul.f32 $1.131370830e+01, v3  }
0xc2: {  	s16 =	simm.s32 $0x200;
	v5 =	vmul.f32 $1.131370830e+01, v5;
	v3 =	vld [tilespmem:s31+$0xA460]  }
.LBB2_12:
0xc3: {  	s17 =	sshra.s32 s16, $0x2;
	p0 =	sne.s32 s16, $0x7E00;
	[tilespmem:s31+$0xA400] =	vst v6;
	v4 =	vmul.f32 $1.131370830e+01, v4;
	v6 =	vld [tilespmem:s31+$0xA470]  }
0xc4: {  	v7 =	vld [tilespmem:s17+$0xA400];
	[tilespmem:s31+$0xA410] =	vst v5;
	v2 =	vmul.f32 $1.131370830e+01, v2  }
0xc5: {  	v5 =	vld [tilespmem:s17+$0xA410];
	[tilespmem:s31+$0xA420] =	vst v4;
	v0 =	vmul.f32 $1.131370830e+01, v0  }
.Ltmp5:
0xc6: {  	v4 =	vld [tilespmem:s17+$0xA420];
	[tilespmem:s31+$0xA430] =	vst v2;
	v1 =	vmul.f32 $1.131370830e+01, v1;
	(pc) =	sbr.rel @p0 .LBB2_12-.Ltmp5, $4  }
0xc7: {  	v2 =	vld [tilespmem:s17+$0xA430];
	[tilespmem:s31+$0xA440] =	vst v0;
	v3 =	vmul.f32 $1.131370830e+01, v3  }
0xc8: {  	v0 =	vld [tilespmem:s17+$0xA440];
	[tilespmem:s31+$0xA450] =	vst v1;
	v8 =	vmul.f32 $1.131370830e+01, v6  }
0xc9: {  	v6 =	vmul.f32 $1.131370830e+01, v7;
	v1 =	vld [tilespmem:s17+$0xA450];
	[tilespmem:s31+$0xA460] =	vst v3  }
0xca: {  	s16 =	sadd.s32 $0x200, s16;
	v5 =	vmul.f32 $1.131370830e+01, v5;
	v3 =	vld [tilespmem:s17+$0xA460];
	[tilespmem:s31+$0xA470] =	vst v8;
	s31 =	smov.u32 s17  }
0xcb: {  	[tilespmem:s31+$0xA400] =	vst v6;
	v4 =	vmul.f32 $1.131370830e+01, v4;
	v6 =	vld [tilespmem:s31+$0xA470]  }
0xcc: {  	[tilespmem:s31+$0xA410] =	vst v5;
	v2 =	vmul.f32 $1.131370830e+01, v2  }
0xcd: {  	[tilespmem:s31+$0xA420] =	vst v4;
	v0 =	vmul.f32 $1.131370830e+01, v0  }
0xce: {  	[tilespmem:s31+$0xA430] =	vst v2;
	v1 =	vmul.f32 $1.131370830e+01, v1  }
0xcf: {  	[tilespmem:s31+$0xA440] =	vst v0;
	v0 =	vmul.f32 $1.131370830e+01, v3  }
0xd0: {  	[tilespmem:s31+$0xA450] =	vst v1;
	v1 =	vmul.f32 $1.131370830e+01, v6  }
0xd1: {  	[tilespmem:s31+$0xA460] =	vst v0  }
0xd2: {  	s16 =	simm.s32 $0x0;
	s17 =	rddreg [dreg:$0x9];
	[tilespmem:s31+$0xA470] =	vst v1;
	s31 =	simm.s32 $0xA400  }
0xd3: {  	[hbm4b:s17+s16] =	stream.linear.scatter [tilespmem:s31], [sflag:$0x9], $0x2000, $0x38;
	[tilespmem:$0x18400] =	vst v63  }
0xd4: {  	_ =	swait.ge [sflag:s30], $0x4000  }
0xd5: {  	[sflag:s30] =	ssyncset.done $0x0  }
0xd6: {  	s31 =	simm.s32 $0x0;
	[sflag:s30] =	ssyncadd.s32 $0xFFFFC000  }
0xd7: {  	v3 =	vld [tilespmem:s31+$0xC400]  }
0xd8: {  	v5 =	vld [tilespmem:s31+$0xC410]  }
0xd9: {  	v4 =	vld [tilespmem:s31+$0xC420]  }
0xda: {  	v2 =	vld [tilespmem:s31+$0xC430]  }
0xdb: {  	v0 =	vld [tilespmem:s31+$0xC440]  }
0xdc: {  	v1 =	vld [tilespmem:s31+$0xC450];
	v6 =	vmul.f32 $1.131370830e+01, v3  }
0xdd: {  	s16 =	simm.s32 $0x200;
	v5 =	vmul.f32 $1.131370830e+01, v5;
	v3 =	vld [tilespmem:s31+$0xC460]  }
.LBB2_14:
0xde: {  	s17 =	sshra.s32 s16, $0x2;
	p0 =	sne.s32 s16, $0x7E00;
	[tilespmem:s31+$0xC400] =	vst v6;
	v4 =	vmul.f32 $1.131370830e+01, v4;
	v6 =	vld [tilespmem:s31+$0xC470]  }
0xdf: {  	v7 =	vld [tilespmem:s17+$0xC400];
	[tilespmem:s31+$0xC410] =	vst v5;
	v2 =	vmul.f32 $1.131370830e+01, v2  }
0xe0: {  	v5 =	vld [tilespmem:s17+$0xC410];
	[tilespmem:s31+$0xC420] =	vst v4;
	v0 =	vmul.f32 $1.131370830e+01, v0  }
.Ltmp6:
0xe1: {  	v4 =	vld [tilespmem:s17+$0xC420];
	[tilespmem:s31+$0xC430] =	vst v2;
	v1 =	vmul.f32 $1.131370830e+01, v1;
	(pc) =	sbr.rel @p0 .LBB2_14-.Ltmp6, $4  }
0xe2: {  	v2 =	vld [tilespmem:s17+$0xC430];
	[tilespmem:s31+$0xC440] =	vst v0;
	v3 =	vmul.f32 $1.131370830e+01, v3  }
0xe3: {  	v0 =	vld [tilespmem:s17+$0xC440];
	[tilespmem:s31+$0xC450] =	vst v1;
	v8 =	vmul.f32 $1.131370830e+01, v6  }
0xe4: {  	v6 =	vmul.f32 $1.131370830e+01, v7;
	v1 =	vld [tilespmem:s17+$0xC450];
	[tilespmem:s31+$0xC460] =	vst v3  }
0xe5: {  	s16 =	sadd.s32 $0x200, s16;
	v5 =	vmul.f32 $1.131370830e+01, v5;
	v3 =	vld [tilespmem:s17+$0xC460];
	[tilespmem:s31+$0xC470] =	vst v8;
	s31 =	smov.u32 s17  }
0xe6: {  	[tilespmem:s31+$0xC400] =	vst v6;
	v4 =	vmul.f32 $1.131370830e+01, v4;
	v6 =	vld [tilespmem:s31+$0xC470]  }
0xe7: {  	[tilespmem:s31+$0xC410] =	vst v5;
	v2 =	vmul.f32 $1.131370830e+01, v2  }
0xe8: {  	[tilespmem:s31+$0xC420] =	vst v4;
	v0 =	vmul.f32 $1.131370830e+01, v0  }
0xe9: {  	[tilespmem:s31+$0xC430] =	vst v2;
	v1 =	vmul.f32 $1.131370830e+01, v1  }
0xea: {  	[tilespmem:s31+$0xC440] =	vst v0;
	v0 =	vmul.f32 $1.131370830e+01, v3  }
0xeb: {  	[tilespmem:s31+$0xC450] =	vst v1;
	v1 =	vmul.f32 $1.131370830e+01, v6  }
0xec: {  	[tilespmem:s31+$0xC460] =	vst v0  }
0xed: {  	s16 =	simm.s32 $0x0;
	s17 =	rddreg [dreg:$0xa];
	[tilespmem:s31+$0xC470] =	vst v1;
	s31 =	simm.s32 $0xC400  }
0xee: {  	[hbm4b:s17+s16] =	stream.linear.scatter [tilespmem:s31], [sflag:$0xA], $0x2000, $0x38;
	[tilespmem:$0x18400] =	vst v63  }
0xef: {  	s31 =	simm.s32 $0x0  }
0xf0: {  	v3 =	vld [tilespmem:s31+$0xE400]  }
0xf1: {  	v5 =	vld [tilespmem:s31+$0xE410]  }
0xf2: {  	v4 =	vld [tilespmem:s31+$0xE420]  }
0xf3: {  	v2 =	vld [tilespmem:s31+$0xE430]  }
0xf4: {  	v0 =	vld [tilespmem:s31+$0xE440]  }
0xf5: {  	v1 =	vld [tilespmem:s31+$0xE450];
	v6 =	vmul.f32 $1.131370830e+01, v3  }
0xf6: {  	s16 =	simm.s32 $0x200;
	v5 =	vmul.f32 $1.131370830e+01, v5;
	v3 =	vld [tilespmem:s31+$0xE460]  }
.LBB2_16:
0xf7: {  	s17 =	sshra.s32 s16, $0x2;
	p0 =	sne.s32 s16, $0x7E00;
	[tilespmem:s31+$0xE400] =	vst v6;
	v4 =	vmul.f32 $1.131370830e+01, v4;
	v6 =	vld [tilespmem:s31+$0xE470]  }
0xf8: {  	v7 =	vld [tilespmem:s17+$0xE400];
	[tilespmem:s31+$0xE410] =	vst v5;
	v2 =	vmul.f32 $1.131370830e+01, v2  }
0xf9: {  	v5 =	vld [tilespmem:s17+$0xE410];
	[tilespmem:s31+$0xE420] =	vst v4;
	v0 =	vmul.f32 $1.131370830e+01, v0  }
.Ltmp7:
0xfa: {  	v4 =	vld [tilespmem:s17+$0xE420];
	[tilespmem:s31+$0xE430] =	vst v2;
	v1 =	vmul.f32 $1.131370830e+01, v1;
	(pc) =	sbr.rel @p0 .LBB2_16-.Ltmp7, $4  }
0xfb: {  	v2 =	vld [tilespmem:s17+$0xE430];
	[tilespmem:s31+$0xE440] =	vst v0;
	v3 =	vmul.f32 $1.131370830e+01, v3  }
0xfc: {  	v0 =	vld [tilespmem:s17+$0xE440];
	[tilespmem:s31+$0xE450] =	vst v1;
	v8 =	vmul.f32 $1.131370830e+01, v6  }
0xfd: {  	v6 =	vmul.f32 $1.131370830e+01, v7;
	v1 =	vld [tilespmem:s17+$0xE450];
	[tilespmem:s31+$0xE460] =	vst v3  }
0xfe: {  	s16 =	sadd.s32 $0x200, s16;
	v5 =	vmul.f32 $1.131370830e+01, v5;
	v3 =	vld [tilespmem:s17+$0xE460];
	[tilespmem:s31+$0xE470] =	vst v8;
	s31 =	smov.u32 s17  }
0xff: {  	[tilespmem:s31+$0xE400] =	vst v6;
	v4 =	vmul.f32 $1.131370830e+01, v4;
	v6 =	vld [tilespmem:s31+$0xE470]  }
0x100: {  	[tilespmem:s31+$0xE410] =	vst v5;
	v2 =	vmul.f32 $1.131370830e+01, v2  }
0x101: {  	[tilespmem:s31+$0xE420] =	vst v4;
	v0 =	vmul.f32 $1.131370830e+01, v0  }
0x102: {  	[tilespmem:s31+$0xE430] =	vst v2;
	v1 =	vmul.f32 $1.131370830e+01, v1  }
0x103: {  	[tilespmem:s31+$0xE440] =	vst v0;
	v0 =	vmul.f32 $1.131370830e+01, v3  }
0x104: {  	[tilespmem:s31+$0xE450] =	vst v1;
	v1 =	vmul.f32 $1.131370830e+01, v6  }
0x105: {  	[tilespmem:s31+$0xE460] =	vst v0  }
0x106: {  	s16 =	simm.s32 $0x0;
	s17 =	rddreg [dreg:$0xb];
	[tilespmem:s31+$0xE470] =	vst v1;
	s31 =	simm.s32 $0xE400  }
0x107: {  	[hbm4b:s17+s16] =	stream.linear.scatter [tilespmem:s31], [sflag:$0xA], $0x2000, $0x38;
	[tilespmem:$0x18400] =	vst v63  }
0x108: {  	_ =	swait.ge [sflag:s11], $0x4000  }
0x109: {  	[sflag:s11] =	ssyncset.done $0x0  }
0x10a: {  	s31 =	simm.s32 $0x0;
	[sflag:s11] =	ssyncadd.s32 $0xFFFFC000  }
0x10b: {  	v3 =	vld [tilespmem:s31+$0x10400]  }
0x10c: {  	v5 =	vld [tilespmem:s31+$0x10410]  }
0x10d: {  	v4 =	vld [tilespmem:s31+$0x10420]  }
0x10e: {  	v2 =	vld [tilespmem:s31+$0x10430]  }
0x10f: {  	v0 =	vld [tilespmem:s31+$0x10440]  }
0x110: {  	v1 =	vld [tilespmem:s31+$0x10450];
	v6 =	vmul.f32 $1.131370830e+01, v3  }
0x111: {  	s16 =	simm.s32 $0x200;
	v5 =	vmul.f32 $1.131370830e+01, v5;
	v3 =	vld [tilespmem:s31+$0x10460]  }
.LBB2_18:
0x112: {  	s17 =	sshra.s32 s16, $0x2;
	p0 =	sne.s32 s16, $0x7E00;
	[tilespmem:s31+$0x10400] =	vst v6;
	v4 =	vmul.f32 $1.131370830e+01, v4;
	v6 =	vld [tilespmem:s31+$0x10470]  }
0x113: {  	v7 =	vld [tilespmem:s17+$0x10400];
	[tilespmem:s31+$0x10410] =	vst v5;
	v2 =	vmul.f32 $1.131370830e+01, v2  }
0x114: {  	v5 =	vld [tilespmem:s17+$0x10410];
	[tilespmem:s31+$0x10420] =	vst v4;
	v0 =	vmul.f32 $1.131370830e+01, v0  }
.Ltmp8:
0x115: {  	v4 =	vld [tilespmem:s17+$0x10420];
	[tilespmem:s31+$0x10430] =	vst v2;
	v1 =	vmul.f32 $1.131370830e+01, v1;
	(pc) =	sbr.rel @p0 .LBB2_18-.Ltmp8, $4  }
0x116: {  	v2 =	vld [tilespmem:s17+$0x10430];
	[tilespmem:s31+$0x10440] =	vst v0;
	v3 =	vmul.f32 $1.131370830e+01, v3  }
0x117: {  	v0 =	vld [tilespmem:s17+$0x10440];
	[tilespmem:s31+$0x10450] =	vst v1;
	v8 =	vmul.f32 $1.131370830e+01, v6  }
0x118: {  	v6 =	vmul.f32 $1.131370830e+01, v7;
	v1 =	vld [tilespmem:s17+$0x10450];
	[tilespmem:s31+$0x10460] =	vst v3  }
0x119: {  	s16 =	sadd.s32 $0x200, s16;
	v5 =	vmul.f32 $1.131370830e+01, v5;
	v3 =	vld [tilespmem:s17+$0x10460];
	[tilespmem:s31+$0x10470] =	vst v8;
	s31 =	smov.u32 s17  }
0x11a: {  	[tilespmem:s31+$0x10400] =	vst v6;
	v4 =	vmul.f32 $1.131370830e+01, v4;
	v6 =	vld [tilespmem:s31+$0x10470]  }
0x11b: {  	[tilespmem:s31+$0x10410] =	vst v5;
	v2 =	vmul.f32 $1.131370830e+01, v2  }
0x11c: {  	[tilespmem:s31+$0x10420] =	vst v4;
	v0 =	vmul.f32 $1.131370830e+01, v0  }
0x11d: {  	[tilespmem:s31+$0x10430] =	vst v2;
	v1 =	vmul.f32 $1.131370830e+01, v1  }
0x11e: {  	[tilespmem:s31+$0x10440] =	vst v0;
	v0 =	vmul.f32 $1.131370830e+01, v3  }
0x11f: {  	[tilespmem:s31+$0x10450] =	vst v1;
	v1 =	vmul.f32 $1.131370830e+01, v6  }
0x120: {  	[tilespmem:s31+$0x10460] =	vst v0  }
0x121: {  	s16 =	simm.s32 $0x0;
	s17 =	rddreg [dreg:$0xc];
	[tilespmem:s31+$0x10470] =	vst v1;
	s31 =	simm.s32 $0x10400  }
0x122: {  	[hbm4b:s17+s16] =	stream.linear.scatter [tilespmem:s31], [sflag:$0xB], $0x2000, $0x38;
	[tilespmem:$0x18400] =	vst v63  }
0x123: {  	s31 =	simm.s32 $0x0  }
0x124: {  	v3 =	vld [tilespmem:s31+$0x12400]  }
0x125: {  	v5 =	vld [tilespmem:s31+$0x12410]  }
0x126: {  	v4 =	vld [tilespmem:s31+$0x12420]  }
0x127: {  	v2 =	vld [tilespmem:s31+$0x12430]  }
0x128: {  	v0 =	vld [tilespmem:s31+$0x12440]  }
0x129: {  	v1 =	vld [tilespmem:s31+$0x12450];
	v6 =	vmul.f32 $1.131370830e+01, v3  }
0x12a: {  	s16 =	simm.s32 $0x200;
	v5 =	vmul.f32 $1.131370830e+01, v5;
	v3 =	vld [tilespmem:s31+$0x12460]  }
.LBB2_20:
0x12b: {  	s17 =	sshra.s32 s16, $0x2;
	p0 =	sne.s32 s16, $0x7E00;
	[tilespmem:s31+$0x12400] =	vst v6;
	v4 =	vmul.f32 $1.131370830e+01, v4;
	v6 =	vld [tilespmem:s31+$0x12470]  }
0x12c: {  	v7 =	vld [tilespmem:s17+$0x12400];
	[tilespmem:s31+$0x12410] =	vst v5;
	v2 =	vmul.f32 $1.131370830e+01, v2  }
0x12d: {  	v5 =	vld [tilespmem:s17+$0x12410];
	[tilespmem:s31+$0x12420] =	vst v4;
	v0 =	vmul.f32 $1.131370830e+01, v0  }
.Ltmp9:
0x12e: {  	v4 =	vld [tilespmem:s17+$0x12420];
	[tilespmem:s31+$0x12430] =	vst v2;
	v1 =	vmul.f32 $1.131370830e+01, v1;
	(pc) =	sbr.rel @p0 .LBB2_20-.Ltmp9, $4  }
0x12f: {  	v2 =	vld [tilespmem:s17+$0x12430];
	[tilespmem:s31+$0x12440] =	vst v0;
	v3 =	vmul.f32 $1.131370830e+01, v3  }
0x130: {  	v0 =	vld [tilespmem:s17+$0x12440];
	[tilespmem:s31+$0x12450] =	vst v1;
	v8 =	vmul.f32 $1.131370830e+01, v6  }
0x131: {  	v6 =	vmul.f32 $1.131370830e+01, v7;
	v1 =	vld [tilespmem:s17+$0x12450];
	[tilespmem:s31+$0x12460] =	vst v3  }
0x132: {  	s16 =	sadd.s32 $0x200, s16;
	v5 =	vmul.f32 $1.131370830e+01, v5;
	v3 =	vld [tilespmem:s17+$0x12460];
	[tilespmem:s31+$0x12470] =	vst v8;
	s31 =	smov.u32 s17  }
0x133: {  	[tilespmem:s31+$0x12400] =	vst v6;
	v4 =	vmul.f32 $1.131370830e+01, v4;
	v6 =	vld [tilespmem:s31+$0x12470]  }
0x134: {  	[tilespmem:s31+$0x12410] =	vst v5;
	v2 =	vmul.f32 $1.131370830e+01, v2  }
0x135: {  	[tilespmem:s31+$0x12420] =	vst v4;
	v0 =	vmul.f32 $1.131370830e+01, v0  }
0x136: {  	[tilespmem:s31+$0x12430] =	vst v2;
	v1 =	vmul.f32 $1.131370830e+01, v1  }
0x137: {  	[tilespmem:s31+$0x12440] =	vst v0;
	v0 =	vmul.f32 $1.131370830e+01, v3  }
0x138: {  	[tilespmem:s31+$0x12450] =	vst v1;
	v1 =	vmul.f32 $1.131370830e+01, v6  }
0x139: {  	[tilespmem:s31+$0x12460] =	vst v0  }
0x13a: {  	s16 =	simm.s32 $0x0;
	s17 =	rddreg [dreg:$0xd];
	[tilespmem:s31+$0x12470] =	vst v1;
	s31 =	simm.s32 $0x12400  }
0x13b: {  	[hbm4b:s17+s16] =	stream.linear.scatter [tilespmem:s31], [sflag:$0xB], $0x2000, $0x38;
	[tilespmem:$0x18400] =	vst v63  }
0x13c: {  	_ =	swait.ge [sflag:s12], $0x4000  }
0x13d: {  	[sflag:s12] =	ssyncset.done $0x0  }
0x13e: {  	s31 =	simm.s32 $0x0;
	[sflag:s12] =	ssyncadd.s32 $0xFFFFC000  }
0x13f: {  	v3 =	vld [tilespmem:s31+$0x14400]  }
0x140: {  	v5 =	vld [tilespmem:s31+$0x14410]  }
0x141: {  	v4 =	vld [tilespmem:s31+$0x14420]  }
0x142: {  	v2 =	vld [tilespmem:s31+$0x14430]  }
0x143: {  	v0 =	vld [tilespmem:s31+$0x14440]  }
0x144: {  	v1 =	vld [tilespmem:s31+$0x14450];
	v6 =	vmul.f32 $1.131370830e+01, v3  }
0x145: {  	s16 =	simm.s32 $0x200;
	v5 =	vmul.f32 $1.131370830e+01, v5;
	v3 =	vld [tilespmem:s31+$0x14460]  }
.LBB2_22:
0x146: {  	s17 =	sshra.s32 s16, $0x2;
	p0 =	sne.s32 s16, $0x7E00;
	[tilespmem:s31+$0x14400] =	vst v6;
	v4 =	vmul.f32 $1.131370830e+01, v4;
	v6 =	vld [tilespmem:s31+$0x14470]  }
0x147: {  	v7 =	vld [tilespmem:s17+$0x14400];
	[tilespmem:s31+$0x14410] =	vst v5;
	v2 =	vmul.f32 $1.131370830e+01, v2  }
0x148: {  	v5 =	vld [tilespmem:s17+$0x14410];
	[tilespmem:s31+$0x14420] =	vst v4;
	v0 =	vmul.f32 $1.131370830e+01, v0  }
.Ltmp10:
0x149: {  	v4 =	vld [tilespmem:s17+$0x14420];
	[tilespmem:s31+$0x14430] =	vst v2;
	v1 =	vmul.f32 $1.131370830e+01, v1;
	(pc) =	sbr.rel @p0 .LBB2_22-.Ltmp10, $4  }
0x14a: {  	v2 =	vld [tilespmem:s17+$0x14430];
	[tilespmem:s31+$0x14440] =	vst v0;
	v3 =	vmul.f32 $1.131370830e+01, v3  }
0x14b: {  	v0 =	vld [tilespmem:s17+$0x14440];
	[tilespmem:s31+$0x14450] =	vst v1;
	v8 =	vmul.f32 $1.131370830e+01, v6  }
0x14c: {  	v6 =	vmul.f32 $1.131370830e+01, v7;
	v1 =	vld [tilespmem:s17+$0x14450];
	[tilespmem:s31+$0x14460] =	vst v3  }
0x14d: {  	s16 =	sadd.s32 $0x200, s16;
	v5 =	vmul.f32 $1.131370830e+01, v5;
	v3 =	vld [tilespmem:s17+$0x14460];
	[tilespmem:s31+$0x14470] =	vst v8;
	s31 =	smov.u32 s17  }
0x14e: {  	[tilespmem:s31+$0x14400] =	vst v6;
	v4 =	vmul.f32 $1.131370830e+01, v4;
	v6 =	vld [tilespmem:s31+$0x14470]  }
0x14f: {  	[tilespmem:s31+$0x14410] =	vst v5;
	v2 =	vmul.f32 $1.131370830e+01, v2  }
0x150: {  	[tilespmem:s31+$0x14420] =	vst v4;
	v0 =	vmul.f32 $1.131370830e+01, v0  }
0x151: {  	[tilespmem:s31+$0x14430] =	vst v2;
	v1 =	vmul.f32 $1.131370830e+01, v1  }
0x152: {  	[tilespmem:s31+$0x14440] =	vst v0;
	v0 =	vmul.f32 $1.131370830e+01, v3  }
0x153: {  	[tilespmem:s31+$0x14450] =	vst v1;
	v1 =	vmul.f32 $1.131370830e+01, v6  }
0x154: {  	[tilespmem:s31+$0x14460] =	vst v0  }
0x155: {  	s16 =	simm.s32 $0x0;
	s17 =	rddreg [dreg:$0xe];
	[tilespmem:s31+$0x14470] =	vst v1;
	s31 =	simm.s32 $0x14400  }
0x156: {  	[hbm4b:s17+s16] =	stream.linear.scatter [tilespmem:s31], [sflag:$0xC], $0x2000, $0x38;
	[tilespmem:$0x18400] =	vst v63  }
0x157: {  	s31 =	simm.s32 $0x0  }
0x158: {  	v3 =	vld [tilespmem:s31+$0x16400]  }
0x159: {  	v5 =	vld [tilespmem:s31+$0x16410]  }
0x15a: {  	v4 =	vld [tilespmem:s31+$0x16420]  }
0x15b: {  	v2 =	vld [tilespmem:s31+$0x16430]  }
0x15c: {  	v0 =	vld [tilespmem:s31+$0x16440]  }
0x15d: {  	v1 =	vld [tilespmem:s31+$0x16450];
	v6 =	vmul.f32 $1.131370830e+01, v3  }
0x15e: {  	s16 =	simm.s32 $0x200;
	v5 =	vmul.f32 $1.131370830e+01, v5;
	v3 =	vld [tilespmem:s31+$0x16460]  }
.LBB2_24:
0x15f: {  	s17 =	sshra.s32 s16, $0x2;
	p0 =	sne.s32 s16, $0x7E00;
	[tilespmem:s31+$0x16400] =	vst v6;
	v4 =	vmul.f32 $1.131370830e+01, v4;
	v6 =	vld [tilespmem:s31+$0x16470]  }
0x160: {  	v7 =	vld [tilespmem:s17+$0x16400];
	[tilespmem:s31+$0x16410] =	vst v5;
	v2 =	vmul.f32 $1.131370830e+01, v2  }
0x161: {  	v5 =	vld [tilespmem:s17+$0x16410];
	[tilespmem:s31+$0x16420] =	vst v4;
	v0 =	vmul.f32 $1.131370830e+01, v0  }
.Ltmp11:
0x162: {  	v4 =	vld [tilespmem:s17+$0x16420];
	[tilespmem:s31+$0x16430] =	vst v2;
	v1 =	vmul.f32 $1.131370830e+01, v1;
	(pc) =	sbr.rel @p0 .LBB2_24-.Ltmp11, $4  }
0x163: {  	v2 =	vld [tilespmem:s17+$0x16430];
	[tilespmem:s31+$0x16440] =	vst v0;
	v3 =	vmul.f32 $1.131370830e+01, v3  }
0x164: {  	v0 =	vld [tilespmem:s17+$0x16440];
	[tilespmem:s31+$0x16450] =	vst v1;
	v8 =	vmul.f32 $1.131370830e+01, v6  }
0x165: {  	v6 =	vmul.f32 $1.131370830e+01, v7;
	v1 =	vld [tilespmem:s17+$0x16450];
	[tilespmem:s31+$0x16460] =	vst v3  }
0x166: {  	s16 =	sadd.s32 $0x200, s16;
	v5 =	vmul.f32 $1.131370830e+01, v5;
	v3 =	vld [tilespmem:s17+$0x16460];
	[tilespmem:s31+$0x16470] =	vst v8;
	s31 =	smov.u32 s17  }
0x167: {  	[tilespmem:s31+$0x16400] =	vst v6;
	v4 =	vmul.f32 $1.131370830e+01, v4;
	v6 =	vld [tilespmem:s31+$0x16470]  }
0x168: {  	[tilespmem:s31+$0x16410] =	vst v5;
	v2 =	vmul.f32 $1.131370830e+01, v2  }
0x169: {  	[tilespmem:s31+$0x16420] =	vst v4;
	v0 =	vmul.f32 $1.131370830e+01, v0  }
0x16a: {  	[tilespmem:s31+$0x16430] =	vst v2;
	v1 =	vmul.f32 $1.131370830e+01, v1  }
0x16b: {  	[tilespmem:s31+$0x16440] =	vst v0;
	v0 =	vmul.f32 $1.131370830e+01, v3  }
0x16c: {  	[tilespmem:s31+$0x16450] =	vst v1;
	v1 =	vmul.f32 $1.131370830e+01, v6  }
0x16d: {  	[tilespmem:s31+$0x16460] =	vst v0  }
0x16e: {  	s16 =	simm.s32 $0x0;
	s17 =	rddreg [dreg:$0xf];
	[tilespmem:s31+$0x16470] =	vst v1;
	s31 =	simm.s32 $0x16400  }
0x16f: {  	[hbm4b:s17+s16] =	stream.linear.scatter [tilespmem:s31], [sflag:$0xC], $0x2000, $0x38;
	[tilespmem:$0x18400] =	vst v63  }
0x170: {  	_ =	swait.ge [sflag:s29], $0x4000  }
0x171: {  	[sflag:s29] =	ssyncset.done $0x0  }
0x172: {  	s31 =	simm.s32 $0x0;
	[sflag:s29] =	ssyncadd.s32 $0xFFFFC000  }
0x173: {  	v3 =	vld [tilespmem:s31+$0x400]  }
0x174: {  	v5 =	vld [tilespmem:s31+$0x410]  }
0x175: {  	v4 =	vld [tilespmem:s31+$0x420]  }
0x176: {  	v2 =	vld [tilespmem:s31+$0x430]  }
0x177: {  	v0 =	vld [tilespmem:s31+$0x440]  }
0x178: {  	v1 =	vld [tilespmem:s31+$0x450];
	v6 =	vmul.f32 $1.131370830e+01, v3  }
0x179: {  	s16 =	simm.s32 $0x200;
	v5 =	vmul.f32 $1.131370830e+01, v5;
	v3 =	vld [tilespmem:s31+$0x460]  }
.LBB2_26:
0x17a: {  	s17 =	sshra.s32 s16, $0x2;
	p0 =	sne.s32 s16, $0x7E00;
	[tilespmem:s31+$0x400] =	vst v6;
	v4 =	vmul.f32 $1.131370830e+01, v4;
	v6 =	vld [tilespmem:s31+$0x470]  }
0x17b: {  	v7 =	vld [tilespmem:s17+$0x400];
	[tilespmem:s31+$0x410] =	vst v5;
	v2 =	vmul.f32 $1.131370830e+01, v2  }
0x17c: {  	v5 =	vld [tilespmem:s17+$0x410];
	[tilespmem:s31+$0x420] =	vst v4;
	v0 =	vmul.f32 $1.131370830e+01, v0  }
.Ltmp12:
0x17d: {  	v4 =	vld [tilespmem:s17+$0x420];
	[tilespmem:s31+$0x430] =	vst v2;
	v1 =	vmul.f32 $1.131370830e+01, v1;
	(pc) =	sbr.rel @p0 .LBB2_26-.Ltmp12, $4  }
0x17e: {  	v2 =	vld [tilespmem:s17+$0x430];
	[tilespmem:s31+$0x440] =	vst v0;
	v3 =	vmul.f32 $1.131370830e+01, v3  }
0x17f: {  	v0 =	vld [tilespmem:s17+$0x440];
	[tilespmem:s31+$0x450] =	vst v1;
	v8 =	vmul.f32 $1.131370830e+01, v6  }
0x180: {  	v6 =	vmul.f32 $1.131370830e+01, v7;
	v1 =	vld [tilespmem:s17+$0x450];
	[tilespmem:s31+$0x460] =	vst v3  }
0x181: {  	s16 =	sadd.s32 $0x200, s16;
	v5 =	vmul.f32 $1.131370830e+01, v5;
	v3 =	vld [tilespmem:s17+$0x460];
	[tilespmem:s31+$0x470] =	vst v8;
	s31 =	smov.u32 s17  }
0x182: {  	[tilespmem:s31+$0x400] =	vst v6;
	v4 =	vmul.f32 $1.131370830e+01, v4;
	v6 =	vld [tilespmem:s31+$0x470]  }
0x183: {  	[tilespmem:s31+$0x410] =	vst v5;
	v2 =	vmul.f32 $1.131370830e+01, v2  }
0x184: {  	[tilespmem:s31+$0x420] =	vst v4;
	v0 =	vmul.f32 $1.131370830e+01, v0  }
0x185: {  	[tilespmem:s31+$0x430] =	vst v2;
	v1 =	vmul.f32 $1.131370830e+01, v1  }
0x186: {  	[tilespmem:s31+$0x440] =	vst v0;
	v0 =	vmul.f32 $1.131370830e+01, v3  }
0x187: {  	[tilespmem:s31+$0x450] =	vst v1;
	v1 =	vmul.f32 $1.131370830e+01, v6  }
0x188: {  	[tilespmem:s31+$0x460] =	vst v0  }
0x189: {  	s16 =	simm.s32 $0x0;
	[tilespmem:s31+$0x470] =	vst v1;
	s31 =	simm.s32 $0x0  }
0x18a: {  	[hbm4b:s18+s16] =	stream.linear.scatter [tilespmem:s25], [sflag:$0x7], $0x2000, $0x38;
	[tilespmem:$0x18400] =	vst v63  }
0x18b: {  	v3 =	vld [tilespmem:s31+$0x2400]  }
0x18c: {  	v5 =	vld [tilespmem:s31+$0x2410]  }
0x18d: {  	v4 =	vld [tilespmem:s31+$0x2420]  }
0x18e: {  	v2 =	vld [tilespmem:s31+$0x2430]  }
0x18f: {  	v0 =	vld [tilespmem:s31+$0x2440]  }
0x190: {  	v1 =	vld [tilespmem:s31+$0x2450];
	v6 =	vmul.f32 $1.131370830e+01, v3  }
0x191: {  	s16 =	simm.s32 $0x200;
	v5 =	vmul.f32 $1.131370830e+01, v5;
	v3 =	vld [tilespmem:s31+$0x2460]  }
.LBB2_28:
0x192: {  	s17 =	sshra.s32 s16, $0x2;
	p0 =	sne.s32 s16, $0x7E00;
	[tilespmem:s31+$0x2400] =	vst v6;
	v4 =	vmul.f32 $1.131370830e+01, v4;
	v6 =	vld [tilespmem:s31+$0x2470]  }
0x193: {  	v7 =	vld [tilespmem:s17+$0x2400];
	[tilespmem:s31+$0x2410] =	vst v5;
	v2 =	vmul.f32 $1.131370830e+01, v2  }
0x194: {  	v5 =	vld [tilespmem:s17+$0x2410];
	[tilespmem:s31+$0x2420] =	vst v4;
	v0 =	vmul.f32 $1.131370830e+01, v0  }
.Ltmp13:
0x195: {  	v4 =	vld [tilespmem:s17+$0x2420];
	[tilespmem:s31+$0x2430] =	vst v2;
	v1 =	vmul.f32 $1.131370830e+01, v1;
	(pc) =	sbr.rel @p0 .LBB2_28-.Ltmp13, $4  }
0x196: {  	v2 =	vld [tilespmem:s17+$0x2430];
	[tilespmem:s31+$0x2440] =	vst v0;
	v3 =	vmul.f32 $1.131370830e+01, v3  }
0x197: {  	v0 =	vld [tilespmem:s17+$0x2440];
	[tilespmem:s31+$0x2450] =	vst v1;
	v8 =	vmul.f32 $1.131370830e+01, v6  }
0x198: {  	v6 =	vmul.f32 $1.131370830e+01, v7;
	v1 =	vld [tilespmem:s17+$0x2450];
	[tilespmem:s31+$0x2460] =	vst v3  }
0x199: {  	s16 =	sadd.s32 $0x200, s16;
	v5 =	vmul.f32 $1.131370830e+01, v5;
	v3 =	vld [tilespmem:s17+$0x2460];
	[tilespmem:s31+$0x2470] =	vst v8;
	s31 =	smov.u32 s17  }
0x19a: {  	[tilespmem:s31+$0x2400] =	vst v6;
	v4 =	vmul.f32 $1.131370830e+01, v4;
	v6 =	vld [tilespmem:s31+$0x2470]  }
0x19b: {  	[tilespmem:s31+$0x2410] =	vst v5;
	v2 =	vmul.f32 $1.131370830e+01, v2  }
0x19c: {  	[tilespmem:s31+$0x2420] =	vst v4;
	v0 =	vmul.f32 $1.131370830e+01, v0  }
0x19d: {  	[tilespmem:s31+$0x2430] =	vst v2;
	v1 =	vmul.f32 $1.131370830e+01, v1  }
0x19e: {  	[tilespmem:s31+$0x2440] =	vst v0;
	v0 =	vmul.f32 $1.131370830e+01, v3  }
0x19f: {  	[tilespmem:s31+$0x2450] =	vst v1;
	v1 =	vmul.f32 $1.131370830e+01, v6  }
0x1a0: {  	[tilespmem:s31+$0x2460] =	vst v0  }
0x1a1: {  	s16 =	simm.s32 $0x0;
	[tilespmem:s31+$0x2470] =	vst v1  }
0x1a2: {  	[hbm4b:s19+s16] =	stream.linear.scatter [tilespmem:s6], [sflag:$0x7], $0x2000, $0x38;
	[tilespmem:$0x18400] =	vst v63  }
0x1a3: {  	_ =	swait.ge [sflag:s26], $0x4000  }
0x1a4: {  	[sflag:s26] =	ssyncset.done $0x0  }
0x1a5: {  	s31 =	simm.s32 $0x0;
	[sflag:s26] =	ssyncadd.s32 $0xFFFFC000  }
0x1a6: {  	v3 =	vld [tilespmem:s31+$0x4400]  }
0x1a7: {  	v5 =	vld [tilespmem:s31+$0x4410]  }
0x1a8: {  	v4 =	vld [tilespmem:s31+$0x4420]  }
0x1a9: {  	v2 =	vld [tilespmem:s31+$0x4430]  }
0x1aa: {  	v0 =	vld [tilespmem:s31+$0x4440]  }
0x1ab: {  	v1 =	vld [tilespmem:s31+$0x4450];
	v6 =	vmul.f32 $1.131370830e+01, v3  }
0x1ac: {  	s16 =	simm.s32 $0x200;
	v5 =	vmul.f32 $1.131370830e+01, v5;
	v3 =	vld [tilespmem:s31+$0x4460]  }
.LBB2_30:
0x1ad: {  	s17 =	sshra.s32 s16, $0x2;
	p0 =	sne.s32 s16, $0x7E00;
	[tilespmem:s31+$0x4400] =	vst v6;
	v4 =	vmul.f32 $1.131370830e+01, v4;
	v6 =	vld [tilespmem:s31+$0x4470]  }
0x1ae: {  	v7 =	vld [tilespmem:s17+$0x4400];
	[tilespmem:s31+$0x4410] =	vst v5;
	v2 =	vmul.f32 $1.131370830e+01, v2  }
0x1af: {  	v5 =	vld [tilespmem:s17+$0x4410];
	[tilespmem:s31+$0x4420] =	vst v4;
	v0 =	vmul.f32 $1.131370830e+01, v0  }
.Ltmp14:
0x1b0: {  	v4 =	vld [tilespmem:s17+$0x4420];
	[tilespmem:s31+$0x4430] =	vst v2;
	v1 =	vmul.f32 $1.131370830e+01, v1;
	(pc) =	sbr.rel @p0 .LBB2_30-.Ltmp14, $4  }
0x1b1: {  	v2 =	vld [tilespmem:s17+$0x4430];
	[tilespmem:s31+$0x4440] =	vst v0;
	v3 =	vmul.f32 $1.131370830e+01, v3  }
0x1b2: {  	v0 =	vld [tilespmem:s17+$0x4440];
	[tilespmem:s31+$0x4450] =	vst v1;
	v8 =	vmul.f32 $1.131370830e+01, v6  }
0x1b3: {  	v6 =	vmul.f32 $1.131370830e+01, v7;
	v1 =	vld [tilespmem:s17+$0x4450];
	[tilespmem:s31+$0x4460] =	vst v3  }
0x1b4: {  	s16 =	sadd.s32 $0x200, s16;
	v5 =	vmul.f32 $1.131370830e+01, v5;
	v3 =	vld [tilespmem:s17+$0x4460];
	[tilespmem:s31+$0x4470] =	vst v8;
	s31 =	smov.u32 s17  }
0x1b5: {  	[tilespmem:s31+$0x4400] =	vst v6;
	v4 =	vmul.f32 $1.131370830e+01, v4;
	v6 =	vld [tilespmem:s31+$0x4470]  }
0x1b6: {  	[tilespmem:s31+$0x4410] =	vst v5;
	v2 =	vmul.f32 $1.131370830e+01, v2  }
0x1b7: {  	[tilespmem:s31+$0x4420] =	vst v4;
	v0 =	vmul.f32 $1.131370830e+01, v0  }
0x1b8: {  	[tilespmem:s31+$0x4430] =	vst v2;
	v1 =	vmul.f32 $1.131370830e+01, v1  }
0x1b9: {  	[tilespmem:s31+$0x4440] =	vst v0;
	v0 =	vmul.f32 $1.131370830e+01, v3  }
0x1ba: {  	[tilespmem:s31+$0x4450] =	vst v1;
	v1 =	vmul.f32 $1.131370830e+01, v6  }
0x1bb: {  	[tilespmem:s31+$0x4460] =	vst v0  }
0x1bc: {  	s16 =	simm.s32 $0x0;
	[tilespmem:s31+$0x4470] =	vst v1;
	s31 =	simm.s32 $0x0  }
0x1bd: {  	[hbm4b:s20+s16] =	stream.linear.scatter [tilespmem:s28], [sflag:$0x8], $0x2000, $0x38;
	[tilespmem:$0x18400] =	vst v63  }
0x1be: {  	v3 =	vld [tilespmem:s31+$0x6400]  }
0x1bf: {  	v5 =	vld [tilespmem:s31+$0x6410]  }
0x1c0: {  	v4 =	vld [tilespmem:s31+$0x6420]  }
0x1c1: {  	v2 =	vld [tilespmem:s31+$0x6430]  }
0x1c2: {  	v0 =	vld [tilespmem:s31+$0x6440]  }
0x1c3: {  	v1 =	vld [tilespmem:s31+$0x6450];
	v6 =	vmul.f32 $1.131370830e+01, v3  }
0x1c4: {  	s16 =	simm.s32 $0x200;
	v5 =	vmul.f32 $1.131370830e+01, v5;
	v3 =	vld [tilespmem:s31+$0x6460]  }
.LBB2_32:
0x1c5: {  	s17 =	sshra.s32 s16, $0x2;
	p0 =	sne.s32 s16, $0x7E00;
	[tilespmem:s31+$0x6400] =	vst v6;
	v4 =	vmul.f32 $1.131370830e+01, v4;
	v6 =	vld [tilespmem:s31+$0x6470]  }
0x1c6: {  	v7 =	vld [tilespmem:s17+$0x6400];
	[tilespmem:s31+$0x6410] =	vst v5;
	v2 =	vmul.f32 $1.131370830e+01, v2  }
0x1c7: {  	v5 =	vld [tilespmem:s17+$0x6410];
	[tilespmem:s31+$0x6420] =	vst v4;
	v0 =	vmul.f32 $1.131370830e+01, v0  }
.Ltmp15:
0x1c8: {  	v4 =	vld [tilespmem:s17+$0x6420];
	[tilespmem:s31+$0x6430] =	vst v2;
	v1 =	vmul.f32 $1.131370830e+01, v1;
	(pc) =	sbr.rel @p0 .LBB2_32-.Ltmp15, $4  }
0x1c9: {  	v2 =	vld [tilespmem:s17+$0x6430];
	[tilespmem:s31+$0x6440] =	vst v0;
	v3 =	vmul.f32 $1.131370830e+01, v3  }
0x1ca: {  	v0 =	vld [tilespmem:s17+$0x6440];
	[tilespmem:s31+$0x6450] =	vst v1;
	v8 =	vmul.f32 $1.131370830e+01, v6  }
0x1cb: {  	v6 =	vmul.f32 $1.131370830e+01, v7;
	v1 =	vld [tilespmem:s17+$0x6450];
	[tilespmem:s31+$0x6460] =	vst v3  }
0x1cc: {  	s16 =	sadd.s32 $0x200, s16;
	v5 =	vmul.f32 $1.131370830e+01, v5;
	v3 =	vld [tilespmem:s17+$0x6460];
	[tilespmem:s31+$0x6470] =	vst v8;
	s31 =	smov.u32 s17  }
0x1cd: {  	[tilespmem:s31+$0x6400] =	vst v6;
	v4 =	vmul.f32 $1.131370830e+01, v4;
	v61 =	vld [tilespmem:s31+$0x6470]  }
0x1ce: {  	[tilespmem:s31+$0x6410] =	vst v5;
	v2 =	vmul.f32 $1.131370830e+01, v2  }
0x1cf: {  	[tilespmem:s31+$0x6420] =	vst v4;
	v0 =	vmul.f32 $1.131370830e+01, v0  }
0x1d0: {  	[tilespmem:s31+$0x6430] =	vst v2;
	v1 =	vmul.f32 $1.131370830e+01, v1  }
0x1d1: {  	[tilespmem:s31+$0x6440] =	vst v0;
	v62 =	vmul.f32 $1.131370830e+01, v3  }
0x1d2: {  	[tilespmem:s31+$0x6450] =	vst v1;
	v63 =	vmul.f32 $1.131370830e+01, v61  }
0x1d3: {  	[tilespmem:s31+$0x6460] =	vst v62  }
0x1d4: {  	[tilespmem:s31+$0x6470] =	vst v63  }
0x1d5: {  	[hbm4b:s21+s3] =	stream.linear.scatter [tilespmem:s8], [sflag:$0x8], $0x2000, $0x38;
	[tilespmem:$0x18400] =	vst v63  }
0x1d6: {  	_ =	swait.ge [sflag:s1], $0x2000  }
0x1d7: {  	[sflag:s1] =	ssyncset.done $0x0  }
0x1d8: {  	[sflag:s1] =	ssyncadd.s32 $0xFFFFE000  }
0x1d9: {  	_ =	swait.ge [sflag:s1], $0x2000  }
0x1da: {  	[sflag:s1] =	ssyncset.done $0x0  }
0x1db: {  	[sflag:s1] =	ssyncadd.s32 $0xFFFFE000  }
0x1dc: {  	_ =	swait.ge [sflag:s13], $0x2000  }
0x1dd: {  	[sflag:s13] =	ssyncset.done $0x0  }
0x1de: {  	[sflag:s13] =	ssyncadd.s32 $0xFFFFE000  }
0x1df: {  	_ =	swait.ge [sflag:s13], $0x2000  }
0x1e0: {  	[sflag:s13] =	ssyncset.done $0x0  }
0x1e1: {  	[sflag:s13] =	ssyncadd.s32 $0xFFFFE000  }
0x1e2: {  	_ =	swait.ge [sflag:s0], $0x2000  }
0x1e3: {  	[sflag:s0] =	ssyncset.done $0x0  }
0x1e4: {  	[sflag:s0] =	ssyncadd.s32 $0xFFFFE000  }
0x1e5: {  	_ =	swait.ge [sflag:s0], $0x2000  }
0x1e6: {  	[sflag:s0] =	ssyncset.done $0x0  }
0x1e7: {  	[sflag:s0] =	ssyncadd.s32 $0xFFFFE000  }
0x1e8: {  	_ =	swait.ge [sflag:s14], $0x2000  }
0x1e9: {  	[sflag:s14] =	ssyncset.done $0x0  }
0x1ea: {  	[sflag:s14] =	ssyncadd.s32 $0xFFFFE000  }
0x1eb: {  	_ =	swait.ge [sflag:s14], $0x2000  }
0x1ec: {  	[sflag:s14] =	ssyncset.done $0x0  }
0x1ed: {  	[sflag:s14] =	ssyncadd.s32 $0xFFFFE000  }
0x1ee: {  	_ =	swait.ge [sflag:s7], $0x2000  }
0x1ef: {  	[sflag:s7] =	ssyncset.done $0x0  }
0x1f0: {  	[sflag:s7] =	ssyncadd.s32 $0xFFFFE000  }
0x1f1: {  	_ =	swait.ge [sflag:s7], $0x2000  }
0x1f2: {  	[sflag:s7] =	ssyncset.done $0x0  }
0x1f3: {  	s15 =	sadd.s32 $0x1, s15;
	[sflag:s7] =	ssyncadd.s32 $0xFFFFE000  }
0x1f4: {  	p0 =	sne.s32 s15, s22;
	_ =	swait.ge [sflag:s9], $0x2000  }
.Ltmp16:
0x1f5: {  	[sflag:s9] =	ssyncset.done $0x0;
	(pc) =	sbr.rel @p0 .LBB2_1-.Ltmp16, $4  }
0x1f6: {  	[sflag:s9] =	ssyncadd.s32 $0xFFFFE000  }
0x1f7: {  	_ =	swait.ge [sflag:s9], $0x2000  }
0x1f8: {  	[sflag:s9] =	ssyncset.done $0x0  }
0x1f9: {  	[sflag:s9] =	ssyncadd.s32 $0xFFFFE000  }
0x1fa: {  	_ =	sfence.sel $0x180000  }
0x1fb: {  	[bflag:$0x0] =	sbarrier.arrive $0xFFFF  }
0x1fc: {  	_ =	strace $0x90000047  }
0x1fd: {  	s0 =	stileid.u32;
	[bflag:$0x2] =	sbarrier.arrive $0xFFFF  }
0x1fe: {  	p0 =	sne.s32 s0, $0x0;
	s0 =	rddreg [dreg:$0x3]  }
0x1ff: {  	s0 =	sadd.s32 @!p0 $0x100000, s0  }
0x200: {  	[sflag:s0] =	ssyncadd.tile.s32 @!p0 $0x1;
	_ =	shalt  }
.Lfunc_end2:
_tile_overlayer_lowered:
.L_overlay_start_2:
0x201: {  	(tag) =	ssettag $0x2  }
0x202: {  	s0 =	rddreg [dreg:$0x0];
	s2 =	stileid.u32  }
0x203: {  	s1 =	rddreg [dreg:$0x1];
	p0 =	sne.s32 s2, $0x0  }
0x204: {  	s3 =	rddreg [dreg:$0x2];
	[bflag:$0x3] =	sbarrier.arrive $0xFFFF;
	s2 =	simm.s32 @!p0 $0x1C0D  }
0x205: {  	[timem:s3], [sflag:s2] =	dma.local @!p0 [hbm:s0], s1  }
0x206: {  	s0 =	simm.s32 @!p0 $0xD  }
0x207: {  	_ =	swait.ge @!p0 [sflag:s0], s1  }
0x208: {  	s1 =	ssub.s32 @!p0 $0x0, s1;
	[sflag:s0] =	ssyncset.done @!p0 $0x0  }
0x209: {  	[sflag:s0] =	ssyncadd.s32 @!p0 s1  }
0x20a: {  	[bflag:$0x3] =	sbarrier.arrive $0xFFFF  }
0x20b: {  	_ =	shalt  }

</sc_bundles>
